<compile_context>
chip_gen: v7x
topology: tpu7x:2x2x1
jax: 0.10.2.dev20260603
libtpu: 0.0.44.dev20260713+nightly
codegen_flags: <defaults>
</compile_context>

<pallas_src>
import jax
import jax.numpy as jnp
from jax import lax
from jax.experimental import pallas as pl
from jax.experimental.pallas import tpu as pltpu
from jax.experimental.pallas import tpu_sc as plsc

N = 100000
NUM_GRAPHS = 256
EPS = 1e-05

L = 16
NC = 2
NS = 16
NW = NC * NS
UNROLL = 4
PW = 3136
PWL = N - (NW - 1) * PW
KV = PW // (L * UNROLL)
KVL = PWL // (L * UNROLL)
TVL = (PWL - KVL * L * UNROLL) // L
BINS = NUM_GRAPHS

_MESH = plsc.VectorSubcoreMesh(core_axis_name="c", subcore_axis_name="s",
                               num_cores=NC, num_subcores=NS)
_PARAMS = pltpu.CompilerParams(needs_layout_passes=False)


def _norm3(x, y, z):
    q = x * x + y * y + z * z
    i = plsc.bitcast(q, jnp.int32)
    t = plsc.bitcast(0x5F3759DF - (i >> 1), jnp.float32)
    t = t * (1.5 - 0.5 * q * t * t)
    t = t * (1.5 - 0.5 * q * t * t)
    return q * t


def _wid():
    return lax.axis_index("s") * NC + lax.axis_index("c")


def _stage_in(pos_hbm, batch_hbm, posb, bb, wid, sem):
    def issue(rows):
        cps = [pltpu.async_copy(pos_hbm.at[pl.ds(c * N + wid * PW, rows)],
                                posb.at[pl.ds(c * PW, rows)], sem)
               for c in range(3)]
        cps.append(pltpu.async_copy(batch_hbm.at[pl.ds(wid * PW, rows)],
                                    bb.at[pl.ds(0, rows)], sem))
        return cps

    @pl.when(wid < NW - 1)
    def _():
        for cp in issue(PW):
            cp.wait()

    @pl.when(wid == NW - 1)
    def _():
        for cp in issue(PWL):
            cp.wait()


def _bounds(wid):
    kv = jnp.where(wid == NW - 1, KVL, KV)
    tv = jnp.where(wid == NW - 1, TVL, 0)
    return kv, tv


def _stats_body(pos_hbm, batch_hbm, part_hbm,
                posb, bb, ps0, ps1, pc0, pc1, locb, sem):
    wid = _wid()
    iota = lax.iota(jnp.int32, L)
    zeros = jnp.zeros((L,), jnp.float32)
    ones = jnp.full((L,), 1.0, jnp.float32)
    psums = (ps0, ps1)
    pcnts = (pc0, pc1)

    @plsc.parallel_loop(0, BINS // L)
    def zero_body(v):
        for l in range(L):
            for acc in psums + pcnts:
                acc[l, pl.ds(v * L, L)] = zeros

    _stage_in(pos_hbm, batch_hbm, posb, bb, wid, sem)

    def row_vec(o, u):
        x = posb[pl.ds(o, L)]
        y = posb[pl.ds(PW + o, L)]
        z = posb[pl.ds(2 * PW + o, L)]
        nrm = _norm3(x, y, z)
        b = bb[pl.ds(o, L)]
        plsc.addupdate_scatter(psums[u % 2], [iota, b], nrm)
        plsc.addupdate_scatter(pcnts[u % 2], [iota, b], ones)

    def pass1(k, _):
        for u in range(UNROLL):
            row_vec((k * UNROLL + u) * L, u)
        return 0

    def tail1(t, _):
        row_vec((KVL * UNROLL + t) * L, 0)
        return 0

    kv, tv = _bounds(wid)
    lax.fori_loop(0, kv, pass1, 0)
    lax.fori_loop(0, tv, tail1, 0)

    @plsc.parallel_loop(0, BINS // L)
    def lred(v):
        s = ps0[0, pl.ds(v * L, L)] + ps1[0, pl.ds(v * L, L)]
        c = pc0[0, pl.ds(v * L, L)] + pc1[0, pl.ds(v * L, L)]
        for l in range(1, L):
            s = s + ps0[l, pl.ds(v * L, L)] + ps1[l, pl.ds(v * L, L)]
            c = c + pc0[l, pl.ds(v * L, L)] + pc1[l, pl.ds(v * L, L)]
        locb[pl.ds(v * L, L)] = s
        locb[pl.ds(BINS + v * L, L)] = c

    pltpu.sync_copy(locb, part_hbm.at[wid])


def _norm_body(pos_hbm, batch_hbm, w_hbm, part_hbm, out_hbm,
               posb, outb, bb, partb, scaleb, wv, sem):
    wid = _wid()

    cps = [pltpu.async_copy(part_hbm, partb, sem),
           pltpu.async_copy(w_hbm, wv, sem)]
    _stage_in(pos_hbm, batch_hbm, posb, bb, wid, sem)
    for cp in cps:
        cp.wait()
    wvec = wv[...]

    @plsc.parallel_loop(0, BINS // L)
    def gred(v):
        s = partb[0, pl.ds(v * L, L)]
        c = partb[0, pl.ds(BINS + v * L, L)]
        for t in range(1, NW):
            s = s + partb[t, pl.ds(v * L, L)]
            c = c + partb[t, pl.ds(BINS + v * L, L)]
        mean = s / jnp.maximum(c, 1.0)
        scaleb[pl.ds(v * L, L)] = wvec / (mean + EPS)

    def row_vec(o):
        b = bb[pl.ds(o, L)]
        sc = plsc.load_gather(scaleb, [b])
        for c in range(3):
            v = posb[pl.ds(c * PW + o, L)]
            outb[pl.ds(c * PW + o, L)] = v * sc

    kv, tv = _bounds(wid)

    @plsc.parallel_loop(0, kv * UNROLL, unroll=UNROLL)
    def pass2(k):
        row_vec(k * L)

    def tail2(t, _):
        row_vec((KVL * UNROLL + t) * L)
        return 0
    lax.fori_loop(0, tv, tail2, 0)

    def stage_out(rows):
        for c in range(3):
            pltpu.sync_copy(outb.at[pl.ds(c * PW, rows)],
                            out_hbm.at[pl.ds(c * N + wid * PW, rows)])

    @pl.when(wid < NW - 1)
    def _():
        stage_out(PW)

    @pl.when(wid == NW - 1)
    def _():
        stage_out(PWL)


_stats_sc = pl.kernel(
    _stats_body,
    out_type=jax.ShapeDtypeStruct((NW, 2 * BINS), jnp.float32),
    mesh=_MESH,
    compiler_params=_PARAMS,
    scratch_types=[
        pltpu.VMEM((3 * PW,), jnp.float32),
        pltpu.VMEM((PW,), jnp.int32),
        pltpu.VMEM((L, BINS), jnp.float32),
        pltpu.VMEM((L, BINS), jnp.float32),
        pltpu.VMEM((L, BINS), jnp.float32),
        pltpu.VMEM((L, BINS), jnp.float32),
        pltpu.VMEM((2 * BINS,), jnp.float32),
        pltpu.SemaphoreType.DMA,
    ],
)

_norm_sc = pl.kernel(
    _norm_body,
    out_type=jax.ShapeDtypeStruct((3 * N,), jnp.float32),
    mesh=_MESH,
    compiler_params=_PARAMS,
    scratch_types=[
        pltpu.VMEM((3 * PW,), jnp.float32),
        pltpu.VMEM((3 * PW,), jnp.float32),
        pltpu.VMEM((PW,), jnp.int32),
        pltpu.VMEM((NW, 2 * BINS), jnp.float32),
        pltpu.VMEM((BINS,), jnp.float32),
        pltpu.VMEM((L,), jnp.float32),
        pltpu.SemaphoreType.DMA,
    ],
)


def kernel(pos, batch, weight):
    posf = pos.astype(jnp.float32).T.reshape(-1)
    batch32 = batch.astype(jnp.int32)
    wvec = jnp.full((L,), 1.0, jnp.float32) * weight[0, 0]
    part = _stats_sc(posf, batch32)
    outf = _norm_sc(posf, batch32, wvec, part)
    return outf.reshape(3, N).T

# --- scband reference (transcript-rebuilt; emitter-appended) ---
"""Pipeline reference for scband-e3-norm-19911468384600 (READ-ONLY COPY).

The authoritative reference and input builder live on the scoring server;
editing this copy changes nothing except your own understanding.
"""

import jax, jax.numpy as jnp
import numpy as np

N = 100000
NUM_GRAPHS = 256
EPS = 1e-05

def setup_inputs(seed: int = 0) -> dict:
    key = jax.random.key(seed)
    k1, k2 = jax.random.split(key)
    pos = jax.random.normal(k1, (N, 3), dtype=jnp.float32)
    batch = jnp.sort(jax.random.randint(k2, (N,), 0, NUM_GRAPHS, dtype=jnp.int64))
    weight = jnp.ones((1, 1), dtype=jnp.float32)
    return {"pos": pos, "batch": batch, "weight": weight}

def reference(pos, batch, weight):
    # norm over coordinate dim, keepdim -> [N, 1]
    norm = jnp.linalg.norm(pos, axis=1, keepdims=True)
    batch_size = NUM_GRAPHS
    # scatter_mean: segment sum of norms / segment counts (clamped to >= 1)
    sums = jax.ops.segment_sum(norm, batch, num_segments=batch_size)
    counts = jax.ops.segment_sum(jnp.ones_like(norm), batch, num_segments=batch_size)
    mean_norm = sums / jnp.maximum(counts, 1.0)  # [B, 1]
    new_pos = weight * pos / (mean_norm[batch] + EPS)
    return new_pos

if __name__ == "__main__":
    import jax
    _d = setup_inputs()
    print(jax.jit(kernel)(*tuple(_d.values())))

</pallas_src>

<mosaic_0001>
#map = affine_map<(d0, d1) -> (0)>
#map1 = affine_map<(d0, d1) -> (0, 0)>
module attributes {stable_mosaic.version = 14 : i64} {
  func.func @_stats_body(%arg0: i32, %arg1: i32, %arg2: memref<300000xf32, #tpu.memory_space<hbm>>, %arg3: memref<100000xi32, #tpu.memory_space<hbm>>, %arg4: memref<32x512xf32, #tpu.memory_space<hbm>>, %arg5: memref<9408xf32, #tpu.memory_space<vmem>>, %arg6: memref<3136xi32, #tpu.memory_space<vmem>>, %arg7: memref<16x256xf32, #tpu.memory_space<vmem>>, %arg8: memref<16x256xf32, #tpu.memory_space<vmem>>, %arg9: memref<16x256xf32, #tpu.memory_space<vmem>>, %arg10: memref<16x256xf32, #tpu.memory_space<vmem>>, %arg11: memref<512xf32, #tpu.memory_space<vmem>>, %arg12: memref<!tpu.dma_semaphore, #tpu.memory_space<semaphore_mem>>) attributes {dimension_semantics = [#tpu.dimension_semantics<core_parallel>, #tpu.dimension_semantics<subcore_parallel>], iteration_bounds = array<i64: 2, 16>, scalar_prefetch = 0 : i64, scratch_operands = 8 : i64, tpu.core_type = #tpu.core_type<sc_vector_subcore>, window_params = [{transform_indices = #map}, {transform_indices = #map}, {transform_indices = #map1}]} {
    %mul3A = arith.constant 2 : i32
    %mul3A_0 = arith.muli %arg1, %mul3A : i32
    %add3A = arith.addi %mul3A_0, %arg0 : i32
    %iota3A = tpu.iota {dimensions = array<i32: 0>} : vector<16xi32>
    %broadcast_in_dim3A = arith.constant 0.000000e+00 : f32
    %broadcast_in_dim3A_1 = vector.broadcast %broadcast_in_dim3A : f32 to vector<16xf32>
    %broadcast_in_dim3A_2 = arith.constant 1.000000e+00 : f32
    %broadcast_in_dim3A_3 = vector.broadcast %broadcast_in_dim3A_2 : f32 to vector<16xf32>
    %parallel_loop3A = arith.constant 0 : i32
    %parallel_loop3A_4 = arith.constant 16 : i32
    %parallel_loop3A_5 = arith.constant 1 : i32
    scf.for %parallel_loop3A_46 = %parallel_loop3A to %parallel_loop3A_4 step %parallel_loop3A_5  : i32 {
      %parallel_loop3A_47 = arith.constant 16 : i32
      %parallel_loop3A_48 = arith.muli %parallel_loop3A_46, %parallel_loop3A_47 : i32
      %parallel_loop3A_49 = arith.constant 0 : i32
      %parallel_loop3A_50 = arith.index_cast %parallel_loop3A_49 : i32 to index
      %parallel_loop3A_51 = arith.index_cast %parallel_loop3A_48 : i32 to index
      %parallel_loop3A_52 = tpu.vector_load %arg7[%parallel_loop3A_50, %parallel_loop3A_51] {strides = array<i32>} : memref<16x256xf32, #tpu.memory_space<vmem>>, vector<16xf32>,
      tpu.vector_store %arg7[%parallel_loop3A_50, %parallel_loop3A_51], %broadcast_in_dim3A_1 {strides = array<i32>} : memref<16x256xf32, #tpu.memory_space<vmem>>, vector<16xf32>,
      %parallel_loop3A_53 = arith.constant 16 : i32
      %parallel_loop3A_54 = arith.muli %parallel_loop3A_46, %parallel_loop3A_53 : i32
      %parallel_loop3A_55 = arith.constant 0 : i32
      %parallel_loop3A_56 = arith.index_cast %parallel_loop3A_55 : i32 to index
      %parallel_loop3A_57 = arith.index_cast %parallel_loop3A_54 : i32 to index
      %parallel_loop3A_58 = tpu.vector_load %arg8[%parallel_loop3A_56, %parallel_loop3A_57] {strides = array<i32>} : memref<16x256xf32, #tpu.memory_space<vmem>>, vector<16xf32>,
      tpu.vector_store %arg8[%parallel_loop3A_56, %parallel_loop3A_57], %broadcast_in_dim3A_1 {strides = array<i32>} : memref<16x256xf32, #tpu.memory_space<vmem>>, vector<16xf32>,
      %parallel_loop3A_59 = arith.constant 16 : i32
      %parallel_loop3A_60 = arith.muli %parallel_loop3A_46, %parallel_loop3A_59 : i32
      %parallel_loop3A_61 = arith.constant 0 : i32
      %parallel_loop3A_62 = arith.index_cast %parallel_loop3A_61 : i32 to index
      %parallel_loop3A_63 = arith.index_cast %parallel_loop3A_60 : i32 to index
      %parallel_loop3A_64 = tpu.vector_load %arg9[%parallel_loop3A_62, %parallel_loop3A_63] {strides = array<i32>} : memref<16x256xf32, #tpu.memory_space<vmem>>, vector<16xf32>,
      tpu.vector_store %arg9[%parallel_loop3A_62, %parallel_loop3A_63], %broadcast_in_dim3A_1 {strides = array<i32>} : memref<16x256xf32, #tpu.memory_space<vmem>>, vector<16xf32>,
      %parallel_loop3A_65 = arith.constant 16 : i32
      %parallel_loop3A_66 = arith.muli %parallel_loop3A_46, %parallel_loop3A_65 : i32
      %parallel_loop3A_67 = arith.constant 0 : i32
      %parallel_loop3A_68 = arith.index_cast %parallel_loop3A_67 : i32 to index
      %parallel_loop3A_69 = arith.index_cast %parallel_loop3A_66 : i32 to index
      %parallel_loop3A_70 = tpu.vector_load %arg10[%parallel_loop3A_68, %parallel_loop3A_69] {strides = array<i32>} : memref<16x256xf32, #tpu.memory_space<vmem>>, vector<16xf32>,
      tpu.vector_store %arg10[%parallel_loop3A_68, %parallel_loop3A_69], %broadcast_in_dim3A_1 {strides = array<i32>} : memref<16x256xf32, #tpu.memory_space<vmem>>, vector<16xf32>,
      %parallel_loop3A_71 = arith.constant 16 : i32
      %parallel_loop3A_72 = arith.muli %parallel_loop3A_46, %parallel_loop3A_71 : i32
      %parallel_loop3A_73 = arith.constant 1 : i32
      %parallel_loop3A_74 = arith.index_cast %parallel_loop3A_73 : i32 to index
      %parallel_loop3A_75 = arith.index_cast %parallel_loop3A_72 : i32 to index
      %parallel_loop3A_76 = tpu.vector_load %arg7[%parallel_loop3A_74, %parallel_loop3A_75] {strides = array<i32>} : memref<16x256xf32, #tpu.memory_space<vmem>>, vector<16xf32>,
      tpu.vector_store %arg7[%parallel_loop3A_74, %parallel_loop3A_75], %broadcast_in_dim3A_1 {strides = array<i32>} : memref<16x256xf32, #tpu.memory_space<vmem>>, vector<16xf32>,
      %parallel_loop3A_77 = arith.constant 16 : i32
      %parallel_loop3A_78 = arith.muli %parallel_loop3A_46, %parallel_loop3A_77 : i32
      %parallel_loop3A_79 = arith.constant 1 : i32
      %parallel_loop3A_80 = arith.index_cast %parallel_loop3A_79 : i32 to index
      %parallel_loop3A_81 = arith.index_cast %parallel_loop3A_78 : i32 to index
      %parallel_loop3A_82 = tpu.vector_load %arg8[%parallel_loop3A_80, %parallel_loop3A_81] {strides = array<i32>} : memref<16x256xf32, #tpu.memory_space<vmem>>, vector<16xf32>,
      tpu.vector_store %arg8[%parallel_loop3A_80, %parallel_loop3A_81], %broadcast_in_dim3A_1 {strides = array<i32>} : memref<16x256xf32, #tpu.memory_space<vmem>>, vector<16xf32>,
      %parallel_loop3A_83 = arith.constant 16 : i32
      %parallel_loop3A_84 = arith.muli %parallel_loop3A_46, %parallel_loop3A_83 : i32
      %parallel_loop3A_85 = arith.constant 1 : i32
      %parallel_loop3A_86 = arith.index_cast %parallel_loop3A_85 : i32 to index
      %parallel_loop3A_87 = arith.index_cast %parallel_loop3A_84 : i32 to index
      %parallel_loop3A_88 = tpu.vector_load %arg9[%parallel_loop3A_86, %parallel_loop3A_87] {strides = array<i32>} : memref<16x256xf32, #tpu.memory_space<vmem>>, vector<16xf32>,
      tpu.vector_store %arg9[%parallel_loop3A_86, %parallel_loop3A_87], %broadcast_in_dim3A_1 {strides = array<i32>} : memref<16x256xf32, #tpu.memory_space<vmem>>, vector<16xf32>,
      %parallel_loop3A_89 = arith.constant 16 : i32
      %parallel_loop3A_90 = arith.muli %parallel_loop3A_46, %parallel_loop3A_89 : i32
      %parallel_loop3A_91 = arith.constant 1 : i32
      %parallel_loop3A_92 = arith.index_cast %parallel_loop3A_91 : i32 to index
      %parallel_loop3A_93 = arith.index_cast %parallel_loop3A_90 : i32 to index
      %parallel_loop3A_94 = tpu.vector_load %arg10[%parallel_loop3A_92, %parallel_loop3A_93] {strides = array<i32>} : memref<16x256xf32, #tpu.memory_space<vmem>>, vector<16xf32>,
      tpu.vector_store %arg10[%parallel_loop3A_92, %parallel_loop3A_93], %broadcast_in_dim3A_1 {strides = array<i32>} : memref<16x256xf32, #tpu.memory_space<vmem>>, vector<16xf32>,
      %parallel_loop3A_95 = arith.constant 16 : i32
      %parallel_loop3A_96 = arith.muli %parallel_loop3A_46, %parallel_loop3A_95 : i32
      %parallel_loop3A_97 = arith.constant 2 : i32
      %parallel_loop3A_98 = arith.index_cast %parallel_loop3A_97 : i32 to index
      %parallel_loop3A_99 = arith.index_cast %parallel_loop3A_96 : i32 to index
      %parallel_loop3A_100 = tpu.vector_load %arg7[%parallel_loop3A_98, %parallel_loop3A_99] {strides = array<i32>} : memref<16x256xf32, #tpu.memory_space<vmem>>, vector<16xf32>,
      tpu.vector_store %arg7[%parallel_loop3A_98, %parallel_loop3A_99], %broadcast_in_dim3A_1 {strides = array<i32>} : memref<16x256xf32, #tpu.memory_space<vmem>>, vector<16xf32>,
      %parallel_loop3A_101 = arith.constant 16 : i32
      %parallel_loop3A_102 = arith.muli %parallel_loop3A_46, %parallel_loop3A_101 : i32
      %parallel_loop3A_103 = arith.constant 2 : i32
      %parallel_loop3A_104 = arith.index_cast %parallel_loop3A_103 : i32 to index
      %parallel_loop3A_105 = arith.index_cast %parallel_loop3A_102 : i32 to index
      %parallel_loop3A_106 = tpu.vector_load %arg8[%parallel_loop3A_104, %parallel_loop3A_105] {strides = array<i32>} : memref<16x256xf32, #tpu.memory_space<vmem>>, vector<16xf32>,
      tpu.vector_store %arg8[%parallel_loop3A_104, %parallel_loop3A_105], %broadcast_in_dim3A_1 {strides = array<i32>} : memref<16x256xf32, #tpu.memory_space<vmem>>, vector<16xf32>,
      %parallel_loop3A_107 = arith.constant 16 : i32
      %parallel_loop3A_108 = arith.muli %parallel_loop3A_46, %parallel_loop3A_107 : i32
      %parallel_loop3A_109 = arith.constant 2 : i32
      %parallel_loop3A_110 = arith.index_cast %parallel_loop3A_109 : i32 to index
      %parallel_loop3A_111 = arith.index_cast %parallel_loop3A_108 : i32 to index
      %parallel_loop3A_112 = tpu.vector_load %arg9[%parallel_loop3A_110, %parallel_loop3A_111] {strides = array<i32>} : memref<16x256xf32, #tpu.memory_space<vmem>>, vector<16xf32>,
      tpu.vector_store %arg9[%parallel_loop3A_110, %parallel_loop3A_111], %broadcast_in_dim3A_1 {strides = array<i32>} : memref<16x256xf32, #tpu.memory_space<vmem>>, vector<16xf32>,
      %parallel_loop3A_113 = arith.constant 16 : i32
      %parallel_loop3A_114 = arith.muli %parallel_loop3A_46, %parallel_loop3A_113 : i32
      %parallel_loop3A_115 = arith.constant 2 : i32
      %parallel_loop3A_116 = arith.index_cast %parallel_loop3A_115 : i32 to index
      %parallel_loop3A_117 = arith.index_cast %parallel_loop3A_114 : i32 to index
      %parallel_loop3A_118 = tpu.vector_load %arg10[%parallel_loop3A_116, %parallel_loop3A_117] {strides = array<i32>} : memref<16x256xf32, #tpu.memory_space<vmem>>, vector<16xf32>,
      tpu.vector_store %arg10[%parallel_loop3A_116, %parallel_loop3A_117], %broadcast_in_dim3A_1 {strides = array<i32>} : memref<16x256xf32, #tpu.memory_space<vmem>>, vector<16xf32>,
      %parallel_loop3A_119 = arith.constant 16 : i32
      %parallel_loop3A_120 = arith.muli %parallel_loop3A_46, %parallel_loop3A_119 : i32
      %parallel_loop3A_121 = arith.constant 3 : i32
      %parallel_loop3A_122 = arith.index_cast %parallel_loop3A_121 : i32 to index
      %parallel_loop3A_123 = arith.index_cast %parallel_loop3A_120 : i32 to index
      %parallel_loop3A_124 = tpu.vector_load %arg7[%parallel_loop3A_122, %parallel_loop3A_123] {strides = array<i32>} : memref<16x256xf32, #tpu.memory_space<vmem>>, vector<16xf32>,
      tpu.vector_store %arg7[%parallel_loop3A_122, %parallel_loop3A_123], %broadcast_in_dim3A_1 {strides = array<i32>} : memref<16x256xf32, #tpu.memory_space<vmem>>, vector<16xf32>,
      %parallel_loop3A_125 = arith.constant 16 : i32
      %parallel_loop3A_126 = arith.muli %parallel_loop3A_46, %parallel_loop3A_125 : i32
      %parallel_loop3A_127 = arith.constant 3 : i32
      %parallel_loop3A_128 = arith.index_cast %parallel_loop3A_127 : i32 to index
      %parallel_loop3A_129 = arith.index_cast %parallel_loop3A_126 : i32 to index
      %parallel_loop3A_130 = tpu.vector_load %arg8[%parallel_loop3A_128, %parallel_loop3A_129] {strides = array<i32>} : memref<16x256xf32, #tpu.memory_space<vmem>>, vector<16xf32>,
      tpu.vector_store %arg8[%parallel_loop3A_128, %parallel_loop3A_129], %broadcast_in_dim3A_1 {strides = array<i32>} : memref<16x256xf32, #tpu.memory_space<vmem>>, vector<16xf32>,
      %parallel_loop3A_131 = arith.constant 16 : i32
      %parallel_loop3A_132 = arith.muli %parallel_loop3A_46, %parallel_loop3A_131 : i32
      %parallel_loop3A_133 = arith.constant 3 : i32
      %parallel_loop3A_134 = arith.index_cast %parallel_loop3A_133 : i32 to index
      %parallel_loop3A_135 = arith.index_cast %parallel_loop3A_132 : i32 to index
      %parallel_loop3A_136 = tpu.vector_load %arg9[%parallel_loop3A_134, %parallel_loop3A_135] {strides = array<i32>} : memref<16x256xf32, #tpu.memory_space<vmem>>, vector<16xf32>,
      tpu.vector_store %arg9[%parallel_loop3A_134, %parallel_loop3A_135], %broadcast_in_dim3A_1 {strides = array<i32>} : memref<16x256xf32, #tpu.memory_space<vmem>>, vector<16xf32>,
      %parallel_loop3A_137 = arith.constant 16 : i32
      %parallel_loop3A_138 = arith.muli %parallel_loop3A_46, %parallel_loop3A_137 : i32
      %parallel_loop3A_139 = arith.constant 3 : i32
      %parallel_loop3A_140 = arith.index_cast %parallel_loop3A_139 : i32 to index
      %parallel_loop3A_141 = arith.index_cast %parallel_loop3A_138 : i32 to index
      %parallel_loop3A_142 = tpu.vector_load %arg10[%parallel_loop3A_140, %parallel_loop3A_141] {strides = array<i32>} : memref<16x256xf32, #tpu.memory_space<vmem>>, vector<16xf32>,
      tpu.vector_store %arg10[%parallel_loop3A_140, %parallel_loop3A_141], %broadcast_in_dim3A_1 {strides = array<i32>} : memref<16x256xf32, #tpu.memory_space<vmem>>, vector<16xf32>,
      %parallel_loop3A_143 = arith.constant 16 : i32
      %parallel_loop3A_144 = arith.muli %parallel_loop3A_46, %parallel_loop3A_143 : i32
      %parallel_loop3A_145 = arith.constant 4 : i32
      %parallel_loop3A_146 = arith.index_cast %parallel_loop3A_145 : i32 to index
      %parallel_loop3A_147 = arith.index_cast %parallel_loop3A_144 : i32 to index
      %parallel_loop3A_148 = tpu.vector_load %arg7[%parallel_loop3A_146, %parallel_loop3A_147] {strides = array<i32>} : memref<16x256xf32, #tpu.memory_space<vmem>>, vector<16xf32>,
      tpu.vector_store %arg7[%parallel_loop3A_146, %parallel_loop3A_147], %broadcast_in_dim3A_1 {strides = array<i32>} : memref<16x256xf32, #tpu.memory_space<vmem>>, vector<16xf32>,
      %parallel_loop3A_149 = arith.constant 16 : i32
      %parallel_loop3A_150 = arith.muli %parallel_loop3A_46, %parallel_loop3A_149 : i32
      %parallel_loop3A_151 = arith.constant 4 : i32
      %parallel_loop3A_152 = arith.index_cast %parallel_loop3A_151 : i32 to index
      %parallel_loop3A_153 = arith.index_cast %parallel_loop3A_150 : i32 to index
      %parallel_loop3A_154 = tpu.vector_load %arg8[%parallel_loop3A_152, %parallel_loop3A_153] {strides = array<i32>} : memref<16x256xf32, #tpu.memory_space<vmem>>, vector<16xf32>,
      tpu.vector_store %arg8[%parallel_loop3A_152, %parallel_loop3A_153], %broadcast_in_dim3A_1 {strides = array<i32>} : memref<16x256xf32, #tpu.memory_space<vmem>>, vector<16xf32>,
      %parallel_loop3A_155 = arith.constant 16 : i32
      %parallel_loop3A_156 = arith.muli %parallel_loop3A_46, %parallel_loop3A_155 : i32
      %parallel_loop3A_157 = arith.constant 4 : i32
      %parallel_loop3A_158 = arith.index_cast %parallel_loop3A_157 : i32 to index
      %parallel_loop3A_159 = arith.index_cast %parallel_loop3A_156 : i32 to index
      %parallel_loop3A_160 = tpu.vector_load %arg9[%parallel_loop3A_158, %parallel_loop3A_159] {strides = array<i32>} : memref<16x256xf32, #tpu.memory_space<vmem>>, vector<16xf32>,
      tpu.vector_store %arg9[%parallel_loop3A_158, %parallel_loop3A_159], %broadcast_in_dim3A_1 {strides = array<i32>} : memref<16x256xf32, #tpu.memory_space<vmem>>, vector<16xf32>,
      %parallel_loop3A_161 = arith.constant 16 : i32
      %parallel_loop3A_162 = arith.muli %parallel_loop3A_46, %parallel_loop3A_161 : i32
      %parallel_loop3A_163 = arith.constant 4 : i32
      %parallel_loop3A_164 = arith.index_cast %parallel_loop3A_163 : i32 to index
      %parallel_loop3A_165 = arith.index_cast %parallel_loop3A_162 : i32 to index
      %parallel_loop3A_166 = tpu.vector_load %arg10[%parallel_loop3A_164, %parallel_loop3A_165] {strides = array<i32>} : memref<16x256xf32, #tpu.memory_space<vmem>>, vector<16xf32>,
      tpu.vector_store %arg10[%parallel_loop3A_164, %parallel_loop3A_165], %broadcast_in_dim3A_1 {strides = array<i32>} : memref<16x256xf32, #tpu.memory_space<vmem>>, vector<16xf32>,
      %parallel_loop3A_167 = arith.constant 16 : i32
      %parallel_loop3A_168 = arith.muli %parallel_loop3A_46, %parallel_loop3A_167 : i32
      %parallel_loop3A_169 = arith.constant 5 : i32
      %parallel_loop3A_170 = arith.index_cast %parallel_loop3A_169 : i32 to index
      %parallel_loop3A_171 = arith.index_cast %parallel_loop3A_168 : i32 to index
      %parallel_loop3A_172 = tpu.vector_load %arg7[%parallel_loop3A_170, %parallel_loop3A_171] {strides = array<i32>} : memref<16x256xf32, #tpu.memory_space<vmem>>, vector<16xf32>,
      tpu.vector_store %arg7[%parallel_loop3A_170, %parallel_loop3A_171], %broadcast_in_dim3A_1 {strides = array<i32>} : memref<16x256xf32, #tpu.memory_space<vmem>>, vector<16xf32>,
      %parallel_loop3A_173 = arith.constant 16 : i32
      %parallel_loop3A_174 = arith.muli %parallel_loop3A_46, %parallel_loop3A_173 : i32
      %parallel_loop3A_175 = arith.constant 5 : i32
      %parallel_loop3A_176 = arith.index_cast %parallel_loop3A_175 : i32 to index
      %parallel_loop3A_177 = arith.index_cast %parallel_loop3A_174 : i32 to index
      %parallel_loop3A_178 = tpu.vector_load %arg8[%parallel_loop3A_176, %parallel_loop3A_177] {strides = array<i32>} : memref<16x256xf32, #tpu.memory_space<vmem>>, vector<16xf32>,
      tpu.vector_store %arg8[%parallel_loop3A_176, %parallel_loop3A_177], %broadcast_in_dim3A_1 {strides = array<i32>} : memref<16x256xf32, #tpu.memory_space<vmem>>, vector<16xf32>,
      %parallel_loop3A_179 = arith.constant 16 : i32
      %parallel_loop3A_180 = arith.muli %parallel_loop3A_46, %parallel_loop3A_179 : i32
      %parallel_loop3A_181 = arith.constant 5 : i32
      %parallel_loop3A_182 = arith.index_cast %parallel_loop3A_181 : i32 to index
      %parallel_loop3A_183 = arith.index_cast %parallel_loop3A_180 : i32 to index
      %parallel_loop3A_184 = tpu.vector_load %arg9[%parallel_loop3A_182, %parallel_loop3A_183] {strides = array<i32>} : memref<16x256xf32, #tpu.memory_space<vmem>>, vector<16xf32>,
      tpu.vector_store %arg9[%parallel_loop3A_182, %parallel_loop3A_183], %broadcast_in_dim3A_1 {strides = array<i32>} : memref<16x256xf32, #tpu.memory_space<vmem>>, vector<16xf32>,
      %parallel_loop3A_185 = arith.constant 16 : i32
      %parallel_loop3A_186 = arith.muli %parallel_loop3A_46, %parallel_loop3A_185 : i32
      %parallel_loop3A_187 = arith.constant 5 : i32
      %parallel_loop3A_188 = arith.index_cast %parallel_loop3A_187 : i32 to index
      %parallel_loop3A_189 = arith.index_cast %parallel_loop3A_186 : i32 to index
      %parallel_loop3A_190 = tpu.vector_load %arg10[%parallel_loop3A_188, %parallel_loop3A_189] {strides = array<i32>} : memref<16x256xf32, #tpu.memory_space<vmem>>, vector<16xf32>,
      tpu.vector_store %arg10[%parallel_loop3A_188, %parallel_loop3A_189], %broadcast_in_dim3A_1 {strides = array<i32>} : memref<16x256xf32, #tpu.memory_space<vmem>>, vector<16xf32>,
      %parallel_loop3A_191 = arith.constant 16 : i32
      %parallel_loop3A_192 = arith.muli %parallel_loop3A_46, %parallel_loop3A_191 : i32
      %parallel_loop3A_193 = arith.constant 6 : i32
      %parallel_loop3A_194 = arith.index_cast %parallel_loop3A_193 : i32 to index
      %parallel_loop3A_195 = arith.index_cast %parallel_loop3A_192 : i32 to index
      %parallel_loop3A_196 = tpu.vector_load %arg7[%parallel_loop3A_194, %parallel_loop3A_195] {strides = array<i32>} : memref<16x256xf32, #tpu.memory_space<vmem>>, vector<16xf32>,
      tpu.vector_store %arg7[%parallel_loop3A_194, %parallel_loop3A_195], %broadcast_in_dim3A_1 {strides = array<i32>} : memref<16x256xf32, #tpu.memory_space<vmem>>, vector<16xf32>,
      %parallel_loop3A_197 = arith.constant 16 : i32
      %parallel_loop3A_198 = arith.muli %parallel_loop3A_46, %parallel_loop3A_197 : i32
      %parallel_loop3A_199 = arith.constant 6 : i32
      %parallel_loop3A_200 = arith.index_cast %parallel_loop3A_199 : i32 to index
      %parallel_loop3A_201 = arith.index_cast %parallel_loop3A_198 : i32 to index
      %parallel_loop3A_202 = tpu.vector_load %arg8[%parallel_loop3A_200, %parallel_loop3A_201] {strides = array<i32>} : memref<16x256xf32, #tpu.memory_space<vmem>>, vector<16xf32>,
      tpu.vector_store %arg8[%parallel_loop3A_200, %parallel_loop3A_201], %broadcast_in_dim3A_1 {strides = array<i32>} : memref<16x256xf32, #tpu.memory_space<vmem>>, vector<16xf32>,
      %parallel_loop3A_203 = arith.constant 16 : i32
      %parallel_loop3A_204 = arith.muli %parallel_loop3A_46, %parallel_loop3A_203 : i32
      %parallel_loop3A_205 = arith.constant 6 : i32
      %parallel_loop3A_206 = arith.index_cast %parallel_loop3A_205 : i32 to index
      %parallel_loop3A_207 = arith.index_cast %parallel_loop3A_204 : i32 to index
      %parallel_loop3A_208 = tpu.vector_load %arg9[%parallel_loop3A_206, %parallel_loop3A_207] {strides = array<i32>} : memref<16x256xf32, #tpu.memory_space<vmem>>, vector<16xf32>,
      tpu.vector_store %arg9[%parallel_loop3A_206, %parallel_loop3A_207], %broadcast_in_dim3A_1 {strides = array<i32>} : memref<16x256xf32, #tpu.memory_space<vmem>>, vector<16xf32>,
      %parallel_loop3A_209 = arith.constant 16 : i32
      %parallel_loop3A_210 = arith.muli %parallel_loop3A_46, %parallel_loop3A_209 : i32
      %parallel_loop3A_211 = arith.constant 6 : i32
      %parallel_loop3A_212 = arith.index_cast %parallel_loop3A_211 : i32 to index
      %parallel_loop3A_213 = arith.index_cast %parallel_loop3A_210 : i32 to index
      %parallel_loop3A_214 = tpu.vector_load %arg10[%parallel_loop3A_212, %parallel_loop3A_213] {strides = array<i32>} : memref<16x256xf32, #tpu.memory_space<vmem>>, vector<16xf32>,
      tpu.vector_store %arg10[%parallel_loop3A_212, %parallel_loop3A_213], %broadcast_in_dim3A_1 {strides = array<i32>} : memref<16x256xf32, #tpu.memory_space<vmem>>, vector<16xf32>,
      %parallel_loop3A_215 = arith.constant 16 : i32
      %parallel_loop3A_216 = arith.muli %parallel_loop3A_46, %parallel_loop3A_215 : i32
      %parallel_loop3A_217 = arith.constant 7 : i32
      %parallel_loop3A_218 = arith.index_cast %parallel_loop3A_217 : i32 to index
      %parallel_loop3A_219 = arith.index_cast %parallel_loop3A_216 : i32 to index
      %parallel_loop3A_220 = tpu.vector_load %arg7[%parallel_loop3A_218, %parallel_loop3A_219] {strides = array<i32>} : memref<16x256xf32, #tpu.memory_space<vmem>>, vector<16xf32>,
      tpu.vector_store %arg7[%parallel_loop3A_218, %parallel_loop3A_219], %broadcast_in_dim3A_1 {strides = array<i32>} : memref<16x256xf32, #tpu.memory_space<vmem>>, vector<16xf32>,
      %parallel_loop3A_221 = arith.constant 16 : i32
      %parallel_loop3A_222 = arith.muli %parallel_loop3A_46, %parallel_loop3A_221 : i32
      %parallel_loop3A_223 = arith.constant 7 : i32
      %parallel_loop3A_224 = arith.index_cast %parallel_loop3A_223 : i32 to index
      %parallel_loop3A_225 = arith.index_cast %parallel_loop3A_222 : i32 to index
      %parallel_loop3A_226 = tpu.vector_load %arg8[%parallel_loop3A_224, %parallel_loop3A_225] {strides = array<i32>} : memref<16x256xf32, #tpu.memory_space<vmem>>, vector<16xf32>,
      tpu.vector_store %arg8[%parallel_loop3A_224, %parallel_loop3A_225], %broadcast_in_dim3A_1 {strides = array<i32>} : memref<16x256xf32, #tpu.memory_space<vmem>>, vector<16xf32>,
      %parallel_loop3A_227 = arith.constant 16 : i32
      %parallel_loop3A_228 = arith.muli %parallel_loop3A_46, %parallel_loop3A_227 : i32
      %parallel_loop3A_229 = arith.constant 7 : i32
      %parallel_loop3A_230 = arith.index_cast %parallel_loop3A_229 : i32 to index
      %parallel_loop3A_231 = arith.index_cast %parallel_loop3A_228 : i32 to index
      %parallel_loop3A_232 = tpu.vector_load %arg9[%parallel_loop3A_230, %parallel_loop3A_231] {strides = array<i32>} : memref<16x256xf32, #tpu.memory_space<vmem>>, vector<16xf32>,
      tpu.vector_store %arg9[%parallel_loop3A_230, %parallel_loop3A_231], %broadcast_in_dim3A_1 {strides = array<i32>} : memref<16x256xf32, #tpu.memory_space<vmem>>, vector<16xf32>,
      %parallel_loop3A_233 = arith.constant 16 : i32
      %parallel_loop3A_234 = arith.muli %parallel_loop3A_46, %parallel_loop3A_233 : i32
      %parallel_loop3A_235 = arith.constant 7 : i32
      %parallel_loop3A_236 = arith.index_cast %parallel_loop3A_235 : i32 to index
      %parallel_loop3A_237 = arith.index_cast %parallel_loop3A_234 : i32 to index
      %parallel_loop3A_238 = tpu.vector_load %arg10[%parallel_loop3A_236, %parallel_loop3A_237] {strides = array<i32>} : memref<16x256xf32, #tpu.memory_space<vmem>>, vector<16xf32>,
      tpu.vector_store %arg10[%parallel_loop3A_236, %parallel_loop3A_237], %broadcast_in_dim3A_1 {strides = array<i32>} : memref<16x256xf32, #tpu.memory_space<vmem>>, vector<16xf32>,
      %parallel_loop3A_239 = arith.constant 16 : i32
      %parallel_loop3A_240 = arith.muli %parallel_loop3A_46, %parallel_loop3A_239 : i32
      %parallel_loop3A_241 = arith.constant 8 : i32
      %parallel_loop3A_242 = arith.index_cast %parallel_loop3A_241 : i32 to index
      %parallel_loop3A_243 = arith.index_cast %parallel_loop3A_240 : i32 to index
      %parallel_loop3A_244 = tpu.vector_load %arg7[%parallel_loop3A_242, %parallel_loop3A_243] {strides = array<i32>} : memref<16x256xf32, #tpu.memory_space<vmem>>, vector<16xf32>,
      tpu.vector_store %arg7[%parallel_loop3A_242, %parallel_loop3A_243], %broadcast_in_dim3A_1 {strides = array<i32>} : memref<16x256xf32, #tpu.memory_space<vmem>>, vector<16xf32>,
      %parallel_loop3A_245 = arith.constant 16 : i32
      %parallel_loop3A_246 = arith.muli %parallel_loop3A_46, %parallel_loop3A_245 : i32
      %parallel_loop3A_247 = arith.constant 8 : i32
      %parallel_loop3A_248 = arith.index_cast %parallel_loop3A_247 : i32 to index
      %parallel_loop3A_249 = arith.index_cast %parallel_loop3A_246 : i32 to index
      %parallel_loop3A_250 = tpu.vector_load %arg8[%parallel_loop3A_248, %parallel_loop3A_249] {strides = array<i32>} : memref<16x256xf32, #tpu.memory_space<vmem>>, vector<16xf32>,
      tpu.vector_store %arg8[%parallel_loop3A_248, %parallel_loop3A_249], %broadcast_in_dim3A_1 {strides = array<i32>} : memref<16x256xf32, #tpu.memory_space<vmem>>, vector<16xf32>,
      %parallel_loop3A_251 = arith.constant 16 : i32
      %parallel_loop3A_252 = arith.muli %parallel_loop3A_46, %parallel_loop3A_251 : i32
      %parallel_loop3A_253 = arith.constant 8 : i32
      %parallel_loop3A_254 = arith.index_cast %parallel_loop3A_253 : i32 to index
      %parallel_loop3A_255 = arith.index_cast %parallel_loop3A_252 : i32 to index
      %parallel_loop3A_256 = tpu.vector_load %arg9[%parallel_loop3A_254, %parallel_loop3A_255] {strides = array<i32>} : memref<16x256xf32, #tpu.memory_space<vmem>>, vector<16xf32>,
      tpu.vector_store %arg9[%parallel_loop3A_254, %parallel_loop3A_255], %broadcast_in_dim3A_1 {strides = array<i32>} : memref<16x256xf32, #tpu.memory_space<vmem>>, vector<16xf32>,
      %parallel_loop3A_257 = arith.constant 16 : i32
      %parallel_loop3A_258 = arith.muli %parallel_loop3A_46, %parallel_loop3A_257 : i32
      %parallel_loop3A_259 = arith.constant 8 : i32
      %parallel_loop3A_260 = arith.index_cast %parallel_loop3A_259 : i32 to index
      %parallel_loop3A_261 = arith.index_cast %parallel_loop3A_258 : i32 to index
      %parallel_loop3A_262 = tpu.vector_load %arg10[%parallel_loop3A_260, %parallel_loop3A_261] {strides = array<i32>} : memref<16x256xf32, #tpu.memory_space<vmem>>, vector<16xf32>,
      tpu.vector_store %arg10[%parallel_loop3A_260, %parallel_loop3A_261], %broadcast_in_dim3A_1 {strides = array<i32>} : memref<16x256xf32, #tpu.memory_space<vmem>>, vector<16xf32>,
      %parallel_loop3A_263 = arith.constant 16 : i32
      %parallel_loop3A_264 = arith.muli %parallel_loop3A_46, %parallel_loop3A_263 : i32
      %parallel_loop3A_265 = arith.constant 9 : i32
      %parallel_loop3A_266 = arith.index_cast %parallel_loop3A_265 : i32 to index
      %parallel_loop3A_267 = arith.index_cast %parallel_loop3A_264 : i32 to index
      %parallel_loop3A_268 = tpu.vector_load %arg7[%parallel_loop3A_266, %parallel_loop3A_267] {strides = array<i32>} : memref<16x256xf32, #tpu.memory_space<vmem>>, vector<16xf32>,
      tpu.vector_store %arg7[%parallel_loop3A_266, %parallel_loop3A_267], %broadcast_in_dim3A_1 {strides = array<i32>} : memref<16x256xf32, #tpu.memory_space<vmem>>, vector<16xf32>,
      %parallel_loop3A_269 = arith.constant 16 : i32
      %parallel_loop3A_270 = arith.muli %parallel_loop3A_46, %parallel_loop3A_269 : i32
      %parallel_loop3A_271 = arith.constant 9 : i32
      %parallel_loop3A_272 = arith.index_cast %parallel_loop3A_271 : i32 to index
      %parallel_loop3A_273 = arith.index_cast %parallel_loop3A_270 : i32 to index
      %parallel_loop3A_274 = tpu.vector_load %arg8[%parallel_loop3A_272, %parallel_loop3A_273] {strides = array<i32>} : memref<16x256xf32, #tpu.memory_space<vmem>>, vector<16xf32>,
      tpu.vector_store %arg8[%parallel_loop3A_272, %parallel_loop3A_273], %broadcast_in_dim3A_1 {strides = array<i32>} : memref<16x256xf32, #tpu.memory_space<vmem>>, vector<16xf32>,
      %parallel_loop3A_275 = arith.constant 16 : i32
      %parallel_loop3A_276 = arith.muli %parallel_loop3A_46, %parallel_loop3A_275 : i32
      %parallel_loop3A_277 = arith.constant 9 : i32
      %parallel_loop3A_278 = arith.index_cast %parallel_loop3A_277 : i32 to index
      %parallel_loop3A_279 = arith.index_cast %parallel_loop3A_276 : i32 to index
      %parallel_loop3A_280 = tpu.vector_load %arg9[%parallel_loop3A_278, %parallel_loop3A_279] {strides = array<i32>} : memref<16x256xf32, #tpu.memory_space<vmem>>, vector<16xf32>,
      tpu.vector_store %arg9[%parallel_loop3A_278, %parallel_loop3A_279], %broadcast_in_dim3A_1 {strides = array<i32>} : memref<16x256xf32, #tpu.memory_space<vmem>>, vector<16xf32>,
      %parallel_loop3A_281 = arith.constant 16 : i32
      %parallel_loop3A_282 = arith.muli %parallel_loop3A_46, %parallel_loop3A_281 : i32
      %parallel_loop3A_283 = arith.constant 9 : i32
      %parallel_loop3A_284 = arith.index_cast %parallel_loop3A_283 : i32 to index
      %parallel_loop3A_285 = arith.index_cast %parallel_loop3A_282 : i32 to index
      %parallel_loop3A_286 = tpu.vector_load %arg10[%parallel_loop3A_284, %parallel_loop3A_285] {strides = array<i32>} : memref<16x256xf32, #tpu.memory_space<vmem>>, vector<16xf32>,
      tpu.vector_store %arg10[%parallel_loop3A_284, %parallel_loop3A_285], %broadcast_in_dim3A_1 {strides = array<i32>} : memref<16x256xf32, #tpu.memory_space<vmem>>, vector<16xf32>,
      %parallel_loop3A_287 = arith.constant 16 : i32
      %parallel_loop3A_288 = arith.muli %parallel_loop3A_46, %parallel_loop3A_287 : i32
      %parallel_loop3A_289 = arith.constant 10 : i32
      %parallel_loop3A_290 = arith.index_cast %parallel_loop3A_289 : i32 to index
      %parallel_loop3A_291 = arith.index_cast %parallel_loop3A_288 : i32 to index
      %parallel_loop3A_292 = tpu.vector_load %arg7[%parallel_loop3A_290, %parallel_loop3A_291] {strides = array<i32>} : memref<16x256xf32, #tpu.memory_space<vmem>>, vector<16xf32>,
      tpu.vector_store %arg7[%parallel_loop3A_290, %parallel_loop3A_291], %broadcast_in_dim3A_1 {strides = array<i32>} : memref<16x256xf32, #tpu.memory_space<vmem>>, vector<16xf32>,
      %parallel_loop3A_293 = arith.constant 16 : i32
      %parallel_loop3A_294 = arith.muli %parallel_loop3A_46, %parallel_loop3A_293 : i32
      %parallel_loop3A_295 = arith.constant 10 : i32
      %parallel_loop3A_296 = arith.index_cast %parallel_loop3A_295 : i32 to index
      %parallel_loop3A_297 = arith.index_cast %parallel_loop3A_294 : i32 to index
      %parallel_loop3A_298 = tpu.vector_load %arg8[%parallel_loop3A_296, %parallel_loop3A_297] {strides = array<i32>} : memref<16x256xf32, #tpu.memory_space<vmem>>, vector<16xf32>,
      tpu.vector_store %arg8[%parallel_loop3A_296, %parallel_loop3A_297], %broadcast_in_dim3A_1 {strides = array<i32>} : memref<16x256xf32, #tpu.memory_space<vmem>>, vector<16xf32>,
      %parallel_loop3A_299 = arith.constant 16 : i32
      %parallel_loop3A_300 = arith.muli %parallel_loop3A_46, %parallel_loop3A_299 : i32
      %parallel_loop3A_301 = arith.constant 10 : i32
      %parallel_loop3A_302 = arith.index_cast %parallel_loop3A_301 : i32 to index
      %parallel_loop3A_303 = arith.index_cast %parallel_loop3A_300 : i32 to index
      %parallel_loop3A_304 = tpu.vector_load %arg9[%parallel_loop3A_302, %parallel_loop3A_303] {strides = array<i32>} : memref<16x256xf32, #tpu.memory_space<vmem>>, vector<16xf32>,
      tpu.vector_store %arg9[%parallel_loop3A_302, %parallel_loop3A_303], %broadcast_in_dim3A_1 {strides = array<i32>} : memref<16x256xf32, #tpu.memory_space<vmem>>, vector<16xf32>,
      %parallel_loop3A_305 = arith.constant 16 : i32
      %parallel_loop3A_306 = arith.muli %parallel_loop3A_46, %parallel_loop3A_305 : i32
      %parallel_loop3A_307 = arith.constant 10 : i32
      %parallel_loop3A_308 = arith.index_cast %parallel_loop3A_307 : i32 to index
      %parallel_loop3A_309 = arith.index_cast %parallel_loop3A_306 : i32 to index
      %parallel_loop3A_310 = tpu.vector_load %arg10[%parallel_loop3A_308, %parallel_loop3A_309] {strides = array<i32>} : memref<16x256xf32, #tpu.memory_space<vmem>>, vector<16xf32>,
      tpu.vector_store %arg10[%parallel_loop3A_308, %parallel_loop3A_309], %broadcast_in_dim3A_1 {strides = array<i32>} : memref<16x256xf32, #tpu.memory_space<vmem>>, vector<16xf32>,
      %parallel_loop3A_311 = arith.constant 16 : i32
      %parallel_loop3A_312 = arith.muli %parallel_loop3A_46, %parallel_loop3A_311 : i32
      %parallel_loop3A_313 = arith.constant 11 : i32
      %parallel_loop3A_314 = arith.index_cast %parallel_loop3A_313 : i32 to index
      %parallel_loop3A_315 = arith.index_cast %parallel_loop3A_312 : i32 to index
      %parallel_loop3A_316 = tpu.vector_load %arg7[%parallel_loop3A_314, %parallel_loop3A_315] {strides = array<i32>} : memref<16x256xf32, #tpu.memory_space<vmem>>, vector<16xf32>,
      tpu.vector_store %arg7[%parallel_loop3A_314, %parallel_loop3A_315], %broadcast_in_dim3A_1 {strides = array<i32>} : memref<16x256xf32, #tpu.memory_space<vmem>>, vector<16xf32>,
      %parallel_loop3A_317 = arith.constant 16 : i32
      %parallel_loop3A_318 = arith.muli %parallel_loop3A_46, %parallel_loop3A_317 : i32
      %parallel_loop3A_319 = arith.constant 11 : i32
      %parallel_loop3A_320 = arith.index_cast %parallel_loop3A_319 : i32 to index
      %parallel_loop3A_321 = arith.index_cast %parallel_loop3A_318 : i32 to index
      %parallel_loop3A_322 = tpu.vector_load %arg8[%parallel_loop3A_320, %parallel_loop3A_321] {strides = array<i32>} : memref<16x256xf32, #tpu.memory_space<vmem>>, vector<16xf32>,
      tpu.vector_store %arg8[%parallel_loop3A_320, %parallel_loop3A_321], %broadcast_in_dim3A_1 {strides = array<i32>} : memref<16x256xf32, #tpu.memory_space<vmem>>, vector<16xf32>,
      %parallel_loop3A_323 = arith.constant 16 : i32
      %parallel_loop3A_324 = arith.muli %parallel_loop3A_46, %parallel_loop3A_323 : i32
      %parallel_loop3A_325 = arith.constant 11 : i32
      %parallel_loop3A_326 = arith.index_cast %parallel_loop3A_325 : i32 to index
      %parallel_loop3A_327 = arith.index_cast %parallel_loop3A_324 : i32 to index
      %parallel_loop3A_328 = tpu.vector_load %arg9[%parallel_loop3A_326, %parallel_loop3A_327] {strides = array<i32>} : memref<16x256xf32, #tpu.memory_space<vmem>>, vector<16xf32>,
      tpu.vector_store %arg9[%parallel_loop3A_326, %parallel_loop3A_327], %broadcast_in_dim3A_1 {strides = array<i32>} : memref<16x256xf32, #tpu.memory_space<vmem>>, vector<16xf32>,
      %parallel_loop3A_329 = arith.constant 16 : i32
      %parallel_loop3A_330 = arith.muli %parallel_loop3A_46, %parallel_loop3A_329 : i32
      %parallel_loop3A_331 = arith.constant 11 : i32
      %parallel_loop3A_332 = arith.index_cast %parallel_loop3A_331 : i32 to index
      %parallel_loop3A_333 = arith.index_cast %parallel_loop3A_330 : i32 to index
      %parallel_loop3A_334 = tpu.vector_load %arg10[%parallel_loop3A_332, %parallel_loop3A_333] {strides = array<i32>} : memref<16x256xf32, #tpu.memory_space<vmem>>, vector<16xf32>,
      tpu.vector_store %arg10[%parallel_loop3A_332, %parallel_loop3A_333], %broadcast_in_dim3A_1 {strides = array<i32>} : memref<16x256xf32, #tpu.memory_space<vmem>>, vector<16xf32>,
      %parallel_loop3A_335 = arith.constant 16 : i32
      %parallel_loop3A_336 = arith.muli %parallel_loop3A_46, %parallel_loop3A_335 : i32
      %parallel_loop3A_337 = arith.constant 12 : i32
      %parallel_loop3A_338 = arith.index_cast %parallel_loop3A_337 : i32 to index
      %parallel_loop3A_339 = arith.index_cast %parallel_loop3A_336 : i32 to index
      %parallel_loop3A_340 = tpu.vector_load %arg7[%parallel_loop3A_338, %parallel_loop3A_339] {strides = array<i32>} : memref<16x256xf32, #tpu.memory_space<vmem>>, vector<16xf32>,
      tpu.vector_store %arg7[%parallel_loop3A_338, %parallel_loop3A_339], %broadcast_in_dim3A_1 {strides = array<i32>} : memref<16x256xf32, #tpu.memory_space<vmem>>, vector<16xf32>,
      %parallel_loop3A_341 = arith.constant 16 : i32
      %parallel_loop3A_342 = arith.muli %parallel_loop3A_46, %parallel_loop3A_341 : i32
      %parallel_loop3A_343 = arith.constant 12 : i32
      %parallel_loop3A_344 = arith.index_cast %parallel_loop3A_343 : i32 to index
      %parallel_loop3A_345 = arith.index_cast %parallel_loop3A_342 : i32 to index
      %parallel_loop3A_346 = tpu.vector_load %arg8[%parallel_loop3A_344, %parallel_loop3A_345] {strides = array<i32>} : memref<16x256xf32, #tpu.memory_space<vmem>>, vector<16xf32>,
      tpu.vector_store %arg8[%parallel_loop3A_344, %parallel_loop3A_345], %broadcast_in_dim3A_1 {strides = array<i32>} : memref<16x256xf32, #tpu.memory_space<vmem>>, vector<16xf32>,
      %parallel_loop3A_347 = arith.constant 16 : i32
      %parallel_loop3A_348 = arith.muli %parallel_loop3A_46, %parallel_loop3A_347 : i32
      %parallel_loop3A_349 = arith.constant 12 : i32
      %parallel_loop3A_350 = arith.index_cast %parallel_loop3A_349 : i32 to index
      %parallel_loop3A_351 = arith.index_cast %parallel_loop3A_348 : i32 to index
      %parallel_loop3A_352 = tpu.vector_load %arg9[%parallel_loop3A_350, %parallel_loop3A_351] {strides = array<i32>} : memref<16x256xf32, #tpu.memory_space<vmem>>, vector<16xf32>,
      tpu.vector_store %arg9[%parallel_loop3A_350, %parallel_loop3A_351], %broadcast_in_dim3A_1 {strides = array<i32>} : memref<16x256xf32, #tpu.memory_space<vmem>>, vector<16xf32>,
      %parallel_loop3A_353 = arith.constant 16 : i32
      %parallel_loop3A_354 = arith.muli %parallel_loop3A_46, %parallel_loop3A_353 : i32
      %parallel_loop3A_355 = arith.constant 12 : i32
      %parallel_loop3A_356 = arith.index_cast %parallel_loop3A_355 : i32 to index
      %parallel_loop3A_357 = arith.index_cast %parallel_loop3A_354 : i32 to index
      %parallel_loop3A_358 = tpu.vector_load %arg10[%parallel_loop3A_356, %parallel_loop3A_357] {strides = array<i32>} : memref<16x256xf32, #tpu.memory_space<vmem>>, vector<16xf32>,
      tpu.vector_store %arg10[%parallel_loop3A_356, %parallel_loop3A_357], %broadcast_in_dim3A_1 {strides = array<i32>} : memref<16x256xf32, #tpu.memory_space<vmem>>, vector<16xf32>,
      %parallel_loop3A_359 = arith.constant 16 : i32
      %parallel_loop3A_360 = arith.muli %parallel_loop3A_46, %parallel_loop3A_359 : i32
      %parallel_loop3A_361 = arith.constant 13 : i32
      %parallel_loop3A_362 = arith.index_cast %parallel_loop3A_361 : i32 to index
      %parallel_loop3A_363 = arith.index_cast %parallel_loop3A_360 : i32 to index
      %parallel_loop3A_364 = tpu.vector_load %arg7[%parallel_loop3A_362, %parallel_loop3A_363] {strides = array<i32>} : memref<16x256xf32, #tpu.memory_space<vmem>>, vector<16xf32>,
      tpu.vector_store %arg7[%parallel_loop3A_362, %parallel_loop3A_363], %broadcast_in_dim3A_1 {strides = array<i32>} : memref<16x256xf32, #tpu.memory_space<vmem>>, vector<16xf32>,
      %parallel_loop3A_365 = arith.constant 16 : i32
      %parallel_loop3A_366 = arith.muli %parallel_loop3A_46, %parallel_loop3A_365 : i32
      %parallel_loop3A_367 = arith.constant 13 : i32
      %parallel_loop3A_368 = arith.index_cast %parallel_loop3A_367 : i32 to index
      %parallel_loop3A_369 = arith.index_cast %parallel_loop3A_366 : i32 to index
      %parallel_loop3A_370 = tpu.vector_load %arg8[%parallel_loop3A_368, %parallel_loop3A_369] {strides = array<i32>} : memref<16x256xf32, #tpu.memory_space<vmem>>, vector<16xf32>,
      tpu.vector_store %arg8[%parallel_loop3A_368, %parallel_loop3A_369], %broadcast_in_dim3A_1 {strides = array<i32>} : memref<16x256xf32, #tpu.memory_space<vmem>>, vector<16xf32>,
      %parallel_loop3A_371 = arith.constant 16 : i32
      %parallel_loop3A_372 = arith.muli %parallel_loop3A_46, %parallel_loop3A_371 : i32
      %parallel_loop3A_373 = arith.constant 13 : i32
      %parallel_loop3A_374 = arith.index_cast %parallel_loop3A_373 : i32 to index
      %parallel_loop3A_375 = arith.index_cast %parallel_loop3A_372 : i32 to index
      %parallel_loop3A_376 = tpu.vector_load %arg9[%parallel_loop3A_374, %parallel_loop3A_375] {strides = array<i32>} : memref<16x256xf32, #tpu.memory_space<vmem>>, vector<16xf32>,
      tpu.vector_store %arg9[%parallel_loop3A_374, %parallel_loop3A_375], %broadcast_in_dim3A_1 {strides = array<i32>} : memref<16x256xf32, #tpu.memory_space<vmem>>, vector<16xf32>,
      %parallel_loop3A_377 = arith.constant 16 : i32
      %parallel_loop3A_378 = arith.muli %parallel_loop3A_46, %parallel_loop3A_377 : i32
      %parallel_loop3A_379 = arith.constant 13 : i32
      %parallel_loop3A_380 = arith.index_cast %parallel_loop3A_379 : i32 to index
      %parallel_loop3A_381 = arith.index_cast %parallel_loop3A_378 : i32 to index
      %parallel_loop3A_382 = tpu.vector_load %arg10[%parallel_loop3A_380, %parallel_loop3A_381] {strides = array<i32>} : memref<16x256xf32, #tpu.memory_space<vmem>>, vector<16xf32>,
      tpu.vector_store %arg10[%parallel_loop3A_380, %parallel_loop3A_381], %broadcast_in_dim3A_1 {strides = array<i32>} : memref<16x256xf32, #tpu.memory_space<vmem>>, vector<16xf32>,
      %parallel_loop3A_383 = arith.constant 16 : i32
      %parallel_loop3A_384 = arith.muli %parallel_loop3A_46, %parallel_loop3A_383 : i32
      %parallel_loop3A_385 = arith.constant 14 : i32
      %parallel_loop3A_386 = arith.index_cast %parallel_loop3A_385 : i32 to index
      %parallel_loop3A_387 = arith.index_cast %parallel_loop3A_384 : i32 to index
      %parallel_loop3A_388 = tpu.vector_load %arg7[%parallel_loop3A_386, %parallel_loop3A_387] {strides = array<i32>} : memref<16x256xf32, #tpu.memory_space<vmem>>, vector<16xf32>,
      tpu.vector_store %arg7[%parallel_loop3A_386, %parallel_loop3A_387], %broadcast_in_dim3A_1 {strides = array<i32>} : memref<16x256xf32, #tpu.memory_space<vmem>>, vector<16xf32>,
      %parallel_loop3A_389 = arith.constant 16 : i32
      %parallel_loop3A_390 = arith.muli %parallel_loop3A_46, %parallel_loop3A_389 : i32
      %parallel_loop3A_391 = arith.constant 14 : i32
      %parallel_loop3A_392 = arith.index_cast %parallel_loop3A_391 : i32 to index
      %parallel_loop3A_393 = arith.index_cast %parallel_loop3A_390 : i32 to index
      %parallel_loop3A_394 = tpu.vector_load %arg8[%parallel_loop3A_392, %parallel_loop3A_393] {strides = array<i32>} : memref<16x256xf32, #tpu.memory_space<vmem>>, vector<16xf32>,
      tpu.vector_store %arg8[%parallel_loop3A_392, %parallel_loop3A_393], %broadcast_in_dim3A_1 {strides = array<i32>} : memref<16x256xf32, #tpu.memory_space<vmem>>, vector<16xf32>,
      %parallel_loop3A_395 = arith.constant 16 : i32
      %parallel_loop3A_396 = arith.muli %parallel_loop3A_46, %parallel_loop3A_395 : i32
      %parallel_loop3A_397 = arith.constant 14 : i32
      %parallel_loop3A_398 = arith.index_cast %parallel_loop3A_397 : i32 to index
      %parallel_loop3A_399 = arith.index_cast %parallel_loop3A_396 : i32 to index
      %parallel_loop3A_400 = tpu.vector_load %arg9[%parallel_loop3A_398, %parallel_loop3A_399] {strides = array<i32>} : memref<16x256xf32, #tpu.memory_space<vmem>>, vector<16xf32>,
      tpu.vector_store %arg9[%parallel_loop3A_398, %parallel_loop3A_399], %broadcast_in_dim3A_1 {strides = array<i32>} : memref<16x256xf32, #tpu.memory_space<vmem>>, vector<16xf32>,
      %parallel_loop3A_401 = arith.constant 16 : i32
      %parallel_loop3A_402 = arith.muli %parallel_loop3A_46, %parallel_loop3A_401 : i32
      %parallel_loop3A_403 = arith.constant 14 : i32
      %parallel_loop3A_404 = arith.index_cast %parallel_loop3A_403 : i32 to index
      %parallel_loop3A_405 = arith.index_cast %parallel_loop3A_402 : i32 to index
      %parallel_loop3A_406 = tpu.vector_load %arg10[%parallel_loop3A_404, %parallel_loop3A_405] {strides = array<i32>} : memref<16x256xf32, #tpu.memory_space<vmem>>, vector<16xf32>,
      tpu.vector_store %arg10[%parallel_loop3A_404, %parallel_loop3A_405], %broadcast_in_dim3A_1 {strides = array<i32>} : memref<16x256xf32, #tpu.memory_space<vmem>>, vector<16xf32>,
      %parallel_loop3A_407 = arith.constant 16 : i32
      %parallel_loop3A_408 = arith.muli %parallel_loop3A_46, %parallel_loop3A_407 : i32
      %parallel_loop3A_409 = arith.constant 15 : i32
      %parallel_loop3A_410 = arith.index_cast %parallel_loop3A_409 : i32 to index
      %parallel_loop3A_411 = arith.index_cast %parallel_loop3A_408 : i32 to index
      %parallel_loop3A_412 = tpu.vector_load %arg7[%parallel_loop3A_410, %parallel_loop3A_411] {strides = array<i32>} : memref<16x256xf32, #tpu.memory_space<vmem>>, vector<16xf32>,
      tpu.vector_store %arg7[%parallel_loop3A_410, %parallel_loop3A_411], %broadcast_in_dim3A_1 {strides = array<i32>} : memref<16x256xf32, #tpu.memory_space<vmem>>, vector<16xf32>,
      %parallel_loop3A_413 = arith.constant 16 : i32
      %parallel_loop3A_414 = arith.muli %parallel_loop3A_46, %parallel_loop3A_413 : i32
      %parallel_loop3A_415 = arith.constant 15 : i32
      %parallel_loop3A_416 = arith.index_cast %parallel_loop3A_415 : i32 to index
      %parallel_loop3A_417 = arith.index_cast %parallel_loop3A_414 : i32 to index
      %parallel_loop3A_418 = tpu.vector_load %arg8[%parallel_loop3A_416, %parallel_loop3A_417] {strides = array<i32>} : memref<16x256xf32, #tpu.memory_space<vmem>>, vector<16xf32>,
      tpu.vector_store %arg8[%parallel_loop3A_416, %parallel_loop3A_417], %broadcast_in_dim3A_1 {strides = array<i32>} : memref<16x256xf32, #tpu.memory_space<vmem>>, vector<16xf32>,
      %parallel_loop3A_419 = arith.constant 16 : i32
      %parallel_loop3A_420 = arith.muli %parallel_loop3A_46, %parallel_loop3A_419 : i32
      %parallel_loop3A_421 = arith.constant 15 : i32
      %parallel_loop3A_422 = arith.index_cast %parallel_loop3A_421 : i32 to index
      %parallel_loop3A_423 = arith.index_cast %parallel_loop3A_420 : i32 to index
      %parallel_loop3A_424 = tpu.vector_load %arg9[%parallel_loop3A_422, %parallel_loop3A_423] {strides = array<i32>} : memref<16x256xf32, #tpu.memory_space<vmem>>, vector<16xf32>,
      tpu.vector_store %arg9[%parallel_loop3A_422, %parallel_loop3A_423], %broadcast_in_dim3A_1 {strides = array<i32>} : memref<16x256xf32, #tpu.memory_space<vmem>>, vector<16xf32>,
      %parallel_loop3A_425 = arith.constant 16 : i32
      %parallel_loop3A_426 = arith.muli %parallel_loop3A_46, %parallel_loop3A_425 : i32
      %parallel_loop3A_427 = arith.constant 15 : i32
      %parallel_loop3A_428 = arith.index_cast %parallel_loop3A_427 : i32 to index
      %parallel_loop3A_429 = arith.index_cast %parallel_loop3A_426 : i32 to index
      %parallel_loop3A_430 = tpu.vector_load %arg10[%parallel_loop3A_428, %parallel_loop3A_429] {strides = array<i32>} : memref<16x256xf32, #tpu.memory_space<vmem>>, vector<16xf32>,
      tpu.vector_store %arg10[%parallel_loop3A_428, %parallel_loop3A_429], %broadcast_in_dim3A_1 {strides = array<i32>} : memref<16x256xf32, #tpu.memory_space<vmem>>, vector<16xf32>,
    } {sc.loop_unroll_factor = 1 : i64, sc.parallel_access}
    %lt3A = arith.constant 31 : i32
    %lt3A_6 = arith.cmpi slt, %add3A, %lt3A : i32
    %convert_element_type3A = arith.extui %lt3A_6 : i1 to i32
    %cond3A = arith.constant 0 : i32
    %cond3A_7 = arith.cmpi ne, %convert_element_type3A, %cond3A : i32
    scf.if %cond3A_7 {
      %mul3A_46 = arith.constant 3136 : i32
      %mul3A_47 = arith.muli %add3A, %mul3A_46 : i32
      %add3A_48 = arith.constant 0 : i32
      %add3A_49 = arith.addi %add3A_48, %mul3A_47 : i32
      %dma_start3A = arith.constant 0 : i32
      %dma_start3A_50 = tpu.memref_slice %arg5[%dma_start3A] : memref<9408xf32, #tpu.memory_space<vmem>> -> memref<3136xf32, #tpu.memory_space<vmem>>
      %dma_start3A_51 = tpu.memref_slice %arg2[%add3A_49] : memref<300000xf32, #tpu.memory_space<hbm>> -> memref<3136xf32, #tpu.memory_space<hbm>>
      %dma_start3A_52 = arith.constant 0 : i32
      %dma_start3A_53 = tpu.memref_slice %arg5[%dma_start3A_52] : memref<9408xf32, #tpu.memory_space<vmem>> -> memref<3136xf32, #tpu.memory_space<vmem>>
      %dma_start3A_54 = tpu.memref_slice %arg2[%add3A_49] : memref<300000xf32, #tpu.memory_space<hbm>> -> memref<3136xf32, #tpu.memory_space<hbm>>
      tpu.enqueue_dma source(%dma_start3A_54 : memref<3136xf32, #tpu.memory_space<hbm>>) target(%dma_start3A_53 : memref<3136xf32, #tpu.memory_space<vmem>>) target_semaphore(%arg12 : memref<!tpu.dma_semaphore, #tpu.memory_space<semaphore_mem>>)
      %mul3A_55 = arith.constant 3136 : i32
      %mul3A_56 = arith.muli %add3A, %mul3A_55 : i32
      %add3A_57 = arith.constant 100000 : i32
      %add3A_58 = arith.addi %add3A_57, %mul3A_56 : i32
      %dma_start3A_59 = arith.constant 3136 : i32
      %dma_start3A_60 = tpu.memref_slice %arg5[%dma_start3A_59] : memref<9408xf32, #tpu.memory_space<vmem>> -> memref<3136xf32, #tpu.memory_space<vmem>>
      %dma_start3A_61 = tpu.memref_slice %arg2[%add3A_58] : memref<300000xf32, #tpu.memory_space<hbm>> -> memref<3136xf32, #tpu.memory_space<hbm>>
      %dma_start3A_62 = arith.constant 3136 : i32
      %dma_start3A_63 = tpu.memref_slice %arg5[%dma_start3A_62] : memref<9408xf32, #tpu.memory_space<vmem>> -> memref<3136xf32, #tpu.memory_space<vmem>>
      %dma_start3A_64 = tpu.memref_slice %arg2[%add3A_58] : memref<300000xf32, #tpu.memory_space<hbm>> -> memref<3136xf32, #tpu.memory_space<hbm>>
      tpu.enqueue_dma source(%dma_start3A_64 : memref<3136xf32, #tpu.memory_space<hbm>>) target(%dma_start3A_63 : memref<3136xf32, #tpu.memory_space<vmem>>) target_semaphore(%arg12 : memref<!tpu.dma_semaphore, #tpu.memory_space<semaphore_mem>>)
      %mul3A_65 = arith.constant 3136 : i32
      %mul3A_66 = arith.muli %add3A, %mul3A_65 : i32
      %add3A_67 = arith.constant 200000 : i32
      %add3A_68 = arith.addi %add3A_67, %mul3A_66 : i32
      %dma_start3A_69 = arith.constant 6272 : i32
      %dma_start3A_70 = tpu.memref_slice %arg5[%dma_start3A_69] : memref<9408xf32, #tpu.memory_space<vmem>> -> memref<3136xf32, #tpu.memory_space<vmem>>
      %dma_start3A_71 = tpu.memref_slice %arg2[%add3A_68] : memref<300000xf32, #tpu.memory_space<hbm>> -> memref<3136xf32, #tpu.memory_space<hbm>>
      %dma_start3A_72 = arith.constant 6272 : i32
      %dma_start3A_73 = tpu.memref_slice %arg5[%dma_start3A_72] : memref<9408xf32, #tpu.memory_space<vmem>> -> memref<3136xf32, #tpu.memory_space<vmem>>
      %dma_start3A_74 = tpu.memref_slice %arg2[%add3A_68] : memref<300000xf32, #tpu.memory_space<hbm>> -> memref<3136xf32, #tpu.memory_space<hbm>>
      tpu.enqueue_dma source(%dma_start3A_74 : memref<3136xf32, #tpu.memory_space<hbm>>) target(%dma_start3A_73 : memref<3136xf32, #tpu.memory_space<vmem>>) target_semaphore(%arg12 : memref<!tpu.dma_semaphore, #tpu.memory_space<semaphore_mem>>)
      %mul3A_75 = arith.constant 3136 : i32
      %mul3A_76 = arith.muli %add3A, %mul3A_75 : i32
      %dma_start3A_77 = arith.constant 0 : i32
      %dma_start3A_78 = tpu.memref_slice %arg6[%dma_start3A_77] : memref<3136xi32, #tpu.memory_space<vmem>> -> memref<3136xi32, #tpu.memory_space<vmem>>
      %dma_start3A_79 = tpu.memref_slice %arg3[%mul3A_76] : memref<100000xi32, #tpu.memory_space<hbm>> -> memref<3136xi32, #tpu.memory_space<hbm>>
      %dma_start3A_80 = arith.constant 0 : i32
      %dma_start3A_81 = tpu.memref_slice %arg6[%dma_start3A_80] : memref<3136xi32, #tpu.memory_space<vmem>> -> memref<3136xi32, #tpu.memory_space<vmem>>
      %dma_start3A_82 = tpu.memref_slice %arg3[%mul3A_76] : memref<100000xi32, #tpu.memory_space<hbm>> -> memref<3136xi32, #tpu.memory_space<hbm>>
      tpu.enqueue_dma source(%dma_start3A_82 : memref<3136xi32, #tpu.memory_space<hbm>>) target(%dma_start3A_81 : memref<3136xi32, #tpu.memory_space<vmem>>) target_semaphore(%arg12 : memref<!tpu.dma_semaphore, #tpu.memory_space<semaphore_mem>>)
      %dma_wait3A = arith.constant 0 : i32
      %dma_wait3A_83 = tpu.memref_slice %arg5[%dma_wait3A] : memref<9408xf32, #tpu.memory_space<vmem>> -> memref<3136xf32, #tpu.memory_space<vmem>>
      %dma_wait3A_84 = tpu.memref_slice %arg2[%add3A_49] : memref<300000xf32, #tpu.memory_space<hbm>> -> memref<3136xf32, #tpu.memory_space<hbm>>
      %dma_wait3A_85 = arith.constant 0 : i32
      %dma_wait3A_86 = tpu.memref_slice %arg5[%dma_wait3A_85] : memref<9408xf32, #tpu.memory_space<vmem>> -> memref<3136xf32, #tpu.memory_space<vmem>>
      %dma_wait3A_87 = tpu.memref_slice %arg2[%add3A_49] : memref<300000xf32, #tpu.memory_space<hbm>> -> memref<3136xf32, #tpu.memory_space<hbm>>
      tpu.wait_dma2 semaphore(%arg12 : memref<!tpu.dma_semaphore, #tpu.memory_space<semaphore_mem>>) src(%dma_wait3A_87 : memref<3136xf32, #tpu.memory_space<hbm>>) dst(%dma_wait3A_86 : memref<3136xf32, #tpu.memory_space<vmem>>)
      %dma_wait3A_88 = arith.constant 3136 : i32
      %dma_wait3A_89 = tpu.memref_slice %arg5[%dma_wait3A_88] : memref<9408xf32, #tpu.memory_space<vmem>> -> memref<3136xf32, #tpu.memory_space<vmem>>
      %dma_wait3A_90 = tpu.memref_slice %arg2[%add3A_58] : memref<300000xf32, #tpu.memory_space<hbm>> -> memref<3136xf32, #tpu.memory_space<hbm>>
      %dma_wait3A_91 = arith.constant 3136 : i32
      %dma_wait3A_92 = tpu.memref_slice %arg5[%dma_wait3A_91] : memref<9408xf32, #tpu.memory_space<vmem>> -> memref<3136xf32, #tpu.memory_space<vmem>>
      %dma_wait3A_93 = tpu.memref_slice %arg2[%add3A_58] : memref<300000xf32, #tpu.memory_space<hbm>> -> memref<3136xf32, #tpu.memory_space<hbm>>
      tpu.wait_dma2 semaphore(%arg12 : memref<!tpu.dma_semaphore, #tpu.memory_space<semaphore_mem>>) src(%dma_wait3A_93 : memref<3136xf32, #tpu.memory_space<hbm>>) dst(%dma_wait3A_92 : memref<3136xf32, #tpu.memory_space<vmem>>)
      %dma_wait3A_94 = arith.constant 6272 : i32
      %dma_wait3A_95 = tpu.memref_slice %arg5[%dma_wait3A_94] : memref<9408xf32, #tpu.memory_space<vmem>> -> memref<3136xf32, #tpu.memory_space<vmem>>
      %dma_wait3A_96 = tpu.memref_slice %arg2[%add3A_68] : memref<300000xf32, #tpu.memory_space<hbm>> -> memref<3136xf32, #tpu.memory_space<hbm>>
      %dma_wait3A_97 = arith.constant 6272 : i32
      %dma_wait3A_98 = tpu.memref_slice %arg5[%dma_wait3A_97] : memref<9408xf32, #tpu.memory_space<vmem>> -> memref<3136xf32, #tpu.memory_space<vmem>>
      %dma_wait3A_99 = tpu.memref_slice %arg2[%add3A_68] : memref<300000xf32, #tpu.memory_space<hbm>> -> memref<3136xf32, #tpu.memory_space<hbm>>
      tpu.wait_dma2 semaphore(%arg12 : memref<!tpu.dma_semaphore, #tpu.memory_space<semaphore_mem>>) src(%dma_wait3A_99 : memref<3136xf32, #tpu.memory_space<hbm>>) dst(%dma_wait3A_98 : memref<3136xf32, #tpu.memory_space<vmem>>)
      %dma_wait3A_100 = arith.constant 0 : i32
      %dma_wait3A_101 = tpu.memref_slice %arg6[%dma_wait3A_100] : memref<3136xi32, #tpu.memory_space<vmem>> -> memref<3136xi32, #tpu.memory_space<vmem>>
      %dma_wait3A_102 = tpu.memref_slice %arg3[%mul3A_76] : memref<100000xi32, #tpu.memory_space<hbm>> -> memref<3136xi32, #tpu.memory_space<hbm>>
      %dma_wait3A_103 = arith.constant 0 : i32
      %dma_wait3A_104 = tpu.memref_slice %arg6[%dma_wait3A_103] : memref<3136xi32, #tpu.memory_space<vmem>> -> memref<3136xi32, #tpu.memory_space<vmem>>
      %dma_wait3A_105 = tpu.memref_slice %arg3[%mul3A_76] : memref<100000xi32, #tpu.memory_space<hbm>> -> memref<3136xi32, #tpu.memory_space<hbm>>
      tpu.wait_dma2 semaphore(%arg12 : memref<!tpu.dma_semaphore, #tpu.memory_space<semaphore_mem>>) src(%dma_wait3A_105 : memref<3136xi32, #tpu.memory_space<hbm>>) dst(%dma_wait3A_104 : memref<3136xi32, #tpu.memory_space<vmem>>)
    } else {
    }
    %eq3A = arith.constant 31 : i32
    %eq3A_8 = arith.cmpi eq, %add3A, %eq3A : i32
    %convert_element_type3A_9 = arith.extui %eq3A_8 : i1 to i32
    %cond3A_10 = arith.constant 0 : i32
    %cond3A_11 = arith.cmpi ne, %convert_element_type3A_9, %cond3A_10 : i32
    scf.if %cond3A_11 {
      %mul3A_46 = arith.constant 3136 : i32
      %mul3A_47 = arith.muli %add3A, %mul3A_46 : i32
      %add3A_48 = arith.constant 0 : i32
      %add3A_49 = arith.addi %add3A_48, %mul3A_47 : i32
      %dma_start3A = arith.constant 0 : i32
      %dma_start3A_50 = tpu.memref_slice %arg5[%dma_start3A] : memref<9408xf32, #tpu.memory_space<vmem>> -> memref<2784xf32, #tpu.memory_space<vmem>>
      %dma_start3A_51 = tpu.memref_slice %arg2[%add3A_49] : memref<300000xf32, #tpu.memory_space<hbm>> -> memref<2784xf32, #tpu.memory_space<hbm>>
      %dma_start3A_52 = arith.constant 0 : i32
      %dma_start3A_53 = tpu.memref_slice %arg5[%dma_start3A_52] : memref<9408xf32, #tpu.memory_space<vmem>> -> memref<2784xf32, #tpu.memory_space<vmem>>
      %dma_start3A_54 = tpu.memref_slice %arg2[%add3A_49] : memref<300000xf32, #tpu.memory_space<hbm>> -> memref<2784xf32, #tpu.memory_space<hbm>>
      tpu.enqueue_dma source(%dma_start3A_54 : memref<2784xf32, #tpu.memory_space<hbm>>) target(%dma_start3A_53 : memref<2784xf32, #tpu.memory_space<vmem>>) target_semaphore(%arg12 : memref<!tpu.dma_semaphore, #tpu.memory_space<semaphore_mem>>)
      %mul3A_55 = arith.constant 3136 : i32
      %mul3A_56 = arith.muli %add3A, %mul3A_55 : i32
      %add3A_57 = arith.constant 100000 : i32
      %add3A_58 = arith.addi %add3A_57, %mul3A_56 : i32
      %dma_start3A_59 = arith.constant 3136 : i32
      %dma_start3A_60 = tpu.memref_slice %arg5[%dma_start3A_59] : memref<9408xf32, #tpu.memory_space<vmem>> -> memref<2784xf32, #tpu.memory_space<vmem>>
      %dma_start3A_61 = tpu.memref_slice %arg2[%add3A_58] : memref<300000xf32, #tpu.memory_space<hbm>> -> memref<2784xf32, #tpu.memory_space<hbm>>
      %dma_start3A_62 = arith.constant 3136 : i32
      %dma_start3A_63 = tpu.memref_slice %arg5[%dma_start3A_62] : memref<9408xf32, #tpu.memory_space<vmem>> -> memref<2784xf32, #tpu.memory_space<vmem>>
      %dma_start3A_64 = tpu.memref_slice %arg2[%add3A_58] : memref<300000xf32, #tpu.memory_space<hbm>> -> memref<2784xf32, #tpu.memory_space<hbm>>
      tpu.enqueue_dma source(%dma_start3A_64 : memref<2784xf32, #tpu.memory_space<hbm>>) target(%dma_start3A_63 : memref<2784xf32, #tpu.memory_space<vmem>>) target_semaphore(%arg12 : memref<!tpu.dma_semaphore, #tpu.memory_space<semaphore_mem>>)
      %mul3A_65 = arith.constant 3136 : i32
      %mul3A_66 = arith.muli %add3A, %mul3A_65 : i32
      %add3A_67 = arith.constant 200000 : i32
      %add3A_68 = arith.addi %add3A_67, %mul3A_66 : i32
      %dma_start3A_69 = arith.constant 6272 : i32
      %dma_start3A_70 = tpu.memref_slice %arg5[%dma_start3A_69] : memref<9408xf32, #tpu.memory_space<vmem>> -> memref<2784xf32, #tpu.memory_space<vmem>>
      %dma_start3A_71 = tpu.memref_slice %arg2[%add3A_68] : memref<300000xf32, #tpu.memory_space<hbm>> -> memref<2784xf32, #tpu.memory_space<hbm>>
      %dma_start3A_72 = arith.constant 6272 : i32
      %dma_start3A_73 = tpu.memref_slice %arg5[%dma_start3A_72] : memref<9408xf32, #tpu.memory_space<vmem>> -> memref<2784xf32, #tpu.memory_space<vmem>>
      %dma_start3A_74 = tpu.memref_slice %arg2[%add3A_68] : memref<300000xf32, #tpu.memory_space<hbm>> -> memref<2784xf32, #tpu.memory_space<hbm>>
      tpu.enqueue_dma source(%dma_start3A_74 : memref<2784xf32, #tpu.memory_space<hbm>>) target(%dma_start3A_73 : memref<2784xf32, #tpu.memory_space<vmem>>) target_semaphore(%arg12 : memref<!tpu.dma_semaphore, #tpu.memory_space<semaphore_mem>>)
      %mul3A_75 = arith.constant 3136 : i32
      %mul3A_76 = arith.muli %add3A, %mul3A_75 : i32
      %dma_start3A_77 = arith.constant 0 : i32
      %dma_start3A_78 = tpu.memref_slice %arg6[%dma_start3A_77] : memref<3136xi32, #tpu.memory_space<vmem>> -> memref<2784xi32, #tpu.memory_space<vmem>>
      %dma_start3A_79 = tpu.memref_slice %arg3[%mul3A_76] : memref<100000xi32, #tpu.memory_space<hbm>> -> memref<2784xi32, #tpu.memory_space<hbm>>
      %dma_start3A_80 = arith.constant 0 : i32
      %dma_start3A_81 = tpu.memref_slice %arg6[%dma_start3A_80] : memref<3136xi32, #tpu.memory_space<vmem>> -> memref<2784xi32, #tpu.memory_space<vmem>>
      %dma_start3A_82 = tpu.memref_slice %arg3[%mul3A_76] : memref<100000xi32, #tpu.memory_space<hbm>> -> memref<2784xi32, #tpu.memory_space<hbm>>
      tpu.enqueue_dma source(%dma_start3A_82 : memref<2784xi32, #tpu.memory_space<hbm>>) target(%dma_start3A_81 : memref<2784xi32, #tpu.memory_space<vmem>>) target_semaphore(%arg12 : memref<!tpu.dma_semaphore, #tpu.memory_space<semaphore_mem>>)
      %dma_wait3A = arith.constant 0 : i32
      %dma_wait3A_83 = tpu.memref_slice %arg5[%dma_wait3A] : memref<9408xf32, #tpu.memory_space<vmem>> -> memref<2784xf32, #tpu.memory_space<vmem>>
      %dma_wait3A_84 = tpu.memref_slice %arg2[%add3A_49] : memref<300000xf32, #tpu.memory_space<hbm>> -> memref<2784xf32, #tpu.memory_space<hbm>>
      %dma_wait3A_85 = arith.constant 0 : i32
      %dma_wait3A_86 = tpu.memref_slice %arg5[%dma_wait3A_85] : memref<9408xf32, #tpu.memory_space<vmem>> -> memref<2784xf32, #tpu.memory_space<vmem>>
      %dma_wait3A_87 = tpu.memref_slice %arg2[%add3A_49] : memref<300000xf32, #tpu.memory_space<hbm>> -> memref<2784xf32, #tpu.memory_space<hbm>>
      tpu.wait_dma2 semaphore(%arg12 : memref<!tpu.dma_semaphore, #tpu.memory_space<semaphore_mem>>) src(%dma_wait3A_87 : memref<2784xf32, #tpu.memory_space<hbm>>) dst(%dma_wait3A_86 : memref<2784xf32, #tpu.memory_space<vmem>>)
      %dma_wait3A_88 = arith.constant 3136 : i32
      %dma_wait3A_89 = tpu.memref_slice %arg5[%dma_wait3A_88] : memref<9408xf32, #tpu.memory_space<vmem>> -> memref<2784xf32, #tpu.memory_space<vmem>>
      %dma_wait3A_90 = tpu.memref_slice %arg2[%add3A_58] : memref<300000xf32, #tpu.memory_space<hbm>> -> memref<2784xf32, #tpu.memory_space<hbm>>
      %dma_wait3A_91 = arith.constant 3136 : i32
      %dma_wait3A_92 = tpu.memref_slice %arg5[%dma_wait3A_91] : memref<9408xf32, #tpu.memory_space<vmem>> -> memref<2784xf32, #tpu.memory_space<vmem>>
      %dma_wait3A_93 = tpu.memref_slice %arg2[%add3A_58] : memref<300000xf32, #tpu.memory_space<hbm>> -> memref<2784xf32, #tpu.memory_space<hbm>>
      tpu.wait_dma2 semaphore(%arg12 : memref<!tpu.dma_semaphore, #tpu.memory_space<semaphore_mem>>) src(%dma_wait3A_93 : memref<2784xf32, #tpu.memory_space<hbm>>) dst(%dma_wait3A_92 : memref<2784xf32, #tpu.memory_space<vmem>>)
      %dma_wait3A_94 = arith.constant 6272 : i32
      %dma_wait3A_95 = tpu.memref_slice %arg5[%dma_wait3A_94] : memref<9408xf32, #tpu.memory_space<vmem>> -> memref<2784xf32, #tpu.memory_space<vmem>>
      %dma_wait3A_96 = tpu.memref_slice %arg2[%add3A_68] : memref<300000xf32, #tpu.memory_space<hbm>> -> memref<2784xf32, #tpu.memory_space<hbm>>
      %dma_wait3A_97 = arith.constant 6272 : i32
      %dma_wait3A_98 = tpu.memref_slice %arg5[%dma_wait3A_97] : memref<9408xf32, #tpu.memory_space<vmem>> -> memref<2784xf32, #tpu.memory_space<vmem>>
      %dma_wait3A_99 = tpu.memref_slice %arg2[%add3A_68] : memref<300000xf32, #tpu.memory_space<hbm>> -> memref<2784xf32, #tpu.memory_space<hbm>>
      tpu.wait_dma2 semaphore(%arg12 : memref<!tpu.dma_semaphore, #tpu.memory_space<semaphore_mem>>) src(%dma_wait3A_99 : memref<2784xf32, #tpu.memory_space<hbm>>) dst(%dma_wait3A_98 : memref<2784xf32, #tpu.memory_space<vmem>>)
      %dma_wait3A_100 = arith.constant 0 : i32
      %dma_wait3A_101 = tpu.memref_slice %arg6[%dma_wait3A_100] : memref<3136xi32, #tpu.memory_space<vmem>> -> memref<2784xi32, #tpu.memory_space<vmem>>
      %dma_wait3A_102 = tpu.memref_slice %arg3[%mul3A_76] : memref<100000xi32, #tpu.memory_space<hbm>> -> memref<2784xi32, #tpu.memory_space<hbm>>
      %dma_wait3A_103 = arith.constant 0 : i32
      %dma_wait3A_104 = tpu.memref_slice %arg6[%dma_wait3A_103] : memref<3136xi32, #tpu.memory_space<vmem>> -> memref<2784xi32, #tpu.memory_space<vmem>>
      %dma_wait3A_105 = tpu.memref_slice %arg3[%mul3A_76] : memref<100000xi32, #tpu.memory_space<hbm>> -> memref<2784xi32, #tpu.memory_space<hbm>>
      tpu.wait_dma2 semaphore(%arg12 : memref<!tpu.dma_semaphore, #tpu.memory_space<semaphore_mem>>) src(%dma_wait3A_105 : memref<2784xi32, #tpu.memory_space<hbm>>) dst(%dma_wait3A_104 : memref<2784xi32, #tpu.memory_space<vmem>>)
    } else {
    }
    %eq3A_12 = arith.constant 31 : i32
    %eq3A_13 = arith.cmpi eq, %add3A, %eq3A_12 : i32
    %jit3A = arith.constant 43 : i32
    %jit3A_14 = arith.constant 49 : i32
    %select_n3A = arith.select %eq3A_13, %jit3A, %jit3A_14 : i32
    %eq3A_15 = arith.constant 31 : i32
    %eq3A_16 = arith.cmpi eq, %add3A, %eq3A_15 : i32
    %jit3A_17 = arith.constant 2 : i32
    %jit3A_18 = arith.constant 0 : i32
    %select_n3A_19 = arith.select %eq3A_16, %jit3A_17, %jit3A_18 : i32
    %while3A = arith.constant 0 : i32
    %while3A_20 = arith.constant 0 : i32
    %while3A_21 = arith.subi %select_n3A, %while3A : i32
    %while3A_22 = arith.addi %while3A, %while3A_21 : i32
    %while3A_23 = arith.constant 1 : i32
    %while3A_24 = arith.divsi %while3A_21, %while3A_23 : i32
    %while3A_25 = arith.muli %while3A_24, %while3A_23 : i32
    %while3A_26 = arith.addi %while3A, %while3A_25 : i32
    %while3A_27 = arith.constant 1 : i32
    %while3A_28 = scf.for %while3A_46 = %while3A to %while3A_26 step %while3A_27 iter_args(%while3A_47 = %while3A_20) -> (i32)  : i32 {
      %mul3A_48 = arith.constant 4 : i32
      %mul3A_49 = arith.muli %while3A_46, %mul3A_48 : i32
      %add3A_50 = arith.constant 0 : i32
      %add3A_51 = arith.addi %mul3A_49, %add3A_50 : i32
      %mul3A_52 = arith.constant 16 : i32
      %mul3A_53 = arith.muli %add3A_51, %mul3A_52 : i32
      %get3A = arith.index_cast %mul3A_53 : i32 to index
      %get3A_54 = tpu.vector_load %arg5[%get3A] {strides = array<i32>} : memref<9408xf32, #tpu.memory_space<vmem>>, vector<16xf32>,
      %add3A_55 = arith.constant 3136 : i32
      %add3A_56 = arith.addi %add3A_55, %mul3A_53 : i32
      %get3A_57 = arith.index_cast %add3A_56 : i32 to index
      %get3A_58 = tpu.vector_load %arg5[%get3A_57] {strides = array<i32>} : memref<9408xf32, #tpu.memory_space<vmem>>, vector<16xf32>,
      %add3A_59 = arith.constant 6272 : i32
      %add3A_60 = arith.addi %add3A_59, %mul3A_53 : i32
      %get3A_61 = arith.index_cast %add3A_60 : i32 to index
      %get3A_62 = tpu.vector_load %arg5[%get3A_61] {strides = array<i32>} : memref<9408xf32, #tpu.memory_space<vmem>>, vector<16xf32>,
      %mul3A_63 = arith.mulf %get3A_54, %get3A_54 : vector<16xf32>
      %mul3A_64 = arith.mulf %get3A_58, %get3A_58 : vector<16xf32>
      %add3A_65 = arith.addf %mul3A_63, %mul3A_64 : vector<16xf32>
      %mul3A_66 = arith.mulf %get3A_62, %get3A_62 : vector<16xf32>
      %add3A_67 = arith.addf %add3A_65, %mul3A_66 : vector<16xf32>
      %bitcast3A = vector.bitcast %add3A_67 : vector<16xf32> to vector<16xi32>
      %shift_right_arithmetic3A = arith.constant 1 : i32
      %shift_right_arithmetic3A_68 = vector.broadcast %shift_right_arithmetic3A : i32 to vector<16xi32>
      %shift_right_arithmetic3A_69 = arith.shrsi %bitcast3A, %shift_right_arithmetic3A_68 : vector<16xi32>
      %sub3A = arith.constant 1597463007 : i32
      %sub3A_70 = vector.broadcast %sub3A : i32 to vector<16xi32>
      %sub3A_71 = arith.subi %sub3A_70, %shift_right_arithmetic3A_69 : vector<16xi32>
      %bitcast3A_72 = vector.bitcast %sub3A_71 : vector<16xi32> to vector<16xf32>
      %mul3A_73 = arith.constant 5.000000e-01 : f32
      %mul3A_74 = vector.broadcast %mul3A_73 : f32 to vector<16xf32>
      %mul3A_75 = arith.mulf %mul3A_74, %add3A_67 : vector<16xf32>
      %mul3A_76 = arith.mulf %mul3A_75, %bitcast3A_72 : vector<16xf32>
      %mul3A_77 = arith.mulf %mul3A_76, %bitcast3A_72 : vector<16xf32>
      %sub3A_78 = arith.constant 1.500000e+00 : f32
      %sub3A_79 = vector.broadcast %sub3A_78 : f32 to vector<16xf32>
      %sub3A_80 = arith.subf %sub3A_79, %mul3A_77 : vector<16xf32>
      %mul3A_81 = arith.mulf %bitcast3A_72, %sub3A_80 : vector<16xf32>
      %mul3A_82 = arith.constant 5.000000e-01 : f32
      %mul3A_83 = vector.broadcast %mul3A_82 : f32 to vector<16xf32>
      %mul3A_84 = arith.mulf %mul3A_83, %add3A_67 : vector<16xf32>
      %mul3A_85 = arith.mulf %mul3A_84, %mul3A_81 : vector<16xf32>
      %mul3A_86 = arith.mulf %mul3A_85, %mul3A_81 : vector<16xf32>
      %sub3A_87 = arith.constant 1.500000e+00 : f32
      %sub3A_88 = vector.broadcast %sub3A_87 : f32 to vector<16xf32>
      %sub3A_89 = arith.subf %sub3A_88, %mul3A_86 : vector<16xf32>
      %mul3A_90 = arith.mulf %mul3A_81, %sub3A_89 : vector<16xf32>
      %mul3A_91 = arith.mulf %add3A_67, %mul3A_90 : vector<16xf32>
      %get3A_92 = arith.index_cast %mul3A_53 : i32 to index
      %get3A_93 = tpu.vector_load %arg6[%get3A_92] {strides = array<i32>} : memref<3136xi32, #tpu.memory_space<vmem>>, vector<16xi32>,
      tpu.vector_store_idx %arg7[%iota3A, %get3A_93], %mul3A_91 {add = true} : memref<16x256xf32, #tpu.memory_space<vmem>>[vector<16xi32>, vector<16xi32>], vector<16xf32>,
      tpu.vector_store_idx %arg9[%iota3A, %get3A_93], %broadcast_in_dim3A_3 {add = true} : memref<16x256xf32, #tpu.memory_space<vmem>>[vector<16xi32>, vector<16xi32>], vector<16xf32>,
      %mul3A_94 = arith.constant 4 : i32
      %mul3A_95 = arith.muli %while3A_46, %mul3A_94 : i32
      %add3A_96 = arith.constant 1 : i32
      %add3A_97 = arith.addi %mul3A_95, %add3A_96 : i32
      %mul3A_98 = arith.constant 16 : i32
      %mul3A_99 = arith.muli %add3A_97, %mul3A_98 : i32
      %get3A_100 = arith.index_cast %mul3A_99 : i32 to index
      %get3A_101 = tpu.vector_load %arg5[%get3A_100] {strides = array<i32>} : memref<9408xf32, #tpu.memory_space<vmem>>, vector<16xf32>,
      %add3A_102 = arith.constant 3136 : i32
      %add3A_103 = arith.addi %add3A_102, %mul3A_99 : i32
      %get3A_104 = arith.index_cast %add3A_103 : i32 to index
      %get3A_105 = tpu.vector_load %arg5[%get3A_104] {strides = array<i32>} : memref<9408xf32, #tpu.memory_space<vmem>>, vector<16xf32>,
      %add3A_106 = arith.constant 6272 : i32
      %add3A_107 = arith.addi %add3A_106, %mul3A_99 : i32
      %get3A_108 = arith.index_cast %add3A_107 : i32 to index
      %get3A_109 = tpu.vector_load %arg5[%get3A_108] {strides = array<i32>} : memref<9408xf32, #tpu.memory_space<vmem>>, vector<16xf32>,
      %mul3A_110 = arith.mulf %get3A_101, %get3A_101 : vector<16xf32>
      %mul3A_111 = arith.mulf %get3A_105, %get3A_105 : vector<16xf32>
      %add3A_112 = arith.addf %mul3A_110, %mul3A_111 : vector<16xf32>
      %mul3A_113 = arith.mulf %get3A_109, %get3A_109 : vector<16xf32>
      %add3A_114 = arith.addf %add3A_112, %mul3A_113 : vector<16xf32>
      %bitcast3A_115 = vector.bitcast %add3A_114 : vector<16xf32> to vector<16xi32>
      %shift_right_arithmetic3A_116 = arith.constant 1 : i32
      %shift_right_arithmetic3A_117 = vector.broadcast %shift_right_arithmetic3A_116 : i32 to vector<16xi32>
      %shift_right_arithmetic3A_118 = arith.shrsi %bitcast3A_115, %shift_right_arithmetic3A_117 : vector<16xi32>
      %sub3A_119 = arith.constant 1597463007 : i32
      %sub3A_120 = vector.broadcast %sub3A_119 : i32 to vector<16xi32>
      %sub3A_121 = arith.subi %sub3A_120, %shift_right_arithmetic3A_118 : vector<16xi32>
      %bitcast3A_122 = vector.bitcast %sub3A_121 : vector<16xi32> to vector<16xf32>
      %mul3A_123 = arith.constant 5.000000e-01 : f32
      %mul3A_124 = vector.broadcast %mul3A_123 : f32 to vector<16xf32>
      %mul3A_125 = arith.mulf %mul3A_124, %add3A_114 : vector<16xf32>
      %mul3A_126 = arith.mulf %mul3A_125, %bitcast3A_122 : vector<16xf32>
      %mul3A_127 = arith.mulf %mul3A_126, %bitcast3A_122 : vector<16xf32>
      %sub3A_128 = arith.constant 1.500000e+00 : f32
      %sub3A_129 = vector.broadcast %sub3A_128 : f32 to vector<16xf32>
      %sub3A_130 = arith.subf %sub3A_129, %mul3A_127 : vector<16xf32>
      %mul3A_131 = arith.mulf %bitcast3A_122, %sub3A_130 : vector<16xf32>
      %mul3A_132 = arith.constant 5.000000e-01 : f32
      %mul3A_133 = vector.broadcast %mul3A_132 : f32 to vector<16xf32>
      %mul3A_134 = arith.mulf %mul3A_133, %add3A_114 : vector<16xf32>
      %mul3A_135 = arith.mulf %mul3A_134, %mul3A_131 : vector<16xf32>
      %mul3A_136 = arith.mulf %mul3A_135, %mul3A_131 : vector<16xf32>
      %sub3A_137 = arith.constant 1.500000e+00 : f32
      %sub3A_138 = vector.broadcast %sub3A_137 : f32 to vector<16xf32>
      %sub3A_139 = arith.subf %sub3A_138, %mul3A_136 : vector<16xf32>
      %mul3A_140 = arith.mulf %mul3A_131, %sub3A_139 : vector<16xf32>
      %mul3A_141 = arith.mulf %add3A_114, %mul3A_140 : vector<16xf32>
      %get3A_142 = arith.index_cast %mul3A_99 : i32 to index
      %get3A_143 = tpu.vector_load %arg6[%get3A_142] {strides = array<i32>} : memref<3136xi32, #tpu.memory_space<vmem>>, vector<16xi32>,
      tpu.vector_store_idx %arg8[%iota3A, %get3A_143], %mul3A_141 {add = true} : memref<16x256xf32, #tpu.memory_space<vmem>>[vector<16xi32>, vector<16xi32>], vector<16xf32>,
      tpu.vector_store_idx %arg10[%iota3A, %get3A_143], %broadcast_in_dim3A_3 {add = true} : memref<16x256xf32, #tpu.memory_space<vmem>>[vector<16xi32>, vector<16xi32>], vector<16xf32>,
      %mul3A_144 = arith.constant 4 : i32
      %mul3A_145 = arith.muli %while3A_46, %mul3A_144 : i32
      %add3A_146 = arith.constant 2 : i32
      %add3A_147 = arith.addi %mul3A_145, %add3A_146 : i32
      %mul3A_148 = arith.constant 16 : i32
      %mul3A_149 = arith.muli %add3A_147, %mul3A_148 : i32
      %get3A_150 = arith.index_cast %mul3A_149 : i32 to index
      %get3A_151 = tpu.vector_load %arg5[%get3A_150] {strides = array<i32>} : memref<9408xf32, #tpu.memory_space<vmem>>, vector<16xf32>,
      %add3A_152 = arith.constant 3136 : i32
      %add3A_153 = arith.addi %add3A_152, %mul3A_149 : i32
      %get3A_154 = arith.index_cast %add3A_153 : i32 to index
      %get3A_155 = tpu.vector_load %arg5[%get3A_154] {strides = array<i32>} : memref<9408xf32, #tpu.memory_space<vmem>>, vector<16xf32>,
      %add3A_156 = arith.constant 6272 : i32
      %add3A_157 = arith.addi %add3A_156, %mul3A_149 : i32
      %get3A_158 = arith.index_cast %add3A_157 : i32 to index
      %get3A_159 = tpu.vector_load %arg5[%get3A_158] {strides = array<i32>} : memref<9408xf32, #tpu.memory_space<vmem>>, vector<16xf32>,
      %mul3A_160 = arith.mulf %get3A_151, %get3A_151 : vector<16xf32>
      %mul3A_161 = arith.mulf %get3A_155, %get3A_155 : vector<16xf32>
      %add3A_162 = arith.addf %mul3A_160, %mul3A_161 : vector<16xf32>
      %mul3A_163 = arith.mulf %get3A_159, %get3A_159 : vector<16xf32>
      %add3A_164 = arith.addf %add3A_162, %mul3A_163 : vector<16xf32>
      %bitcast3A_165 = vector.bitcast %add3A_164 : vector<16xf32> to vector<16xi32>
      %shift_right_arithmetic3A_166 = arith.constant 1 : i32
      %shift_right_arithmetic3A_167 = vector.broadcast %shift_right_arithmetic3A_166 : i32 to vector<16xi32>
      %shift_right_arithmetic3A_168 = arith.shrsi %bitcast3A_165, %shift_right_arithmetic3A_167 : vector<16xi32>
      %sub3A_169 = arith.constant 1597463007 : i32
      %sub3A_170 = vector.broadcast %sub3A_169 : i32 to vector<16xi32>
      %sub3A_171 = arith.subi %sub3A_170, %shift_right_arithmetic3A_168 : vector<16xi32>
      %bitcast3A_172 = vector.bitcast %sub3A_171 : vector<16xi32> to vector<16xf32>
      %mul3A_173 = arith.constant 5.000000e-01 : f32
      %mul3A_174 = vector.broadcast %mul3A_173 : f32 to vector<16xf32>
      %mul3A_175 = arith.mulf %mul3A_174, %add3A_164 : vector<16xf32>
      %mul3A_176 = arith.mulf %mul3A_175, %bitcast3A_172 : vector<16xf32>
      %mul3A_177 = arith.mulf %mul3A_176, %bitcast3A_172 : vector<16xf32>
      %sub3A_178 = arith.constant 1.500000e+00 : f32
      %sub3A_179 = vector.broadcast %sub3A_178 : f32 to vector<16xf32>
      %sub3A_180 = arith.subf %sub3A_179, %mul3A_177 : vector<16xf32>
      %mul3A_181 = arith.mulf %bitcast3A_172, %sub3A_180 : vector<16xf32>
      %mul3A_182 = arith.constant 5.000000e-01 : f32
      %mul3A_183 = vector.broadcast %mul3A_182 : f32 to vector<16xf32>
      %mul3A_184 = arith.mulf %mul3A_183, %add3A_164 : vector<16xf32>
      %mul3A_185 = arith.mulf %mul3A_184, %mul3A_181 : vector<16xf32>
      %mul3A_186 = arith.mulf %mul3A_185, %mul3A_181 : vector<16xf32>
      %sub3A_187 = arith.constant 1.500000e+00 : f32
      %sub3A_188 = vector.broadcast %sub3A_187 : f32 to vector<16xf32>
      %sub3A_189 = arith.subf %sub3A_188, %mul3A_186 : vector<16xf32>
      %mul3A_190 = arith.mulf %mul3A_181, %sub3A_189 : vector<16xf32>
      %mul3A_191 = arith.mulf %add3A_164, %mul3A_190 : vector<16xf32>
      %get3A_192 = arith.index_cast %mul3A_149 : i32 to index
      %get3A_193 = tpu.vector_load %arg6[%get3A_192] {strides = array<i32>} : memref<3136xi32, #tpu.memory_space<vmem>>, vector<16xi32>,
      tpu.vector_store_idx %arg7[%iota3A, %get3A_193], %mul3A_191 {add = true} : memref<16x256xf32, #tpu.memory_space<vmem>>[vector<16xi32>, vector<16xi32>], vector<16xf32>,
      tpu.vector_store_idx %arg9[%iota3A, %get3A_193], %broadcast_in_dim3A_3 {add = true} : memref<16x256xf32, #tpu.memory_space<vmem>>[vector<16xi32>, vector<16xi32>], vector<16xf32>,
      %mul3A_194 = arith.constant 4 : i32
      %mul3A_195 = arith.muli %while3A_46, %mul3A_194 : i32
      %add3A_196 = arith.constant 3 : i32
      %add3A_197 = arith.addi %mul3A_195, %add3A_196 : i32
      %mul3A_198 = arith.constant 16 : i32
      %mul3A_199 = arith.muli %add3A_197, %mul3A_198 : i32
      %get3A_200 = arith.index_cast %mul3A_199 : i32 to index
      %get3A_201 = tpu.vector_load %arg5[%get3A_200] {strides = array<i32>} : memref<9408xf32, #tpu.memory_space<vmem>>, vector<16xf32>,
      %add3A_202 = arith.constant 3136 : i32
      %add3A_203 = arith.addi %add3A_202, %mul3A_199 : i32
      %get3A_204 = arith.index_cast %add3A_203 : i32 to index
      %get3A_205 = tpu.vector_load %arg5[%get3A_204] {strides = array<i32>} : memref<9408xf32, #tpu.memory_space<vmem>>, vector<16xf32>,
      %add3A_206 = arith.constant 6272 : i32
      %add3A_207 = arith.addi %add3A_206, %mul3A_199 : i32
      %get3A_208 = arith.index_cast %add3A_207 : i32 to index
      %get3A_209 = tpu.vector_load %arg5[%get3A_208] {strides = array<i32>} : memref<9408xf32, #tpu.memory_space<vmem>>, vector<16xf32>,
      %mul3A_210 = arith.mulf %get3A_201, %get3A_201 : vector<16xf32>
      %mul3A_211 = arith.mulf %get3A_205, %get3A_205 : vector<16xf32>
      %add3A_212 = arith.addf %mul3A_210, %mul3A_211 : vector<16xf32>
      %mul3A_213 = arith.mulf %get3A_209, %get3A_209 : vector<16xf32>
      %add3A_214 = arith.addf %add3A_212, %mul3A_213 : vector<16xf32>
      %bitcast3A_215 = vector.bitcast %add3A_214 : vector<16xf32> to vector<16xi32>
      %shift_right_arithmetic3A_216 = arith.constant 1 : i32
      %shift_right_arithmetic3A_217 = vector.broadcast %shift_right_arithmetic3A_216 : i32 to vector<16xi32>
      %shift_right_arithmetic3A_218 = arith.shrsi %bitcast3A_215, %shift_right_arithmetic3A_217 : vector<16xi32>
      %sub3A_219 = arith.constant 1597463007 : i32
      %sub3A_220 = vector.broadcast %sub3A_219 : i32 to vector<16xi32>
      %sub3A_221 = arith.subi %sub3A_220, %shift_right_arithmetic3A_218 : vector<16xi32>
      %bitcast3A_222 = vector.bitcast %sub3A_221 : vector<16xi32> to vector<16xf32>
      %mul3A_223 = arith.constant 5.000000e-01 : f32
      %mul3A_224 = vector.broadcast %mul3A_223 : f32 to vector<16xf32>
      %mul3A_225 = arith.mulf %mul3A_224, %add3A_214 : vector<16xf32>
      %mul3A_226 = arith.mulf %mul3A_225, %bitcast3A_222 : vector<16xf32>
      %mul3A_227 = arith.mulf %mul3A_226, %bitcast3A_222 : vector<16xf32>
      %sub3A_228 = arith.constant 1.500000e+00 : f32
      %sub3A_229 = vector.broadcast %sub3A_228 : f32 to vector<16xf32>
      %sub3A_230 = arith.subf %sub3A_229, %mul3A_227 : vector<16xf32>
      %mul3A_231 = arith.mulf %bitcast3A_222, %sub3A_230 : vector<16xf32>
      %mul3A_232 = arith.constant 5.000000e-01 : f32
      %mul3A_233 = vector.broadcast %mul3A_232 : f32 to vector<16xf32>
      %mul3A_234 = arith.mulf %mul3A_233, %add3A_214 : vector<16xf32>
      %mul3A_235 = arith.mulf %mul3A_234, %mul3A_231 : vector<16xf32>
      %mul3A_236 = arith.mulf %mul3A_235, %mul3A_231 : vector<16xf32>
      %sub3A_237 = arith.constant 1.500000e+00 : f32
      %sub3A_238 = vector.broadcast %sub3A_237 : f32 to vector<16xf32>
      %sub3A_239 = arith.subf %sub3A_238, %mul3A_236 : vector<16xf32>
      %mul3A_240 = arith.mulf %mul3A_231, %sub3A_239 : vector<16xf32>
      %mul3A_241 = arith.mulf %add3A_214, %mul3A_240 : vector<16xf32>
      %get3A_242 = arith.index_cast %mul3A_199 : i32 to index
      %get3A_243 = tpu.vector_load %arg6[%get3A_242] {strides = array<i32>} : memref<3136xi32, #tpu.memory_space<vmem>>, vector<16xi32>,
      tpu.vector_store_idx %arg8[%iota3A, %get3A_243], %mul3A_241 {add = true} : memref<16x256xf32, #tpu.memory_space<vmem>>[vector<16xi32>, vector<16xi32>], vector<16xf32>,
      tpu.vector_store_idx %arg10[%iota3A, %get3A_243], %broadcast_in_dim3A_3 {add = true} : memref<16x256xf32, #tpu.memory_space<vmem>>[vector<16xi32>, vector<16xi32>], vector<16xf32>,
      %while3A_244 = arith.constant 0 : i32
      scf.yield %while3A_244 : i32
    }
    %while3A_29 = arith.constant 1 : i32
    %while3A_30 = scf.for %while3A_46 = %while3A_26 to %while3A_22 step %while3A_29 iter_args(%while3A_47 = %while3A_28) -> (i32)  : i32 {
      %mul3A_48 = arith.constant 4 : i32
      %mul3A_49 = arith.muli %while3A_46, %mul3A_48 : i32
      %add3A_50 = arith.constant 0 : i32
      %add3A_51 = arith.addi %mul3A_49, %add3A_50 : i32
      %mul3A_52 = arith.constant 16 : i32
      %mul3A_53 = arith.muli %add3A_51, %mul3A_52 : i32
      %get3A = arith.index_cast %mul3A_53 : i32 to index
      %get3A_54 = tpu.vector_load %arg5[%get3A] {strides = array<i32>} : memref<9408xf32, #tpu.memory_space<vmem>>, vector<16xf32>,
      %add3A_55 = arith.constant 3136 : i32
      %add3A_56 = arith.addi %add3A_55, %mul3A_53 : i32
      %get3A_57 = arith.index_cast %add3A_56 : i32 to index
      %get3A_58 = tpu.vector_load %arg5[%get3A_57] {strides = array<i32>} : memref<9408xf32, #tpu.memory_space<vmem>>, vector<16xf32>,
      %add3A_59 = arith.constant 6272 : i32
      %add3A_60 = arith.addi %add3A_59, %mul3A_53 : i32
      %get3A_61 = arith.index_cast %add3A_60 : i32 to index
      %get3A_62 = tpu.vector_load %arg5[%get3A_61] {strides = array<i32>} : memref<9408xf32, #tpu.memory_space<vmem>>, vector<16xf32>,
      %mul3A_63 = arith.mulf %get3A_54, %get3A_54 : vector<16xf32>
      %mul3A_64 = arith.mulf %get3A_58, %get3A_58 : vector<16xf32>
      %add3A_65 = arith.addf %mul3A_63, %mul3A_64 : vector<16xf32>
      %mul3A_66 = arith.mulf %get3A_62, %get3A_62 : vector<16xf32>
      %add3A_67 = arith.addf %add3A_65, %mul3A_66 : vector<16xf32>
      %bitcast3A = vector.bitcast %add3A_67 : vector<16xf32> to vector<16xi32>
      %shift_right_arithmetic3A = arith.constant 1 : i32
      %shift_right_arithmetic3A_68 = vector.broadcast %shift_right_arithmetic3A : i32 to vector<16xi32>
      %shift_right_arithmetic3A_69 = arith.shrsi %bitcast3A, %shift_right_arithmetic3A_68 : vector<16xi32>
      %sub3A = arith.constant 1597463007 : i32
      %sub3A_70 = vector.broadcast %sub3A : i32 to vector<16xi32>
      %sub3A_71 = arith.subi %sub3A_70, %shift_right_arithmetic3A_69 : vector<16xi32>
      %bitcast3A_72 = vector.bitcast %sub3A_71 : vector<16xi32> to vector<16xf32>
      %mul3A_73 = arith.constant 5.000000e-01 : f32
      %mul3A_74 = vector.broadcast %mul3A_73 : f32 to vector<16xf32>
      %mul3A_75 = arith.mulf %mul3A_74, %add3A_67 : vector<16xf32>
      %mul3A_76 = arith.mulf %mul3A_75, %bitcast3A_72 : vector<16xf32>
      %mul3A_77 = arith.mulf %mul3A_76, %bitcast3A_72 : vector<16xf32>
      %sub3A_78 = arith.constant 1.500000e+00 : f32
      %sub3A_79 = vector.broadcast %sub3A_78 : f32 to vector<16xf32>
      %sub3A_80 = arith.subf %sub3A_79, %mul3A_77 : vector<16xf32>
      %mul3A_81 = arith.mulf %bitcast3A_72, %sub3A_80 : vector<16xf32>
      %mul3A_82 = arith.constant 5.000000e-01 : f32
      %mul3A_83 = vector.broadcast %mul3A_82 : f32 to vector<16xf32>
      %mul3A_84 = arith.mulf %mul3A_83, %add3A_67 : vector<16xf32>
      %mul3A_85 = arith.mulf %mul3A_84, %mul3A_81 : vector<16xf32>
      %mul3A_86 = arith.mulf %mul3A_85, %mul3A_81 : vector<16xf32>
      %sub3A_87 = arith.constant 1.500000e+00 : f32
      %sub3A_88 = vector.broadcast %sub3A_87 : f32 to vector<16xf32>
      %sub3A_89 = arith.subf %sub3A_88, %mul3A_86 : vector<16xf32>
      %mul3A_90 = arith.mulf %mul3A_81, %sub3A_89 : vector<16xf32>
      %mul3A_91 = arith.mulf %add3A_67, %mul3A_90 : vector<16xf32>
      %get3A_92 = arith.index_cast %mul3A_53 : i32 to index
      %get3A_93 = tpu.vector_load %arg6[%get3A_92] {strides = array<i32>} : memref<3136xi32, #tpu.memory_space<vmem>>, vector<16xi32>,
      tpu.vector_store_idx %arg7[%iota3A, %get3A_93], %mul3A_91 {add = true} : memref<16x256xf32, #tpu.memory_space<vmem>>[vector<16xi32>, vector<16xi32>], vector<16xf32>,
      tpu.vector_store_idx %arg9[%iota3A, %get3A_93], %broadcast_in_dim3A_3 {add = true} : memref<16x256xf32, #tpu.memory_space<vmem>>[vector<16xi32>, vector<16xi32>], vector<16xf32>,
      %mul3A_94 = arith.constant 4 : i32
      %mul3A_95 = arith.muli %while3A_46, %mul3A_94 : i32
      %add3A_96 = arith.constant 1 : i32
      %add3A_97 = arith.addi %mul3A_95, %add3A_96 : i32
      %mul3A_98 = arith.constant 16 : i32
      %mul3A_99 = arith.muli %add3A_97, %mul3A_98 : i32
      %get3A_100 = arith.index_cast %mul3A_99 : i32 to index
      %get3A_101 = tpu.vector_load %arg5[%get3A_100] {strides = array<i32>} : memref<9408xf32, #tpu.memory_space<vmem>>, vector<16xf32>,
      %add3A_102 = arith.constant 3136 : i32
      %add3A_103 = arith.addi %add3A_102, %mul3A_99 : i32
      %get3A_104 = arith.index_cast %add3A_103 : i32 to index
      %get3A_105 = tpu.vector_load %arg5[%get3A_104] {strides = array<i32>} : memref<9408xf32, #tpu.memory_space<vmem>>, vector<16xf32>,
      %add3A_106 = arith.constant 6272 : i32
      %add3A_107 = arith.addi %add3A_106, %mul3A_99 : i32
      %get3A_108 = arith.index_cast %add3A_107 : i32 to index
      %get3A_109 = tpu.vector_load %arg5[%get3A_108] {strides = array<i32>} : memref<9408xf32, #tpu.memory_space<vmem>>, vector<16xf32>,
      %mul3A_110 = arith.mulf %get3A_101, %get3A_101 : vector<16xf32>
      %mul3A_111 = arith.mulf %get3A_105, %get3A_105 : vector<16xf32>
      %add3A_112 = arith.addf %mul3A_110, %mul3A_111 : vector<16xf32>
      %mul3A_113 = arith.mulf %get3A_109, %get3A_109 : vector<16xf32>
      %add3A_114 = arith.addf %add3A_112, %mul3A_113 : vector<16xf32>
      %bitcast3A_115 = vector.bitcast %add3A_114 : vector<16xf32> to vector<16xi32>
      %shift_right_arithmetic3A_116 = arith.constant 1 : i32
      %shift_right_arithmetic3A_117 = vector.broadcast %shift_right_arithmetic3A_116 : i32 to vector<16xi32>
      %shift_right_arithmetic3A_118 = arith.shrsi %bitcast3A_115, %shift_right_arithmetic3A_117 : vector<16xi32>
      %sub3A_119 = arith.constant 1597463007 : i32
      %sub3A_120 = vector.broadcast %sub3A_119 : i32 to vector<16xi32>
      %sub3A_121 = arith.subi %sub3A_120, %shift_right_arithmetic3A_118 : vector<16xi32>
      %bitcast3A_122 = vector.bitcast %sub3A_121 : vector<16xi32> to vector<16xf32>
      %mul3A_123 = arith.constant 5.000000e-01 : f32
      %mul3A_124 = vector.broadcast %mul3A_123 : f32 to vector<16xf32>
      %mul3A_125 = arith.mulf %mul3A_124, %add3A_114 : vector<16xf32>
      %mul3A_126 = arith.mulf %mul3A_125, %bitcast3A_122 : vector<16xf32>
      %mul3A_127 = arith.mulf %mul3A_126, %bitcast3A_122 : vector<16xf32>
      %sub3A_128 = arith.constant 1.500000e+00 : f32
      %sub3A_129 = vector.broadcast %sub3A_128 : f32 to vector<16xf32>
      %sub3A_130 = arith.subf %sub3A_129, %mul3A_127 : vector<16xf32>
      %mul3A_131 = arith.mulf %bitcast3A_122, %sub3A_130 : vector<16xf32>
      %mul3A_132 = arith.constant 5.000000e-01 : f32
      %mul3A_133 = vector.broadcast %mul3A_132 : f32 to vector<16xf32>
      %mul3A_134 = arith.mulf %mul3A_133, %add3A_114 : vector<16xf32>
      %mul3A_135 = arith.mulf %mul3A_134, %mul3A_131 : vector<16xf32>
      %mul3A_136 = arith.mulf %mul3A_135, %mul3A_131 : vector<16xf32>
      %sub3A_137 = arith.constant 1.500000e+00 : f32
      %sub3A_138 = vector.broadcast %sub3A_137 : f32 to vector<16xf32>
      %sub3A_139 = arith.subf %sub3A_138, %mul3A_136 : vector<16xf32>
      %mul3A_140 = arith.mulf %mul3A_131, %sub3A_139 : vector<16xf32>
      %mul3A_141 = arith.mulf %add3A_114, %mul3A_140 : vector<16xf32>
      %get3A_142 = arith.index_cast %mul3A_99 : i32 to index
      %get3A_143 = tpu.vector_load %arg6[%get3A_142] {strides = array<i32>} : memref<3136xi32, #tpu.memory_space<vmem>>, vector<16xi32>,
      tpu.vector_store_idx %arg8[%iota3A, %get3A_143], %mul3A_141 {add = true} : memref<16x256xf32, #tpu.memory_space<vmem>>[vector<16xi32>, vector<16xi32>], vector<16xf32>,
      tpu.vector_store_idx %arg10[%iota3A, %get3A_143], %broadcast_in_dim3A_3 {add = true} : memref<16x256xf32, #tpu.memory_space<vmem>>[vector<16xi32>, vector<16xi32>], vector<16xf32>,
      %mul3A_144 = arith.constant 4 : i32
      %mul3A_145 = arith.muli %while3A_46, %mul3A_144 : i32
      %add3A_146 = arith.constant 2 : i32
      %add3A_147 = arith.addi %mul3A_145, %add3A_146 : i32
      %mul3A_148 = arith.constant 16 : i32
      %mul3A_149 = arith.muli %add3A_147, %mul3A_148 : i32
      %get3A_150 = arith.index_cast %mul3A_149 : i32 to index
      %get3A_151 = tpu.vector_load %arg5[%get3A_150] {strides = array<i32>} : memref<9408xf32, #tpu.memory_space<vmem>>, vector<16xf32>,
      %add3A_152 = arith.constant 3136 : i32
      %add3A_153 = arith.addi %add3A_152, %mul3A_149 : i32
      %get3A_154 = arith.index_cast %add3A_153 : i32 to index
      %get3A_155 = tpu.vector_load %arg5[%get3A_154] {strides = array<i32>} : memref<9408xf32, #tpu.memory_space<vmem>>, vector<16xf32>,
      %add3A_156 = arith.constant 6272 : i32
      %add3A_157 = arith.addi %add3A_156, %mul3A_149 : i32
      %get3A_158 = arith.index_cast %add3A_157 : i32 to index
      %get3A_159 = tpu.vector_load %arg5[%get3A_158] {strides = array<i32>} : memref<9408xf32, #tpu.memory_space<vmem>>, vector<16xf32>,
      %mul3A_160 = arith.mulf %get3A_151, %get3A_151 : vector<16xf32>
      %mul3A_161 = arith.mulf %get3A_155, %get3A_155 : vector<16xf32>
      %add3A_162 = arith.addf %mul3A_160, %mul3A_161 : vector<16xf32>
      %mul3A_163 = arith.mulf %get3A_159, %get3A_159 : vector<16xf32>
      %add3A_164 = arith.addf %add3A_162, %mul3A_163 : vector<16xf32>
      %bitcast3A_165 = vector.bitcast %add3A_164 : vector<16xf32> to vector<16xi32>
      %shift_right_arithmetic3A_166 = arith.constant 1 : i32
      %shift_right_arithmetic3A_167 = vector.broadcast %shift_right_arithmetic3A_166 : i32 to vector<16xi32>
      %shift_right_arithmetic3A_168 = arith.shrsi %bitcast3A_165, %shift_right_arithmetic3A_167 : vector<16xi32>
      %sub3A_169 = arith.constant 1597463007 : i32
      %sub3A_170 = vector.broadcast %sub3A_169 : i32 to vector<16xi32>
      %sub3A_171 = arith.subi %sub3A_170, %shift_right_arithmetic3A_168 : vector<16xi32>
      %bitcast3A_172 = vector.bitcast %sub3A_171 : vector<16xi32> to vector<16xf32>
      %mul3A_173 = arith.constant 5.000000e-01 : f32
      %mul3A_174 = vector.broadcast %mul3A_173 : f32 to vector<16xf32>
      %mul3A_175 = arith.mulf %mul3A_174, %add3A_164 : vector<16xf32>
      %mul3A_176 = arith.mulf %mul3A_175, %bitcast3A_172 : vector<16xf32>
      %mul3A_177 = arith.mulf %mul3A_176, %bitcast3A_172 : vector<16xf32>
      %sub3A_178 = arith.constant 1.500000e+00 : f32
      %sub3A_179 = vector.broadcast %sub3A_178 : f32 to vector<16xf32>
      %sub3A_180 = arith.subf %sub3A_179, %mul3A_177 : vector<16xf32>
      %mul3A_181 = arith.mulf %bitcast3A_172, %sub3A_180 : vector<16xf32>
      %mul3A_182 = arith.constant 5.000000e-01 : f32
      %mul3A_183 = vector.broadcast %mul3A_182 : f32 to vector<16xf32>
      %mul3A_184 = arith.mulf %mul3A_183, %add3A_164 : vector<16xf32>
      %mul3A_185 = arith.mulf %mul3A_184, %mul3A_181 : vector<16xf32>
      %mul3A_186 = arith.mulf %mul3A_185, %mul3A_181 : vector<16xf32>
      %sub3A_187 = arith.constant 1.500000e+00 : f32
      %sub3A_188 = vector.broadcast %sub3A_187 : f32 to vector<16xf32>
      %sub3A_189 = arith.subf %sub3A_188, %mul3A_186 : vector<16xf32>
      %mul3A_190 = arith.mulf %mul3A_181, %sub3A_189 : vector<16xf32>
      %mul3A_191 = arith.mulf %add3A_164, %mul3A_190 : vector<16xf32>
      %get3A_192 = arith.index_cast %mul3A_149 : i32 to index
      %get3A_193 = tpu.vector_load %arg6[%get3A_192] {strides = array<i32>} : memref<3136xi32, #tpu.memory_space<vmem>>, vector<16xi32>,
      tpu.vector_store_idx %arg7[%iota3A, %get3A_193], %mul3A_191 {add = true} : memref<16x256xf32, #tpu.memory_space<vmem>>[vector<16xi32>, vector<16xi32>], vector<16xf32>,
      tpu.vector_store_idx %arg9[%iota3A, %get3A_193], %broadcast_in_dim3A_3 {add = true} : memref<16x256xf32, #tpu.memory_space<vmem>>[vector<16xi32>, vector<16xi32>], vector<16xf32>,
      %mul3A_194 = arith.constant 4 : i32
      %mul3A_195 = arith.muli %while3A_46, %mul3A_194 : i32
      %add3A_196 = arith.constant 3 : i32
      %add3A_197 = arith.addi %mul3A_195, %add3A_196 : i32
      %mul3A_198 = arith.constant 16 : i32
      %mul3A_199 = arith.muli %add3A_197, %mul3A_198 : i32
      %get3A_200 = arith.index_cast %mul3A_199 : i32 to index
      %get3A_201 = tpu.vector_load %arg5[%get3A_200] {strides = array<i32>} : memref<9408xf32, #tpu.memory_space<vmem>>, vector<16xf32>,
      %add3A_202 = arith.constant 3136 : i32
      %add3A_203 = arith.addi %add3A_202, %mul3A_199 : i32
      %get3A_204 = arith.index_cast %add3A_203 : i32 to index
      %get3A_205 = tpu.vector_load %arg5[%get3A_204] {strides = array<i32>} : memref<9408xf32, #tpu.memory_space<vmem>>, vector<16xf32>,
      %add3A_206 = arith.constant 6272 : i32
      %add3A_207 = arith.addi %add3A_206, %mul3A_199 : i32
      %get3A_208 = arith.index_cast %add3A_207 : i32 to index
      %get3A_209 = tpu.vector_load %arg5[%get3A_208] {strides = array<i32>} : memref<9408xf32, #tpu.memory_space<vmem>>, vector<16xf32>,
      %mul3A_210 = arith.mulf %get3A_201, %get3A_201 : vector<16xf32>
      %mul3A_211 = arith.mulf %get3A_205, %get3A_205 : vector<16xf32>
      %add3A_212 = arith.addf %mul3A_210, %mul3A_211 : vector<16xf32>
      %mul3A_213 = arith.mulf %get3A_209, %get3A_209 : vector<16xf32>
      %add3A_214 = arith.addf %add3A_212, %mul3A_213 : vector<16xf32>
      %bitcast3A_215 = vector.bitcast %add3A_214 : vector<16xf32> to vector<16xi32>
      %shift_right_arithmetic3A_216 = arith.constant 1 : i32
      %shift_right_arithmetic3A_217 = vector.broadcast %shift_right_arithmetic3A_216 : i32 to vector<16xi32>
      %shift_right_arithmetic3A_218 = arith.shrsi %bitcast3A_215, %shift_right_arithmetic3A_217 : vector<16xi32>
      %sub3A_219 = arith.constant 1597463007 : i32
      %sub3A_220 = vector.broadcast %sub3A_219 : i32 to vector<16xi32>
      %sub3A_221 = arith.subi %sub3A_220, %shift_right_arithmetic3A_218 : vector<16xi32>
      %bitcast3A_222 = vector.bitcast %sub3A_221 : vector<16xi32> to vector<16xf32>
      %mul3A_223 = arith.constant 5.000000e-01 : f32
      %mul3A_224 = vector.broadcast %mul3A_223 : f32 to vector<16xf32>
      %mul3A_225 = arith.mulf %mul3A_224, %add3A_214 : vector<16xf32>
      %mul3A_226 = arith.mulf %mul3A_225, %bitcast3A_222 : vector<16xf32>
      %mul3A_227 = arith.mulf %mul3A_226, %bitcast3A_222 : vector<16xf32>
      %sub3A_228 = arith.constant 1.500000e+00 : f32
      %sub3A_229 = vector.broadcast %sub3A_228 : f32 to vector<16xf32>
      %sub3A_230 = arith.subf %sub3A_229, %mul3A_227 : vector<16xf32>
      %mul3A_231 = arith.mulf %bitcast3A_222, %sub3A_230 : vector<16xf32>
      %mul3A_232 = arith.constant 5.000000e-01 : f32
      %mul3A_233 = vector.broadcast %mul3A_232 : f32 to vector<16xf32>
      %mul3A_234 = arith.mulf %mul3A_233, %add3A_214 : vector<16xf32>
      %mul3A_235 = arith.mulf %mul3A_234, %mul3A_231 : vector<16xf32>
      %mul3A_236 = arith.mulf %mul3A_235, %mul3A_231 : vector<16xf32>
      %sub3A_237 = arith.constant 1.500000e+00 : f32
      %sub3A_238 = vector.broadcast %sub3A_237 : f32 to vector<16xf32>
      %sub3A_239 = arith.subf %sub3A_238, %mul3A_236 : vector<16xf32>
      %mul3A_240 = arith.mulf %mul3A_231, %sub3A_239 : vector<16xf32>
      %mul3A_241 = arith.mulf %add3A_214, %mul3A_240 : vector<16xf32>
      %get3A_242 = arith.index_cast %mul3A_199 : i32 to index
      %get3A_243 = tpu.vector_load %arg6[%get3A_242] {strides = array<i32>} : memref<3136xi32, #tpu.memory_space<vmem>>, vector<16xi32>,
      tpu.vector_store_idx %arg8[%iota3A, %get3A_243], %mul3A_241 {add = true} : memref<16x256xf32, #tpu.memory_space<vmem>>[vector<16xi32>, vector<16xi32>], vector<16xf32>,
      tpu.vector_store_idx %arg10[%iota3A, %get3A_243], %broadcast_in_dim3A_3 {add = true} : memref<16x256xf32, #tpu.memory_space<vmem>>[vector<16xi32>, vector<16xi32>], vector<16xf32>,
      %while3A_244 = arith.constant 0 : i32
      scf.yield %while3A_244 : i32
    }
    %while3A_31 = arith.constant 0 : i32
    %while3A_32 = arith.constant 0 : i32
    %while3A_33 = arith.subi %select_n3A_19, %while3A_31 : i32
    %while3A_34 = arith.addi %while3A_31, %while3A_33 : i32
    %while3A_35 = arith.constant 1 : i32
    %while3A_36 = arith.divsi %while3A_33, %while3A_35 : i32
    %while3A_37 = arith.muli %while3A_36, %while3A_35 : i32
    %while3A_38 = arith.addi %while3A_31, %while3A_37 : i32
    %while3A_39 = arith.constant 1 : i32
    %while3A_40 = scf.for %while3A_46 = %while3A_31 to %while3A_38 step %while3A_39 iter_args(%while3A_47 = %while3A_32) -> (i32)  : i32 {
      %add3A_48 = arith.constant 172 : i32
      %add3A_49 = arith.addi %add3A_48, %while3A_46 : i32
      %mul3A_50 = arith.constant 16 : i32
      %mul3A_51 = arith.muli %add3A_49, %mul3A_50 : i32
      %get3A = arith.index_cast %mul3A_51 : i32 to index
      %get3A_52 = tpu.vector_load %arg5[%get3A] {strides = array<i32>} : memref<9408xf32, #tpu.memory_space<vmem>>, vector<16xf32>,
      %add3A_53 = arith.constant 3136 : i32
      %add3A_54 = arith.addi %add3A_53, %mul3A_51 : i32
      %get3A_55 = arith.index_cast %add3A_54 : i32 to index
      %get3A_56 = tpu.vector_load %arg5[%get3A_55] {strides = array<i32>} : memref<9408xf32, #tpu.memory_space<vmem>>, vector<16xf32>,
      %add3A_57 = arith.constant 6272 : i32
      %add3A_58 = arith.addi %add3A_57, %mul3A_51 : i32
      %get3A_59 = arith.index_cast %add3A_58 : i32 to index
      %get3A_60 = tpu.vector_load %arg5[%get3A_59] {strides = array<i32>} : memref<9408xf32, #tpu.memory_space<vmem>>, vector<16xf32>,
      %mul3A_61 = arith.mulf %get3A_52, %get3A_52 : vector<16xf32>
      %mul3A_62 = arith.mulf %get3A_56, %get3A_56 : vector<16xf32>
      %add3A_63 = arith.addf %mul3A_61, %mul3A_62 : vector<16xf32>
      %mul3A_64 = arith.mulf %get3A_60, %get3A_60 : vector<16xf32>
      %add3A_65 = arith.addf %add3A_63, %mul3A_64 : vector<16xf32>
      %bitcast3A = vector.bitcast %add3A_65 : vector<16xf32> to vector<16xi32>
      %shift_right_arithmetic3A = arith.constant 1 : i32
      %shift_right_arithmetic3A_66 = vector.broadcast %shift_right_arithmetic3A : i32 to vector<16xi32>
      %shift_right_arithmetic3A_67 = arith.shrsi %bitcast3A, %shift_right_arithmetic3A_66 : vector<16xi32>
      %sub3A = arith.constant 1597463007 : i32
      %sub3A_68 = vector.broadcast %sub3A : i32 to vector<16xi32>
      %sub3A_69 = arith.subi %sub3A_68, %shift_right_arithmetic3A_67 : vector<16xi32>
      %bitcast3A_70 = vector.bitcast %sub3A_69 : vector<16xi32> to vector<16xf32>
      %mul3A_71 = arith.constant 5.000000e-01 : f32
      %mul3A_72 = vector.broadcast %mul3A_71 : f32 to vector<16xf32>
      %mul3A_73 = arith.mulf %mul3A_72, %add3A_65 : vector<16xf32>
      %mul3A_74 = arith.mulf %mul3A_73, %bitcast3A_70 : vector<16xf32>
      %mul3A_75 = arith.mulf %mul3A_74, %bitcast3A_70 : vector<16xf32>
      %sub3A_76 = arith.constant 1.500000e+00 : f32
      %sub3A_77 = vector.broadcast %sub3A_76 : f32 to vector<16xf32>
      %sub3A_78 = arith.subf %sub3A_77, %mul3A_75 : vector<16xf32>
      %mul3A_79 = arith.mulf %bitcast3A_70, %sub3A_78 : vector<16xf32>
      %mul3A_80 = arith.constant 5.000000e-01 : f32
      %mul3A_81 = vector.broadcast %mul3A_80 : f32 to vector<16xf32>
      %mul3A_82 = arith.mulf %mul3A_81, %add3A_65 : vector<16xf32>
      %mul3A_83 = arith.mulf %mul3A_82, %mul3A_79 : vector<16xf32>
      %mul3A_84 = arith.mulf %mul3A_83, %mul3A_79 : vector<16xf32>
      %sub3A_85 = arith.constant 1.500000e+00 : f32
      %sub3A_86 = vector.broadcast %sub3A_85 : f32 to vector<16xf32>
      %sub3A_87 = arith.subf %sub3A_86, %mul3A_84 : vector<16xf32>
      %mul3A_88 = arith.mulf %mul3A_79, %sub3A_87 : vector<16xf32>
      %mul3A_89 = arith.mulf %add3A_65, %mul3A_88 : vector<16xf32>
      %get3A_90 = arith.index_cast %mul3A_51 : i32 to index
      %get3A_91 = tpu.vector_load %arg6[%get3A_90] {strides = array<i32>} : memref<3136xi32, #tpu.memory_space<vmem>>, vector<16xi32>,
      tpu.vector_store_idx %arg7[%iota3A, %get3A_91], %mul3A_89 {add = true} : memref<16x256xf32, #tpu.memory_space<vmem>>[vector<16xi32>, vector<16xi32>], vector<16xf32>,
      tpu.vector_store_idx %arg9[%iota3A, %get3A_91], %broadcast_in_dim3A_3 {add = true} : memref<16x256xf32, #tpu.memory_space<vmem>>[vector<16xi32>, vector<16xi32>], vector<16xf32>,
      %while3A_92 = arith.constant 0 : i32
      scf.yield %while3A_92 : i32
    }
    %while3A_41 = arith.constant 1 : i32
    %while3A_42 = scf.for %while3A_46 = %while3A_38 to %while3A_34 step %while3A_41 iter_args(%while3A_47 = %while3A_40) -> (i32)  : i32 {
      %add3A_48 = arith.constant 172 : i32
      %add3A_49 = arith.addi %add3A_48, %while3A_46 : i32
      %mul3A_50 = arith.constant 16 : i32
      %mul3A_51 = arith.muli %add3A_49, %mul3A_50 : i32
      %get3A = arith.index_cast %mul3A_51 : i32 to index
      %get3A_52 = tpu.vector_load %arg5[%get3A] {strides = array<i32>} : memref<9408xf32, #tpu.memory_space<vmem>>, vector<16xf32>,
      %add3A_53 = arith.constant 3136 : i32
      %add3A_54 = arith.addi %add3A_53, %mul3A_51 : i32
      %get3A_55 = arith.index_cast %add3A_54 : i32 to index
      %get3A_56 = tpu.vector_load %arg5[%get3A_55] {strides = array<i32>} : memref<9408xf32, #tpu.memory_space<vmem>>, vector<16xf32>,
      %add3A_57 = arith.constant 6272 : i32
      %add3A_58 = arith.addi %add3A_57, %mul3A_51 : i32
      %get3A_59 = arith.index_cast %add3A_58 : i32 to index
      %get3A_60 = tpu.vector_load %arg5[%get3A_59] {strides = array<i32>} : memref<9408xf32, #tpu.memory_space<vmem>>, vector<16xf32>,
      %mul3A_61 = arith.mulf %get3A_52, %get3A_52 : vector<16xf32>
      %mul3A_62 = arith.mulf %get3A_56, %get3A_56 : vector<16xf32>
      %add3A_63 = arith.addf %mul3A_61, %mul3A_62 : vector<16xf32>
      %mul3A_64 = arith.mulf %get3A_60, %get3A_60 : vector<16xf32>
      %add3A_65 = arith.addf %add3A_63, %mul3A_64 : vector<16xf32>
      %bitcast3A = vector.bitcast %add3A_65 : vector<16xf32> to vector<16xi32>
      %shift_right_arithmetic3A = arith.constant 1 : i32
      %shift_right_arithmetic3A_66 = vector.broadcast %shift_right_arithmetic3A : i32 to vector<16xi32>
      %shift_right_arithmetic3A_67 = arith.shrsi %bitcast3A, %shift_right_arithmetic3A_66 : vector<16xi32>
      %sub3A = arith.constant 1597463007 : i32
      %sub3A_68 = vector.broadcast %sub3A : i32 to vector<16xi32>
      %sub3A_69 = arith.subi %sub3A_68, %shift_right_arithmetic3A_67 : vector<16xi32>
      %bitcast3A_70 = vector.bitcast %sub3A_69 : vector<16xi32> to vector<16xf32>
      %mul3A_71 = arith.constant 5.000000e-01 : f32
      %mul3A_72 = vector.broadcast %mul3A_71 : f32 to vector<16xf32>
      %mul3A_73 = arith.mulf %mul3A_72, %add3A_65 : vector<16xf32>
      %mul3A_74 = arith.mulf %mul3A_73, %bitcast3A_70 : vector<16xf32>
      %mul3A_75 = arith.mulf %mul3A_74, %bitcast3A_70 : vector<16xf32>
      %sub3A_76 = arith.constant 1.500000e+00 : f32
      %sub3A_77 = vector.broadcast %sub3A_76 : f32 to vector<16xf32>
      %sub3A_78 = arith.subf %sub3A_77, %mul3A_75 : vector<16xf32>
      %mul3A_79 = arith.mulf %bitcast3A_70, %sub3A_78 : vector<16xf32>
      %mul3A_80 = arith.constant 5.000000e-01 : f32
      %mul3A_81 = vector.broadcast %mul3A_80 : f32 to vector<16xf32>
      %mul3A_82 = arith.mulf %mul3A_81, %add3A_65 : vector<16xf32>
      %mul3A_83 = arith.mulf %mul3A_82, %mul3A_79 : vector<16xf32>
      %mul3A_84 = arith.mulf %mul3A_83, %mul3A_79 : vector<16xf32>
      %sub3A_85 = arith.constant 1.500000e+00 : f32
      %sub3A_86 = vector.broadcast %sub3A_85 : f32 to vector<16xf32>
      %sub3A_87 = arith.subf %sub3A_86, %mul3A_84 : vector<16xf32>
      %mul3A_88 = arith.mulf %mul3A_79, %sub3A_87 : vector<16xf32>
      %mul3A_89 = arith.mulf %add3A_65, %mul3A_88 : vector<16xf32>
      %get3A_90 = arith.index_cast %mul3A_51 : i32 to index
      %get3A_91 = tpu.vector_load %arg6[%get3A_90] {strides = array<i32>} : memref<3136xi32, #tpu.memory_space<vmem>>, vector<16xi32>,
      tpu.vector_store_idx %arg7[%iota3A, %get3A_91], %mul3A_89 {add = true} : memref<16x256xf32, #tpu.memory_space<vmem>>[vector<16xi32>, vector<16xi32>], vector<16xf32>,
      tpu.vector_store_idx %arg9[%iota3A, %get3A_91], %broadcast_in_dim3A_3 {add = true} : memref<16x256xf32, #tpu.memory_space<vmem>>[vector<16xi32>, vector<16xi32>], vector<16xf32>,
      %while3A_92 = arith.constant 0 : i32
      scf.yield %while3A_92 : i32
    }
    %parallel_loop3A_43 = arith.constant 0 : i32
    %parallel_loop3A_44 = arith.constant 16 : i32
    %parallel_loop3A_45 = arith.constant 1 : i32
    scf.for %parallel_loop3A_46 = %parallel_loop3A_43 to %parallel_loop3A_44 step %parallel_loop3A_45  : i32 {
      %parallel_loop3A_47 = arith.constant 16 : i32
      %parallel_loop3A_48 = arith.muli %parallel_loop3A_46, %parallel_loop3A_47 : i32
      %parallel_loop3A_49 = arith.constant 0 : i32
      %parallel_loop3A_50 = arith.index_cast %parallel_loop3A_49 : i32 to index
      %parallel_loop3A_51 = arith.index_cast %parallel_loop3A_48 : i32 to index
      %parallel_loop3A_52 = tpu.vector_load %arg7[%parallel_loop3A_50, %parallel_loop3A_51] {strides = array<i32>} : memref<16x256xf32, #tpu.memory_space<vmem>>, vector<16xf32>,
      %parallel_loop3A_53 = arith.constant 16 : i32
      %parallel_loop3A_54 = arith.muli %parallel_loop3A_46, %parallel_loop3A_53 : i32
      %parallel_loop3A_55 = arith.constant 0 : i32
      %parallel_loop3A_56 = arith.index_cast %parallel_loop3A_55 : i32 to index
      %parallel_loop3A_57 = arith.index_cast %parallel_loop3A_54 : i32 to index
      %parallel_loop3A_58 = tpu.vector_load %arg8[%parallel_loop3A_56, %parallel_loop3A_57] {strides = array<i32>} : memref<16x256xf32, #tpu.memory_space<vmem>>, vector<16xf32>,
      %parallel_loop3A_59 = arith.addf %parallel_loop3A_52, %parallel_loop3A_58 : vector<16xf32>
      %parallel_loop3A_60 = arith.constant 16 : i32
      %parallel_loop3A_61 = arith.muli %parallel_loop3A_46, %parallel_loop3A_60 : i32
      %parallel_loop3A_62 = arith.constant 0 : i32
      %parallel_loop3A_63 = arith.index_cast %parallel_loop3A_62 : i32 to index
      %parallel_loop3A_64 = arith.index_cast %parallel_loop3A_61 : i32 to index
      %parallel_loop3A_65 = tpu.vector_load %arg9[%parallel_loop3A_63, %parallel_loop3A_64] {strides = array<i32>} : memref<16x256xf32, #tpu.memory_space<vmem>>, vector<16xf32>,
      %parallel_loop3A_66 = arith.constant 16 : i32
      %parallel_loop3A_67 = arith.muli %parallel_loop3A_46, %parallel_loop3A_66 : i32
      %parallel_loop3A_68 = arith.constant 0 : i32
      %parallel_loop3A_69 = arith.index_cast %parallel_loop3A_68 : i32 to index
      %parallel_loop3A_70 = arith.index_cast %parallel_loop3A_67 : i32 to index
      %parallel_loop3A_71 = tpu.vector_load %arg10[%parallel_loop3A_69, %parallel_loop3A_70] {strides = array<i32>} : memref<16x256xf32, #tpu.memory_space<vmem>>, vector<16xf32>,
      %parallel_loop3A_72 = arith.addf %parallel_loop3A_65, %parallel_loop3A_71 : vector<16xf32>
      %parallel_loop3A_73 = arith.constant 16 : i32
      %parallel_loop3A_74 = arith.muli %parallel_loop3A_46, %parallel_loop3A_73 : i32
      %parallel_loop3A_75 = arith.constant 1 : i32
      %parallel_loop3A_76 = arith.index_cast %parallel_loop3A_75 : i32 to index
      %parallel_loop3A_77 = arith.index_cast %parallel_loop3A_74 : i32 to index
      %parallel_loop3A_78 = tpu.vector_load %arg7[%parallel_loop3A_76, %parallel_loop3A_77] {strides = array<i32>} : memref<16x256xf32, #tpu.memory_space<vmem>>, vector<16xf32>,
      %parallel_loop3A_79 = arith.addf %parallel_loop3A_59, %parallel_loop3A_78 : vector<16xf32>
      %parallel_loop3A_80 = arith.constant 16 : i32
      %parallel_loop3A_81 = arith.muli %parallel_loop3A_46, %parallel_loop3A_80 : i32
      %parallel_loop3A_82 = arith.constant 1 : i32
      %parallel_loop3A_83 = arith.index_cast %parallel_loop3A_82 : i32 to index
      %parallel_loop3A_84 = arith.index_cast %parallel_loop3A_81 : i32 to index
      %parallel_loop3A_85 = tpu.vector_load %arg8[%parallel_loop3A_83, %parallel_loop3A_84] {strides = array<i32>} : memref<16x256xf32, #tpu.memory_space<vmem>>, vector<16xf32>,
      %parallel_loop3A_86 = arith.addf %parallel_loop3A_79, %parallel_loop3A_85 : vector<16xf32>
      %parallel_loop3A_87 = arith.constant 16 : i32
      %parallel_loop3A_88 = arith.muli %parallel_loop3A_46, %parallel_loop3A_87 : i32
      %parallel_loop3A_89 = arith.constant 1 : i32
      %parallel_loop3A_90 = arith.index_cast %parallel_loop3A_89 : i32 to index
      %parallel_loop3A_91 = arith.index_cast %parallel_loop3A_88 : i32 to index
      %parallel_loop3A_92 = tpu.vector_load %arg9[%parallel_loop3A_90, %parallel_loop3A_91] {strides = array<i32>} : memref<16x256xf32, #tpu.memory_space<vmem>>, vector<16xf32>,
      %parallel_loop3A_93 = arith.addf %parallel_loop3A_72, %parallel_loop3A_92 : vector<16xf32>
      %parallel_loop3A_94 = arith.constant 16 : i32
      %parallel_loop3A_95 = arith.muli %parallel_loop3A_46, %parallel_loop3A_94 : i32
      %parallel_loop3A_96 = arith.constant 1 : i32
      %parallel_loop3A_97 = arith.index_cast %parallel_loop3A_96 : i32 to index
      %parallel_loop3A_98 = arith.index_cast %parallel_loop3A_95 : i32 to index
      %parallel_loop3A_99 = tpu.vector_load %arg10[%parallel_loop3A_97, %parallel_loop3A_98] {strides = array<i32>} : memref<16x256xf32, #tpu.memory_space<vmem>>, vector<16xf32>,
      %parallel_loop3A_100 = arith.addf %parallel_loop3A_93, %parallel_loop3A_99 : vector<16xf32>
      %parallel_loop3A_101 = arith.constant 16 : i32
      %parallel_loop3A_102 = arith.muli %parallel_loop3A_46, %parallel_loop3A_101 : i32
      %parallel_loop3A_103 = arith.constant 2 : i32
      %parallel_loop3A_104 = arith.index_cast %parallel_loop3A_103 : i32 to index
      %parallel_loop3A_105 = arith.index_cast %parallel_loop3A_102 : i32 to index
      %parallel_loop3A_106 = tpu.vector_load %arg7[%parallel_loop3A_104, %parallel_loop3A_105] {strides = array<i32>} : memref<16x256xf32, #tpu.memory_space<vmem>>, vector<16xf32>,
      %parallel_loop3A_107 = arith.addf %parallel_loop3A_86, %parallel_loop3A_106 : vector<16xf32>
      %parallel_loop3A_108 = arith.constant 16 : i32
      %parallel_loop3A_109 = arith.muli %parallel_loop3A_46, %parallel_loop3A_108 : i32
      %parallel_loop3A_110 = arith.constant 2 : i32
      %parallel_loop3A_111 = arith.index_cast %parallel_loop3A_110 : i32 to index
      %parallel_loop3A_112 = arith.index_cast %parallel_loop3A_109 : i32 to index
      %parallel_loop3A_113 = tpu.vector_load %arg8[%parallel_loop3A_111, %parallel_loop3A_112] {strides = array<i32>} : memref<16x256xf32, #tpu.memory_space<vmem>>, vector<16xf32>,
      %parallel_loop3A_114 = arith.addf %parallel_loop3A_107, %parallel_loop3A_113 : vector<16xf32>
      %parallel_loop3A_115 = arith.constant 16 : i32
      %parallel_loop3A_116 = arith.muli %parallel_loop3A_46, %parallel_loop3A_115 : i32
      %parallel_loop3A_117 = arith.constant 2 : i32
      %parallel_loop3A_118 = arith.index_cast %parallel_loop3A_117 : i32 to index
      %parallel_loop3A_119 = arith.index_cast %parallel_loop3A_116 : i32 to index
      %parallel_loop3A_120 = tpu.vector_load %arg9[%parallel_loop3A_118, %parallel_loop3A_119] {strides = array<i32>} : memref<16x256xf32, #tpu.memory_space<vmem>>, vector<16xf32>,
      %parallel_loop3A_121 = arith.addf %parallel_loop3A_100, %parallel_loop3A_120 : vector<16xf32>
      %parallel_loop3A_122 = arith.constant 16 : i32
      %parallel_loop3A_123 = arith.muli %parallel_loop3A_46, %parallel_loop3A_122 : i32
      %parallel_loop3A_124 = arith.constant 2 : i32
      %parallel_loop3A_125 = arith.index_cast %parallel_loop3A_124 : i32 to index
      %parallel_loop3A_126 = arith.index_cast %parallel_loop3A_123 : i32 to index
      %parallel_loop3A_127 = tpu.vector_load %arg10[%parallel_loop3A_125, %parallel_loop3A_126] {strides = array<i32>} : memref<16x256xf32, #tpu.memory_space<vmem>>, vector<16xf32>,
      %parallel_loop3A_128 = arith.addf %parallel_loop3A_121, %parallel_loop3A_127 : vector<16xf32>
      %parallel_loop3A_129 = arith.constant 16 : i32
      %parallel_loop3A_130 = arith.muli %parallel_loop3A_46, %parallel_loop3A_129 : i32
      %parallel_loop3A_131 = arith.constant 3 : i32
      %parallel_loop3A_132 = arith.index_cast %parallel_loop3A_131 : i32 to index
      %parallel_loop3A_133 = arith.index_cast %parallel_loop3A_130 : i32 to index
      %parallel_loop3A_134 = tpu.vector_load %arg7[%parallel_loop3A_132, %parallel_loop3A_133] {strides = array<i32>} : memref<16x256xf32, #tpu.memory_space<vmem>>, vector<16xf32>,
      %parallel_loop3A_135 = arith.addf %parallel_loop3A_114, %parallel_loop3A_134 : vector<16xf32>
      %parallel_loop3A_136 = arith.constant 16 : i32
      %parallel_loop3A_137 = arith.muli %parallel_loop3A_46, %parallel_loop3A_136 : i32
      %parallel_loop3A_138 = arith.constant 3 : i32
      %parallel_loop3A_139 = arith.index_cast %parallel_loop3A_138 : i32 to index
      %parallel_loop3A_140 = arith.index_cast %parallel_loop3A_137 : i32 to index
      %parallel_loop3A_141 = tpu.vector_load %arg8[%parallel_loop3A_139, %parallel_loop3A_140] {strides = array<i32>} : memref<16x256xf32, #tpu.memory_space<vmem>>, vector<16xf32>,
      %parallel_loop3A_142 = arith.addf %parallel_loop3A_135, %parallel_loop3A_141 : vector<16xf32>
      %parallel_loop3A_143 = arith.constant 16 : i32
      %parallel_loop3A_144 = arith.muli %parallel_loop3A_46, %parallel_loop3A_143 : i32
      %parallel_loop3A_145 = arith.constant 3 : i32
      %parallel_loop3A_146 = arith.index_cast %parallel_loop3A_145 : i32 to index
      %parallel_loop3A_147 = arith.index_cast %parallel_loop3A_144 : i32 to index
      %parallel_loop3A_148 = tpu.vector_load %arg9[%parallel_loop3A_146, %parallel_loop3A_147] {strides = array<i32>} : memref<16x256xf32, #tpu.memory_space<vmem>>, vector<16xf32>,
      %parallel_loop3A_149 = arith.addf %parallel_loop3A_128, %parallel_loop3A_148 : vector<16xf32>
      %parallel_loop3A_150 = arith.constant 16 : i32
      %parallel_loop3A_151 = arith.muli %parallel_loop3A_46, %parallel_loop3A_150 : i32
      %parallel_loop3A_152 = arith.constant 3 : i32
      %parallel_loop3A_153 = arith.index_cast %parallel_loop3A_152 : i32 to index
      %parallel_loop3A_154 = arith.index_cast %parallel_loop3A_151 : i32 to index
      %parallel_loop3A_155 = tpu.vector_load %arg10[%parallel_loop3A_153, %parallel_loop3A_154] {strides = array<i32>} : memref<16x256xf32, #tpu.memory_space<vmem>>, vector<16xf32>,
      %parallel_loop3A_156 = arith.addf %parallel_loop3A_149, %parallel_loop3A_155 : vector<16xf32>
      %parallel_loop3A_157 = arith.constant 16 : i32
      %parallel_loop3A_158 = arith.muli %parallel_loop3A_46, %parallel_loop3A_157 : i32
      %parallel_loop3A_159 = arith.constant 4 : i32
      %parallel_loop3A_160 = arith.index_cast %parallel_loop3A_159 : i32 to index
      %parallel_loop3A_161 = arith.index_cast %parallel_loop3A_158 : i32 to index
      %parallel_loop3A_162 = tpu.vector_load %arg7[%parallel_loop3A_160, %parallel_loop3A_161] {strides = array<i32>} : memref<16x256xf32, #tpu.memory_space<vmem>>, vector<16xf32>,
      %parallel_loop3A_163 = arith.addf %parallel_loop3A_142, %parallel_loop3A_162 : vector<16xf32>
      %parallel_loop3A_164 = arith.constant 16 : i32
      %parallel_loop3A_165 = arith.muli %parallel_loop3A_46, %parallel_loop3A_164 : i32
      %parallel_loop3A_166 = arith.constant 4 : i32
      %parallel_loop3A_167 = arith.index_cast %parallel_loop3A_166 : i32 to index
      %parallel_loop3A_168 = arith.index_cast %parallel_loop3A_165 : i32 to index
      %parallel_loop3A_169 = tpu.vector_load %arg8[%parallel_loop3A_167, %parallel_loop3A_168] {strides = array<i32>} : memref<16x256xf32, #tpu.memory_space<vmem>>, vector<16xf32>,
      %parallel_loop3A_170 = arith.addf %parallel_loop3A_163, %parallel_loop3A_169 : vector<16xf32>
      %parallel_loop3A_171 = arith.constant 16 : i32
      %parallel_loop3A_172 = arith.muli %parallel_loop3A_46, %parallel_loop3A_171 : i32
      %parallel_loop3A_173 = arith.constant 4 : i32
      %parallel_loop3A_174 = arith.index_cast %parallel_loop3A_173 : i32 to index
      %parallel_loop3A_175 = arith.index_cast %parallel_loop3A_172 : i32 to index
      %parallel_loop3A_176 = tpu.vector_load %arg9[%parallel_loop3A_174, %parallel_loop3A_175] {strides = array<i32>} : memref<16x256xf32, #tpu.memory_space<vmem>>, vector<16xf32>,
      %parallel_loop3A_177 = arith.addf %parallel_loop3A_156, %parallel_loop3A_176 : vector<16xf32>
      %parallel_loop3A_178 = arith.constant 16 : i32
      %parallel_loop3A_179 = arith.muli %parallel_loop3A_46, %parallel_loop3A_178 : i32
      %parallel_loop3A_180 = arith.constant 4 : i32
      %parallel_loop3A_181 = arith.index_cast %parallel_loop3A_180 : i32 to index
      %parallel_loop3A_182 = arith.index_cast %parallel_loop3A_179 : i32 to index
      %parallel_loop3A_183 = tpu.vector_load %arg10[%parallel_loop3A_181, %parallel_loop3A_182] {strides = array<i32>} : memref<16x256xf32, #tpu.memory_space<vmem>>, vector<16xf32>,
      %parallel_loop3A_184 = arith.addf %parallel_loop3A_177, %parallel_loop3A_183 : vector<16xf32>
      %parallel_loop3A_185 = arith.constant 16 : i32
      %parallel_loop3A_186 = arith.muli %parallel_loop3A_46, %parallel_loop3A_185 : i32
      %parallel_loop3A_187 = arith.constant 5 : i32
      %parallel_loop3A_188 = arith.index_cast %parallel_loop3A_187 : i32 to index
      %parallel_loop3A_189 = arith.index_cast %parallel_loop3A_186 : i32 to index
      %parallel_loop3A_190 = tpu.vector_load %arg7[%parallel_loop3A_188, %parallel_loop3A_189] {strides = array<i32>} : memref<16x256xf32, #tpu.memory_space<vmem>>, vector<16xf32>,
      %parallel_loop3A_191 = arith.addf %parallel_loop3A_170, %parallel_loop3A_190 : vector<16xf32>
      %parallel_loop3A_192 = arith.constant 16 : i32
      %parallel_loop3A_193 = arith.muli %parallel_loop3A_46, %parallel_loop3A_192 : i32
      %parallel_loop3A_194 = arith.constant 5 : i32
      %parallel_loop3A_195 = arith.index_cast %parallel_loop3A_194 : i32 to index
      %parallel_loop3A_196 = arith.index_cast %parallel_loop3A_193 : i32 to index
      %parallel_loop3A_197 = tpu.vector_load %arg8[%parallel_loop3A_195, %parallel_loop3A_196] {strides = array<i32>} : memref<16x256xf32, #tpu.memory_space<vmem>>, vector<16xf32>,
      %parallel_loop3A_198 = arith.addf %parallel_loop3A_191, %parallel_loop3A_197 : vector<16xf32>
      %parallel_loop3A_199 = arith.constant 16 : i32
      %parallel_loop3A_200 = arith.muli %parallel_loop3A_46, %parallel_loop3A_199 : i32
      %parallel_loop3A_201 = arith.constant 5 : i32
      %parallel_loop3A_202 = arith.index_cast %parallel_loop3A_201 : i32 to index
      %parallel_loop3A_203 = arith.index_cast %parallel_loop3A_200 : i32 to index
      %parallel_loop3A_204 = tpu.vector_load %arg9[%parallel_loop3A_202, %parallel_loop3A_203] {strides = array<i32>} : memref<16x256xf32, #tpu.memory_space<vmem>>, vector<16xf32>,
      %parallel_loop3A_205 = arith.addf %parallel_loop3A_184, %parallel_loop3A_204 : vector<16xf32>
      %parallel_loop3A_206 = arith.constant 16 : i32
      %parallel_loop3A_207 = arith.muli %parallel_loop3A_46, %parallel_loop3A_206 : i32
      %parallel_loop3A_208 = arith.constant 5 : i32
      %parallel_loop3A_209 = arith.index_cast %parallel_loop3A_208 : i32 to index
      %parallel_loop3A_210 = arith.index_cast %parallel_loop3A_207 : i32 to index
      %parallel_loop3A_211 = tpu.vector_load %arg10[%parallel_loop3A_209, %parallel_loop3A_210] {strides = array<i32>} : memref<16x256xf32, #tpu.memory_space<vmem>>, vector<16xf32>,
      %parallel_loop3A_212 = arith.addf %parallel_loop3A_205, %parallel_loop3A_211 : vector<16xf32>
      %parallel_loop3A_213 = arith.constant 16 : i32
      %parallel_loop3A_214 = arith.muli %parallel_loop3A_46, %parallel_loop3A_213 : i32
      %parallel_loop3A_215 = arith.constant 6 : i32
      %parallel_loop3A_216 = arith.index_cast %parallel_loop3A_215 : i32 to index
      %parallel_loop3A_217 = arith.index_cast %parallel_loop3A_214 : i32 to index
      %parallel_loop3A_218 = tpu.vector_load %arg7[%parallel_loop3A_216, %parallel_loop3A_217] {strides = array<i32>} : memref<16x256xf32, #tpu.memory_space<vmem>>, vector<16xf32>,
      %parallel_loop3A_219 = arith.addf %parallel_loop3A_198, %parallel_loop3A_218 : vector<16xf32>
      %parallel_loop3A_220 = arith.constant 16 : i32
      %parallel_loop3A_221 = arith.muli %parallel_loop3A_46, %parallel_loop3A_220 : i32
      %parallel_loop3A_222 = arith.constant 6 : i32
      %parallel_loop3A_223 = arith.index_cast %parallel_loop3A_222 : i32 to index
      %parallel_loop3A_224 = arith.index_cast %parallel_loop3A_221 : i32 to index
      %parallel_loop3A_225 = tpu.vector_load %arg8[%parallel_loop3A_223, %parallel_loop3A_224] {strides = array<i32>} : memref<16x256xf32, #tpu.memory_space<vmem>>, vector<16xf32>,
      %parallel_loop3A_226 = arith.addf %parallel_loop3A_219, %parallel_loop3A_225 : vector<16xf32>
      %parallel_loop3A_227 = arith.constant 16 : i32
      %parallel_loop3A_228 = arith.muli %parallel_loop3A_46, %parallel_loop3A_227 : i32
      %parallel_loop3A_229 = arith.constant 6 : i32
      %parallel_loop3A_230 = arith.index_cast %parallel_loop3A_229 : i32 to index
      %parallel_loop3A_231 = arith.index_cast %parallel_loop3A_228 : i32 to index
      %parallel_loop3A_232 = tpu.vector_load %arg9[%parallel_loop3A_230, %parallel_loop3A_231] {strides = array<i32>} : memref<16x256xf32, #tpu.memory_space<vmem>>, vector<16xf32>,
      %parallel_loop3A_233 = arith.addf %parallel_loop3A_212, %parallel_loop3A_232 : vector<16xf32>
      %parallel_loop3A_234 = arith.constant 16 : i32
      %parallel_loop3A_235 = arith.muli %parallel_loop3A_46, %parallel_loop3A_234 : i32
      %parallel_loop3A_236 = arith.constant 6 : i32
      %parallel_loop3A_237 = arith.index_cast %parallel_loop3A_236 : i32 to index
      %parallel_loop3A_238 = arith.index_cast %parallel_loop3A_235 : i32 to index
      %parallel_loop3A_239 = tpu.vector_load %arg10[%parallel_loop3A_237, %parallel_loop3A_238] {strides = array<i32>} : memref<16x256xf32, #tpu.memory_space<vmem>>, vector<16xf32>,
      %parallel_loop3A_240 = arith.addf %parallel_loop3A_233, %parallel_loop3A_239 : vector<16xf32>
      %parallel_loop3A_241 = arith.constant 16 : i32
      %parallel_loop3A_242 = arith.muli %parallel_loop3A_46, %parallel_loop3A_241 : i32
      %parallel_loop3A_243 = arith.constant 7 : i32
      %parallel_loop3A_244 = arith.index_cast %parallel_loop3A_243 : i32 to index
      %parallel_loop3A_245 = arith.index_cast %parallel_loop3A_242 : i32 to index
      %parallel_loop3A_246 = tpu.vector_load %arg7[%parallel_loop3A_244, %parallel_loop3A_245] {strides = array<i32>} : memref<16x256xf32, #tpu.memory_space<vmem>>, vector<16xf32>,
      %parallel_loop3A_247 = arith.addf %parallel_loop3A_226, %parallel_loop3A_246 : vector<16xf32>
      %parallel_loop3A_248 = arith.constant 16 : i32
      %parallel_loop3A_249 = arith.muli %parallel_loop3A_46, %parallel_loop3A_248 : i32
      %parallel_loop3A_250 = arith.constant 7 : i32
      %parallel_loop3A_251 = arith.index_cast %parallel_loop3A_250 : i32 to index
      %parallel_loop3A_252 = arith.index_cast %parallel_loop3A_249 : i32 to index
      %parallel_loop3A_253 = tpu.vector_load %arg8[%parallel_loop3A_251, %parallel_loop3A_252] {strides = array<i32>} : memref<16x256xf32, #tpu.memory_space<vmem>>, vector<16xf32>,
      %parallel_loop3A_254 = arith.addf %parallel_loop3A_247, %parallel_loop3A_253 : vector<16xf32>
      %parallel_loop3A_255 = arith.constant 16 : i32
      %parallel_loop3A_256 = arith.muli %parallel_loop3A_46, %parallel_loop3A_255 : i32
      %parallel_loop3A_257 = arith.constant 7 : i32
      %parallel_loop3A_258 = arith.index_cast %parallel_loop3A_257 : i32 to index
      %parallel_loop3A_259 = arith.index_cast %parallel_loop3A_256 : i32 to index
      %parallel_loop3A_260 = tpu.vector_load %arg9[%parallel_loop3A_258, %parallel_loop3A_259] {strides = array<i32>} : memref<16x256xf32, #tpu.memory_space<vmem>>, vector<16xf32>,
      %parallel_loop3A_261 = arith.addf %parallel_loop3A_240, %parallel_loop3A_260 : vector<16xf32>
      %parallel_loop3A_262 = arith.constant 16 : i32
      %parallel_loop3A_263 = arith.muli %parallel_loop3A_46, %parallel_loop3A_262 : i32
      %parallel_loop3A_264 = arith.constant 7 : i32
      %parallel_loop3A_265 = arith.index_cast %parallel_loop3A_264 : i32 to index
      %parallel_loop3A_266 = arith.index_cast %parallel_loop3A_263 : i32 to index
      %parallel_loop3A_267 = tpu.vector_load %arg10[%parallel_loop3A_265, %parallel_loop3A_266] {strides = array<i32>} : memref<16x256xf32, #tpu.memory_space<vmem>>, vector<16xf32>,
      %parallel_loop3A_268 = arith.addf %parallel_loop3A_261, %parallel_loop3A_267 : vector<16xf32>
      %parallel_loop3A_269 = arith.constant 16 : i32
      %parallel_loop3A_270 = arith.muli %parallel_loop3A_46, %parallel_loop3A_269 : i32
      %parallel_loop3A_271 = arith.constant 8 : i32
      %parallel_loop3A_272 = arith.index_cast %parallel_loop3A_271 : i32 to index
      %parallel_loop3A_273 = arith.index_cast %parallel_loop3A_270 : i32 to index
      %parallel_loop3A_274 = tpu.vector_load %arg7[%parallel_loop3A_272, %parallel_loop3A_273] {strides = array<i32>} : memref<16x256xf32, #tpu.memory_space<vmem>>, vector<16xf32>,
      %parallel_loop3A_275 = arith.addf %parallel_loop3A_254, %parallel_loop3A_274 : vector<16xf32>
      %parallel_loop3A_276 = arith.constant 16 : i32
      %parallel_loop3A_277 = arith.muli %parallel_loop3A_46, %parallel_loop3A_276 : i32
      %parallel_loop3A_278 = arith.constant 8 : i32
      %parallel_loop3A_279 = arith.index_cast %parallel_loop3A_278 : i32 to index
      %parallel_loop3A_280 = arith.index_cast %parallel_loop3A_277 : i32 to index
      %parallel_loop3A_281 = tpu.vector_load %arg8[%parallel_loop3A_279, %parallel_loop3A_280] {strides = array<i32>} : memref<16x256xf32, #tpu.memory_space<vmem>>, vector<16xf32>,
      %parallel_loop3A_282 = arith.addf %parallel_loop3A_275, %parallel_loop3A_281 : vector<16xf32>
      %parallel_loop3A_283 = arith.constant 16 : i32
      %parallel_loop3A_284 = arith.muli %parallel_loop3A_46, %parallel_loop3A_283 : i32
      %parallel_loop3A_285 = arith.constant 8 : i32
      %parallel_loop3A_286 = arith.index_cast %parallel_loop3A_285 : i32 to index
      %parallel_loop3A_287 = arith.index_cast %parallel_loop3A_284 : i32 to index
      %parallel_loop3A_288 = tpu.vector_load %arg9[%parallel_loop3A_286, %parallel_loop3A_287] {strides = array<i32>} : memref<16x256xf32, #tpu.memory_space<vmem>>, vector<16xf32>,
      %parallel_loop3A_289 = arith.addf %parallel_loop3A_268, %parallel_loop3A_288 : vector<16xf32>
      %parallel_loop3A_290 = arith.constant 16 : i32
      %parallel_loop3A_291 = arith.muli %parallel_loop3A_46, %parallel_loop3A_290 : i32
      %parallel_loop3A_292 = arith.constant 8 : i32
      %parallel_loop3A_293 = arith.index_cast %parallel_loop3A_292 : i32 to index
      %parallel_loop3A_294 = arith.index_cast %parallel_loop3A_291 : i32 to index
      %parallel_loop3A_295 = tpu.vector_load %arg10[%parallel_loop3A_293, %parallel_loop3A_294] {strides = array<i32>} : memref<16x256xf32, #tpu.memory_space<vmem>>, vector<16xf32>,
      %parallel_loop3A_296 = arith.addf %parallel_loop3A_289, %parallel_loop3A_295 : vector<16xf32>
      %parallel_loop3A_297 = arith.constant 16 : i32
      %parallel_loop3A_298 = arith.muli %parallel_loop3A_46, %parallel_loop3A_297 : i32
      %parallel_loop3A_299 = arith.constant 9 : i32
      %parallel_loop3A_300 = arith.index_cast %parallel_loop3A_299 : i32 to index
      %parallel_loop3A_301 = arith.index_cast %parallel_loop3A_298 : i32 to index
      %parallel_loop3A_302 = tpu.vector_load %arg7[%parallel_loop3A_300, %parallel_loop3A_301] {strides = array<i32>} : memref<16x256xf32, #tpu.memory_space<vmem>>, vector<16xf32>,
      %parallel_loop3A_303 = arith.addf %parallel_loop3A_282, %parallel_loop3A_302 : vector<16xf32>
      %parallel_loop3A_304 = arith.constant 16 : i32
      %parallel_loop3A_305 = arith.muli %parallel_loop3A_46, %parallel_loop3A_304 : i32
      %parallel_loop3A_306 = arith.constant 9 : i32
      %parallel_loop3A_307 = arith.index_cast %parallel_loop3A_306 : i32 to index
      %parallel_loop3A_308 = arith.index_cast %parallel_loop3A_305 : i32 to index
      %parallel_loop3A_309 = tpu.vector_load %arg8[%parallel_loop3A_307, %parallel_loop3A_308] {strides = array<i32>} : memref<16x256xf32, #tpu.memory_space<vmem>>, vector<16xf32>,
      %parallel_loop3A_310 = arith.addf %parallel_loop3A_303, %parallel_loop3A_309 : vector<16xf32>
      %parallel_loop3A_311 = arith.constant 16 : i32
      %parallel_loop3A_312 = arith.muli %parallel_loop3A_46, %parallel_loop3A_311 : i32
      %parallel_loop3A_313 = arith.constant 9 : i32
      %parallel_loop3A_314 = arith.index_cast %parallel_loop3A_313 : i32 to index
      %parallel_loop3A_315 = arith.index_cast %parallel_loop3A_312 : i32 to index
      %parallel_loop3A_316 = tpu.vector_load %arg9[%parallel_loop3A_314, %parallel_loop3A_315] {strides = array<i32>} : memref<16x256xf32, #tpu.memory_space<vmem>>, vector<16xf32>,
      %parallel_loop3A_317 = arith.addf %parallel_loop3A_296, %parallel_loop3A_316 : vector<16xf32>
      %parallel_loop3A_318 = arith.constant 16 : i32
      %parallel_loop3A_319 = arith.muli %parallel_loop3A_46, %parallel_loop3A_318 : i32
      %parallel_loop3A_320 = arith.constant 9 : i32
      %parallel_loop3A_321 = arith.index_cast %parallel_loop3A_320 : i32 to index
      %parallel_loop3A_322 = arith.index_cast %parallel_loop3A_319 : i32 to index
      %parallel_loop3A_323 = tpu.vector_load %arg10[%parallel_loop3A_321, %parallel_loop3A_322] {strides = array<i32>} : memref<16x256xf32, #tpu.memory_space<vmem>>, vector<16xf32>,
      %parallel_loop3A_324 = arith.addf %parallel_loop3A_317, %parallel_loop3A_323 : vector<16xf32>
      %parallel_loop3A_325 = arith.constant 16 : i32
      %parallel_loop3A_326 = arith.muli %parallel_loop3A_46, %parallel_loop3A_325 : i32
      %parallel_loop3A_327 = arith.constant 10 : i32
      %parallel_loop3A_328 = arith.index_cast %parallel_loop3A_327 : i32 to index
      %parallel_loop3A_329 = arith.index_cast %parallel_loop3A_326 : i32 to index
      %parallel_loop3A_330 = tpu.vector_load %arg7[%parallel_loop3A_328, %parallel_loop3A_329] {strides = array<i32>} : memref<16x256xf32, #tpu.memory_space<vmem>>, vector<16xf32>,
      %parallel_loop3A_331 = arith.addf %parallel_loop3A_310, %parallel_loop3A_330 : vector<16xf32>
      %parallel_loop3A_332 = arith.constant 16 : i32
      %parallel_loop3A_333 = arith.muli %parallel_loop3A_46, %parallel_loop3A_332 : i32
      %parallel_loop3A_334 = arith.constant 10 : i32
      %parallel_loop3A_335 = arith.index_cast %parallel_loop3A_334 : i32 to index
      %parallel_loop3A_336 = arith.index_cast %parallel_loop3A_333 : i32 to index
      %parallel_loop3A_337 = tpu.vector_load %arg8[%parallel_loop3A_335, %parallel_loop3A_336] {strides = array<i32>} : memref<16x256xf32, #tpu.memory_space<vmem>>, vector<16xf32>,
      %parallel_loop3A_338 = arith.addf %parallel_loop3A_331, %parallel_loop3A_337 : vector<16xf32>
      %parallel_loop3A_339 = arith.constant 16 : i32
      %parallel_loop3A_340 = arith.muli %parallel_loop3A_46, %parallel_loop3A_339 : i32
      %parallel_loop3A_341 = arith.constant 10 : i32
      %parallel_loop3A_342 = arith.index_cast %parallel_loop3A_341 : i32 to index
      %parallel_loop3A_343 = arith.index_cast %parallel_loop3A_340 : i32 to index
      %parallel_loop3A_344 = tpu.vector_load %arg9[%parallel_loop3A_342, %parallel_loop3A_343] {strides = array<i32>} : memref<16x256xf32, #tpu.memory_space<vmem>>, vector<16xf32>,
      %parallel_loop3A_345 = arith.addf %parallel_loop3A_324, %parallel_loop3A_344 : vector<16xf32>
      %parallel_loop3A_346 = arith.constant 16 : i32
      %parallel_loop3A_347 = arith.muli %parallel_loop3A_46, %parallel_loop3A_346 : i32
      %parallel_loop3A_348 = arith.constant 10 : i32
      %parallel_loop3A_349 = arith.index_cast %parallel_loop3A_348 : i32 to index
      %parallel_loop3A_350 = arith.index_cast %parallel_loop3A_347 : i32 to index
      %parallel_loop3A_351 = tpu.vector_load %arg10[%parallel_loop3A_349, %parallel_loop3A_350] {strides = array<i32>} : memref<16x256xf32, #tpu.memory_space<vmem>>, vector<16xf32>,
      %parallel_loop3A_352 = arith.addf %parallel_loop3A_345, %parallel_loop3A_351 : vector<16xf32>
      %parallel_loop3A_353 = arith.constant 16 : i32
      %parallel_loop3A_354 = arith.muli %parallel_loop3A_46, %parallel_loop3A_353 : i32
      %parallel_loop3A_355 = arith.constant 11 : i32
      %parallel_loop3A_356 = arith.index_cast %parallel_loop3A_355 : i32 to index
      %parallel_loop3A_357 = arith.index_cast %parallel_loop3A_354 : i32 to index
      %parallel_loop3A_358 = tpu.vector_load %arg7[%parallel_loop3A_356, %parallel_loop3A_357] {strides = array<i32>} : memref<16x256xf32, #tpu.memory_space<vmem>>, vector<16xf32>,
      %parallel_loop3A_359 = arith.addf %parallel_loop3A_338, %parallel_loop3A_358 : vector<16xf32>
      %parallel_loop3A_360 = arith.constant 16 : i32
      %parallel_loop3A_361 = arith.muli %parallel_loop3A_46, %parallel_loop3A_360 : i32
      %parallel_loop3A_362 = arith.constant 11 : i32
      %parallel_loop3A_363 = arith.index_cast %parallel_loop3A_362 : i32 to index
      %parallel_loop3A_364 = arith.index_cast %parallel_loop3A_361 : i32 to index
      %parallel_loop3A_365 = tpu.vector_load %arg8[%parallel_loop3A_363, %parallel_loop3A_364] {strides = array<i32>} : memref<16x256xf32, #tpu.memory_space<vmem>>, vector<16xf32>,
      %parallel_loop3A_366 = arith.addf %parallel_loop3A_359, %parallel_loop3A_365 : vector<16xf32>
      %parallel_loop3A_367 = arith.constant 16 : i32
      %parallel_loop3A_368 = arith.muli %parallel_loop3A_46, %parallel_loop3A_367 : i32
      %parallel_loop3A_369 = arith.constant 11 : i32
      %parallel_loop3A_370 = arith.index_cast %parallel_loop3A_369 : i32 to index
      %parallel_loop3A_371 = arith.index_cast %parallel_loop3A_368 : i32 to index
      %parallel_loop3A_372 = tpu.vector_load %arg9[%parallel_loop3A_370, %parallel_loop3A_371] {strides = array<i32>} : memref<16x256xf32, #tpu.memory_space<vmem>>, vector<16xf32>,
      %parallel_loop3A_373 = arith.addf %parallel_loop3A_352, %parallel_loop3A_372 : vector<16xf32>
      %parallel_loop3A_374 = arith.constant 16 : i32
      %parallel_loop3A_375 = arith.muli %parallel_loop3A_46, %parallel_loop3A_374 : i32
      %parallel_loop3A_376 = arith.constant 11 : i32
      %parallel_loop3A_377 = arith.index_cast %parallel_loop3A_376 : i32 to index
      %parallel_loop3A_378 = arith.index_cast %parallel_loop3A_375 : i32 to index
      %parallel_loop3A_379 = tpu.vector_load %arg10[%parallel_loop3A_377, %parallel_loop3A_378] {strides = array<i32>} : memref<16x256xf32, #tpu.memory_space<vmem>>, vector<16xf32>,
      %parallel_loop3A_380 = arith.addf %parallel_loop3A_373, %parallel_loop3A_379 : vector<16xf32>
      %parallel_loop3A_381 = arith.constant 16 : i32
      %parallel_loop3A_382 = arith.muli %parallel_loop3A_46, %parallel_loop3A_381 : i32
      %parallel_loop3A_383 = arith.constant 12 : i32
      %parallel_loop3A_384 = arith.index_cast %parallel_loop3A_383 : i32 to index
      %parallel_loop3A_385 = arith.index_cast %parallel_loop3A_382 : i32 to index
      %parallel_loop3A_386 = tpu.vector_load %arg7[%parallel_loop3A_384, %parallel_loop3A_385] {strides = array<i32>} : memref<16x256xf32, #tpu.memory_space<vmem>>, vector<16xf32>,
      %parallel_loop3A_387 = arith.addf %parallel_loop3A_366, %parallel_loop3A_386 : vector<16xf32>
      %parallel_loop3A_388 = arith.constant 16 : i32
      %parallel_loop3A_389 = arith.muli %parallel_loop3A_46, %parallel_loop3A_388 : i32
      %parallel_loop3A_390 = arith.constant 12 : i32
      %parallel_loop3A_391 = arith.index_cast %parallel_loop3A_390 : i32 to index
      %parallel_loop3A_392 = arith.index_cast %parallel_loop3A_389 : i32 to index
      %parallel_loop3A_393 = tpu.vector_load %arg8[%parallel_loop3A_391, %parallel_loop3A_392] {strides = array<i32>} : memref<16x256xf32, #tpu.memory_space<vmem>>, vector<16xf32>,
      %parallel_loop3A_394 = arith.addf %parallel_loop3A_387, %parallel_loop3A_393 : vector<16xf32>
      %parallel_loop3A_395 = arith.constant 16 : i32
      %parallel_loop3A_396 = arith.muli %parallel_loop3A_46, %parallel_loop3A_395 : i32
      %parallel_loop3A_397 = arith.constant 12 : i32
      %parallel_loop3A_398 = arith.index_cast %parallel_loop3A_397 : i32 to index
      %parallel_loop3A_399 = arith.index_cast %parallel_loop3A_396 : i32 to index
      %parallel_loop3A_400 = tpu.vector_load %arg9[%parallel_loop3A_398, %parallel_loop3A_399] {strides = array<i32>} : memref<16x256xf32, #tpu.memory_space<vmem>>, vector<16xf32>,
      %parallel_loop3A_401 = arith.addf %parallel_loop3A_380, %parallel_loop3A_400 : vector<16xf32>
      %parallel_loop3A_402 = arith.constant 16 : i32
      %parallel_loop3A_403 = arith.muli %parallel_loop3A_46, %parallel_loop3A_402 : i32
      %parallel_loop3A_404 = arith.constant 12 : i32
      %parallel_loop3A_405 = arith.index_cast %parallel_loop3A_404 : i32 to index
      %parallel_loop3A_406 = arith.index_cast %parallel_loop3A_403 : i32 to index
      %parallel_loop3A_407 = tpu.vector_load %arg10[%parallel_loop3A_405, %parallel_loop3A_406] {strides = array<i32>} : memref<16x256xf32, #tpu.memory_space<vmem>>, vector<16xf32>,
      %parallel_loop3A_408 = arith.addf %parallel_loop3A_401, %parallel_loop3A_407 : vector<16xf32>
      %parallel_loop3A_409 = arith.constant 16 : i32
      %parallel_loop3A_410 = arith.muli %parallel_loop3A_46, %parallel_loop3A_409 : i32
      %parallel_loop3A_411 = arith.constant 13 : i32
      %parallel_loop3A_412 = arith.index_cast %parallel_loop3A_411 : i32 to index
      %parallel_loop3A_413 = arith.index_cast %parallel_loop3A_410 : i32 to index
      %parallel_loop3A_414 = tpu.vector_load %arg7[%parallel_loop3A_412, %parallel_loop3A_413] {strides = array<i32>} : memref<16x256xf32, #tpu.memory_space<vmem>>, vector<16xf32>,
      %parallel_loop3A_415 = arith.addf %parallel_loop3A_394, %parallel_loop3A_414 : vector<16xf32>
      %parallel_loop3A_416 = arith.constant 16 : i32
      %parallel_loop3A_417 = arith.muli %parallel_loop3A_46, %parallel_loop3A_416 : i32
      %parallel_loop3A_418 = arith.constant 13 : i32
      %parallel_loop3A_419 = arith.index_cast %parallel_loop3A_418 : i32 to index
      %parallel_loop3A_420 = arith.index_cast %parallel_loop3A_417 : i32 to index
      %parallel_loop3A_421 = tpu.vector_load %arg8[%parallel_loop3A_419, %parallel_loop3A_420] {strides = array<i32>} : memref<16x256xf32, #tpu.memory_space<vmem>>, vector<16xf32>,
      %parallel_loop3A_422 = arith.addf %parallel_loop3A_415, %parallel_loop3A_421 : vector<16xf32>
      %parallel_loop3A_423 = arith.constant 16 : i32
      %parallel_loop3A_424 = arith.muli %parallel_loop3A_46, %parallel_loop3A_423 : i32
      %parallel_loop3A_425 = arith.constant 13 : i32
      %parallel_loop3A_426 = arith.index_cast %parallel_loop3A_425 : i32 to index
      %parallel_loop3A_427 = arith.index_cast %parallel_loop3A_424 : i32 to index
      %parallel_loop3A_428 = tpu.vector_load %arg9[%parallel_loop3A_426, %parallel_loop3A_427] {strides = array<i32>} : memref<16x256xf32, #tpu.memory_space<vmem>>, vector<16xf32>,
      %parallel_loop3A_429 = arith.addf %parallel_loop3A_408, %parallel_loop3A_428 : vector<16xf32>
      %parallel_loop3A_430 = arith.constant 16 : i32
      %parallel_loop3A_431 = arith.muli %parallel_loop3A_46, %parallel_loop3A_430 : i32
      %parallel_loop3A_432 = arith.constant 13 : i32
      %parallel_loop3A_433 = arith.index_cast %parallel_loop3A_432 : i32 to index
      %parallel_loop3A_434 = arith.index_cast %parallel_loop3A_431 : i32 to index
      %parallel_loop3A_435 = tpu.vector_load %arg10[%parallel_loop3A_433, %parallel_loop3A_434] {strides = array<i32>} : memref<16x256xf32, #tpu.memory_space<vmem>>, vector<16xf32>,
      %parallel_loop3A_436 = arith.addf %parallel_loop3A_429, %parallel_loop3A_435 : vector<16xf32>
      %parallel_loop3A_437 = arith.constant 16 : i32
      %parallel_loop3A_438 = arith.muli %parallel_loop3A_46, %parallel_loop3A_437 : i32
      %parallel_loop3A_439 = arith.constant 14 : i32
      %parallel_loop3A_440 = arith.index_cast %parallel_loop3A_439 : i32 to index
      %parallel_loop3A_441 = arith.index_cast %parallel_loop3A_438 : i32 to index
      %parallel_loop3A_442 = tpu.vector_load %arg7[%parallel_loop3A_440, %parallel_loop3A_441] {strides = array<i32>} : memref<16x256xf32, #tpu.memory_space<vmem>>, vector<16xf32>,
      %parallel_loop3A_443 = arith.addf %parallel_loop3A_422, %parallel_loop3A_442 : vector<16xf32>
      %parallel_loop3A_444 = arith.constant 16 : i32
      %parallel_loop3A_445 = arith.muli %parallel_loop3A_46, %parallel_loop3A_444 : i32
      %parallel_loop3A_446 = arith.constant 14 : i32
      %parallel_loop3A_447 = arith.index_cast %parallel_loop3A_446 : i32 to index
      %parallel_loop3A_448 = arith.index_cast %parallel_loop3A_445 : i32 to index
      %parallel_loop3A_449 = tpu.vector_load %arg8[%parallel_loop3A_447, %parallel_loop3A_448] {strides = array<i32>} : memref<16x256xf32, #tpu.memory_space<vmem>>, vector<16xf32>,
      %parallel_loop3A_450 = arith.addf %parallel_loop3A_443, %parallel_loop3A_449 : vector<16xf32>
      %parallel_loop3A_451 = arith.constant 16 : i32
      %parallel_loop3A_452 = arith.muli %parallel_loop3A_46, %parallel_loop3A_451 : i32
      %parallel_loop3A_453 = arith.constant 14 : i32
      %parallel_loop3A_454 = arith.index_cast %parallel_loop3A_453 : i32 to index
      %parallel_loop3A_455 = arith.index_cast %parallel_loop3A_452 : i32 to index
      %parallel_loop3A_456 = tpu.vector_load %arg9[%parallel_loop3A_454, %parallel_loop3A_455] {strides = array<i32>} : memref<16x256xf32, #tpu.memory_space<vmem>>, vector<16xf32>,
      %parallel_loop3A_457 = arith.addf %parallel_loop3A_436, %parallel_loop3A_456 : vector<16xf32>
      %parallel_loop3A_458 = arith.constant 16 : i32
      %parallel_loop3A_459 = arith.muli %parallel_loop3A_46, %parallel_loop3A_458 : i32
      %parallel_loop3A_460 = arith.constant 14 : i32
      %parallel_loop3A_461 = arith.index_cast %parallel_loop3A_460 : i32 to index
      %parallel_loop3A_462 = arith.index_cast %parallel_loop3A_459 : i32 to index
      %parallel_loop3A_463 = tpu.vector_load %arg10[%parallel_loop3A_461, %parallel_loop3A_462] {strides = array<i32>} : memref<16x256xf32, #tpu.memory_space<vmem>>, vector<16xf32>,
      %parallel_loop3A_464 = arith.addf %parallel_loop3A_457, %parallel_loop3A_463 : vector<16xf32>
      %parallel_loop3A_465 = arith.constant 16 : i32
      %parallel_loop3A_466 = arith.muli %parallel_loop3A_46, %parallel_loop3A_465 : i32
      %parallel_loop3A_467 = arith.constant 15 : i32
      %parallel_loop3A_468 = arith.index_cast %parallel_loop3A_467 : i32 to index
      %parallel_loop3A_469 = arith.index_cast %parallel_loop3A_466 : i32 to index
      %parallel_loop3A_470 = tpu.vector_load %arg7[%parallel_loop3A_468, %parallel_loop3A_469] {strides = array<i32>} : memref<16x256xf32, #tpu.memory_space<vmem>>, vector<16xf32>,
      %parallel_loop3A_471 = arith.addf %parallel_loop3A_450, %parallel_loop3A_470 : vector<16xf32>
      %parallel_loop3A_472 = arith.constant 16 : i32
      %parallel_loop3A_473 = arith.muli %parallel_loop3A_46, %parallel_loop3A_472 : i32
      %parallel_loop3A_474 = arith.constant 15 : i32
      %parallel_loop3A_475 = arith.index_cast %parallel_loop3A_474 : i32 to index
      %parallel_loop3A_476 = arith.index_cast %parallel_loop3A_473 : i32 to index
      %parallel_loop3A_477 = tpu.vector_load %arg8[%parallel_loop3A_475, %parallel_loop3A_476] {strides = array<i32>} : memref<16x256xf32, #tpu.memory_space<vmem>>, vector<16xf32>,
      %parallel_loop3A_478 = arith.addf %parallel_loop3A_471, %parallel_loop3A_477 : vector<16xf32>
      %parallel_loop3A_479 = arith.constant 16 : i32
      %parallel_loop3A_480 = arith.muli %parallel_loop3A_46, %parallel_loop3A_479 : i32
      %parallel_loop3A_481 = arith.constant 15 : i32
      %parallel_loop3A_482 = arith.index_cast %parallel_loop3A_481 : i32 to index
      %parallel_loop3A_483 = arith.index_cast %parallel_loop3A_480 : i32 to index
      %parallel_loop3A_484 = tpu.vector_load %arg9[%parallel_loop3A_482, %parallel_loop3A_483] {strides = array<i32>} : memref<16x256xf32, #tpu.memory_space<vmem>>, vector<16xf32>,
      %parallel_loop3A_485 = arith.addf %parallel_loop3A_464, %parallel_loop3A_484 : vector<16xf32>
      %parallel_loop3A_486 = arith.constant 16 : i32
      %parallel_loop3A_487 = arith.muli %parallel_loop3A_46, %parallel_loop3A_486 : i32
      %parallel_loop3A_488 = arith.constant 15 : i32
      %parallel_loop3A_489 = arith.index_cast %parallel_loop3A_488 : i32 to index
      %parallel_loop3A_490 = arith.index_cast %parallel_loop3A_487 : i32 to index
      %parallel_loop3A_491 = tpu.vector_load %arg10[%parallel_loop3A_489, %parallel_loop3A_490] {strides = array<i32>} : memref<16x256xf32, #tpu.memory_space<vmem>>, vector<16xf32>,
      %parallel_loop3A_492 = arith.addf %parallel_loop3A_485, %parallel_loop3A_491 : vector<16xf32>
      %parallel_loop3A_493 = arith.constant 16 : i32
      %parallel_loop3A_494 = arith.muli %parallel_loop3A_46, %parallel_loop3A_493 : i32
      %parallel_loop3A_495 = arith.index_cast %parallel_loop3A_494 : i32 to index
      %parallel_loop3A_496 = tpu.vector_load %arg11[%parallel_loop3A_495] {strides = array<i32>} : memref<512xf32, #tpu.memory_space<vmem>>, vector<16xf32>,
      tpu.vector_store %arg11[%parallel_loop3A_495], %parallel_loop3A_478 {strides = array<i32>} : memref<512xf32, #tpu.memory_space<vmem>>, vector<16xf32>,
      %parallel_loop3A_497 = arith.constant 16 : i32
      %parallel_loop3A_498 = arith.muli %parallel_loop3A_46, %parallel_loop3A_497 : i32
      %parallel_loop3A_499 = arith.constant 256 : i32
      %parallel_loop3A_500 = arith.addi %parallel_loop3A_499, %parallel_loop3A_498 : i32
      %parallel_loop3A_501 = arith.index_cast %parallel_loop3A_500 : i32 to index
      %parallel_loop3A_502 = tpu.vector_load %arg11[%parallel_loop3A_501] {strides = array<i32>} : memref<512xf32, #tpu.memory_space<vmem>>, vector<16xf32>,
      tpu.vector_store %arg11[%parallel_loop3A_501], %parallel_loop3A_492 {strides = array<i32>} : memref<512xf32, #tpu.memory_space<vmem>>, vector<16xf32>,
    } {sc.loop_unroll_factor = 1 : i64, sc.parallel_access}
    "tpu.region"() ({
      %run_scoped3A = tpu.sem_alloc : memref<!tpu.dma_semaphore, #tpu.memory_space<semaphore_mem>>
      %dma_start3A = arith.constant 0 : i32
      %dma_start3A_46 = tpu.memref_slice %arg4[%add3A, %dma_start3A] : memref<32x512xf32, #tpu.memory_space<hbm>> -> memref<1x512xf32, #tpu.memory_space<hbm>>
      %dma_start3A_47 = tpu.memref_squeeze %dma_start3A_46 : memref<1x512xf32, #tpu.memory_space<hbm>> -> memref<512xf32, #tpu.memory_space<hbm>>
      %dma_start3A_48 = arith.constant 0 : i32
      %dma_start3A_49 = tpu.memref_slice %arg4[%add3A, %dma_start3A_48] : memref<32x512xf32, #tpu.memory_space<hbm>> -> memref<1x512xf32, #tpu.memory_space<hbm>>
      %dma_start3A_50 = tpu.memref_squeeze %dma_start3A_49 : memref<1x512xf32, #tpu.memory_space<hbm>> -> memref<512xf32, #tpu.memory_space<hbm>>
      tpu.enqueue_dma source(%arg11 : memref<512xf32, #tpu.memory_space<vmem>>) target(%dma_start3A_50 : memref<512xf32, #tpu.memory_space<hbm>>) target_semaphore(%run_scoped3A : memref<!tpu.dma_semaphore, #tpu.memory_space<semaphore_mem>>)
      %dma_wait3A = arith.constant 0 : i32
      %dma_wait3A_51 = tpu.memref_slice %arg4[%add3A, %dma_wait3A] : memref<32x512xf32, #tpu.memory_space<hbm>> -> memref<1x512xf32, #tpu.memory_space<hbm>>
      %dma_wait3A_52 = tpu.memref_squeeze %dma_wait3A_51 : memref<1x512xf32, #tpu.memory_space<hbm>> -> memref<512xf32, #tpu.memory_space<hbm>>
      %dma_wait3A_53 = arith.constant 0 : i32
      %dma_wait3A_54 = tpu.memref_slice %arg4[%add3A, %dma_wait3A_53] : memref<32x512xf32, #tpu.memory_space<hbm>> -> memref<1x512xf32, #tpu.memory_space<hbm>>
      %dma_wait3A_55 = tpu.memref_squeeze %dma_wait3A_54 : memref<1x512xf32, #tpu.memory_space<hbm>> -> memref<512xf32, #tpu.memory_space<hbm>>
      tpu.wait_dma2 semaphore(%run_scoped3A : memref<!tpu.dma_semaphore, #tpu.memory_space<semaphore_mem>>) src(%arg11 : memref<512xf32, #tpu.memory_space<vmem>>) dst(%dma_wait3A_55 : memref<512xf32, #tpu.memory_space<hbm>>)
      tpu.yield
    }) : () -> ()
    return
  }
}

#map = affine_map<(d0, d1) -> (0)>
#map1 = affine_map<(d0, d1) -> (0, 0)>
module attributes {stable_mosaic.version = 14 : i64} {
  func.func @_norm_body(%arg0: i32, %arg1: i32, %arg2: memref<300000xf32, #tpu.memory_space<hbm>>, %arg3: memref<100000xi32, #tpu.memory_space<hbm>>, %arg4: memref<16xf32, #tpu.memory_space<hbm>>, %arg5: memref<32x512xf32, #tpu.memory_space<hbm>>, %arg6: memref<300000xf32, #tpu.memory_space<hbm>>, %arg7: memref<9408xf32, #tpu.memory_space<vmem>>, %arg8: memref<9408xf32, #tpu.memory_space<vmem>>, %arg9: memref<3136xi32, #tpu.memory_space<vmem>>, %arg10: memref<32x512xf32, #tpu.memory_space<vmem>>, %arg11: memref<256xf32, #tpu.memory_space<vmem>>, %arg12: memref<16xf32, #tpu.memory_space<vmem>>, %arg13: memref<!tpu.dma_semaphore, #tpu.memory_space<semaphore_mem>>) attributes {dimension_semantics = [#tpu.dimension_semantics<core_parallel>, #tpu.dimension_semantics<subcore_parallel>], iteration_bounds = array<i64: 2, 16>, scalar_prefetch = 0 : i64, scratch_operands = 7 : i64, tpu.core_type = #tpu.core_type<sc_vector_subcore>, window_params = [{transform_indices = #map}, {transform_indices = #map}, {transform_indices = #map}, {transform_indices = #map1}, {transform_indices = #map}]} {
    %mul3A = arith.constant 2 : i32
    %mul3A_0 = arith.muli %arg1, %mul3A : i32
    %add3A = arith.addi %mul3A_0, %arg0 : i32
    tpu.enqueue_dma source(%arg5 : memref<32x512xf32, #tpu.memory_space<hbm>>) target(%arg10 : memref<32x512xf32, #tpu.memory_space<vmem>>) target_semaphore(%arg13 : memref<!tpu.dma_semaphore, #tpu.memory_space<semaphore_mem>>)
    tpu.enqueue_dma source(%arg4 : memref<16xf32, #tpu.memory_space<hbm>>) target(%arg12 : memref<16xf32, #tpu.memory_space<vmem>>) target_semaphore(%arg13 : memref<!tpu.dma_semaphore, #tpu.memory_space<semaphore_mem>>)
    %lt3A = arith.constant 31 : i32
    %lt3A_1 = arith.cmpi slt, %add3A, %lt3A : i32
    %convert_element_type3A = arith.extui %lt3A_1 : i1 to i32
    %cond3A = arith.constant 0 : i32
    %cond3A_2 = arith.cmpi ne, %convert_element_type3A, %cond3A : i32
    scf.if %cond3A_2 {
      %mul3A_43 = arith.constant 3136 : i32
      %mul3A_44 = arith.muli %add3A, %mul3A_43 : i32
      %add3A_45 = arith.constant 0 : i32
      %add3A_46 = arith.addi %add3A_45, %mul3A_44 : i32
      %dma_start3A = arith.constant 0 : i32
      %dma_start3A_47 = tpu.memref_slice %arg7[%dma_start3A] : memref<9408xf32, #tpu.memory_space<vmem>> -> memref<3136xf32, #tpu.memory_space<vmem>>
      %dma_start3A_48 = tpu.memref_slice %arg2[%add3A_46] : memref<300000xf32, #tpu.memory_space<hbm>> -> memref<3136xf32, #tpu.memory_space<hbm>>
      %dma_start3A_49 = arith.constant 0 : i32
      %dma_start3A_50 = tpu.memref_slice %arg7[%dma_start3A_49] : memref<9408xf32, #tpu.memory_space<vmem>> -> memref<3136xf32, #tpu.memory_space<vmem>>
      %dma_start3A_51 = tpu.memref_slice %arg2[%add3A_46] : memref<300000xf32, #tpu.memory_space<hbm>> -> memref<3136xf32, #tpu.memory_space<hbm>>
      tpu.enqueue_dma source(%dma_start3A_51 : memref<3136xf32, #tpu.memory_space<hbm>>) target(%dma_start3A_50 : memref<3136xf32, #tpu.memory_space<vmem>>) target_semaphore(%arg13 : memref<!tpu.dma_semaphore, #tpu.memory_space<semaphore_mem>>)
      %mul3A_52 = arith.constant 3136 : i32
      %mul3A_53 = arith.muli %add3A, %mul3A_52 : i32
      %add3A_54 = arith.constant 100000 : i32
      %add3A_55 = arith.addi %add3A_54, %mul3A_53 : i32
      %dma_start3A_56 = arith.constant 3136 : i32
      %dma_start3A_57 = tpu.memref_slice %arg7[%dma_start3A_56] : memref<9408xf32, #tpu.memory_space<vmem>> -> memref<3136xf32, #tpu.memory_space<vmem>>
      %dma_start3A_58 = tpu.memref_slice %arg2[%add3A_55] : memref<300000xf32, #tpu.memory_space<hbm>> -> memref<3136xf32, #tpu.memory_space<hbm>>
      %dma_start3A_59 = arith.constant 3136 : i32
      %dma_start3A_60 = tpu.memref_slice %arg7[%dma_start3A_59] : memref<9408xf32, #tpu.memory_space<vmem>> -> memref<3136xf32, #tpu.memory_space<vmem>>
      %dma_start3A_61 = tpu.memref_slice %arg2[%add3A_55] : memref<300000xf32, #tpu.memory_space<hbm>> -> memref<3136xf32, #tpu.memory_space<hbm>>
      tpu.enqueue_dma source(%dma_start3A_61 : memref<3136xf32, #tpu.memory_space<hbm>>) target(%dma_start3A_60 : memref<3136xf32, #tpu.memory_space<vmem>>) target_semaphore(%arg13 : memref<!tpu.dma_semaphore, #tpu.memory_space<semaphore_mem>>)
      %mul3A_62 = arith.constant 3136 : i32
      %mul3A_63 = arith.muli %add3A, %mul3A_62 : i32
      %add3A_64 = arith.constant 200000 : i32
      %add3A_65 = arith.addi %add3A_64, %mul3A_63 : i32
      %dma_start3A_66 = arith.constant 6272 : i32
      %dma_start3A_67 = tpu.memref_slice %arg7[%dma_start3A_66] : memref<9408xf32, #tpu.memory_space<vmem>> -> memref<3136xf32, #tpu.memory_space<vmem>>
      %dma_start3A_68 = tpu.memref_slice %arg2[%add3A_65] : memref<300000xf32, #tpu.memory_space<hbm>> -> memref<3136xf32, #tpu.memory_space<hbm>>
      %dma_start3A_69 = arith.constant 6272 : i32
      %dma_start3A_70 = tpu.memref_slice %arg7[%dma_start3A_69] : memref<9408xf32, #tpu.memory_space<vmem>> -> memref<3136xf32, #tpu.memory_space<vmem>>
      %dma_start3A_71 = tpu.memref_slice %arg2[%add3A_65] : memref<300000xf32, #tpu.memory_space<hbm>> -> memref<3136xf32, #tpu.memory_space<hbm>>
      tpu.enqueue_dma source(%dma_start3A_71 : memref<3136xf32, #tpu.memory_space<hbm>>) target(%dma_start3A_70 : memref<3136xf32, #tpu.memory_space<vmem>>) target_semaphore(%arg13 : memref<!tpu.dma_semaphore, #tpu.memory_space<semaphore_mem>>)
      %mul3A_72 = arith.constant 3136 : i32
      %mul3A_73 = arith.muli %add3A, %mul3A_72 : i32
      %dma_start3A_74 = arith.constant 0 : i32
      %dma_start3A_75 = tpu.memref_slice %arg9[%dma_start3A_74] : memref<3136xi32, #tpu.memory_space<vmem>> -> memref<3136xi32, #tpu.memory_space<vmem>>
      %dma_start3A_76 = tpu.memref_slice %arg3[%mul3A_73] : memref<100000xi32, #tpu.memory_space<hbm>> -> memref<3136xi32, #tpu.memory_space<hbm>>
      %dma_start3A_77 = arith.constant 0 : i32
      %dma_start3A_78 = tpu.memref_slice %arg9[%dma_start3A_77] : memref<3136xi32, #tpu.memory_space<vmem>> -> memref<3136xi32, #tpu.memory_space<vmem>>
      %dma_start3A_79 = tpu.memref_slice %arg3[%mul3A_73] : memref<100000xi32, #tpu.memory_space<hbm>> -> memref<3136xi32, #tpu.memory_space<hbm>>
      tpu.enqueue_dma source(%dma_start3A_79 : memref<3136xi32, #tpu.memory_space<hbm>>) target(%dma_start3A_78 : memref<3136xi32, #tpu.memory_space<vmem>>) target_semaphore(%arg13 : memref<!tpu.dma_semaphore, #tpu.memory_space<semaphore_mem>>)
      %dma_wait3A = arith.constant 0 : i32
      %dma_wait3A_80 = tpu.memref_slice %arg7[%dma_wait3A] : memref<9408xf32, #tpu.memory_space<vmem>> -> memref<3136xf32, #tpu.memory_space<vmem>>
      %dma_wait3A_81 = tpu.memref_slice %arg2[%add3A_46] : memref<300000xf32, #tpu.memory_space<hbm>> -> memref<3136xf32, #tpu.memory_space<hbm>>
      %dma_wait3A_82 = arith.constant 0 : i32
      %dma_wait3A_83 = tpu.memref_slice %arg7[%dma_wait3A_82] : memref<9408xf32, #tpu.memory_space<vmem>> -> memref<3136xf32, #tpu.memory_space<vmem>>
      %dma_wait3A_84 = tpu.memref_slice %arg2[%add3A_46] : memref<300000xf32, #tpu.memory_space<hbm>> -> memref<3136xf32, #tpu.memory_space<hbm>>
      tpu.wait_dma2 semaphore(%arg13 : memref<!tpu.dma_semaphore, #tpu.memory_space<semaphore_mem>>) src(%dma_wait3A_84 : memref<3136xf32, #tpu.memory_space<hbm>>) dst(%dma_wait3A_83 : memref<3136xf32, #tpu.memory_space<vmem>>)
      %dma_wait3A_85 = arith.constant 3136 : i32
      %dma_wait3A_86 = tpu.memref_slice %arg7[%dma_wait3A_85] : memref<9408xf32, #tpu.memory_space<vmem>> -> memref<3136xf32, #tpu.memory_space<vmem>>
      %dma_wait3A_87 = tpu.memref_slice %arg2[%add3A_55] : memref<300000xf32, #tpu.memory_space<hbm>> -> memref<3136xf32, #tpu.memory_space<hbm>>
      %dma_wait3A_88 = arith.constant 3136 : i32
      %dma_wait3A_89 = tpu.memref_slice %arg7[%dma_wait3A_88] : memref<9408xf32, #tpu.memory_space<vmem>> -> memref<3136xf32, #tpu.memory_space<vmem>>
      %dma_wait3A_90 = tpu.memref_slice %arg2[%add3A_55] : memref<300000xf32, #tpu.memory_space<hbm>> -> memref<3136xf32, #tpu.memory_space<hbm>>
      tpu.wait_dma2 semaphore(%arg13 : memref<!tpu.dma_semaphore, #tpu.memory_space<semaphore_mem>>) src(%dma_wait3A_90 : memref<3136xf32, #tpu.memory_space<hbm>>) dst(%dma_wait3A_89 : memref<3136xf32, #tpu.memory_space<vmem>>)
      %dma_wait3A_91 = arith.constant 6272 : i32
      %dma_wait3A_92 = tpu.memref_slice %arg7[%dma_wait3A_91] : memref<9408xf32, #tpu.memory_space<vmem>> -> memref<3136xf32, #tpu.memory_space<vmem>>
      %dma_wait3A_93 = tpu.memref_slice %arg2[%add3A_65] : memref<300000xf32, #tpu.memory_space<hbm>> -> memref<3136xf32, #tpu.memory_space<hbm>>
      %dma_wait3A_94 = arith.constant 6272 : i32
      %dma_wait3A_95 = tpu.memref_slice %arg7[%dma_wait3A_94] : memref<9408xf32, #tpu.memory_space<vmem>> -> memref<3136xf32, #tpu.memory_space<vmem>>
      %dma_wait3A_96 = tpu.memref_slice %arg2[%add3A_65] : memref<300000xf32, #tpu.memory_space<hbm>> -> memref<3136xf32, #tpu.memory_space<hbm>>
      tpu.wait_dma2 semaphore(%arg13 : memref<!tpu.dma_semaphore, #tpu.memory_space<semaphore_mem>>) src(%dma_wait3A_96 : memref<3136xf32, #tpu.memory_space<hbm>>) dst(%dma_wait3A_95 : memref<3136xf32, #tpu.memory_space<vmem>>)
      %dma_wait3A_97 = arith.constant 0 : i32
      %dma_wait3A_98 = tpu.memref_slice %arg9[%dma_wait3A_97] : memref<3136xi32, #tpu.memory_space<vmem>> -> memref<3136xi32, #tpu.memory_space<vmem>>
      %dma_wait3A_99 = tpu.memref_slice %arg3[%mul3A_73] : memref<100000xi32, #tpu.memory_space<hbm>> -> memref<3136xi32, #tpu.memory_space<hbm>>
      %dma_wait3A_100 = arith.constant 0 : i32
      %dma_wait3A_101 = tpu.memref_slice %arg9[%dma_wait3A_100] : memref<3136xi32, #tpu.memory_space<vmem>> -> memref<3136xi32, #tpu.memory_space<vmem>>
      %dma_wait3A_102 = tpu.memref_slice %arg3[%mul3A_73] : memref<100000xi32, #tpu.memory_space<hbm>> -> memref<3136xi32, #tpu.memory_space<hbm>>
      tpu.wait_dma2 semaphore(%arg13 : memref<!tpu.dma_semaphore, #tpu.memory_space<semaphore_mem>>) src(%dma_wait3A_102 : memref<3136xi32, #tpu.memory_space<hbm>>) dst(%dma_wait3A_101 : memref<3136xi32, #tpu.memory_space<vmem>>)
    } else {
    }
    %eq3A = arith.constant 31 : i32
    %eq3A_3 = arith.cmpi eq, %add3A, %eq3A : i32
    %convert_element_type3A_4 = arith.extui %eq3A_3 : i1 to i32
    %cond3A_5 = arith.constant 0 : i32
    %cond3A_6 = arith.cmpi ne, %convert_element_type3A_4, %cond3A_5 : i32
    scf.if %cond3A_6 {
      %mul3A_43 = arith.constant 3136 : i32
      %mul3A_44 = arith.muli %add3A, %mul3A_43 : i32
      %add3A_45 = arith.constant 0 : i32
      %add3A_46 = arith.addi %add3A_45, %mul3A_44 : i32
      %dma_start3A = arith.constant 0 : i32
      %dma_start3A_47 = tpu.memref_slice %arg7[%dma_start3A] : memref<9408xf32, #tpu.memory_space<vmem>> -> memref<2784xf32, #tpu.memory_space<vmem>>
      %dma_start3A_48 = tpu.memref_slice %arg2[%add3A_46] : memref<300000xf32, #tpu.memory_space<hbm>> -> memref<2784xf32, #tpu.memory_space<hbm>>
      %dma_start3A_49 = arith.constant 0 : i32
      %dma_start3A_50 = tpu.memref_slice %arg7[%dma_start3A_49] : memref<9408xf32, #tpu.memory_space<vmem>> -> memref<2784xf32, #tpu.memory_space<vmem>>
      %dma_start3A_51 = tpu.memref_slice %arg2[%add3A_46] : memref<300000xf32, #tpu.memory_space<hbm>> -> memref<2784xf32, #tpu.memory_space<hbm>>
      tpu.enqueue_dma source(%dma_start3A_51 : memref<2784xf32, #tpu.memory_space<hbm>>) target(%dma_start3A_50 : memref<2784xf32, #tpu.memory_space<vmem>>) target_semaphore(%arg13 : memref<!tpu.dma_semaphore, #tpu.memory_space<semaphore_mem>>)
      %mul3A_52 = arith.constant 3136 : i32
      %mul3A_53 = arith.muli %add3A, %mul3A_52 : i32
      %add3A_54 = arith.constant 100000 : i32
      %add3A_55 = arith.addi %add3A_54, %mul3A_53 : i32
      %dma_start3A_56 = arith.constant 3136 : i32
      %dma_start3A_57 = tpu.memref_slice %arg7[%dma_start3A_56] : memref<9408xf32, #tpu.memory_space<vmem>> -> memref<2784xf32, #tpu.memory_space<vmem>>
      %dma_start3A_58 = tpu.memref_slice %arg2[%add3A_55] : memref<300000xf32, #tpu.memory_space<hbm>> -> memref<2784xf32, #tpu.memory_space<hbm>>
      %dma_start3A_59 = arith.constant 3136 : i32
      %dma_start3A_60 = tpu.memref_slice %arg7[%dma_start3A_59] : memref<9408xf32, #tpu.memory_space<vmem>> -> memref<2784xf32, #tpu.memory_space<vmem>>
      %dma_start3A_61 = tpu.memref_slice %arg2[%add3A_55] : memref<300000xf32, #tpu.memory_space<hbm>> -> memref<2784xf32, #tpu.memory_space<hbm>>
      tpu.enqueue_dma source(%dma_start3A_61 : memref<2784xf32, #tpu.memory_space<hbm>>) target(%dma_start3A_60 : memref<2784xf32, #tpu.memory_space<vmem>>) target_semaphore(%arg13 : memref<!tpu.dma_semaphore, #tpu.memory_space<semaphore_mem>>)
      %mul3A_62 = arith.constant 3136 : i32
      %mul3A_63 = arith.muli %add3A, %mul3A_62 : i32
      %add3A_64 = arith.constant 200000 : i32
      %add3A_65 = arith.addi %add3A_64, %mul3A_63 : i32
      %dma_start3A_66 = arith.constant 6272 : i32
      %dma_start3A_67 = tpu.memref_slice %arg7[%dma_start3A_66] : memref<9408xf32, #tpu.memory_space<vmem>> -> memref<2784xf32, #tpu.memory_space<vmem>>
      %dma_start3A_68 = tpu.memref_slice %arg2[%add3A_65] : memref<300000xf32, #tpu.memory_space<hbm>> -> memref<2784xf32, #tpu.memory_space<hbm>>
      %dma_start3A_69 = arith.constant 6272 : i32
      %dma_start3A_70 = tpu.memref_slice %arg7[%dma_start3A_69] : memref<9408xf32, #tpu.memory_space<vmem>> -> memref<2784xf32, #tpu.memory_space<vmem>>
      %dma_start3A_71 = tpu.memref_slice %arg2[%add3A_65] : memref<300000xf32, #tpu.memory_space<hbm>> -> memref<2784xf32, #tpu.memory_space<hbm>>
      tpu.enqueue_dma source(%dma_start3A_71 : memref<2784xf32, #tpu.memory_space<hbm>>) target(%dma_start3A_70 : memref<2784xf32, #tpu.memory_space<vmem>>) target_semaphore(%arg13 : memref<!tpu.dma_semaphore, #tpu.memory_space<semaphore_mem>>)
      %mul3A_72 = arith.constant 3136 : i32
      %mul3A_73 = arith.muli %add3A, %mul3A_72 : i32
      %dma_start3A_74 = arith.constant 0 : i32
      %dma_start3A_75 = tpu.memref_slice %arg9[%dma_start3A_74] : memref<3136xi32, #tpu.memory_space<vmem>> -> memref<2784xi32, #tpu.memory_space<vmem>>
      %dma_start3A_76 = tpu.memref_slice %arg3[%mul3A_73] : memref<100000xi32, #tpu.memory_space<hbm>> -> memref<2784xi32, #tpu.memory_space<hbm>>
      %dma_start3A_77 = arith.constant 0 : i32
      %dma_start3A_78 = tpu.memref_slice %arg9[%dma_start3A_77] : memref<3136xi32, #tpu.memory_space<vmem>> -> memref<2784xi32, #tpu.memory_space<vmem>>
      %dma_start3A_79 = tpu.memref_slice %arg3[%mul3A_73] : memref<100000xi32, #tpu.memory_space<hbm>> -> memref<2784xi32, #tpu.memory_space<hbm>>
      tpu.enqueue_dma source(%dma_start3A_79 : memref<2784xi32, #tpu.memory_space<hbm>>) target(%dma_start3A_78 : memref<2784xi32, #tpu.memory_space<vmem>>) target_semaphore(%arg13 : memref<!tpu.dma_semaphore, #tpu.memory_space<semaphore_mem>>)
      %dma_wait3A = arith.constant 0 : i32
      %dma_wait3A_80 = tpu.memref_slice %arg7[%dma_wait3A] : memref<9408xf32, #tpu.memory_space<vmem>> -> memref<2784xf32, #tpu.memory_space<vmem>>
      %dma_wait3A_81 = tpu.memref_slice %arg2[%add3A_46] : memref<300000xf32, #tpu.memory_space<hbm>> -> memref<2784xf32, #tpu.memory_space<hbm>>
      %dma_wait3A_82 = arith.constant 0 : i32
      %dma_wait3A_83 = tpu.memref_slice %arg7[%dma_wait3A_82] : memref<9408xf32, #tpu.memory_space<vmem>> -> memref<2784xf32, #tpu.memory_space<vmem>>
      %dma_wait3A_84 = tpu.memref_slice %arg2[%add3A_46] : memref<300000xf32, #tpu.memory_space<hbm>> -> memref<2784xf32, #tpu.memory_space<hbm>>
      tpu.wait_dma2 semaphore(%arg13 : memref<!tpu.dma_semaphore, #tpu.memory_space<semaphore_mem>>) src(%dma_wait3A_84 : memref<2784xf32, #tpu.memory_space<hbm>>) dst(%dma_wait3A_83 : memref<2784xf32, #tpu.memory_space<vmem>>)
      %dma_wait3A_85 = arith.constant 3136 : i32
      %dma_wait3A_86 = tpu.memref_slice %arg7[%dma_wait3A_85] : memref<9408xf32, #tpu.memory_space<vmem>> -> memref<2784xf32, #tpu.memory_space<vmem>>
      %dma_wait3A_87 = tpu.memref_slice %arg2[%add3A_55] : memref<300000xf32, #tpu.memory_space<hbm>> -> memref<2784xf32, #tpu.memory_space<hbm>>
      %dma_wait3A_88 = arith.constant 3136 : i32
      %dma_wait3A_89 = tpu.memref_slice %arg7[%dma_wait3A_88] : memref<9408xf32, #tpu.memory_space<vmem>> -> memref<2784xf32, #tpu.memory_space<vmem>>
      %dma_wait3A_90 = tpu.memref_slice %arg2[%add3A_55] : memref<300000xf32, #tpu.memory_space<hbm>> -> memref<2784xf32, #tpu.memory_space<hbm>>
      tpu.wait_dma2 semaphore(%arg13 : memref<!tpu.dma_semaphore, #tpu.memory_space<semaphore_mem>>) src(%dma_wait3A_90 : memref<2784xf32, #tpu.memory_space<hbm>>) dst(%dma_wait3A_89 : memref<2784xf32, #tpu.memory_space<vmem>>)
      %dma_wait3A_91 = arith.constant 6272 : i32
      %dma_wait3A_92 = tpu.memref_slice %arg7[%dma_wait3A_91] : memref<9408xf32, #tpu.memory_space<vmem>> -> memref<2784xf32, #tpu.memory_space<vmem>>
      %dma_wait3A_93 = tpu.memref_slice %arg2[%add3A_65] : memref<300000xf32, #tpu.memory_space<hbm>> -> memref<2784xf32, #tpu.memory_space<hbm>>
      %dma_wait3A_94 = arith.constant 6272 : i32
      %dma_wait3A_95 = tpu.memref_slice %arg7[%dma_wait3A_94] : memref<9408xf32, #tpu.memory_space<vmem>> -> memref<2784xf32, #tpu.memory_space<vmem>>
      %dma_wait3A_96 = tpu.memref_slice %arg2[%add3A_65] : memref<300000xf32, #tpu.memory_space<hbm>> -> memref<2784xf32, #tpu.memory_space<hbm>>
      tpu.wait_dma2 semaphore(%arg13 : memref<!tpu.dma_semaphore, #tpu.memory_space<semaphore_mem>>) src(%dma_wait3A_96 : memref<2784xf32, #tpu.memory_space<hbm>>) dst(%dma_wait3A_95 : memref<2784xf32, #tpu.memory_space<vmem>>)
      %dma_wait3A_97 = arith.constant 0 : i32
      %dma_wait3A_98 = tpu.memref_slice %arg9[%dma_wait3A_97] : memref<3136xi32, #tpu.memory_space<vmem>> -> memref<2784xi32, #tpu.memory_space<vmem>>
      %dma_wait3A_99 = tpu.memref_slice %arg3[%mul3A_73] : memref<100000xi32, #tpu.memory_space<hbm>> -> memref<2784xi32, #tpu.memory_space<hbm>>
      %dma_wait3A_100 = arith.constant 0 : i32
      %dma_wait3A_101 = tpu.memref_slice %arg9[%dma_wait3A_100] : memref<3136xi32, #tpu.memory_space<vmem>> -> memref<2784xi32, #tpu.memory_space<vmem>>
      %dma_wait3A_102 = tpu.memref_slice %arg3[%mul3A_73] : memref<100000xi32, #tpu.memory_space<hbm>> -> memref<2784xi32, #tpu.memory_space<hbm>>
      tpu.wait_dma2 semaphore(%arg13 : memref<!tpu.dma_semaphore, #tpu.memory_space<semaphore_mem>>) src(%dma_wait3A_102 : memref<2784xi32, #tpu.memory_space<hbm>>) dst(%dma_wait3A_101 : memref<2784xi32, #tpu.memory_space<vmem>>)
    } else {
    }
    tpu.wait_dma2 semaphore(%arg13 : memref<!tpu.dma_semaphore, #tpu.memory_space<semaphore_mem>>) src(%arg5 : memref<32x512xf32, #tpu.memory_space<hbm>>) dst(%arg10 : memref<32x512xf32, #tpu.memory_space<vmem>>)
    tpu.wait_dma2 semaphore(%arg13 : memref<!tpu.dma_semaphore, #tpu.memory_space<semaphore_mem>>) src(%arg4 : memref<16xf32, #tpu.memory_space<hbm>>) dst(%arg12 : memref<16xf32, #tpu.memory_space<vmem>>)
    %get3A = arith.constant 0 : index
    %get3A_7 = tpu.vector_load %arg12[%get3A] {strides = array<i32>} : memref<16xf32, #tpu.memory_space<vmem>>, vector<16xf32>,
    %parallel_loop3A = arith.constant 0 : i32
    %parallel_loop3A_8 = arith.constant 16 : i32
    %parallel_loop3A_9 = arith.constant 1 : i32
    scf.for %parallel_loop3A_43 = %parallel_loop3A to %parallel_loop3A_8 step %parallel_loop3A_9  : i32 {
      %parallel_loop3A_44 = arith.constant 16 : i32
      %parallel_loop3A_45 = arith.muli %parallel_loop3A_43, %parallel_loop3A_44 : i32
      %parallel_loop3A_46 = arith.constant 0 : i32
      %parallel_loop3A_47 = arith.index_cast %parallel_loop3A_46 : i32 to index
      %parallel_loop3A_48 = arith.index_cast %parallel_loop3A_45 : i32 to index
      %parallel_loop3A_49 = tpu.vector_load %arg10[%parallel_loop3A_47, %parallel_loop3A_48] {strides = array<i32>} : memref<32x512xf32, #tpu.memory_space<vmem>>, vector<16xf32>,
      %parallel_loop3A_50 = arith.constant 16 : i32
      %parallel_loop3A_51 = arith.muli %parallel_loop3A_43, %parallel_loop3A_50 : i32
      %parallel_loop3A_52 = arith.constant 256 : i32
      %parallel_loop3A_53 = arith.addi %parallel_loop3A_52, %parallel_loop3A_51 : i32
      %parallel_loop3A_54 = arith.constant 0 : i32
      %parallel_loop3A_55 = arith.index_cast %parallel_loop3A_54 : i32 to index
      %parallel_loop3A_56 = arith.index_cast %parallel_loop3A_53 : i32 to index
      %parallel_loop3A_57 = tpu.vector_load %arg10[%parallel_loop3A_55, %parallel_loop3A_56] {strides = array<i32>} : memref<32x512xf32, #tpu.memory_space<vmem>>, vector<16xf32>,
      %parallel_loop3A_58 = arith.constant 16 : i32
      %parallel_loop3A_59 = arith.muli %parallel_loop3A_43, %parallel_loop3A_58 : i32
      %parallel_loop3A_60 = arith.constant 1 : i32
      %parallel_loop3A_61 = arith.index_cast %parallel_loop3A_60 : i32 to index
      %parallel_loop3A_62 = arith.index_cast %parallel_loop3A_59 : i32 to index
      %parallel_loop3A_63 = tpu.vector_load %arg10[%parallel_loop3A_61, %parallel_loop3A_62] {strides = array<i32>} : memref<32x512xf32, #tpu.memory_space<vmem>>, vector<16xf32>,
      %parallel_loop3A_64 = arith.addf %parallel_loop3A_49, %parallel_loop3A_63 : vector<16xf32>
      %parallel_loop3A_65 = arith.constant 16 : i32
      %parallel_loop3A_66 = arith.muli %parallel_loop3A_43, %parallel_loop3A_65 : i32
      %parallel_loop3A_67 = arith.constant 256 : i32
      %parallel_loop3A_68 = arith.addi %parallel_loop3A_67, %parallel_loop3A_66 : i32
      %parallel_loop3A_69 = arith.constant 1 : i32
      %parallel_loop3A_70 = arith.index_cast %parallel_loop3A_69 : i32 to index
      %parallel_loop3A_71 = arith.index_cast %parallel_loop3A_68 : i32 to index
      %parallel_loop3A_72 = tpu.vector_load %arg10[%parallel_loop3A_70, %parallel_loop3A_71] {strides = array<i32>} : memref<32x512xf32, #tpu.memory_space<vmem>>, vector<16xf32>,
      %parallel_loop3A_73 = arith.addf %parallel_loop3A_57, %parallel_loop3A_72 : vector<16xf32>
      %parallel_loop3A_74 = arith.constant 16 : i32
      %parallel_loop3A_75 = arith.muli %parallel_loop3A_43, %parallel_loop3A_74 : i32
      %parallel_loop3A_76 = arith.constant 2 : i32
      %parallel_loop3A_77 = arith.index_cast %parallel_loop3A_76 : i32 to index
      %parallel_loop3A_78 = arith.index_cast %parallel_loop3A_75 : i32 to index
      %parallel_loop3A_79 = tpu.vector_load %arg10[%parallel_loop3A_77, %parallel_loop3A_78] {strides = array<i32>} : memref<32x512xf32, #tpu.memory_space<vmem>>, vector<16xf32>,
      %parallel_loop3A_80 = arith.addf %parallel_loop3A_64, %parallel_loop3A_79 : vector<16xf32>
      %parallel_loop3A_81 = arith.constant 16 : i32
      %parallel_loop3A_82 = arith.muli %parallel_loop3A_43, %parallel_loop3A_81 : i32
      %parallel_loop3A_83 = arith.constant 256 : i32
      %parallel_loop3A_84 = arith.addi %parallel_loop3A_83, %parallel_loop3A_82 : i32
      %parallel_loop3A_85 = arith.constant 2 : i32
      %parallel_loop3A_86 = arith.index_cast %parallel_loop3A_85 : i32 to index
      %parallel_loop3A_87 = arith.index_cast %parallel_loop3A_84 : i32 to index
      %parallel_loop3A_88 = tpu.vector_load %arg10[%parallel_loop3A_86, %parallel_loop3A_87] {strides = array<i32>} : memref<32x512xf32, #tpu.memory_space<vmem>>, vector<16xf32>,
      %parallel_loop3A_89 = arith.addf %parallel_loop3A_73, %parallel_loop3A_88 : vector<16xf32>
      %parallel_loop3A_90 = arith.constant 16 : i32
      %parallel_loop3A_91 = arith.muli %parallel_loop3A_43, %parallel_loop3A_90 : i32
      %parallel_loop3A_92 = arith.constant 3 : i32
      %parallel_loop3A_93 = arith.index_cast %parallel_loop3A_92 : i32 to index
      %parallel_loop3A_94 = arith.index_cast %parallel_loop3A_91 : i32 to index
      %parallel_loop3A_95 = tpu.vector_load %arg10[%parallel_loop3A_93, %parallel_loop3A_94] {strides = array<i32>} : memref<32x512xf32, #tpu.memory_space<vmem>>, vector<16xf32>,
      %parallel_loop3A_96 = arith.addf %parallel_loop3A_80, %parallel_loop3A_95 : vector<16xf32>
      %parallel_loop3A_97 = arith.constant 16 : i32
      %parallel_loop3A_98 = arith.muli %parallel_loop3A_43, %parallel_loop3A_97 : i32
      %parallel_loop3A_99 = arith.constant 256 : i32
      %parallel_loop3A_100 = arith.addi %parallel_loop3A_99, %parallel_loop3A_98 : i32
      %parallel_loop3A_101 = arith.constant 3 : i32
      %parallel_loop3A_102 = arith.index_cast %parallel_loop3A_101 : i32 to index
      %parallel_loop3A_103 = arith.index_cast %parallel_loop3A_100 : i32 to index
      %parallel_loop3A_104 = tpu.vector_load %arg10[%parallel_loop3A_102, %parallel_loop3A_103] {strides = array<i32>} : memref<32x512xf32, #tpu.memory_space<vmem>>, vector<16xf32>,
      %parallel_loop3A_105 = arith.addf %parallel_loop3A_89, %parallel_loop3A_104 : vector<16xf32>
      %parallel_loop3A_106 = arith.constant 16 : i32
      %parallel_loop3A_107 = arith.muli %parallel_loop3A_43, %parallel_loop3A_106 : i32
      %parallel_loop3A_108 = arith.constant 4 : i32
      %parallel_loop3A_109 = arith.index_cast %parallel_loop3A_108 : i32 to index
      %parallel_loop3A_110 = arith.index_cast %parallel_loop3A_107 : i32 to index
      %parallel_loop3A_111 = tpu.vector_load %arg10[%parallel_loop3A_109, %parallel_loop3A_110] {strides = array<i32>} : memref<32x512xf32, #tpu.memory_space<vmem>>, vector<16xf32>,
      %parallel_loop3A_112 = arith.addf %parallel_loop3A_96, %parallel_loop3A_111 : vector<16xf32>
      %parallel_loop3A_113 = arith.constant 16 : i32
      %parallel_loop3A_114 = arith.muli %parallel_loop3A_43, %parallel_loop3A_113 : i32
      %parallel_loop3A_115 = arith.constant 256 : i32
      %parallel_loop3A_116 = arith.addi %parallel_loop3A_115, %parallel_loop3A_114 : i32
      %parallel_loop3A_117 = arith.constant 4 : i32
      %parallel_loop3A_118 = arith.index_cast %parallel_loop3A_117 : i32 to index
      %parallel_loop3A_119 = arith.index_cast %parallel_loop3A_116 : i32 to index
      %parallel_loop3A_120 = tpu.vector_load %arg10[%parallel_loop3A_118, %parallel_loop3A_119] {strides = array<i32>} : memref<32x512xf32, #tpu.memory_space<vmem>>, vector<16xf32>,
      %parallel_loop3A_121 = arith.addf %parallel_loop3A_105, %parallel_loop3A_120 : vector<16xf32>
      %parallel_loop3A_122 = arith.constant 16 : i32
      %parallel_loop3A_123 = arith.muli %parallel_loop3A_43, %parallel_loop3A_122 : i32
      %parallel_loop3A_124 = arith.constant 5 : i32
      %parallel_loop3A_125 = arith.index_cast %parallel_loop3A_124 : i32 to index
      %parallel_loop3A_126 = arith.index_cast %parallel_loop3A_123 : i32 to index
      %parallel_loop3A_127 = tpu.vector_load %arg10[%parallel_loop3A_125, %parallel_loop3A_126] {strides = array<i32>} : memref<32x512xf32, #tpu.memory_space<vmem>>, vector<16xf32>,
      %parallel_loop3A_128 = arith.addf %parallel_loop3A_112, %parallel_loop3A_127 : vector<16xf32>
      %parallel_loop3A_129 = arith.constant 16 : i32
      %parallel_loop3A_130 = arith.muli %parallel_loop3A_43, %parallel_loop3A_129 : i32
      %parallel_loop3A_131 = arith.constant 256 : i32
      %parallel_loop3A_132 = arith.addi %parallel_loop3A_131, %parallel_loop3A_130 : i32
      %parallel_loop3A_133 = arith.constant 5 : i32
      %parallel_loop3A_134 = arith.index_cast %parallel_loop3A_133 : i32 to index
      %parallel_loop3A_135 = arith.index_cast %parallel_loop3A_132 : i32 to index
      %parallel_loop3A_136 = tpu.vector_load %arg10[%parallel_loop3A_134, %parallel_loop3A_135] {strides = array<i32>} : memref<32x512xf32, #tpu.memory_space<vmem>>, vector<16xf32>,
      %parallel_loop3A_137 = arith.addf %parallel_loop3A_121, %parallel_loop3A_136 : vector<16xf32>
      %parallel_loop3A_138 = arith.constant 16 : i32
      %parallel_loop3A_139 = arith.muli %parallel_loop3A_43, %parallel_loop3A_138 : i32
      %parallel_loop3A_140 = arith.constant 6 : i32
      %parallel_loop3A_141 = arith.index_cast %parallel_loop3A_140 : i32 to index
      %parallel_loop3A_142 = arith.index_cast %parallel_loop3A_139 : i32 to index
      %parallel_loop3A_143 = tpu.vector_load %arg10[%parallel_loop3A_141, %parallel_loop3A_142] {strides = array<i32>} : memref<32x512xf32, #tpu.memory_space<vmem>>, vector<16xf32>,
      %parallel_loop3A_144 = arith.addf %parallel_loop3A_128, %parallel_loop3A_143 : vector<16xf32>
      %parallel_loop3A_145 = arith.constant 16 : i32
      %parallel_loop3A_146 = arith.muli %parallel_loop3A_43, %parallel_loop3A_145 : i32
      %parallel_loop3A_147 = arith.constant 256 : i32
      %parallel_loop3A_148 = arith.addi %parallel_loop3A_147, %parallel_loop3A_146 : i32
      %parallel_loop3A_149 = arith.constant 6 : i32
      %parallel_loop3A_150 = arith.index_cast %parallel_loop3A_149 : i32 to index
      %parallel_loop3A_151 = arith.index_cast %parallel_loop3A_148 : i32 to index
      %parallel_loop3A_152 = tpu.vector_load %arg10[%parallel_loop3A_150, %parallel_loop3A_151] {strides = array<i32>} : memref<32x512xf32, #tpu.memory_space<vmem>>, vector<16xf32>,
      %parallel_loop3A_153 = arith.addf %parallel_loop3A_137, %parallel_loop3A_152 : vector<16xf32>
      %parallel_loop3A_154 = arith.constant 16 : i32
      %parallel_loop3A_155 = arith.muli %parallel_loop3A_43, %parallel_loop3A_154 : i32
      %parallel_loop3A_156 = arith.constant 7 : i32
      %parallel_loop3A_157 = arith.index_cast %parallel_loop3A_156 : i32 to index
      %parallel_loop3A_158 = arith.index_cast %parallel_loop3A_155 : i32 to index
      %parallel_loop3A_159 = tpu.vector_load %arg10[%parallel_loop3A_157, %parallel_loop3A_158] {strides = array<i32>} : memref<32x512xf32, #tpu.memory_space<vmem>>, vector<16xf32>,
      %parallel_loop3A_160 = arith.addf %parallel_loop3A_144, %parallel_loop3A_159 : vector<16xf32>
      %parallel_loop3A_161 = arith.constant 16 : i32
      %parallel_loop3A_162 = arith.muli %parallel_loop3A_43, %parallel_loop3A_161 : i32
      %parallel_loop3A_163 = arith.constant 256 : i32
      %parallel_loop3A_164 = arith.addi %parallel_loop3A_163, %parallel_loop3A_162 : i32
      %parallel_loop3A_165 = arith.constant 7 : i32
      %parallel_loop3A_166 = arith.index_cast %parallel_loop3A_165 : i32 to index
      %parallel_loop3A_167 = arith.index_cast %parallel_loop3A_164 : i32 to index
      %parallel_loop3A_168 = tpu.vector_load %arg10[%parallel_loop3A_166, %parallel_loop3A_167] {strides = array<i32>} : memref<32x512xf32, #tpu.memory_space<vmem>>, vector<16xf32>,
      %parallel_loop3A_169 = arith.addf %parallel_loop3A_153, %parallel_loop3A_168 : vector<16xf32>
      %parallel_loop3A_170 = arith.constant 16 : i32
      %parallel_loop3A_171 = arith.muli %parallel_loop3A_43, %parallel_loop3A_170 : i32
      %parallel_loop3A_172 = arith.constant 8 : i32
      %parallel_loop3A_173 = arith.index_cast %parallel_loop3A_172 : i32 to index
      %parallel_loop3A_174 = arith.index_cast %parallel_loop3A_171 : i32 to index
      %parallel_loop3A_175 = tpu.vector_load %arg10[%parallel_loop3A_173, %parallel_loop3A_174] {strides = array<i32>} : memref<32x512xf32, #tpu.memory_space<vmem>>, vector<16xf32>,
      %parallel_loop3A_176 = arith.addf %parallel_loop3A_160, %parallel_loop3A_175 : vector<16xf32>
      %parallel_loop3A_177 = arith.constant 16 : i32
      %parallel_loop3A_178 = arith.muli %parallel_loop3A_43, %parallel_loop3A_177 : i32
      %parallel_loop3A_179 = arith.constant 256 : i32
      %parallel_loop3A_180 = arith.addi %parallel_loop3A_179, %parallel_loop3A_178 : i32
      %parallel_loop3A_181 = arith.constant 8 : i32
      %parallel_loop3A_182 = arith.index_cast %parallel_loop3A_181 : i32 to index
      %parallel_loop3A_183 = arith.index_cast %parallel_loop3A_180 : i32 to index
      %parallel_loop3A_184 = tpu.vector_load %arg10[%parallel_loop3A_182, %parallel_loop3A_183] {strides = array<i32>} : memref<32x512xf32, #tpu.memory_space<vmem>>, vector<16xf32>,
      %parallel_loop3A_185 = arith.addf %parallel_loop3A_169, %parallel_loop3A_184 : vector<16xf32>
      %parallel_loop3A_186 = arith.constant 16 : i32
      %parallel_loop3A_187 = arith.muli %parallel_loop3A_43, %parallel_loop3A_186 : i32
      %parallel_loop3A_188 = arith.constant 9 : i32
      %parallel_loop3A_189 = arith.index_cast %parallel_loop3A_188 : i32 to index
      %parallel_loop3A_190 = arith.index_cast %parallel_loop3A_187 : i32 to index
      %parallel_loop3A_191 = tpu.vector_load %arg10[%parallel_loop3A_189, %parallel_loop3A_190] {strides = array<i32>} : memref<32x512xf32, #tpu.memory_space<vmem>>, vector<16xf32>,
      %parallel_loop3A_192 = arith.addf %parallel_loop3A_176, %parallel_loop3A_191 : vector<16xf32>
      %parallel_loop3A_193 = arith.constant 16 : i32
      %parallel_loop3A_194 = arith.muli %parallel_loop3A_43, %parallel_loop3A_193 : i32
      %parallel_loop3A_195 = arith.constant 256 : i32
      %parallel_loop3A_196 = arith.addi %parallel_loop3A_195, %parallel_loop3A_194 : i32
      %parallel_loop3A_197 = arith.constant 9 : i32
      %parallel_loop3A_198 = arith.index_cast %parallel_loop3A_197 : i32 to index
      %parallel_loop3A_199 = arith.index_cast %parallel_loop3A_196 : i32 to index
      %parallel_loop3A_200 = tpu.vector_load %arg10[%parallel_loop3A_198, %parallel_loop3A_199] {strides = array<i32>} : memref<32x512xf32, #tpu.memory_space<vmem>>, vector<16xf32>,
      %parallel_loop3A_201 = arith.addf %parallel_loop3A_185, %parallel_loop3A_200 : vector<16xf32>
      %parallel_loop3A_202 = arith.constant 16 : i32
      %parallel_loop3A_203 = arith.muli %parallel_loop3A_43, %parallel_loop3A_202 : i32
      %parallel_loop3A_204 = arith.constant 10 : i32
      %parallel_loop3A_205 = arith.index_cast %parallel_loop3A_204 : i32 to index
      %parallel_loop3A_206 = arith.index_cast %parallel_loop3A_203 : i32 to index
      %parallel_loop3A_207 = tpu.vector_load %arg10[%parallel_loop3A_205, %parallel_loop3A_206] {strides = array<i32>} : memref<32x512xf32, #tpu.memory_space<vmem>>, vector<16xf32>,
      %parallel_loop3A_208 = arith.addf %parallel_loop3A_192, %parallel_loop3A_207 : vector<16xf32>
      %parallel_loop3A_209 = arith.constant 16 : i32
      %parallel_loop3A_210 = arith.muli %parallel_loop3A_43, %parallel_loop3A_209 : i32
      %parallel_loop3A_211 = arith.constant 256 : i32
      %parallel_loop3A_212 = arith.addi %parallel_loop3A_211, %parallel_loop3A_210 : i32
      %parallel_loop3A_213 = arith.constant 10 : i32
      %parallel_loop3A_214 = arith.index_cast %parallel_loop3A_213 : i32 to index
      %parallel_loop3A_215 = arith.index_cast %parallel_loop3A_212 : i32 to index
      %parallel_loop3A_216 = tpu.vector_load %arg10[%parallel_loop3A_214, %parallel_loop3A_215] {strides = array<i32>} : memref<32x512xf32, #tpu.memory_space<vmem>>, vector<16xf32>,
      %parallel_loop3A_217 = arith.addf %parallel_loop3A_201, %parallel_loop3A_216 : vector<16xf32>
      %parallel_loop3A_218 = arith.constant 16 : i32
      %parallel_loop3A_219 = arith.muli %parallel_loop3A_43, %parallel_loop3A_218 : i32
      %parallel_loop3A_220 = arith.constant 11 : i32
      %parallel_loop3A_221 = arith.index_cast %parallel_loop3A_220 : i32 to index
      %parallel_loop3A_222 = arith.index_cast %parallel_loop3A_219 : i32 to index
      %parallel_loop3A_223 = tpu.vector_load %arg10[%parallel_loop3A_221, %parallel_loop3A_222] {strides = array<i32>} : memref<32x512xf32, #tpu.memory_space<vmem>>, vector<16xf32>,
      %parallel_loop3A_224 = arith.addf %parallel_loop3A_208, %parallel_loop3A_223 : vector<16xf32>
      %parallel_loop3A_225 = arith.constant 16 : i32
      %parallel_loop3A_226 = arith.muli %parallel_loop3A_43, %parallel_loop3A_225 : i32
      %parallel_loop3A_227 = arith.constant 256 : i32
      %parallel_loop3A_228 = arith.addi %parallel_loop3A_227, %parallel_loop3A_226 : i32
      %parallel_loop3A_229 = arith.constant 11 : i32
      %parallel_loop3A_230 = arith.index_cast %parallel_loop3A_229 : i32 to index
      %parallel_loop3A_231 = arith.index_cast %parallel_loop3A_228 : i32 to index
      %parallel_loop3A_232 = tpu.vector_load %arg10[%parallel_loop3A_230, %parallel_loop3A_231] {strides = array<i32>} : memref<32x512xf32, #tpu.memory_space<vmem>>, vector<16xf32>,
      %parallel_loop3A_233 = arith.addf %parallel_loop3A_217, %parallel_loop3A_232 : vector<16xf32>
      %parallel_loop3A_234 = arith.constant 16 : i32
      %parallel_loop3A_235 = arith.muli %parallel_loop3A_43, %parallel_loop3A_234 : i32
      %parallel_loop3A_236 = arith.constant 12 : i32
      %parallel_loop3A_237 = arith.index_cast %parallel_loop3A_236 : i32 to index
      %parallel_loop3A_238 = arith.index_cast %parallel_loop3A_235 : i32 to index
      %parallel_loop3A_239 = tpu.vector_load %arg10[%parallel_loop3A_237, %parallel_loop3A_238] {strides = array<i32>} : memref<32x512xf32, #tpu.memory_space<vmem>>, vector<16xf32>,
      %parallel_loop3A_240 = arith.addf %parallel_loop3A_224, %parallel_loop3A_239 : vector<16xf32>
      %parallel_loop3A_241 = arith.constant 16 : i32
      %parallel_loop3A_242 = arith.muli %parallel_loop3A_43, %parallel_loop3A_241 : i32
      %parallel_loop3A_243 = arith.constant 256 : i32
      %parallel_loop3A_244 = arith.addi %parallel_loop3A_243, %parallel_loop3A_242 : i32
      %parallel_loop3A_245 = arith.constant 12 : i32
      %parallel_loop3A_246 = arith.index_cast %parallel_loop3A_245 : i32 to index
      %parallel_loop3A_247 = arith.index_cast %parallel_loop3A_244 : i32 to index
      %parallel_loop3A_248 = tpu.vector_load %arg10[%parallel_loop3A_246, %parallel_loop3A_247] {strides = array<i32>} : memref<32x512xf32, #tpu.memory_space<vmem>>, vector<16xf32>,
      %parallel_loop3A_249 = arith.addf %parallel_loop3A_233, %parallel_loop3A_248 : vector<16xf32>
      %parallel_loop3A_250 = arith.constant 16 : i32
      %parallel_loop3A_251 = arith.muli %parallel_loop3A_43, %parallel_loop3A_250 : i32
      %parallel_loop3A_252 = arith.constant 13 : i32
      %parallel_loop3A_253 = arith.index_cast %parallel_loop3A_252 : i32 to index
      %parallel_loop3A_254 = arith.index_cast %parallel_loop3A_251 : i32 to index
      %parallel_loop3A_255 = tpu.vector_load %arg10[%parallel_loop3A_253, %parallel_loop3A_254] {strides = array<i32>} : memref<32x512xf32, #tpu.memory_space<vmem>>, vector<16xf32>,
      %parallel_loop3A_256 = arith.addf %parallel_loop3A_240, %parallel_loop3A_255 : vector<16xf32>
      %parallel_loop3A_257 = arith.constant 16 : i32
      %parallel_loop3A_258 = arith.muli %parallel_loop3A_43, %parallel_loop3A_257 : i32
      %parallel_loop3A_259 = arith.constant 256 : i32
      %parallel_loop3A_260 = arith.addi %parallel_loop3A_259, %parallel_loop3A_258 : i32
      %parallel_loop3A_261 = arith.constant 13 : i32
      %parallel_loop3A_262 = arith.index_cast %parallel_loop3A_261 : i32 to index
      %parallel_loop3A_263 = arith.index_cast %parallel_loop3A_260 : i32 to index
      %parallel_loop3A_264 = tpu.vector_load %arg10[%parallel_loop3A_262, %parallel_loop3A_263] {strides = array<i32>} : memref<32x512xf32, #tpu.memory_space<vmem>>, vector<16xf32>,
      %parallel_loop3A_265 = arith.addf %parallel_loop3A_249, %parallel_loop3A_264 : vector<16xf32>
      %parallel_loop3A_266 = arith.constant 16 : i32
      %parallel_loop3A_267 = arith.muli %parallel_loop3A_43, %parallel_loop3A_266 : i32
      %parallel_loop3A_268 = arith.constant 14 : i32
      %parallel_loop3A_269 = arith.index_cast %parallel_loop3A_268 : i32 to index
      %parallel_loop3A_270 = arith.index_cast %parallel_loop3A_267 : i32 to index
      %parallel_loop3A_271 = tpu.vector_load %arg10[%parallel_loop3A_269, %parallel_loop3A_270] {strides = array<i32>} : memref<32x512xf32, #tpu.memory_space<vmem>>, vector<16xf32>,
      %parallel_loop3A_272 = arith.addf %parallel_loop3A_256, %parallel_loop3A_271 : vector<16xf32>
      %parallel_loop3A_273 = arith.constant 16 : i32
      %parallel_loop3A_274 = arith.muli %parallel_loop3A_43, %parallel_loop3A_273 : i32
      %parallel_loop3A_275 = arith.constant 256 : i32
      %parallel_loop3A_276 = arith.addi %parallel_loop3A_275, %parallel_loop3A_274 : i32
      %parallel_loop3A_277 = arith.constant 14 : i32
      %parallel_loop3A_278 = arith.index_cast %parallel_loop3A_277 : i32 to index
      %parallel_loop3A_279 = arith.index_cast %parallel_loop3A_276 : i32 to index
      %parallel_loop3A_280 = tpu.vector_load %arg10[%parallel_loop3A_278, %parallel_loop3A_279] {strides = array<i32>} : memref<32x512xf32, #tpu.memory_space<vmem>>, vector<16xf32>,
      %parallel_loop3A_281 = arith.addf %parallel_loop3A_265, %parallel_loop3A_280 : vector<16xf32>
      %parallel_loop3A_282 = arith.constant 16 : i32
      %parallel_loop3A_283 = arith.muli %parallel_loop3A_43, %parallel_loop3A_282 : i32
      %parallel_loop3A_284 = arith.constant 15 : i32
      %parallel_loop3A_285 = arith.index_cast %parallel_loop3A_284 : i32 to index
      %parallel_loop3A_286 = arith.index_cast %parallel_loop3A_283 : i32 to index
      %parallel_loop3A_287 = tpu.vector_load %arg10[%parallel_loop3A_285, %parallel_loop3A_286] {strides = array<i32>} : memref<32x512xf32, #tpu.memory_space<vmem>>, vector<16xf32>,
      %parallel_loop3A_288 = arith.addf %parallel_loop3A_272, %parallel_loop3A_287 : vector<16xf32>
      %parallel_loop3A_289 = arith.constant 16 : i32
      %parallel_loop3A_290 = arith.muli %parallel_loop3A_43, %parallel_loop3A_289 : i32
      %parallel_loop3A_291 = arith.constant 256 : i32
      %parallel_loop3A_292 = arith.addi %parallel_loop3A_291, %parallel_loop3A_290 : i32
      %parallel_loop3A_293 = arith.constant 15 : i32
      %parallel_loop3A_294 = arith.index_cast %parallel_loop3A_293 : i32 to index
      %parallel_loop3A_295 = arith.index_cast %parallel_loop3A_292 : i32 to index
      %parallel_loop3A_296 = tpu.vector_load %arg10[%parallel_loop3A_294, %parallel_loop3A_295] {strides = array<i32>} : memref<32x512xf32, #tpu.memory_space<vmem>>, vector<16xf32>,
      %parallel_loop3A_297 = arith.addf %parallel_loop3A_281, %parallel_loop3A_296 : vector<16xf32>
      %parallel_loop3A_298 = arith.constant 16 : i32
      %parallel_loop3A_299 = arith.muli %parallel_loop3A_43, %parallel_loop3A_298 : i32
      %parallel_loop3A_300 = arith.constant 16 : i32
      %parallel_loop3A_301 = arith.index_cast %parallel_loop3A_300 : i32 to index
      %parallel_loop3A_302 = arith.index_cast %parallel_loop3A_299 : i32 to index
      %parallel_loop3A_303 = tpu.vector_load %arg10[%parallel_loop3A_301, %parallel_loop3A_302] {strides = array<i32>} : memref<32x512xf32, #tpu.memory_space<vmem>>, vector<16xf32>,
      %parallel_loop3A_304 = arith.addf %parallel_loop3A_288, %parallel_loop3A_303 : vector<16xf32>
      %parallel_loop3A_305 = arith.constant 16 : i32
      %parallel_loop3A_306 = arith.muli %parallel_loop3A_43, %parallel_loop3A_305 : i32
      %parallel_loop3A_307 = arith.constant 256 : i32
      %parallel_loop3A_308 = arith.addi %parallel_loop3A_307, %parallel_loop3A_306 : i32
      %parallel_loop3A_309 = arith.constant 16 : i32
      %parallel_loop3A_310 = arith.index_cast %parallel_loop3A_309 : i32 to index
      %parallel_loop3A_311 = arith.index_cast %parallel_loop3A_308 : i32 to index
      %parallel_loop3A_312 = tpu.vector_load %arg10[%parallel_loop3A_310, %parallel_loop3A_311] {strides = array<i32>} : memref<32x512xf32, #tpu.memory_space<vmem>>, vector<16xf32>,
      %parallel_loop3A_313 = arith.addf %parallel_loop3A_297, %parallel_loop3A_312 : vector<16xf32>
      %parallel_loop3A_314 = arith.constant 16 : i32
      %parallel_loop3A_315 = arith.muli %parallel_loop3A_43, %parallel_loop3A_314 : i32
      %parallel_loop3A_316 = arith.constant 17 : i32
      %parallel_loop3A_317 = arith.index_cast %parallel_loop3A_316 : i32 to index
      %parallel_loop3A_318 = arith.index_cast %parallel_loop3A_315 : i32 to index
      %parallel_loop3A_319 = tpu.vector_load %arg10[%parallel_loop3A_317, %parallel_loop3A_318] {strides = array<i32>} : memref<32x512xf32, #tpu.memory_space<vmem>>, vector<16xf32>,
      %parallel_loop3A_320 = arith.addf %parallel_loop3A_304, %parallel_loop3A_319 : vector<16xf32>
      %parallel_loop3A_321 = arith.constant 16 : i32
      %parallel_loop3A_322 = arith.muli %parallel_loop3A_43, %parallel_loop3A_321 : i32
      %parallel_loop3A_323 = arith.constant 256 : i32
      %parallel_loop3A_324 = arith.addi %parallel_loop3A_323, %parallel_loop3A_322 : i32
      %parallel_loop3A_325 = arith.constant 17 : i32
      %parallel_loop3A_326 = arith.index_cast %parallel_loop3A_325 : i32 to index
      %parallel_loop3A_327 = arith.index_cast %parallel_loop3A_324 : i32 to index
      %parallel_loop3A_328 = tpu.vector_load %arg10[%parallel_loop3A_326, %parallel_loop3A_327] {strides = array<i32>} : memref<32x512xf32, #tpu.memory_space<vmem>>, vector<16xf32>,
      %parallel_loop3A_329 = arith.addf %parallel_loop3A_313, %parallel_loop3A_328 : vector<16xf32>
      %parallel_loop3A_330 = arith.constant 16 : i32
      %parallel_loop3A_331 = arith.muli %parallel_loop3A_43, %parallel_loop3A_330 : i32
      %parallel_loop3A_332 = arith.constant 18 : i32
      %parallel_loop3A_333 = arith.index_cast %parallel_loop3A_332 : i32 to index
      %parallel_loop3A_334 = arith.index_cast %parallel_loop3A_331 : i32 to index
      %parallel_loop3A_335 = tpu.vector_load %arg10[%parallel_loop3A_333, %parallel_loop3A_334] {strides = array<i32>} : memref<32x512xf32, #tpu.memory_space<vmem>>, vector<16xf32>,
      %parallel_loop3A_336 = arith.addf %parallel_loop3A_320, %parallel_loop3A_335 : vector<16xf32>
      %parallel_loop3A_337 = arith.constant 16 : i32
      %parallel_loop3A_338 = arith.muli %parallel_loop3A_43, %parallel_loop3A_337 : i32
      %parallel_loop3A_339 = arith.constant 256 : i32
      %parallel_loop3A_340 = arith.addi %parallel_loop3A_339, %parallel_loop3A_338 : i32
      %parallel_loop3A_341 = arith.constant 18 : i32
      %parallel_loop3A_342 = arith.index_cast %parallel_loop3A_341 : i32 to index
      %parallel_loop3A_343 = arith.index_cast %parallel_loop3A_340 : i32 to index
      %parallel_loop3A_344 = tpu.vector_load %arg10[%parallel_loop3A_342, %parallel_loop3A_343] {strides = array<i32>} : memref<32x512xf32, #tpu.memory_space<vmem>>, vector<16xf32>,
      %parallel_loop3A_345 = arith.addf %parallel_loop3A_329, %parallel_loop3A_344 : vector<16xf32>
      %parallel_loop3A_346 = arith.constant 16 : i32
      %parallel_loop3A_347 = arith.muli %parallel_loop3A_43, %parallel_loop3A_346 : i32
      %parallel_loop3A_348 = arith.constant 19 : i32
      %parallel_loop3A_349 = arith.index_cast %parallel_loop3A_348 : i32 to index
      %parallel_loop3A_350 = arith.index_cast %parallel_loop3A_347 : i32 to index
      %parallel_loop3A_351 = tpu.vector_load %arg10[%parallel_loop3A_349, %parallel_loop3A_350] {strides = array<i32>} : memref<32x512xf32, #tpu.memory_space<vmem>>, vector<16xf32>,
      %parallel_loop3A_352 = arith.addf %parallel_loop3A_336, %parallel_loop3A_351 : vector<16xf32>
      %parallel_loop3A_353 = arith.constant 16 : i32
      %parallel_loop3A_354 = arith.muli %parallel_loop3A_43, %parallel_loop3A_353 : i32
      %parallel_loop3A_355 = arith.constant 256 : i32
      %parallel_loop3A_356 = arith.addi %parallel_loop3A_355, %parallel_loop3A_354 : i32
      %parallel_loop3A_357 = arith.constant 19 : i32
      %parallel_loop3A_358 = arith.index_cast %parallel_loop3A_357 : i32 to index
      %parallel_loop3A_359 = arith.index_cast %parallel_loop3A_356 : i32 to index
      %parallel_loop3A_360 = tpu.vector_load %arg10[%parallel_loop3A_358, %parallel_loop3A_359] {strides = array<i32>} : memref<32x512xf32, #tpu.memory_space<vmem>>, vector<16xf32>,
      %parallel_loop3A_361 = arith.addf %parallel_loop3A_345, %parallel_loop3A_360 : vector<16xf32>
      %parallel_loop3A_362 = arith.constant 16 : i32
      %parallel_loop3A_363 = arith.muli %parallel_loop3A_43, %parallel_loop3A_362 : i32
      %parallel_loop3A_364 = arith.constant 20 : i32
      %parallel_loop3A_365 = arith.index_cast %parallel_loop3A_364 : i32 to index
      %parallel_loop3A_366 = arith.index_cast %parallel_loop3A_363 : i32 to index
      %parallel_loop3A_367 = tpu.vector_load %arg10[%parallel_loop3A_365, %parallel_loop3A_366] {strides = array<i32>} : memref<32x512xf32, #tpu.memory_space<vmem>>, vector<16xf32>,
      %parallel_loop3A_368 = arith.addf %parallel_loop3A_352, %parallel_loop3A_367 : vector<16xf32>
      %parallel_loop3A_369 = arith.constant 16 : i32
      %parallel_loop3A_370 = arith.muli %parallel_loop3A_43, %parallel_loop3A_369 : i32
      %parallel_loop3A_371 = arith.constant 256 : i32
      %parallel_loop3A_372 = arith.addi %parallel_loop3A_371, %parallel_loop3A_370 : i32
      %parallel_loop3A_373 = arith.constant 20 : i32
      %parallel_loop3A_374 = arith.index_cast %parallel_loop3A_373 : i32 to index
      %parallel_loop3A_375 = arith.index_cast %parallel_loop3A_372 : i32 to index
      %parallel_loop3A_376 = tpu.vector_load %arg10[%parallel_loop3A_374, %parallel_loop3A_375] {strides = array<i32>} : memref<32x512xf32, #tpu.memory_space<vmem>>, vector<16xf32>,
      %parallel_loop3A_377 = arith.addf %parallel_loop3A_361, %parallel_loop3A_376 : vector<16xf32>
      %parallel_loop3A_378 = arith.constant 16 : i32
      %parallel_loop3A_379 = arith.muli %parallel_loop3A_43, %parallel_loop3A_378 : i32
      %parallel_loop3A_380 = arith.constant 21 : i32
      %parallel_loop3A_381 = arith.index_cast %parallel_loop3A_380 : i32 to index
      %parallel_loop3A_382 = arith.index_cast %parallel_loop3A_379 : i32 to index
      %parallel_loop3A_383 = tpu.vector_load %arg10[%parallel_loop3A_381, %parallel_loop3A_382] {strides = array<i32>} : memref<32x512xf32, #tpu.memory_space<vmem>>, vector<16xf32>,
      %parallel_loop3A_384 = arith.addf %parallel_loop3A_368, %parallel_loop3A_383 : vector<16xf32>
      %parallel_loop3A_385 = arith.constant 16 : i32
      %parallel_loop3A_386 = arith.muli %parallel_loop3A_43, %parallel_loop3A_385 : i32
      %parallel_loop3A_387 = arith.constant 256 : i32
      %parallel_loop3A_388 = arith.addi %parallel_loop3A_387, %parallel_loop3A_386 : i32
      %parallel_loop3A_389 = arith.constant 21 : i32
      %parallel_loop3A_390 = arith.index_cast %parallel_loop3A_389 : i32 to index
      %parallel_loop3A_391 = arith.index_cast %parallel_loop3A_388 : i32 to index
      %parallel_loop3A_392 = tpu.vector_load %arg10[%parallel_loop3A_390, %parallel_loop3A_391] {strides = array<i32>} : memref<32x512xf32, #tpu.memory_space<vmem>>, vector<16xf32>,
      %parallel_loop3A_393 = arith.addf %parallel_loop3A_377, %parallel_loop3A_392 : vector<16xf32>
      %parallel_loop3A_394 = arith.constant 16 : i32
      %parallel_loop3A_395 = arith.muli %parallel_loop3A_43, %parallel_loop3A_394 : i32
      %parallel_loop3A_396 = arith.constant 22 : i32
      %parallel_loop3A_397 = arith.index_cast %parallel_loop3A_396 : i32 to index
      %parallel_loop3A_398 = arith.index_cast %parallel_loop3A_395 : i32 to index
      %parallel_loop3A_399 = tpu.vector_load %arg10[%parallel_loop3A_397, %parallel_loop3A_398] {strides = array<i32>} : memref<32x512xf32, #tpu.memory_space<vmem>>, vector<16xf32>,
      %parallel_loop3A_400 = arith.addf %parallel_loop3A_384, %parallel_loop3A_399 : vector<16xf32>
      %parallel_loop3A_401 = arith.constant 16 : i32
      %parallel_loop3A_402 = arith.muli %parallel_loop3A_43, %parallel_loop3A_401 : i32
      %parallel_loop3A_403 = arith.constant 256 : i32
      %parallel_loop3A_404 = arith.addi %parallel_loop3A_403, %parallel_loop3A_402 : i32
      %parallel_loop3A_405 = arith.constant 22 : i32
      %parallel_loop3A_406 = arith.index_cast %parallel_loop3A_405 : i32 to index
      %parallel_loop3A_407 = arith.index_cast %parallel_loop3A_404 : i32 to index
      %parallel_loop3A_408 = tpu.vector_load %arg10[%parallel_loop3A_406, %parallel_loop3A_407] {strides = array<i32>} : memref<32x512xf32, #tpu.memory_space<vmem>>, vector<16xf32>,
      %parallel_loop3A_409 = arith.addf %parallel_loop3A_393, %parallel_loop3A_408 : vector<16xf32>
      %parallel_loop3A_410 = arith.constant 16 : i32
      %parallel_loop3A_411 = arith.muli %parallel_loop3A_43, %parallel_loop3A_410 : i32
      %parallel_loop3A_412 = arith.constant 23 : i32
      %parallel_loop3A_413 = arith.index_cast %parallel_loop3A_412 : i32 to index
      %parallel_loop3A_414 = arith.index_cast %parallel_loop3A_411 : i32 to index
      %parallel_loop3A_415 = tpu.vector_load %arg10[%parallel_loop3A_413, %parallel_loop3A_414] {strides = array<i32>} : memref<32x512xf32, #tpu.memory_space<vmem>>, vector<16xf32>,
      %parallel_loop3A_416 = arith.addf %parallel_loop3A_400, %parallel_loop3A_415 : vector<16xf32>
      %parallel_loop3A_417 = arith.constant 16 : i32
      %parallel_loop3A_418 = arith.muli %parallel_loop3A_43, %parallel_loop3A_417 : i32
      %parallel_loop3A_419 = arith.constant 256 : i32
      %parallel_loop3A_420 = arith.addi %parallel_loop3A_419, %parallel_loop3A_418 : i32
      %parallel_loop3A_421 = arith.constant 23 : i32
      %parallel_loop3A_422 = arith.index_cast %parallel_loop3A_421 : i32 to index
      %parallel_loop3A_423 = arith.index_cast %parallel_loop3A_420 : i32 to index
      %parallel_loop3A_424 = tpu.vector_load %arg10[%parallel_loop3A_422, %parallel_loop3A_423] {strides = array<i32>} : memref<32x512xf32, #tpu.memory_space<vmem>>, vector<16xf32>,
      %parallel_loop3A_425 = arith.addf %parallel_loop3A_409, %parallel_loop3A_424 : vector<16xf32>
      %parallel_loop3A_426 = arith.constant 16 : i32
      %parallel_loop3A_427 = arith.muli %parallel_loop3A_43, %parallel_loop3A_426 : i32
      %parallel_loop3A_428 = arith.constant 24 : i32
      %parallel_loop3A_429 = arith.index_cast %parallel_loop3A_428 : i32 to index
      %parallel_loop3A_430 = arith.index_cast %parallel_loop3A_427 : i32 to index
      %parallel_loop3A_431 = tpu.vector_load %arg10[%parallel_loop3A_429, %parallel_loop3A_430] {strides = array<i32>} : memref<32x512xf32, #tpu.memory_space<vmem>>, vector<16xf32>,
      %parallel_loop3A_432 = arith.addf %parallel_loop3A_416, %parallel_loop3A_431 : vector<16xf32>
      %parallel_loop3A_433 = arith.constant 16 : i32
      %parallel_loop3A_434 = arith.muli %parallel_loop3A_43, %parallel_loop3A_433 : i32
      %parallel_loop3A_435 = arith.constant 256 : i32
      %parallel_loop3A_436 = arith.addi %parallel_loop3A_435, %parallel_loop3A_434 : i32
      %parallel_loop3A_437 = arith.constant 24 : i32
      %parallel_loop3A_438 = arith.index_cast %parallel_loop3A_437 : i32 to index
      %parallel_loop3A_439 = arith.index_cast %parallel_loop3A_436 : i32 to index
      %parallel_loop3A_440 = tpu.vector_load %arg10[%parallel_loop3A_438, %parallel_loop3A_439] {strides = array<i32>} : memref<32x512xf32, #tpu.memory_space<vmem>>, vector<16xf32>,
      %parallel_loop3A_441 = arith.addf %parallel_loop3A_425, %parallel_loop3A_440 : vector<16xf32>
      %parallel_loop3A_442 = arith.constant 16 : i32
      %parallel_loop3A_443 = arith.muli %parallel_loop3A_43, %parallel_loop3A_442 : i32
      %parallel_loop3A_444 = arith.constant 25 : i32
      %parallel_loop3A_445 = arith.index_cast %parallel_loop3A_444 : i32 to index
      %parallel_loop3A_446 = arith.index_cast %parallel_loop3A_443 : i32 to index
      %parallel_loop3A_447 = tpu.vector_load %arg10[%parallel_loop3A_445, %parallel_loop3A_446] {strides = array<i32>} : memref<32x512xf32, #tpu.memory_space<vmem>>, vector<16xf32>,
      %parallel_loop3A_448 = arith.addf %parallel_loop3A_432, %parallel_loop3A_447 : vector<16xf32>
      %parallel_loop3A_449 = arith.constant 16 : i32
      %parallel_loop3A_450 = arith.muli %parallel_loop3A_43, %parallel_loop3A_449 : i32
      %parallel_loop3A_451 = arith.constant 256 : i32
      %parallel_loop3A_452 = arith.addi %parallel_loop3A_451, %parallel_loop3A_450 : i32
      %parallel_loop3A_453 = arith.constant 25 : i32
      %parallel_loop3A_454 = arith.index_cast %parallel_loop3A_453 : i32 to index
      %parallel_loop3A_455 = arith.index_cast %parallel_loop3A_452 : i32 to index
      %parallel_loop3A_456 = tpu.vector_load %arg10[%parallel_loop3A_454, %parallel_loop3A_455] {strides = array<i32>} : memref<32x512xf32, #tpu.memory_space<vmem>>, vector<16xf32>,
      %parallel_loop3A_457 = arith.addf %parallel_loop3A_441, %parallel_loop3A_456 : vector<16xf32>
      %parallel_loop3A_458 = arith.constant 16 : i32
      %parallel_loop3A_459 = arith.muli %parallel_loop3A_43, %parallel_loop3A_458 : i32
      %parallel_loop3A_460 = arith.constant 26 : i32
      %parallel_loop3A_461 = arith.index_cast %parallel_loop3A_460 : i32 to index
      %parallel_loop3A_462 = arith.index_cast %parallel_loop3A_459 : i32 to index
      %parallel_loop3A_463 = tpu.vector_load %arg10[%parallel_loop3A_461, %parallel_loop3A_462] {strides = array<i32>} : memref<32x512xf32, #tpu.memory_space<vmem>>, vector<16xf32>,
      %parallel_loop3A_464 = arith.addf %parallel_loop3A_448, %parallel_loop3A_463 : vector<16xf32>
      %parallel_loop3A_465 = arith.constant 16 : i32
      %parallel_loop3A_466 = arith.muli %parallel_loop3A_43, %parallel_loop3A_465 : i32
      %parallel_loop3A_467 = arith.constant 256 : i32
      %parallel_loop3A_468 = arith.addi %parallel_loop3A_467, %parallel_loop3A_466 : i32
      %parallel_loop3A_469 = arith.constant 26 : i32
      %parallel_loop3A_470 = arith.index_cast %parallel_loop3A_469 : i32 to index
      %parallel_loop3A_471 = arith.index_cast %parallel_loop3A_468 : i32 to index
      %parallel_loop3A_472 = tpu.vector_load %arg10[%parallel_loop3A_470, %parallel_loop3A_471] {strides = array<i32>} : memref<32x512xf32, #tpu.memory_space<vmem>>, vector<16xf32>,
      %parallel_loop3A_473 = arith.addf %parallel_loop3A_457, %parallel_loop3A_472 : vector<16xf32>
      %parallel_loop3A_474 = arith.constant 16 : i32
      %parallel_loop3A_475 = arith.muli %parallel_loop3A_43, %parallel_loop3A_474 : i32
      %parallel_loop3A_476 = arith.constant 27 : i32
      %parallel_loop3A_477 = arith.index_cast %parallel_loop3A_476 : i32 to index
      %parallel_loop3A_478 = arith.index_cast %parallel_loop3A_475 : i32 to index
      %parallel_loop3A_479 = tpu.vector_load %arg10[%parallel_loop3A_477, %parallel_loop3A_478] {strides = array<i32>} : memref<32x512xf32, #tpu.memory_space<vmem>>, vector<16xf32>,
      %parallel_loop3A_480 = arith.addf %parallel_loop3A_464, %parallel_loop3A_479 : vector<16xf32>
      %parallel_loop3A_481 = arith.constant 16 : i32
      %parallel_loop3A_482 = arith.muli %parallel_loop3A_43, %parallel_loop3A_481 : i32
      %parallel_loop3A_483 = arith.constant 256 : i32
      %parallel_loop3A_484 = arith.addi %parallel_loop3A_483, %parallel_loop3A_482 : i32
      %parallel_loop3A_485 = arith.constant 27 : i32
      %parallel_loop3A_486 = arith.index_cast %parallel_loop3A_485 : i32 to index
      %parallel_loop3A_487 = arith.index_cast %parallel_loop3A_484 : i32 to index
      %parallel_loop3A_488 = tpu.vector_load %arg10[%parallel_loop3A_486, %parallel_loop3A_487] {strides = array<i32>} : memref<32x512xf32, #tpu.memory_space<vmem>>, vector<16xf32>,
      %parallel_loop3A_489 = arith.addf %parallel_loop3A_473, %parallel_loop3A_488 : vector<16xf32>
      %parallel_loop3A_490 = arith.constant 16 : i32
      %parallel_loop3A_491 = arith.muli %parallel_loop3A_43, %parallel_loop3A_490 : i32
      %parallel_loop3A_492 = arith.constant 28 : i32
      %parallel_loop3A_493 = arith.index_cast %parallel_loop3A_492 : i32 to index
      %parallel_loop3A_494 = arith.index_cast %parallel_loop3A_491 : i32 to index
      %parallel_loop3A_495 = tpu.vector_load %arg10[%parallel_loop3A_493, %parallel_loop3A_494] {strides = array<i32>} : memref<32x512xf32, #tpu.memory_space<vmem>>, vector<16xf32>,
      %parallel_loop3A_496 = arith.addf %parallel_loop3A_480, %parallel_loop3A_495 : vector<16xf32>
      %parallel_loop3A_497 = arith.constant 16 : i32
      %parallel_loop3A_498 = arith.muli %parallel_loop3A_43, %parallel_loop3A_497 : i32
      %parallel_loop3A_499 = arith.constant 256 : i32
      %parallel_loop3A_500 = arith.addi %parallel_loop3A_499, %parallel_loop3A_498 : i32
      %parallel_loop3A_501 = arith.constant 28 : i32
      %parallel_loop3A_502 = arith.index_cast %parallel_loop3A_501 : i32 to index
      %parallel_loop3A_503 = arith.index_cast %parallel_loop3A_500 : i32 to index
      %parallel_loop3A_504 = tpu.vector_load %arg10[%parallel_loop3A_502, %parallel_loop3A_503] {strides = array<i32>} : memref<32x512xf32, #tpu.memory_space<vmem>>, vector<16xf32>,
      %parallel_loop3A_505 = arith.addf %parallel_loop3A_489, %parallel_loop3A_504 : vector<16xf32>
      %parallel_loop3A_506 = arith.constant 16 : i32
      %parallel_loop3A_507 = arith.muli %parallel_loop3A_43, %parallel_loop3A_506 : i32
      %parallel_loop3A_508 = arith.constant 29 : i32
      %parallel_loop3A_509 = arith.index_cast %parallel_loop3A_508 : i32 to index
      %parallel_loop3A_510 = arith.index_cast %parallel_loop3A_507 : i32 to index
      %parallel_loop3A_511 = tpu.vector_load %arg10[%parallel_loop3A_509, %parallel_loop3A_510] {strides = array<i32>} : memref<32x512xf32, #tpu.memory_space<vmem>>, vector<16xf32>,
      %parallel_loop3A_512 = arith.addf %parallel_loop3A_496, %parallel_loop3A_511 : vector<16xf32>
      %parallel_loop3A_513 = arith.constant 16 : i32
      %parallel_loop3A_514 = arith.muli %parallel_loop3A_43, %parallel_loop3A_513 : i32
      %parallel_loop3A_515 = arith.constant 256 : i32
      %parallel_loop3A_516 = arith.addi %parallel_loop3A_515, %parallel_loop3A_514 : i32
      %parallel_loop3A_517 = arith.constant 29 : i32
      %parallel_loop3A_518 = arith.index_cast %parallel_loop3A_517 : i32 to index
      %parallel_loop3A_519 = arith.index_cast %parallel_loop3A_516 : i32 to index
      %parallel_loop3A_520 = tpu.vector_load %arg10[%parallel_loop3A_518, %parallel_loop3A_519] {strides = array<i32>} : memref<32x512xf32, #tpu.memory_space<vmem>>, vector<16xf32>,
      %parallel_loop3A_521 = arith.addf %parallel_loop3A_505, %parallel_loop3A_520 : vector<16xf32>
      %parallel_loop3A_522 = arith.constant 16 : i32
      %parallel_loop3A_523 = arith.muli %parallel_loop3A_43, %parallel_loop3A_522 : i32
      %parallel_loop3A_524 = arith.constant 30 : i32
      %parallel_loop3A_525 = arith.index_cast %parallel_loop3A_524 : i32 to index
      %parallel_loop3A_526 = arith.index_cast %parallel_loop3A_523 : i32 to index
      %parallel_loop3A_527 = tpu.vector_load %arg10[%parallel_loop3A_525, %parallel_loop3A_526] {strides = array<i32>} : memref<32x512xf32, #tpu.memory_space<vmem>>, vector<16xf32>,
      %parallel_loop3A_528 = arith.addf %parallel_loop3A_512, %parallel_loop3A_527 : vector<16xf32>
      %parallel_loop3A_529 = arith.constant 16 : i32
      %parallel_loop3A_530 = arith.muli %parallel_loop3A_43, %parallel_loop3A_529 : i32
      %parallel_loop3A_531 = arith.constant 256 : i32
      %parallel_loop3A_532 = arith.addi %parallel_loop3A_531, %parallel_loop3A_530 : i32
      %parallel_loop3A_533 = arith.constant 30 : i32
      %parallel_loop3A_534 = arith.index_cast %parallel_loop3A_533 : i32 to index
      %parallel_loop3A_535 = arith.index_cast %parallel_loop3A_532 : i32 to index
      %parallel_loop3A_536 = tpu.vector_load %arg10[%parallel_loop3A_534, %parallel_loop3A_535] {strides = array<i32>} : memref<32x512xf32, #tpu.memory_space<vmem>>, vector<16xf32>,
      %parallel_loop3A_537 = arith.addf %parallel_loop3A_521, %parallel_loop3A_536 : vector<16xf32>
      %parallel_loop3A_538 = arith.constant 16 : i32
      %parallel_loop3A_539 = arith.muli %parallel_loop3A_43, %parallel_loop3A_538 : i32
      %parallel_loop3A_540 = arith.constant 31 : i32
      %parallel_loop3A_541 = arith.index_cast %parallel_loop3A_540 : i32 to index
      %parallel_loop3A_542 = arith.index_cast %parallel_loop3A_539 : i32 to index
      %parallel_loop3A_543 = tpu.vector_load %arg10[%parallel_loop3A_541, %parallel_loop3A_542] {strides = array<i32>} : memref<32x512xf32, #tpu.memory_space<vmem>>, vector<16xf32>,
      %parallel_loop3A_544 = arith.addf %parallel_loop3A_528, %parallel_loop3A_543 : vector<16xf32>
      %parallel_loop3A_545 = arith.constant 16 : i32
      %parallel_loop3A_546 = arith.muli %parallel_loop3A_43, %parallel_loop3A_545 : i32
      %parallel_loop3A_547 = arith.constant 256 : i32
      %parallel_loop3A_548 = arith.addi %parallel_loop3A_547, %parallel_loop3A_546 : i32
      %parallel_loop3A_549 = arith.constant 31 : i32
      %parallel_loop3A_550 = arith.index_cast %parallel_loop3A_549 : i32 to index
      %parallel_loop3A_551 = arith.index_cast %parallel_loop3A_548 : i32 to index
      %parallel_loop3A_552 = tpu.vector_load %arg10[%parallel_loop3A_550, %parallel_loop3A_551] {strides = array<i32>} : memref<32x512xf32, #tpu.memory_space<vmem>>, vector<16xf32>,
      %parallel_loop3A_553 = arith.addf %parallel_loop3A_537, %parallel_loop3A_552 : vector<16xf32>
      %parallel_loop3A_554 = arith.constant 1.000000e+00 : f32
      %parallel_loop3A_555 = vector.broadcast %parallel_loop3A_554 : f32 to vector<16xf32>
      %parallel_loop3A_556 = arith.maximumf %parallel_loop3A_553, %parallel_loop3A_555 : vector<16xf32>
      %parallel_loop3A_557 = arith.divf %parallel_loop3A_544, %parallel_loop3A_556 : vector<16xf32>
      %parallel_loop3A_558 = arith.constant 9.99999974E-6 : f32
      %parallel_loop3A_559 = vector.broadcast %parallel_loop3A_558 : f32 to vector<16xf32>
      %parallel_loop3A_560 = arith.addf %parallel_loop3A_557, %parallel_loop3A_559 : vector<16xf32>
      %parallel_loop3A_561 = arith.divf %get3A_7, %parallel_loop3A_560 : vector<16xf32>
      %parallel_loop3A_562 = arith.constant 16 : i32
      %parallel_loop3A_563 = arith.muli %parallel_loop3A_43, %parallel_loop3A_562 : i32
      %parallel_loop3A_564 = arith.index_cast %parallel_loop3A_563 : i32 to index
      %parallel_loop3A_565 = tpu.vector_load %arg11[%parallel_loop3A_564] {strides = array<i32>} : memref<256xf32, #tpu.memory_space<vmem>>, vector<16xf32>,
      tpu.vector_store %arg11[%parallel_loop3A_564], %parallel_loop3A_561 {strides = array<i32>} : memref<256xf32, #tpu.memory_space<vmem>>, vector<16xf32>,
    } {sc.loop_unroll_factor = 1 : i64, sc.parallel_access}
    %eq3A_10 = arith.constant 31 : i32
    %eq3A_11 = arith.cmpi eq, %add3A, %eq3A_10 : i32
    %jit3A = arith.constant 43 : i32
    %jit3A_12 = arith.constant 49 : i32
    %select_n3A = arith.select %eq3A_11, %jit3A, %jit3A_12 : i32
    %eq3A_13 = arith.constant 31 : i32
    %eq3A_14 = arith.cmpi eq, %add3A, %eq3A_13 : i32
    %jit3A_15 = arith.constant 2 : i32
    %jit3A_16 = arith.constant 0 : i32
    %select_n3A_17 = arith.select %eq3A_14, %jit3A_15, %jit3A_16 : i32
    %mul3A_18 = arith.constant 4 : i32
    %mul3A_19 = arith.muli %select_n3A, %mul3A_18 : i32
    %parallel_loop3A_20 = arith.constant 0 : i32
    %parallel_loop3A_21 = arith.constant 1 : i32
    scf.for %parallel_loop3A_43 = %parallel_loop3A_20 to %mul3A_19 step %parallel_loop3A_21  : i32 {
      %parallel_loop3A_44 = arith.constant 16 : i32
      %parallel_loop3A_45 = arith.muli %parallel_loop3A_43, %parallel_loop3A_44 : i32
      %parallel_loop3A_46 = arith.index_cast %parallel_loop3A_45 : i32 to index
      %parallel_loop3A_47 = tpu.vector_load %arg9[%parallel_loop3A_46] {strides = array<i32>} : memref<3136xi32, #tpu.memory_space<vmem>>, vector<16xi32>,
      %parallel_loop3A_48 = tpu.vector_load_idx %arg11[%parallel_loop3A_47] : memref<256xf32, #tpu.memory_space<vmem>>[vector<16xi32>], vector<16xf32>,
      %parallel_loop3A_49 = arith.constant 0 : i32
      %parallel_loop3A_50 = arith.addi %parallel_loop3A_49, %parallel_loop3A_45 : i32
      %parallel_loop3A_51 = arith.index_cast %parallel_loop3A_50 : i32 to index
      %parallel_loop3A_52 = tpu.vector_load %arg7[%parallel_loop3A_51] {strides = array<i32>} : memref<9408xf32, #tpu.memory_space<vmem>>, vector<16xf32>,
      %parallel_loop3A_53 = arith.mulf %parallel_loop3A_52, %parallel_loop3A_48 : vector<16xf32>
      %parallel_loop3A_54 = arith.constant 0 : i32
      %parallel_loop3A_55 = arith.addi %parallel_loop3A_54, %parallel_loop3A_45 : i32
      %parallel_loop3A_56 = arith.index_cast %parallel_loop3A_55 : i32 to index
      %parallel_loop3A_57 = tpu.vector_load %arg8[%parallel_loop3A_56] {strides = array<i32>} : memref<9408xf32, #tpu.memory_space<vmem>>, vector<16xf32>,
      tpu.vector_store %arg8[%parallel_loop3A_56], %parallel_loop3A_53 {strides = array<i32>} : memref<9408xf32, #tpu.memory_space<vmem>>, vector<16xf32>,
      %parallel_loop3A_58 = arith.constant 3136 : i32
      %parallel_loop3A_59 = arith.addi %parallel_loop3A_58, %parallel_loop3A_45 : i32
      %parallel_loop3A_60 = arith.index_cast %parallel_loop3A_59 : i32 to index
      %parallel_loop3A_61 = tpu.vector_load %arg7[%parallel_loop3A_60] {strides = array<i32>} : memref<9408xf32, #tpu.memory_space<vmem>>, vector<16xf32>,
      %parallel_loop3A_62 = arith.mulf %parallel_loop3A_61, %parallel_loop3A_48 : vector<16xf32>
      %parallel_loop3A_63 = arith.constant 3136 : i32
      %parallel_loop3A_64 = arith.addi %parallel_loop3A_63, %parallel_loop3A_45 : i32
      %parallel_loop3A_65 = arith.index_cast %parallel_loop3A_64 : i32 to index
      %parallel_loop3A_66 = tpu.vector_load %arg8[%parallel_loop3A_65] {strides = array<i32>} : memref<9408xf32, #tpu.memory_space<vmem>>, vector<16xf32>,
      tpu.vector_store %arg8[%parallel_loop3A_65], %parallel_loop3A_62 {strides = array<i32>} : memref<9408xf32, #tpu.memory_space<vmem>>, vector<16xf32>,
      %parallel_loop3A_67 = arith.constant 6272 : i32
      %parallel_loop3A_68 = arith.addi %parallel_loop3A_67, %parallel_loop3A_45 : i32
      %parallel_loop3A_69 = arith.index_cast %parallel_loop3A_68 : i32 to index
      %parallel_loop3A_70 = tpu.vector_load %arg7[%parallel_loop3A_69] {strides = array<i32>} : memref<9408xf32, #tpu.memory_space<vmem>>, vector<16xf32>,
      %parallel_loop3A_71 = arith.mulf %parallel_loop3A_70, %parallel_loop3A_48 : vector<16xf32>
      %parallel_loop3A_72 = arith.constant 6272 : i32
      %parallel_loop3A_73 = arith.addi %parallel_loop3A_72, %parallel_loop3A_45 : i32
      %parallel_loop3A_74 = arith.index_cast %parallel_loop3A_73 : i32 to index
      %parallel_loop3A_75 = tpu.vector_load %arg8[%parallel_loop3A_74] {strides = array<i32>} : memref<9408xf32, #tpu.memory_space<vmem>>, vector<16xf32>,
      tpu.vector_store %arg8[%parallel_loop3A_74], %parallel_loop3A_71 {strides = array<i32>} : memref<9408xf32, #tpu.memory_space<vmem>>, vector<16xf32>,
    } {sc.loop_unroll_factor = 4 : i64, sc.parallel_access}
    %while3A = arith.constant 0 : i32
    %while3A_22 = arith.constant 0 : i32
    %while3A_23 = arith.subi %select_n3A_17, %while3A : i32
    %while3A_24 = arith.addi %while3A, %while3A_23 : i32
    %while3A_25 = arith.constant 1 : i32
    %while3A_26 = arith.divsi %while3A_23, %while3A_25 : i32
    %while3A_27 = arith.muli %while3A_26, %while3A_25 : i32
    %while3A_28 = arith.addi %while3A, %while3A_27 : i32
    %while3A_29 = arith.constant 1 : i32
    %while3A_30 = scf.for %while3A_43 = %while3A to %while3A_28 step %while3A_29 iter_args(%while3A_44 = %while3A_22) -> (i32)  : i32 {
      %add3A_45 = arith.constant 172 : i32
      %add3A_46 = arith.addi %add3A_45, %while3A_43 : i32
      %mul3A_47 = arith.constant 16 : i32
      %mul3A_48 = arith.muli %add3A_46, %mul3A_47 : i32
      %get3A_49 = arith.index_cast %mul3A_48 : i32 to index
      %get3A_50 = tpu.vector_load %arg9[%get3A_49] {strides = array<i32>} : memref<3136xi32, #tpu.memory_space<vmem>>, vector<16xi32>,
      %gather3A = tpu.vector_load_idx %arg11[%get3A_50] : memref<256xf32, #tpu.memory_space<vmem>>[vector<16xi32>], vector<16xf32>,
      %add3A_51 = arith.constant 0 : i32
      %add3A_52 = arith.addi %add3A_51, %mul3A_48 : i32
      %get3A_53 = arith.index_cast %add3A_52 : i32 to index
      %get3A_54 = tpu.vector_load %arg7[%get3A_53] {strides = array<i32>} : memref<9408xf32, #tpu.memory_space<vmem>>, vector<16xf32>,
      %mul3A_55 = arith.mulf %get3A_54, %gather3A : vector<16xf32>
      %add3A_56 = arith.constant 0 : i32
      %add3A_57 = arith.addi %add3A_56, %mul3A_48 : i32
      %swap3A = arith.index_cast %add3A_57 : i32 to index
      %swap3A_58 = tpu.vector_load %arg8[%swap3A] {strides = array<i32>} : memref<9408xf32, #tpu.memory_space<vmem>>, vector<16xf32>,
      tpu.vector_store %arg8[%swap3A], %mul3A_55 {strides = array<i32>} : memref<9408xf32, #tpu.memory_space<vmem>>, vector<16xf32>,
      %add3A_59 = arith.constant 3136 : i32
      %add3A_60 = arith.addi %add3A_59, %mul3A_48 : i32
      %get3A_61 = arith.index_cast %add3A_60 : i32 to index
      %get3A_62 = tpu.vector_load %arg7[%get3A_61] {strides = array<i32>} : memref<9408xf32, #tpu.memory_space<vmem>>, vector<16xf32>,
      %mul3A_63 = arith.mulf %get3A_62, %gather3A : vector<16xf32>
      %add3A_64 = arith.constant 3136 : i32
      %add3A_65 = arith.addi %add3A_64, %mul3A_48 : i32
      %swap3A_66 = arith.index_cast %add3A_65 : i32 to index
      %swap3A_67 = tpu.vector_load %arg8[%swap3A_66] {strides = array<i32>} : memref<9408xf32, #tpu.memory_space<vmem>>, vector<16xf32>,
      tpu.vector_store %arg8[%swap3A_66], %mul3A_63 {strides = array<i32>} : memref<9408xf32, #tpu.memory_space<vmem>>, vector<16xf32>,
      %add3A_68 = arith.constant 6272 : i32
      %add3A_69 = arith.addi %add3A_68, %mul3A_48 : i32
      %get3A_70 = arith.index_cast %add3A_69 : i32 to index
      %get3A_71 = tpu.vector_load %arg7[%get3A_70] {strides = array<i32>} : memref<9408xf32, #tpu.memory_space<vmem>>, vector<16xf32>,
      %mul3A_72 = arith.mulf %get3A_71, %gather3A : vector<16xf32>
      %add3A_73 = arith.constant 6272 : i32
      %add3A_74 = arith.addi %add3A_73, %mul3A_48 : i32
      %swap3A_75 = arith.index_cast %add3A_74 : i32 to index
      %swap3A_76 = tpu.vector_load %arg8[%swap3A_75] {strides = array<i32>} : memref<9408xf32, #tpu.memory_space<vmem>>, vector<16xf32>,
      tpu.vector_store %arg8[%swap3A_75], %mul3A_72 {strides = array<i32>} : memref<9408xf32, #tpu.memory_space<vmem>>, vector<16xf32>,
      %while3A_77 = arith.constant 0 : i32
      scf.yield %while3A_77 : i32
    }
    %while3A_31 = arith.constant 1 : i32
    %while3A_32 = scf.for %while3A_43 = %while3A_28 to %while3A_24 step %while3A_31 iter_args(%while3A_44 = %while3A_30) -> (i32)  : i32 {
      %add3A_45 = arith.constant 172 : i32
      %add3A_46 = arith.addi %add3A_45, %while3A_43 : i32
      %mul3A_47 = arith.constant 16 : i32
      %mul3A_48 = arith.muli %add3A_46, %mul3A_47 : i32
      %get3A_49 = arith.index_cast %mul3A_48 : i32 to index
      %get3A_50 = tpu.vector_load %arg9[%get3A_49] {strides = array<i32>} : memref<3136xi32, #tpu.memory_space<vmem>>, vector<16xi32>,
      %gather3A = tpu.vector_load_idx %arg11[%get3A_50] : memref<256xf32, #tpu.memory_space<vmem>>[vector<16xi32>], vector<16xf32>,
      %add3A_51 = arith.constant 0 : i32
      %add3A_52 = arith.addi %add3A_51, %mul3A_48 : i32
      %get3A_53 = arith.index_cast %add3A_52 : i32 to index
      %get3A_54 = tpu.vector_load %arg7[%get3A_53] {strides = array<i32>} : memref<9408xf32, #tpu.memory_space<vmem>>, vector<16xf32>,
      %mul3A_55 = arith.mulf %get3A_54, %gather3A : vector<16xf32>
      %add3A_56 = arith.constant 0 : i32
      %add3A_57 = arith.addi %add3A_56, %mul3A_48 : i32
      %swap3A = arith.index_cast %add3A_57 : i32 to index
      %swap3A_58 = tpu.vector_load %arg8[%swap3A] {strides = array<i32>} : memref<9408xf32, #tpu.memory_space<vmem>>, vector<16xf32>,
      tpu.vector_store %arg8[%swap3A], %mul3A_55 {strides = array<i32>} : memref<9408xf32, #tpu.memory_space<vmem>>, vector<16xf32>,
      %add3A_59 = arith.constant 3136 : i32
      %add3A_60 = arith.addi %add3A_59, %mul3A_48 : i32
      %get3A_61 = arith.index_cast %add3A_60 : i32 to index
      %get3A_62 = tpu.vector_load %arg7[%get3A_61] {strides = array<i32>} : memref<9408xf32, #tpu.memory_space<vmem>>, vector<16xf32>,
      %mul3A_63 = arith.mulf %get3A_62, %gather3A : vector<16xf32>
      %add3A_64 = arith.constant 3136 : i32
      %add3A_65 = arith.addi %add3A_64, %mul3A_48 : i32
      %swap3A_66 = arith.index_cast %add3A_65 : i32 to index
      %swap3A_67 = tpu.vector_load %arg8[%swap3A_66] {strides = array<i32>} : memref<9408xf32, #tpu.memory_space<vmem>>, vector<16xf32>,
      tpu.vector_store %arg8[%swap3A_66], %mul3A_63 {strides = array<i32>} : memref<9408xf32, #tpu.memory_space<vmem>>, vector<16xf32>,
      %add3A_68 = arith.constant 6272 : i32
      %add3A_69 = arith.addi %add3A_68, %mul3A_48 : i32
      %get3A_70 = arith.index_cast %add3A_69 : i32 to index
      %get3A_71 = tpu.vector_load %arg7[%get3A_70] {strides = array<i32>} : memref<9408xf32, #tpu.memory_space<vmem>>, vector<16xf32>,
      %mul3A_72 = arith.mulf %get3A_71, %gather3A : vector<16xf32>
      %add3A_73 = arith.constant 6272 : i32
      %add3A_74 = arith.addi %add3A_73, %mul3A_48 : i32
      %swap3A_75 = arith.index_cast %add3A_74 : i32 to index
      %swap3A_76 = tpu.vector_load %arg8[%swap3A_75] {strides = array<i32>} : memref<9408xf32, #tpu.memory_space<vmem>>, vector<16xf32>,
      tpu.vector_store %arg8[%swap3A_75], %mul3A_72 {strides = array<i32>} : memref<9408xf32, #tpu.memory_space<vmem>>, vector<16xf32>,
      %while3A_77 = arith.constant 0 : i32
      scf.yield %while3A_77 : i32
    }
    %lt3A_33 = arith.constant 31 : i32
    %lt3A_34 = arith.cmpi slt, %add3A, %lt3A_33 : i32
    %convert_element_type3A_35 = arith.extui %lt3A_34 : i1 to i32
    %cond3A_36 = arith.constant 0 : i32
    %cond3A_37 = arith.cmpi ne, %convert_element_type3A_35, %cond3A_36 : i32
    scf.if %cond3A_37 {
      %mul3A_43 = arith.constant 3136 : i32
      %mul3A_44 = arith.muli %add3A, %mul3A_43 : i32
      %add3A_45 = arith.constant 0 : i32
      %add3A_46 = arith.addi %add3A_45, %mul3A_44 : i32
      "tpu.region"() ({
        %run_scoped3A = tpu.sem_alloc : memref<!tpu.dma_semaphore, #tpu.memory_space<semaphore_mem>>
        %dma_start3A = arith.constant 0 : i32
        %dma_start3A_55 = tpu.memref_slice %arg8[%dma_start3A] : memref<9408xf32, #tpu.memory_space<vmem>> -> memref<3136xf32, #tpu.memory_space<vmem>>
        %dma_start3A_56 = tpu.memref_slice %arg6[%add3A_46] : memref<300000xf32, #tpu.memory_space<hbm>> -> memref<3136xf32, #tpu.memory_space<hbm>>
        %dma_start3A_57 = tpu.memref_slice %arg6[%add3A_46] : memref<300000xf32, #tpu.memory_space<hbm>> -> memref<3136xf32, #tpu.memory_space<hbm>>
        %dma_start3A_58 = arith.constant 0 : i32
        %dma_start3A_59 = tpu.memref_slice %arg8[%dma_start3A_58] : memref<9408xf32, #tpu.memory_space<vmem>> -> memref<3136xf32, #tpu.memory_space<vmem>>
        tpu.enqueue_dma source(%dma_start3A_59 : memref<3136xf32, #tpu.memory_space<vmem>>) target(%dma_start3A_57 : memref<3136xf32, #tpu.memory_space<hbm>>) target_semaphore(%run_scoped3A : memref<!tpu.dma_semaphore, #tpu.memory_space<semaphore_mem>>)
        %dma_wait3A = arith.constant 0 : i32
        %dma_wait3A_60 = tpu.memref_slice %arg8[%dma_wait3A] : memref<9408xf32, #tpu.memory_space<vmem>> -> memref<3136xf32, #tpu.memory_space<vmem>>
        %dma_wait3A_61 = tpu.memref_slice %arg6[%add3A_46] : memref<300000xf32, #tpu.memory_space<hbm>> -> memref<3136xf32, #tpu.memory_space<hbm>>
        %dma_wait3A_62 = tpu.memref_slice %arg6[%add3A_46] : memref<300000xf32, #tpu.memory_space<hbm>> -> memref<3136xf32, #tpu.memory_space<hbm>>
        %dma_wait3A_63 = arith.constant 0 : i32
        %dma_wait3A_64 = tpu.memref_slice %arg8[%dma_wait3A_63] : memref<9408xf32, #tpu.memory_space<vmem>> -> memref<3136xf32, #tpu.memory_space<vmem>>
        tpu.wait_dma2 semaphore(%run_scoped3A : memref<!tpu.dma_semaphore, #tpu.memory_space<semaphore_mem>>) src(%dma_wait3A_64 : memref<3136xf32, #tpu.memory_space<vmem>>) dst(%dma_wait3A_62 : memref<3136xf32, #tpu.memory_space<hbm>>)
        tpu.yield
      }) : () -> ()
      %mul3A_47 = arith.constant 3136 : i32
      %mul3A_48 = arith.muli %add3A, %mul3A_47 : i32
      %add3A_49 = arith.constant 100000 : i32
      %add3A_50 = arith.addi %add3A_49, %mul3A_48 : i32
      "tpu.region"() ({
        %run_scoped3A = tpu.sem_alloc : memref<!tpu.dma_semaphore, #tpu.memory_space<semaphore_mem>>
        %dma_start3A = arith.constant 3136 : i32
        %dma_start3A_55 = tpu.memref_slice %arg8[%dma_start3A] : memref<9408xf32, #tpu.memory_space<vmem>> -> memref<3136xf32, #tpu.memory_space<vmem>>
        %dma_start3A_56 = tpu.memref_slice %arg6[%add3A_50] : memref<300000xf32, #tpu.memory_space<hbm>> -> memref<3136xf32, #tpu.memory_space<hbm>>
        %dma_start3A_57 = tpu.memref_slice %arg6[%add3A_50] : memref<300000xf32, #tpu.memory_space<hbm>> -> memref<3136xf32, #tpu.memory_space<hbm>>
        %dma_start3A_58 = arith.constant 3136 : i32
        %dma_start3A_59 = tpu.memref_slice %arg8[%dma_start3A_58] : memref<9408xf32, #tpu.memory_space<vmem>> -> memref<3136xf32, #tpu.memory_space<vmem>>
        tpu.enqueue_dma source(%dma_start3A_59 : memref<3136xf32, #tpu.memory_space<vmem>>) target(%dma_start3A_57 : memref<3136xf32, #tpu.memory_space<hbm>>) target_semaphore(%run_scoped3A : memref<!tpu.dma_semaphore, #tpu.memory_space<semaphore_mem>>)
        %dma_wait3A = arith.constant 3136 : i32
        %dma_wait3A_60 = tpu.memref_slice %arg8[%dma_wait3A] : memref<9408xf32, #tpu.memory_space<vmem>> -> memref<3136xf32, #tpu.memory_space<vmem>>
        %dma_wait3A_61 = tpu.memref_slice %arg6[%add3A_50] : memref<300000xf32, #tpu.memory_space<hbm>> -> memref<3136xf32, #tpu.memory_space<hbm>>
        %dma_wait3A_62 = tpu.memref_slice %arg6[%add3A_50] : memref<300000xf32, #tpu.memory_space<hbm>> -> memref<3136xf32, #tpu.memory_space<hbm>>
        %dma_wait3A_63 = arith.constant 3136 : i32
        %dma_wait3A_64 = tpu.memref_slice %arg8[%dma_wait3A_63] : memref<9408xf32, #tpu.memory_space<vmem>> -> memref<3136xf32, #tpu.memory_space<vmem>>
        tpu.wait_dma2 semaphore(%run_scoped3A : memref<!tpu.dma_semaphore, #tpu.memory_space<semaphore_mem>>) src(%dma_wait3A_64 : memref<3136xf32, #tpu.memory_space<vmem>>) dst(%dma_wait3A_62 : memref<3136xf32, #tpu.memory_space<hbm>>)
        tpu.yield
      }) : () -> ()
      %mul3A_51 = arith.constant 3136 : i32
      %mul3A_52 = arith.muli %add3A, %mul3A_51 : i32
      %add3A_53 = arith.constant 200000 : i32
      %add3A_54 = arith.addi %add3A_53, %mul3A_52 : i32
      "tpu.region"() ({
        %run_scoped3A = tpu.sem_alloc : memref<!tpu.dma_semaphore, #tpu.memory_space<semaphore_mem>>
        %dma_start3A = arith.constant 6272 : i32
        %dma_start3A_55 = tpu.memref_slice %arg8[%dma_start3A] : memref<9408xf32, #tpu.memory_space<vmem>> -> memref<3136xf32, #tpu.memory_space<vmem>>
        %dma_start3A_56 = tpu.memref_slice %arg6[%add3A_54] : memref<300000xf32, #tpu.memory_space<hbm>> -> memref<3136xf32, #tpu.memory_space<hbm>>
        %dma_start3A_57 = tpu.memref_slice %arg6[%add3A_54] : memref<300000xf32, #tpu.memory_space<hbm>> -> memref<3136xf32, #tpu.memory_space<hbm>>
        %dma_start3A_58 = arith.constant 6272 : i32
        %dma_start3A_59 = tpu.memref_slice %arg8[%dma_start3A_58] : memref<9408xf32, #tpu.memory_space<vmem>> -> memref<3136xf32, #tpu.memory_space<vmem>>
        tpu.enqueue_dma source(%dma_start3A_59 : memref<3136xf32, #tpu.memory_space<vmem>>) target(%dma_start3A_57 : memref<3136xf32, #tpu.memory_space<hbm>>) target_semaphore(%run_scoped3A : memref<!tpu.dma_semaphore, #tpu.memory_space<semaphore_mem>>)
        %dma_wait3A = arith.constant 6272 : i32
        %dma_wait3A_60 = tpu.memref_slice %arg8[%dma_wait3A] : memref<9408xf32, #tpu.memory_space<vmem>> -> memref<3136xf32, #tpu.memory_space<vmem>>
        %dma_wait3A_61 = tpu.memref_slice %arg6[%add3A_54] : memref<300000xf32, #tpu.memory_space<hbm>> -> memref<3136xf32, #tpu.memory_space<hbm>>
        %dma_wait3A_62 = tpu.memref_slice %arg6[%add3A_54] : memref<300000xf32, #tpu.memory_space<hbm>> -> memref<3136xf32, #tpu.memory_space<hbm>>
        %dma_wait3A_63 = arith.constant 6272 : i32
        %dma_wait3A_64 = tpu.memref_slice %arg8[%dma_wait3A_63] : memref<9408xf32, #tpu.memory_space<vmem>> -> memref<3136xf32, #tpu.memory_space<vmem>>
        tpu.wait_dma2 semaphore(%run_scoped3A : memref<!tpu.dma_semaphore, #tpu.memory_space<semaphore_mem>>) src(%dma_wait3A_64 : memref<3136xf32, #tpu.memory_space<vmem>>) dst(%dma_wait3A_62 : memref<3136xf32, #tpu.memory_space<hbm>>)
        tpu.yield
      }) : () -> ()
    } else {
    }
    %eq3A_38 = arith.constant 31 : i32
    %eq3A_39 = arith.cmpi eq, %add3A, %eq3A_38 : i32
    %convert_element_type3A_40 = arith.extui %eq3A_39 : i1 to i32
    %cond3A_41 = arith.constant 0 : i32
    %cond3A_42 = arith.cmpi ne, %convert_element_type3A_40, %cond3A_41 : i32
    scf.if %cond3A_42 {
      %mul3A_43 = arith.constant 3136 : i32
      %mul3A_44 = arith.muli %add3A, %mul3A_43 : i32
      %add3A_45 = arith.constant 0 : i32
      %add3A_46 = arith.addi %add3A_45, %mul3A_44 : i32
      "tpu.region"() ({
        %run_scoped3A = tpu.sem_alloc : memref<!tpu.dma_semaphore, #tpu.memory_space<semaphore_mem>>
        %dma_start3A = arith.constant 0 : i32
        %dma_start3A_55 = tpu.memref_slice %arg8[%dma_start3A] : memref<9408xf32, #tpu.memory_space<vmem>> -> memref<2784xf32, #tpu.memory_space<vmem>>
        %dma_start3A_56 = tpu.memref_slice %arg6[%add3A_46] : memref<300000xf32, #tpu.memory_space<hbm>> -> memref<2784xf32, #tpu.memory_space<hbm>>
        %dma_start3A_57 = tpu.memref_slice %arg6[%add3A_46] : memref<300000xf32, #tpu.memory_space<hbm>> -> memref<2784xf32, #tpu.memory_space<hbm>>
        %dma_start3A_58 = arith.constant 0 : i32
        %dma_start3A_59 = tpu.memref_slice %arg8[%dma_start3A_58] : memref<9408xf32, #tpu.memory_space<vmem>> -> memref<2784xf32, #tpu.memory_space<vmem>>
        tpu.enqueue_dma source(%dma_start3A_59 : memref<2784xf32, #tpu.memory_space<vmem>>) target(%dma_start3A_57 : memref<2784xf32, #tpu.memory_space<hbm>>) target_semaphore(%run_scoped3A : memref<!tpu.dma_semaphore, #tpu.memory_space<semaphore_mem>>)
        %dma_wait3A = arith.constant 0 : i32
        %dma_wait3A_60 = tpu.memref_slice %arg8[%dma_wait3A] : memref<9408xf32, #tpu.memory_space<vmem>> -> memref<2784xf32, #tpu.memory_space<vmem>>
        %dma_wait3A_61 = tpu.memref_slice %arg6[%add3A_46] : memref<300000xf32, #tpu.memory_space<hbm>> -> memref<2784xf32, #tpu.memory_space<hbm>>
        %dma_wait3A_62 = tpu.memref_slice %arg6[%add3A_46] : memref<300000xf32, #tpu.memory_space<hbm>> -> memref<2784xf32, #tpu.memory_space<hbm>>
        %dma_wait3A_63 = arith.constant 0 : i32
        %dma_wait3A_64 = tpu.memref_slice %arg8[%dma_wait3A_63] : memref<9408xf32, #tpu.memory_space<vmem>> -> memref<2784xf32, #tpu.memory_space<vmem>>
        tpu.wait_dma2 semaphore(%run_scoped3A : memref<!tpu.dma_semaphore, #tpu.memory_space<semaphore_mem>>) src(%dma_wait3A_64 : memref<2784xf32, #tpu.memory_space<vmem>>) dst(%dma_wait3A_62 : memref<2784xf32, #tpu.memory_space<hbm>>)
        tpu.yield
      }) : () -> ()
      %mul3A_47 = arith.constant 3136 : i32
      %mul3A_48 = arith.muli %add3A, %mul3A_47 : i32
      %add3A_49 = arith.constant 100000 : i32
      %add3A_50 = arith.addi %add3A_49, %mul3A_48 : i32
      "tpu.region"() ({
        %run_scoped3A = tpu.sem_alloc : memref<!tpu.dma_semaphore, #tpu.memory_space<semaphore_mem>>
        %dma_start3A = arith.constant 3136 : i32
        %dma_start3A_55 = tpu.memref_slice %arg8[%dma_start3A] : memref<9408xf32, #tpu.memory_space<vmem>> -> memref<2784xf32, #tpu.memory_space<vmem>>
        %dma_start3A_56 = tpu.memref_slice %arg6[%add3A_50] : memref<300000xf32, #tpu.memory_space<hbm>> -> memref<2784xf32, #tpu.memory_space<hbm>>
        %dma_start3A_57 = tpu.memref_slice %arg6[%add3A_50] : memref<300000xf32, #tpu.memory_space<hbm>> -> memref<2784xf32, #tpu.memory_space<hbm>>
        %dma_start3A_58 = arith.constant 3136 : i32
        %dma_start3A_59 = tpu.memref_slice %arg8[%dma_start3A_58] : memref<9408xf32, #tpu.memory_space<vmem>> -> memref<2784xf32, #tpu.memory_space<vmem>>
        tpu.enqueue_dma source(%dma_start3A_59 : memref<2784xf32, #tpu.memory_space<vmem>>) target(%dma_start3A_57 : memref<2784xf32, #tpu.memory_space<hbm>>) target_semaphore(%run_scoped3A : memref<!tpu.dma_semaphore, #tpu.memory_space<semaphore_mem>>)
        %dma_wait3A = arith.constant 3136 : i32
        %dma_wait3A_60 = tpu.memref_slice %arg8[%dma_wait3A] : memref<9408xf32, #tpu.memory_space<vmem>> -> memref<2784xf32, #tpu.memory_space<vmem>>
        %dma_wait3A_61 = tpu.memref_slice %arg6[%add3A_50] : memref<300000xf32, #tpu.memory_space<hbm>> -> memref<2784xf32, #tpu.memory_space<hbm>>
        %dma_wait3A_62 = tpu.memref_slice %arg6[%add3A_50] : memref<300000xf32, #tpu.memory_space<hbm>> -> memref<2784xf32, #tpu.memory_space<hbm>>
        %dma_wait3A_63 = arith.constant 3136 : i32
        %dma_wait3A_64 = tpu.memref_slice %arg8[%dma_wait3A_63] : memref<9408xf32, #tpu.memory_space<vmem>> -> memref<2784xf32, #tpu.memory_space<vmem>>
        tpu.wait_dma2 semaphore(%run_scoped3A : memref<!tpu.dma_semaphore, #tpu.memory_space<semaphore_mem>>) src(%dma_wait3A_64 : memref<2784xf32, #tpu.memory_space<vmem>>) dst(%dma_wait3A_62 : memref<2784xf32, #tpu.memory_space<hbm>>)
        tpu.yield
      }) : () -> ()
      %mul3A_51 = arith.constant 3136 : i32
      %mul3A_52 = arith.muli %add3A, %mul3A_51 : i32
      %add3A_53 = arith.constant 200000 : i32
      %add3A_54 = arith.addi %add3A_53, %mul3A_52 : i32
      "tpu.region"() ({
        %run_scoped3A = tpu.sem_alloc : memref<!tpu.dma_semaphore, #tpu.memory_space<semaphore_mem>>
        %dma_start3A = arith.constant 6272 : i32
        %dma_start3A_55 = tpu.memref_slice %arg8[%dma_start3A] : memref<9408xf32, #tpu.memory_space<vmem>> -> memref<2784xf32, #tpu.memory_space<vmem>>
        %dma_start3A_56 = tpu.memref_slice %arg6[%add3A_54] : memref<300000xf32, #tpu.memory_space<hbm>> -> memref<2784xf32, #tpu.memory_space<hbm>>
        %dma_start3A_57 = tpu.memref_slice %arg6[%add3A_54] : memref<300000xf32, #tpu.memory_space<hbm>> -> memref<2784xf32, #tpu.memory_space<hbm>>
        %dma_start3A_58 = arith.constant 6272 : i32
        %dma_start3A_59 = tpu.memref_slice %arg8[%dma_start3A_58] : memref<9408xf32, #tpu.memory_space<vmem>> -> memref<2784xf32, #tpu.memory_space<vmem>>
        tpu.enqueue_dma source(%dma_start3A_59 : memref<2784xf32, #tpu.memory_space<vmem>>) target(%dma_start3A_57 : memref<2784xf32, #tpu.memory_space<hbm>>) target_semaphore(%run_scoped3A : memref<!tpu.dma_semaphore, #tpu.memory_space<semaphore_mem>>)
        %dma_wait3A = arith.constant 6272 : i32
        %dma_wait3A_60 = tpu.memref_slice %arg8[%dma_wait3A] : memref<9408xf32, #tpu.memory_space<vmem>> -> memref<2784xf32, #tpu.memory_space<vmem>>
        %dma_wait3A_61 = tpu.memref_slice %arg6[%add3A_54] : memref<300000xf32, #tpu.memory_space<hbm>> -> memref<2784xf32, #tpu.memory_space<hbm>>
        %dma_wait3A_62 = tpu.memref_slice %arg6[%add3A_54] : memref<300000xf32, #tpu.memory_space<hbm>> -> memref<2784xf32, #tpu.memory_space<hbm>>
        %dma_wait3A_63 = arith.constant 6272 : i32
        %dma_wait3A_64 = tpu.memref_slice %arg8[%dma_wait3A_63] : memref<9408xf32, #tpu.memory_space<vmem>> -> memref<2784xf32, #tpu.memory_space<vmem>>
        tpu.wait_dma2 semaphore(%run_scoped3A : memref<!tpu.dma_semaphore, #tpu.memory_space<semaphore_mem>>) src(%dma_wait3A_64 : memref<2784xf32, #tpu.memory_space<vmem>>) dst(%dma_wait3A_62 : memref<2784xf32, #tpu.memory_space<hbm>>)
        tpu.yield
      }) : () -> ()
    } else {
    }
    return
  }
}

</mosaic_0001>

<sc_bundles>
// kernel: kernel.4.cloned.1.call-start
scs
__scs_entry_jumppad:
0x0: {  	(pc) =	sbr.rel $0x88, $3  }
0x1: {  	(tag) =	ssettag $0x0;
	lr =	simm.s32 $0x1  }
0x2: {  	[smem:$0x3F9E] =	sst lr;
	_ =	strace $0xD0000000  }
0x3: {  	_ = 	snop  }
0x4: {  	_ = 	snop  }
0x5: {  	_ = 	snop  }
0x6: {  	_ = 	snop  }
0x7: {  	_ = 	snop  }
__scs_overlays_trampoline_lowered:
0x8: {  	[smem:$0x3FAD] =	sst s0  }
0x9: {  	[smem:$0x3FAE] =	sst s1  }
0xa: {  	[smem:$0x3FAF] =	sst s2  }
0xb: {  	[smem:$0x3FB0] =	sst s3  }
0xc: {  	[smem:$0x3FB1] =	sst s4  }
0xd: {  	[smem:$0x3FB2] =	sst s5  }
0xe: {  	[smem:$0x3FB3] =	sst s6  }
0xf: {  	[smem:$0x3FB4] =	sst s7  }
0x10: {  	[smem:$0x3FB5] =	sst s8  }
0x11: {  	[smem:$0x3FB6] =	sst s9;
	s0 =	simm.s32 @!p0 $0x0  }
0x12: {  	s1 =	sld [smem:$0x3F9C];
	s0 =	simm.s32 @p0 $0x1  }
0x13: {  	[smem:$0x3FB7] =	sst s0;
	s0 =	simm.s32 @!p1 $0x0  }
0x14: {  	s2 =	sld [smem:$0x3F9B];
	s0 =	simm.s32 @p1 $0x1  }
0x15: {  	[smem:$0x3FB8] =	sst s0;
	s0 =	simm.s32 @!p2 $0x0  }
0x16: {  	s3 =	sld [smem:$0x3FDB];
	s0 =	simm.s32 @p2 $0x1  }
0x17: {  	s4 =	simm.s32 $0x1BF5;
	[smem:$0x3FBA] =	sst s0  }
0x18: {  	s0 =	sld [smem:$0x3F9D];
	_ =	swait.ge [sflag:s4], $0x0  }
0x19: {  	s7 =	sld [smem:$0x3F9E]  }
0x1a: {  	s8 =	sadd.s32 $0xFFFFE003, lr  }
0x1b: {  	s9 =	sadd.s32 $0xFFFFFEF7, lr;
	s5 =	simm.s32 $0xFFFFFFFF;
	p2 =	slt.u32 s8, $0xFFFFF086  }
0x1c: {  	p1 =	slt.u32 s9, $0xF7A;
	s5 =	simm.s32 @!p2 $0x0  }
0x1d: {  	s5 =	simm.s32 @p1 $0x1;
	p0 =	seq.s32 s7, s2  }
0x1e: {  	s7 =	smul.u32 @!p0 $0xF7A, s2;
	p2 =	seq.s32 @!p0 s5, $0x0  }
0x1f: {  	s9 =	smul.u32 $0xF7A, s1;
	s8 =	simm.s32 @!p0 $0x1BF5;
	p2 =	por !p2, p0  }
0x20: {  	[sflag:s8] =	ssyncset.s32 @!p0 $0xFFFFF086;
	s6 =	sadd.s32 @!p0 s3, s7;
	s7 =	simm.s32 @!p0 $0x108  }
0x21: {  	s3 =	sadd.s32 s3, s9;
	s6 =	sadd.s32 @!p0 $0x88, s6;
	s7 =	simm.s32 @p2 $0x1082  }
0x22: {  	[simem:s7], [sflag:s8] =	dma.local @!p0 [hbm:s6], $0xF7A  }
0x23: {  	s9 =	sor.u32 $0xD0000000, s2;
	s6 =	simm.s32 $0x108;
	_ =	swait.ge @!p0 [sflag:s8], $0x0  }
0x24: {  	s3 =	sadd.s32 $0x88, s3;
	s6 =	simm.s32 @!p1 $0x1082;
	[sflag:s4] =	ssyncset.s32 $0xFFFFF086  }
0x25: {  	[simem:s6], [sflag:s4] =	dma.local [hbm:s3], $0xF7A  }
0x26: {  	[smem:$0x3F9E] =	sst s1;
	(tag) =	ssettag s2;
	_ =	strace s9  }
0x27: {  	s1 =	sld [smem:$0x3FAE]  }
0x28: {  	s2 =	sld [smem:$0x3FAF]  }
0x29: {  	s4 =	sld [smem:$0x3FB1]  }
0x2a: {  	p0 =	seq.s32 s5, $0x0;
	s5 =	sld [smem:$0x3FB2]  }
0x2b: {  	s6 =	sld [smem:$0x3FB3]  }
0x2c: {  	s7 =	sld [smem:$0x3FB4]  }
0x2d: {  	s3 =	simm.s32 $0x108;
	s8 =	sld [smem:$0x3FB5]  }
0x2e: {  	s3 =	simm.s32 @!p0 $0x1082;
	s9 =	sld [smem:$0x3FB6]  }
0x2f: {  	lr =	sadd.s32 s0, s3;
	s0 =	sld [smem:$0x3FAD]  }
0x30: {  	s3 =	sld [smem:$0x3FB0]  }
0x31: {  	[smem:$0x3FB9] =	sst s10  }
0x32: {  	s10 =	sld [smem:$0x3FB7];
	_ =	sdelay $0x3  }
0x33: {  	p0 =	seq.s32 s10, $0x1;
	s10 =	sld [smem:$0x3FB9];
	_ =	sdelay $0x3  }
0x34: {  	[smem:$0x3FB9] =	sst s10  }
0x35: {  	s10 =	sld [smem:$0x3FB8];
	_ =	sdelay $0x3  }
0x36: {  	p1 =	seq.s32 s10, $0x1;
	s10 =	sld [smem:$0x3FB9];
	_ =	sdelay $0x3  }
0x37: {  	[smem:$0x3FB9] =	sst s10  }
0x38: {  	s10 =	sld [smem:$0x3FBA]  }
0x39: {  	_ = 	snop;
	(pc) =	sbr.ind lr, $3  }
0x3a: {  	_ = 	snop  }
0x3b: {  	_ = 	snop  }
0x3c: {  	p2 =	seq.s32 s10, $0x1;
	s10 =	sld [smem:$0x3FB9]  }
0x3d: {  	_ =	shalt  }
0x3e: {  	_ =	shalt  }
0x3f: {  	_ =	shalt  }
0x40: {  	_ =	shalt  }
0x41: {  	_ =	shalt  }
0x42: {  	_ =	shalt  }
0x43: {  	_ =	shalt  }
0x44: {  	_ =	shalt  }
0x45: {  	_ =	shalt  }
0x46: {  	_ =	shalt  }
0x47: {  	_ =	shalt  }
0x48: {  	_ =	shalt  }
0x49: {  	_ =	shalt  }
0x4a: {  	_ =	shalt  }
0x4b: {  	_ =	shalt  }
0x4c: {  	_ =	shalt  }
0x4d: {  	_ =	shalt  }
0x4e: {  	_ =	shalt  }
0x4f: {  	_ =	shalt  }
0x50: {  	_ =	shalt  }
0x51: {  	_ =	shalt  }
0x52: {  	_ =	shalt  }
0x53: {  	_ =	shalt  }
0x54: {  	_ =	shalt  }
0x55: {  	_ =	shalt  }
0x56: {  	_ =	shalt  }
0x57: {  	_ =	shalt  }
0x58: {  	_ =	shalt  }
0x59: {  	_ =	shalt  }
0x5a: {  	_ =	shalt  }
0x5b: {  	_ =	shalt  }
0x5c: {  	_ =	shalt  }
0x5d: {  	_ =	shalt  }
0x5e: {  	_ =	shalt  }
0x5f: {  	_ =	shalt  }
0x60: {  	_ =	shalt  }
0x61: {  	_ =	shalt  }
0x62: {  	_ =	shalt  }
0x63: {  	_ =	shalt  }
0x64: {  	_ =	shalt  }
0x65: {  	_ =	shalt  }
0x66: {  	_ =	shalt  }
0x67: {  	_ =	shalt  }
0x68: {  	_ =	shalt  }
0x69: {  	_ =	shalt  }
0x6a: {  	_ =	shalt  }
0x6b: {  	_ =	shalt  }
0x6c: {  	_ =	shalt  }
0x6d: {  	_ =	shalt  }
0x6e: {  	_ =	shalt  }
0x6f: {  	_ =	shalt  }
0x70: {  	_ =	shalt  }
0x71: {  	_ =	shalt  }
0x72: {  	_ =	shalt  }
0x73: {  	_ =	shalt  }
0x74: {  	_ =	shalt  }
0x75: {  	_ =	shalt  }
0x76: {  	_ =	shalt  }
0x77: {  	_ =	shalt  }
0x78: {  	_ =	shalt  }
0x79: {  	_ =	shalt  }
0x7a: {  	_ =	shalt  }
0x7b: {  	_ =	shalt  }
0x7c: {  	_ =	shalt  }
0x7d: {  	_ =	shalt  }
0x7e: {  	_ =	shalt  }
0x7f: {  	_ =	shalt  }
0x80: {  	_ =	shalt  }
0x81: {  	_ =	shalt  }
0x82: {  	_ =	shalt  }
0x83: {  	_ =	shalt  }
0x84: {  	_ =	shalt  }
0x85: {  	_ =	shalt  }
0x86: {  	_ =	shalt  }
0x87: {  	_ =	shalt  }
.Lfunc_end0:
.L_simem_size_0:
called_computation_lowered:
.L_overlay_start_0:
0x88: {  	s2 =	sld [smem:$0x3FD9]  }
0x89: {  	s3 =	sld [smem:$0x3FFE];
	_ =	sdelay $0x1  }
0x8a: {  	s1 =	srdreg.scid  }
0x8b: {  	s0 =	sand.u32 $0x1, s1  }
0x8c: {  	s17 =	sshll.u32 s0, $0xA;
	s2 =	sadd.s32 s3, s2  }
0x8d: {  	s2 =	sadd.s32 s2, s17  }
0x8e: {  	[smem:$0x3FC5] =	sst s2  }
0x8f: {  	_ = 	snop  }
0x90: {  	s2 =	sld [smem:$0x3FC8]  }
0x91: {  	s18 =	sld [smem:$0x3FD0];
	(tm) =	ssettm $0x1  }
0x92: {  	s4 =	sld [smem:$0x3FFB];
	_ =	sdelay $0x3  }
0x93: {  	_ =	strace s4  }
0x94: {  	s4 =	sld [smem:$0x3FFC];
	_ =	sdelay $0x3  }
0x95: {  	_ =	strace s4  }
0x96: {  	s4 =	sld [smem:$0x3FFD];
	_ =	sdelay $0x3  }
0x97: {  	_ =	strace s4  }
0x98: {  	_ =	strace $0x8FFFFFFF  }
0x99: {  	s19 =	sld [smem:$0x3FDB];
	_ =	sdelay $0x1  }
0x9a: {  	s5 =	simm.s32 $_scs_section_size  }
0x9b: {  	s6 =	simm.s32 $_size__tile_overlayer_lowered;
	s7 =	simm.s32 $_tile_overlayer_lowered  }
0x9c: {  	s22 =	simm.s32 $0x1BFF;
	s21 =	sshll.u32 s7, $0x1;
	s4 =	sadd.s32 s5, s19  }
0x9d: {  	s8 =	simm.s32 $0x0;
	s20 =	sshll.u32 s6, $0x1;
	s6 =	sadd.s32 s21, s4  }
0x9e: {  	[timem:s8], [sflag:s22] =	dma.local [hbm:s6], s20  }
0x9f: {  	_ =	swait.ge [sflag:s22], s20  }
0xa0: {  	s5 =	ssub.s32 $0x0, s20;
	[sflag:s22] =	ssyncset.done $0x0  }
0xa1: {  	[sflag:s22] =	ssyncadd.s32 s5;
	_ =	sdelay $0x1  }
0xa2: {  	s23 =	simm.s32 $0x1B8B  }
0xa3: {  	_ =	swait.ge [sflag:s23], $0x1  }
0xa4: {  	[sflag:s23] =	ssyncset.done $0x0  }
0xa5: {  	s25 =	simm.s32 $0x1B8E;
	s24 =	sld [smem:$0x3FFE];
	[sflag:s23] =	ssyncadd.s32 $0xFFFFFFFF  }
0xa6: {  	s26 =	simm.s32 $execute0_lowered;
	[smem:$0x3FD2] =	sst s25  }
0xa7: {  	s6 =	sshll.u32 s26, $0x1;
	_ =	strace $0x80000046;
	[dreg:$0x1] =	wrdreg $0xFFFFFFFF  }
0xa8: {  	s28 =	simm.s32 $_size_execute0_lowered;
	s4 =	sadd.s32 s4, s6;
	[dreg:$0x0] =	wrdreg $0x0  }
0xa9: {  	s6 =	sshll.u32 s28, $0x1;
	[dreg:$0x2] =	wrdreg s4  }
0xaa: {  	[dreg:$0x3] =	wrdreg s6  }
0xab: {  	[dreg:$0x4] =	wrdreg $0xC0  }
0xac: {  	_ =	task [dreg:s8], $0x5FFFF  }
0xad: {  	[dreg:$0x1] =	wrdreg $0xFFFFFFFF  }
0xae: {  	[dreg:$0x0] =	wrdreg $0x60  }
0xaf: {  	[dreg:$0x2] =	wrdreg s18  }
0xb0: {  	[dreg:$0x3] =	wrdreg s2  }
0xb1: {  	[dreg:$0x4] =	wrdreg s24  }
0xb2: {  	[dreg:$0x5] =	wrdreg $0x9  }
0xb3: {  	_ =	task.clear_ibuf [dreg:s8], $0x6FFFF;
	_ =	strace $0x90000046  }
0xb4: {  	s29 =	simm.s32 $0x9;
	_ =	strace $0x80000048  }
0xb5: {  	_ =	swait.ge [sflag:s29], $0x1  }
0xb6: {  	[sflag:s29] =	ssyncadd.s32 $0xFFFFFFFF  }
0xb7: {  	_ =	strace $0x90000048  }
0xb8: {  	_ =	sfence  }
0xb9: {  	s30 =	sld [smem:$0x0];
	_ =	sdelay $0x2  }
0xba: {  	s31 =	sshll.u32 s1, $0xD;
	s1 =	sshrl.u32 s1, $0x2  }
0xbb: {  	s3 =	sand.u32 $0x4000, s31;
	s1 =	sadd.s32 s1, s30  }
0xbc: {  	s0 =	sor.u32 s3, s0;
	s1 =	sshll.u32 s1, $0x11  }
0xbd: {  	s0 =	sor.u32 s1, s0  }
0xbe: {  	s0 =	sadd.s32 $0x8F2B, s0  }
0xbf: {  	[sflag:s0] =	ssyncadd.remote.s32 $0x1  }
0xc0: {  	_ =	sfence.sel $0xFFFF  }
0xc1: {  	[dreg:$0x0] =	wrdreg $0xFFFFFFFF;
	(pc) =	sbr.abs _section_cstart, $3  }
0xc2: {  	[dreg:$0x1] =	wrdreg $0xFFFFFFFF  }
0xc3: {  	_ =	task.clear_ibuf [dreg:s8], $0x2FFFF;
	_ =	strace $0x9FFFFFFF  }
0xc4: {  	(tm) =	ssettm $0x7FFFFFFF  }
0xc5: {  	_ =	shalt  }
tec
execute0_lowered:
.L_overlay_start_1:
0x0: {  	(tag) =	ssettag $0x1  }
0x1: {  	s9 =	rddreg [dreg:$0x0];
	v0 =	vimm.s32 $0xB80;
	vm0 =	vcmask $0x300  }
0x2: {  	s10 =	rddreg [dreg:$0x1];
	vm14 =	vcmask $0x704;
	v0 =	vsel vm0, $0x0, v0  }
0x3: {  	s0 =	stileid.u32;
	s1 =	srdreg.scid;
	vm15 =	vcmask $0xB08;
	v0 =	vsel vm14, $0x80, v0  }
0x4: {  	s4 =	rddreg [dreg:$0x2];
	s2 =	simm.s32 $0x0;
	vm4 =	vcmask $0xF0C;
	s15 =	simm.s32 $0x4180;
	v0 =	vsel vm15, $0x100, v0  }
0x5: {  	vm5 =	vcmask $0x1310;
	s16 =	simm.s32 $0x6180;
	s17 =	simm.s32 $0x80;
	s18 =	simm.s32 $0x400;
	v0 =	vsel vm4, $0x180, v0  }
0x6: {  	vm6 =	vcmask $0x1714;
	s19 =	simm.s32 $0x7180;
	s20 =	simm.s32 $0x2;
	s21 =	simm.s32 $0x0;
	v0 =	vsel vm5, $0x200, v0  }
0x7: {  	vm7 =	vcmask $0x1B18;
	s3 =	sand.u32 $0x1, s1;
	s5 =	sshll.u32 s0, $0x1;
	s1 =	rddreg [dreg:$0x3];
	v0 =	vsel vm6, $0x280, v0  }
0x8: {  	vm8 =	vcmask $0x1F1C;
	[smem:$0x7FF] =	sst s2;
	s6 =	sshll.u32 s0, $0x7;
	s13 =	sor.u32 s3, s5;
	v0 =	vsel vm7, $0x300, v0  }
0x9: {  	vm9 =	vcmask $0x2320;
	_ =	strace $0x80000047;
	s7 =	ssub.s32 $0x2, s3;
	s30 =	sand.u32 $0x600, s6;
	v0 =	vsel vm8, $0x380, v0  }
0xa: {  	vm10 =	vcmask $0x2724;
	s5 =	smul.u32 $0xC40, s13;
	s31 =	sshrl.u32 s7, $0x1;
	s11 =	sadd.s32 s30, s4;
	v0 =	vsel vm9, $0x800, v0  }
0xb: {  	vm11 =	vcmask $0x2B28;
	s14 =	sshll.u32 s13, $0x4;
	p0 =	seq.s32 s13, $0x1F;
	s13 =	simm.s32 $0x3180;
	v0 =	vsel vm10, $0x880, v0  }
0xc: {  	vm12 =	vcmask $0x2F2C;
	s12 =	ssub.s32 s7, s31;
	s7 =	sadd.s32 $0x2F78, s9;
	s14 =	sand.u32 $0x70, s14;
	v0 =	vsel vm11, $0x900, v0  }
0xd: {  	vm13 =	vcmask $0x3330;
	s8 =	sshrl.u32 s5, $0x3;
	s11 =	sadd.s32 s14, s11;
	s12 =	smax.u32 s12, $0x1;
	v0 =	vsel vm12, $0x980, v0  }
0xe: {  	vm14 =	vcmask $0x3734;
	s14 =	simm.s32 $0x5180;
	s3 =	sadd.s32 s9, s8;
	s6 =	sadd.s32 s10, s8;
	v0 =	vsel vm13, $0xA00, v0  }
0xf: {  	vm15 =	vcmask $0x3B38;
	s8 =	sadd.s32 $0x604C, s9;
	s9 =	sadd.s32 $0x9120, s9;
	s10 =	sadd.s32 $0x2F78, s10;
	v1 =	vsel vm14, $0xA80, v0  }
0x10: {  	v2 =	vimm.f32 $1.000000000e+00;
	s11 =	sadd.s32 $0x800, s11;
	s4 =	sadd.s32 $0x30D4, s3;
	s5 =	sadd.s32 $0x61A8, s3;
	v0 =	vimm.f32 $0.0e+00;
	v1 =	vsel vm15, $0xB00, v1  }
.LBB2_1:
0x11: {  	s22 =	sand.u32 $0x70, s2;
	s23 =	sand.u32 $0x400, s2  }
0x12: {  	s22 =	sor.u32 s22, s23  }
0x13: {  	[tilespmem:s22+$0x3180] =	vst v0  }
0x14: {  	s25 =	sand.u32 $0xFFFFFC00, s2;
	[tilespmem:s22+$0x4180] =	vst v0  }
0x15: {  	s23 =	sadd.s32 $0x0, s25;
	[tilespmem:s22+$0x5180] =	vst v0  }
0x16: {  	[tilespmem:s22+$0x6180] =	vst v0;
	s24 =	sor.u32 $0x80, s23  }
0x17: {  	[tilespmem:s24+$0x3180] =	vst v0  }
0x18: {  	[tilespmem:s24+$0x4180] =	vst v0  }
0x19: {  	[tilespmem:s24+$0x5180] =	vst v0  }
0x1a: {  	[tilespmem:s24+$0x6180] =	vst v0  }
0x1b: {  	[tilespmem:s22+$0x3280] =	vst v0  }
0x1c: {  	[tilespmem:s22+$0x4280] =	vst v0  }
0x1d: {  	[tilespmem:s22+$0x5280] =	vst v0  }
0x1e: {  	s26 =	sor.u32 $0x180, s23;
	[tilespmem:s22+$0x6280] =	vst v0  }
0x1f: {  	[tilespmem:s26+$0x3180] =	vst v0  }
0x20: {  	[tilespmem:s26+$0x4180] =	vst v0  }
0x21: {  	[tilespmem:s26+$0x5180] =	vst v0  }
0x22: {  	[tilespmem:s26+$0x6180] =	vst v0  }
0x23: {  	[tilespmem:s22+$0x3380] =	vst v0  }
0x24: {  	[tilespmem:s22+$0x4380] =	vst v0  }
0x25: {  	[tilespmem:s22+$0x5380] =	vst v0  }
0x26: {  	s28 =	sor.u32 $0x280, s23;
	[tilespmem:s22+$0x6380] =	vst v0  }
0x27: {  	[tilespmem:s28+$0x3180] =	vst v0  }
0x28: {  	[tilespmem:s28+$0x4180] =	vst v0  }
0x29: {  	[tilespmem:s28+$0x5180] =	vst v0  }
0x2a: {  	[tilespmem:s28+$0x6180] =	vst v0  }
0x2b: {  	[tilespmem:s22+$0x3480] =	vst v0  }
0x2c: {  	[tilespmem:s22+$0x4480] =	vst v0  }
0x2d: {  	s25 =	sor.u32 s2, s2;
	[tilespmem:s22+$0x5480] =	vst v0  }
0x2e: {  	s29 =	sor.u32 $0x380, s25;
	[tilespmem:s22+$0x6480] =	vst v0  }
0x2f: {  	[tilespmem:s29+$0x3180] =	vst v0  }
0x30: {  	[tilespmem:s29+$0x4180] =	vst v0  }
0x31: {  	[tilespmem:s29+$0x5180] =	vst v0  }
0x32: {  	[tilespmem:s29+$0x6180] =	vst v0  }
0x33: {  	[tilespmem:s22+$0x3980] =	vst v0  }
0x34: {  	[tilespmem:s22+$0x4980] =	vst v0  }
0x35: {  	[tilespmem:s22+$0x5980] =	vst v0  }
0x36: {  	s30 =	sor.u32 $0x880, s23;
	[tilespmem:s22+$0x6980] =	vst v0  }
0x37: {  	[tilespmem:s30+$0x3180] =	vst v0  }
0x38: {  	[tilespmem:s30+$0x4180] =	vst v0  }
0x39: {  	[tilespmem:s30+$0x5180] =	vst v0  }
0x3a: {  	[tilespmem:s30+$0x6180] =	vst v0  }
0x3b: {  	[tilespmem:s22+$0x3A80] =	vst v0  }
0x3c: {  	[tilespmem:s22+$0x4A80] =	vst v0  }
0x3d: {  	[tilespmem:s22+$0x5A80] =	vst v0  }
0x3e: {  	s31 =	sor.u32 $0x980, s23;
	[tilespmem:s22+$0x6A80] =	vst v0  }
0x3f: {  	[tilespmem:s31+$0x3180] =	vst v0  }
0x40: {  	[tilespmem:s31+$0x4180] =	vst v0  }
0x41: {  	[tilespmem:s31+$0x5180] =	vst v0  }
0x42: {  	[tilespmem:s31+$0x6180] =	vst v0  }
0x43: {  	[tilespmem:s22+$0x3B80] =	vst v0  }
0x44: {  	[tilespmem:s22+$0x4B80] =	vst v0  }
0x45: {  	[tilespmem:s22+$0x5B80] =	vst v0  }
0x46: {  	s23 =	sor.u32 $0xA80, s23;
	[tilespmem:s22+$0x6B80] =	vst v0  }
0x47: {  	[tilespmem:s23+$0x3180] =	vst v0  }
0x48: {  	[tilespmem:s23+$0x4180] =	vst v0  }
0x49: {  	[tilespmem:s23+$0x5180] =	vst v0  }
0x4a: {  	[tilespmem:s23+$0x6180] =	vst v0  }
0x4b: {  	[tilespmem:s22+$0x3C80] =	vst v0  }
0x4c: {  	s24 =	simm.s32 $0x0;
	s23 =	simm.s32 $0x10;
	[tilespmem:s22+$0x4C80] =	vst v0  }
.LBB2_2:
0x4d: {  	p1 =	sne.s32 s23, $0xF0;
	[tilespmem:s22+$0x5C80] =	vst v0  }
0x4e: {  	s25 =	sor.u32 $0xB80, s25;
	[tilespmem:s22+$0x6C80] =	vst v0  }
0x4f: {  	[tilespmem:s25+$0x6180] =	vst v0  }
0x50: {  	s24 =	sadd.s32 $0x80, s24;
	[tilespmem:s25+$0x3180] =	vst v0  }
0x51: {  	s22 =	sand.u32 $0x70, s23;
	s26 =	sand.u32 $0x400, s24;
	[tilespmem:s25+$0x4180] =	vst v0  }
0x52: {  	s22 =	sor.u32 s22, s26;
	[tilespmem:s25+$0x5180] =	vst v0  }
0x53: {  	[tilespmem:s22+$0x3180] =	vst v0  }
0x54: {  	s25 =	sand.u32 $0xFFFFFC00, s24;
	[tilespmem:s22+$0x4180] =	vst v0  }
0x55: {  	s26 =	sadd.s32 s25, s23;
	[tilespmem:s22+$0x5180] =	vst v0  }
0x56: {  	s25 =	sor.u32 $0x80, s26;
	[tilespmem:s22+$0x6180] =	vst v0  }
0x57: {  	[tilespmem:s25+$0x3180] =	vst v0  }
0x58: {  	[tilespmem:s25+$0x4180] =	vst v0  }
0x59: {  	[tilespmem:s25+$0x5180] =	vst v0  }
0x5a: {  	[tilespmem:s25+$0x6180] =	vst v0  }
0x5b: {  	[tilespmem:s22+$0x3280] =	vst v0  }
0x5c: {  	[tilespmem:s22+$0x4280] =	vst v0  }
0x5d: {  	[tilespmem:s22+$0x5280] =	vst v0  }
0x5e: {  	s25 =	sor.u32 $0x180, s26;
	[tilespmem:s22+$0x6280] =	vst v0  }
0x5f: {  	[tilespmem:s25+$0x3180] =	vst v0  }
0x60: {  	[tilespmem:s25+$0x4180] =	vst v0  }
0x61: {  	[tilespmem:s25+$0x5180] =	vst v0  }
0x62: {  	[tilespmem:s25+$0x6180] =	vst v0  }
0x63: {  	[tilespmem:s22+$0x3380] =	vst v0  }
0x64: {  	[tilespmem:s22+$0x4380] =	vst v0  }
0x65: {  	[tilespmem:s22+$0x5380] =	vst v0  }
0x66: {  	s25 =	sor.u32 $0x280, s26;
	[tilespmem:s22+$0x6380] =	vst v0  }
0x67: {  	[tilespmem:s25+$0x3180] =	vst v0  }
0x68: {  	[tilespmem:s25+$0x4180] =	vst v0  }
0x69: {  	[tilespmem:s25+$0x5180] =	vst v0  }
0x6a: {  	[tilespmem:s25+$0x6180] =	vst v0  }
0x6b: {  	[tilespmem:s22+$0x3480] =	vst v0  }
0x6c: {  	[tilespmem:s22+$0x4480] =	vst v0  }
0x6d: {  	s25 =	sor.u32 s23, s24;
	[tilespmem:s22+$0x5480] =	vst v0  }
0x6e: {  	s28 =	sor.u32 $0x380, s25;
	[tilespmem:s22+$0x6480] =	vst v0  }
0x6f: {  	[tilespmem:s28+$0x3180] =	vst v0  }
0x70: {  	[tilespmem:s28+$0x4180] =	vst v0  }
0x71: {  	[tilespmem:s28+$0x5180] =	vst v0  }
0x72: {  	[tilespmem:s28+$0x6180] =	vst v0  }
0x73: {  	[tilespmem:s22+$0x3980] =	vst v0  }
0x74: {  	[tilespmem:s22+$0x4980] =	vst v0  }
0x75: {  	[tilespmem:s22+$0x5980] =	vst v0  }
0x76: {  	s28 =	sor.u32 $0x880, s26;
	[tilespmem:s22+$0x6980] =	vst v0  }
0x77: {  	[tilespmem:s28+$0x3180] =	vst v0  }
0x78: {  	[tilespmem:s28+$0x4180] =	vst v0  }
0x79: {  	[tilespmem:s28+$0x5180] =	vst v0  }
0x7a: {  	[tilespmem:s28+$0x6180] =	vst v0  }
0x7b: {  	[tilespmem:s22+$0x3A80] =	vst v0  }
0x7c: {  	[tilespmem:s22+$0x4A80] =	vst v0  }
0x7d: {  	[tilespmem:s22+$0x5A80] =	vst v0  }
0x7e: {  	s28 =	sor.u32 $0x980, s26;
	[tilespmem:s22+$0x6A80] =	vst v0  }
0x7f: {  	[tilespmem:s28+$0x3180] =	vst v0  }
0x80: {  	[tilespmem:s28+$0x4180] =	vst v0  }
0x81: {  	[tilespmem:s28+$0x5180] =	vst v0  }
0x82: {  	[tilespmem:s28+$0x6180] =	vst v0  }
0x83: {  	[tilespmem:s22+$0x3B80] =	vst v0  }
0x84: {  	[tilespmem:s22+$0x4B80] =	vst v0  }
0x85: {  	[tilespmem:s22+$0x5B80] =	vst v0  }
0x86: {  	s26 =	sor.u32 $0xA80, s26;
	[tilespmem:s22+$0x6B80] =	vst v0  }
0x87: {  	[tilespmem:s26+$0x3180] =	vst v0  }
.Ltmp0:
0x88: {  	[tilespmem:s26+$0x4180] =	vst v0;
	(pc) =	sbr.rel @p1 .LBB2_2-.Ltmp0, $4  }
0x89: {  	[tilespmem:s26+$0x5180] =	vst v0  }
0x8a: {  	[tilespmem:s26+$0x6180] =	vst v0  }
0x8b: {  	[tilespmem:s22+$0x3C80] =	vst v0  }
0x8c: {  	s23 =	sadd.s32 $0x10, s23;
	[tilespmem:s22+$0x4C80] =	vst v0  }
0x8d: {  	[tilespmem:s22+$0x5C80] =	vst v0  }
0x8e: {  	[tilespmem:s22+$0x6C80] =	vst v0;
	s31 =	sor.u32 $0xB80, s25  }
0x8f: {  	[tilespmem:s31+$0x6180] =	vst v0  }
0x90: {  	[tilespmem:s31+$0x3180] =	vst v0  }
0x91: {  	[tilespmem:s31+$0x4180] =	vst v0  }
0x92: {  	s22 =	simm.s32 @p0 $0x0;
	[tilespmem:s31+$0x5180] =	vst v0  }
0x93: {  	[tilespmem:s22], [sflag:$0x1] =	stream.linear.gather @p0 [hbm4b:s7+s22], $0xAE0, $0x38;
	[tilespmem:$0x7380] =	vst v63  }
0x94: {  	s23 =	simm.s32 @p0 $0xC40  }
0x95: {  	[tilespmem:s23], [sflag:$0x1] =	stream.linear.gather @p0 [hbm4b:s8+s22], $0xAE0, $0x38;
	[tilespmem:$0x7380] =	vst v63  }
0x96: {  	s23 =	simm.s32 @p0 $0x1880  }
0x97: {  	[tilespmem:s23], [sflag:$0x1] =	stream.linear.gather @p0 [hbm4b:s9+s22], $0xAE0, $0x38;
	[tilespmem:$0x7380] =	vst v63  }
0x98: {  	s23 =	simm.s32 @p0 $0x2500  }
0x99: {  	[tilespmem:s23], [sflag:$0x1] =	stream.linear.gather @p0 [hbm4b:s10+s22], $0xAE0, $0x38;
	[tilespmem:$0x7380] =	vst v63  }
0x9a: {  	s22 =	simm.s32 @p0 $0x1  }
0x9b: {  	_ =	swait.ge @p0 [sflag:s22], $0xAE0  }
0x9c: {  	[sflag:s22] =	ssyncset.done @p0 $0x0  }
0x9d: {  	[sflag:s22] =	ssyncadd.s32 @p0 $0xFFFFF520  }
0x9e: {  	_ =	swait.ge @p0 [sflag:s22], $0xAE0  }
0x9f: {  	[sflag:s22] =	ssyncset.done @p0 $0x0  }
0xa0: {  	[sflag:s22] =	ssyncadd.s32 @p0 $0xFFFFF520  }
0xa1: {  	_ =	swait.ge @p0 [sflag:s22], $0xAE0  }
0xa2: {  	[sflag:s22] =	ssyncset.done @p0 $0x0  }
0xa3: {  	[sflag:s22] =	ssyncadd.s32 @p0 $0xFFFFF520  }
0xa4: {  	_ =	swait.ge @p0 [sflag:s22], $0xAE0  }
0xa5: {  	[sflag:s22] =	ssyncset.done @p0 $0x0  }
0xa6: {  	[sflag:s22] =	ssyncadd.s32 @p0 $0xFFFFF520;
	s22 =	simm.s32 @!p0 $0x0  }
0xa7: {  	[tilespmem:s22], [sflag:$0x1] =	stream.linear.gather @!p0 [hbm4b:s3+s22], $0xC40, $0x38;
	[tilespmem:$0x7380] =	vst v63  }
0xa8: {  	s23 =	simm.s32 @!p0 $0xC40  }
0xa9: {  	[tilespmem:s23], [sflag:$0x1] =	stream.linear.gather @!p0 [hbm4b:s4+s22], $0xC40, $0x38;
	[tilespmem:$0x7380] =	vst v63  }
0xaa: {  	s23 =	simm.s32 @!p0 $0x1880  }
0xab: {  	[tilespmem:s23], [sflag:$0x1] =	stream.linear.gather @!p0 [hbm4b:s5+s22], $0xC40, $0x38;
	[tilespmem:$0x7380] =	vst v63  }
0xac: {  	s23 =	simm.s32 @!p0 $0x2500  }
0xad: {  	[tilespmem:s23], [sflag:$0x1] =	stream.linear.gather @!p0 [hbm4b:s6+s22], $0xC40, $0x38;
	[tilespmem:$0x7380] =	vst v63  }
0xae: {  	s22 =	simm.s32 @!p0 $0x1  }
0xaf: {  	_ =	swait.ge @!p0 [sflag:s22], $0xC40  }
0xb0: {  	[sflag:s22] =	ssyncset.done @!p0 $0x0  }
0xb1: {  	[sflag:s22] =	ssyncadd.s32 @!p0 $0xFFFFF3C0  }
0xb2: {  	_ =	swait.ge @!p0 [sflag:s22], $0xC40  }
0xb3: {  	[sflag:s22] =	ssyncset.done @!p0 $0x0  }
0xb4: {  	[sflag:s22] =	ssyncadd.s32 @!p0 $0xFFFFF3C0  }
0xb5: {  	_ =	swait.ge @!p0 [sflag:s22], $0xC40  }
0xb6: {  	[sflag:s22] =	ssyncset.done @!p0 $0x0  }
0xb7: {  	[sflag:s22] =	ssyncadd.s32 @!p0 $0xFFFFF3C0  }
0xb8: {  	_ =	swait.ge @!p0 [sflag:s22], $0xC40  }
0xb9: {  	[sflag:s22] =	ssyncset.done @!p0 $0x0  }
0xba: {  	s24 =	simm.s32 $0xC60;
	[sflag:s22] =	ssyncadd.s32 @!p0 $0xFFFFF3C0  }
0xbb: {  	v3 =	vld [tilespmem:s24+$0xFFFFFFE0]  }
0xbc: {  	s26 =	simm.s32 $0x0;
	v4 =	vld [tilespmem:s24+$0xFFFFF3A0]  }
0xbd: {  	s26 =	sand.u32 $0xFFFFFFC0, s26  }
0xbe: {  	v5 =	vld [tilespmem:s26+$0x1880];
	_ =	sdelay $0x2  }
0xbf: {  	v4 =	vmul.f32 v4, v4;
	v3 =	vmul.f32 v3, v3;
	_ =	sdelay $0x1  }
0xc0: {  	v3 =	vadd.f32 v3, v4;
	v4 =	vmul.f32 v5, v5;
	_ =	sdelay $0x1  }
0xc1: {  	v3 =	vadd.f32 v4, v3;
	_ =	sdelay $0x1  }
0xc2: {  	v4 =	vshra.s32 v3, $0x1;
	v5 =	vmul.f32 $5.000000000e-01, v3  }
0xc3: {  	v4 =	vsub.s32 $0x5F3759DF, v4  }
0xc4: {  	v6 =	vmul.f32 v4, v5;
	_ =	sdelay $0x1  }
0xc5: {  	v6 =	vmul.f32 v4, v6;
	_ =	sdelay $0x1  }
0xc6: {  	s25 =	simm.s32 $0x2520;
	v6 =	vsub.f32 $1.500000000e+00, v6  }
0xc7: {  	v7 =	vld [tilespmem:s25+$0xFFFFFFE0]  }
0xc8: {  	v4 =	vmul.f32 v4, v6;
	_ =	sdelay $0x1  }
0xc9: {  	v5 =	vmul.f32 v4, v5;
	_ =	sdelay $0x1  }
0xca: {  	v6 =	vshll.u32 v7, $0x3;
	v5 =	vmul.f32 v5, v4  }
0xcb: {  	v7 =	vand.u32 $0x7F, v7;
	v6 =	vand.u32 $0xFFFFFC00, v6  }
0xcc: {  	v6 =	vor.u32 v7, v6;
	v5 =	vsub.f32 $1.500000000e+00, v5  }
0xcd: {  	v6 =	vadd.s32 v1, v6  }
0xce: {  	v4 =	vmul.f32 v5, v4;
	_ =	sdelay $0x1  }
0xcf: {  	v3 =	vmul.f32 v4, v3;
	_ =	sdelay $0x1  }
0xd0: {  	[tilespmem:v6+s13+$0x0] =	vst.idx.add.f32.msk $0xffff, v3  }
0xd1: {  	[tilespmem:v6+s14+$0x0] =	vst.idx.add.f32.msk $0xffff, v2  }
0xd2: {  	v3 =	vld [tilespmem:s24+$0xFFFFF3B0]  }
0xd3: {  	v4 =	vld [tilespmem:s24+$0xFFFFFFF0];
	_ =	sdelay $0x1  }
0xd4: {  	v5 =	vld [tilespmem:s24+$0xC30];
	_ =	sdelay $0x2  }
0xd5: {  	v3 =	vmul.f32 v3, v3;
	v4 =	vmul.f32 v4, v4;
	_ =	sdelay $0x1  }
0xd6: {  	v3 =	vadd.f32 v4, v3;
	v4 =	vmul.f32 v5, v5;
	_ =	sdelay $0x1  }
0xd7: {  	v3 =	vadd.f32 v4, v3;
	_ =	sdelay $0x1  }
0xd8: {  	v4 =	vshra.s32 v3, $0x1;
	v5 =	vmul.f32 $5.000000000e-01, v3  }
0xd9: {  	v4 =	vsub.s32 $0x5F3759DF, v4  }
0xda: {  	v6 =	vmul.f32 v4, v5;
	_ =	sdelay $0x1  }
0xdb: {  	v6 =	vmul.f32 v4, v6;
	_ =	sdelay $0x1  }
0xdc: {  	v6 =	vsub.f32 $1.500000000e+00, v6  }
0xdd: {  	v7 =	vld [tilespmem:s25+$0xFFFFFFF0]  }
0xde: {  	v4 =	vmul.f32 v4, v6;
	_ =	sdelay $0x1  }
0xdf: {  	v5 =	vmul.f32 v4, v5;
	_ =	sdelay $0x1  }
0xe0: {  	v6 =	vshll.u32 v7, $0x3;
	v5 =	vmul.f32 v5, v4  }
0xe1: {  	v7 =	vand.u32 $0x7F, v7;
	v6 =	vand.u32 $0xFFFFFC00, v6  }
0xe2: {  	v6 =	vor.u32 v7, v6;
	v5 =	vsub.f32 $1.500000000e+00, v5  }
0xe3: {  	v6 =	vadd.s32 v1, v6  }
0xe4: {  	v4 =	vmul.f32 v5, v4;
	_ =	sdelay $0x1  }
0xe5: {  	v3 =	vmul.f32 v4, v3;
	_ =	sdelay $0x1  }
0xe6: {  	[tilespmem:v6+s15+$0x0] =	vst.idx.add.f32.msk $0xffff, v3  }
0xe7: {  	[tilespmem:v6+s16+$0x0] =	vst.idx.add.f32.msk $0xffff, v2  }
0xe8: {  	v3 =	vld [tilespmem:s24+$0xFFFFF3C0]  }
0xe9: {  	v4 =	vld [tilespmem:s24+$0x0];
	_ =	sdelay $0x1  }
0xea: {  	v5 =	vld [tilespmem:s24+$0xC40];
	_ =	sdelay $0x2  }
0xeb: {  	v3 =	vmul.f32 v3, v3;
	v4 =	vmul.f32 v4, v4;
	_ =	sdelay $0x1  }
0xec: {  	v3 =	vadd.f32 v4, v3;
	v4 =	vmul.f32 v5, v5;
	_ =	sdelay $0x1  }
0xed: {  	v3 =	vadd.f32 v4, v3;
	_ =	sdelay $0x1  }
0xee: {  	v4 =	vshra.s32 v3, $0x1;
	v5 =	vmul.f32 $5.000000000e-01, v3  }
0xef: {  	v4 =	vsub.s32 $0x5F3759DF, v4  }
0xf0: {  	v6 =	vmul.f32 v4, v5;
	_ =	sdelay $0x1  }
0xf1: {  	v6 =	vmul.f32 v4, v6;
	_ =	sdelay $0x1  }
0xf2: {  	v6 =	vsub.f32 $1.500000000e+00, v6  }
0xf3: {  	v7 =	vld [tilespmem:s25+$0x0]  }
0xf4: {  	v4 =	vmul.f32 v4, v6;
	_ =	sdelay $0x1  }
0xf5: {  	v5 =	vmul.f32 v4, v5;
	_ =	sdelay $0x1  }
0xf6: {  	v6 =	vshll.u32 v7, $0x3;
	v5 =	vmul.f32 v5, v4  }
0xf7: {  	v7 =	vand.u32 $0x7F, v7;
	v6 =	vand.u32 $0xFFFFFC00, v6  }
0xf8: {  	v6 =	vor.u32 v7, v6;
	v5 =	vsub.f32 $1.500000000e+00, v5  }
0xf9: {  	v6 =	vadd.s32 v1, v6  }
0xfa: {  	v4 =	vmul.f32 v5, v4;
	_ =	sdelay $0x1  }
0xfb: {  	v3 =	vmul.f32 v4, v3;
	_ =	sdelay $0x1  }
0xfc: {  	[tilespmem:v6+s13+$0x0] =	vst.idx.add.f32.msk $0xffff, v3  }
0xfd: {  	[tilespmem:v6+s14+$0x0] =	vst.idx.add.f32.msk $0xffff, v2  }
0xfe: {  	v3 =	vld [tilespmem:s24+$0xFFFFF3D0]  }
0xff: {  	v4 =	vld [tilespmem:s24+$0x10];
	_ =	sdelay $0x1  }
0x100: {  	v5 =	vld [tilespmem:s24+$0xC50];
	_ =	sdelay $0x2  }
0x101: {  	v3 =	vmul.f32 v3, v3;
	v4 =	vmul.f32 v4, v4;
	_ =	sdelay $0x1  }
0x102: {  	v5 =	vmul.f32 v5, v5;
	v3 =	vadd.f32 v4, v3;
	_ =	sdelay $0x1  }
0x103: {  	v3 =	vadd.f32 v5, v3;
	_ =	sdelay $0x1  }
0x104: {  	v4 =	vshra.s32 v3, $0x1;
	v5 =	vmul.f32 $5.000000000e-01, v3  }
0x105: {  	v4 =	vsub.s32 $0x5F3759DF, v4  }
0x106: {  	v6 =	vmul.f32 v4, v5;
	_ =	sdelay $0x1  }
0x107: {  	v6 =	vmul.f32 v4, v6;
	_ =	sdelay $0x1  }
0x108: {  	v6 =	vsub.f32 $1.500000000e+00, v6;
	_ =	sdelay $0x1  }
0x109: {  	s23 =	simm.s32 @!p0 $0x31;
	v7 =	vld [tilespmem:s25+$0x10];
	v6 =	vmul.f32 v4, v6  }
0x10a: {  	s23 =	simm.s32 @p0 $0x2B  }
0x10b: {  	s23 =	sshll.u32 s23, $0x6;
	v4 =	vmul.f32 v6, v5  }
0x10c: {  	p1 =	seq.s32 s23, $0x40  }
.Ltmp1:
0x10d: {  	v4 =	vmul.f32 v4, v6;
	(pc) =	sbr.rel @p1 .LBB2_5-.Ltmp1, $4  }
0x10e: {  	v5 =	vshll.u32 v7, $0x3  }
0x10f: {  	v7 =	vand.u32 $0x7F, v7;
	v5 =	vand.u32 $0xFFFFFC00, v5;
	v8 =	vsub.f32 $1.500000000e+00, v4  }
0x110: {  	v4 =	vor.u32 v7, v5  }
0x111: {  	s22 =	simm.s32 @p0 $0x2;
	s26 =	simm.s32 $0x40;
	v4 =	vadd.s32 v1, v4;
	v5 =	vmul.f32 v8, v6  }
.LBB2_4:
0x112: {  	s24 =	sadd.s32 $0x40, s24  }
0x113: {  	s25 =	sadd.s32 $0x40, s25;
	s28 =	smov.u32 s26;
	s26 =	sadd.s32 $0x40, s26  }
0x114: {  	p1 =	seq.s32 s23, s26;
	v3 =	vmul.f32 v5, v3;
	_ =	sdelay $0x1  }
0x115: {  	[tilespmem:v4+s15+$0x0] =	vst.idx.add.f32.msk $0xffff, v3  }
0x116: {  	[tilespmem:v4+s16+$0x0] =	vst.idx.add.f32.msk $0xffff, v2  }
0x117: {  	v3 =	vld [tilespmem:s24+$0xFFFFFFE0]  }
0x118: {  	v4 =	vld [tilespmem:s24+$0xFFFFF3A0]  }
0x119: {  	s28 =	sand.u32 $0xFFFFFFC0, s28  }
0x11a: {  	v5 =	vld [tilespmem:s28+$0x1880];
	_ =	sdelay $0x2  }
0x11b: {  	v3 =	vmul.f32 v3, v3;
	v4 =	vmul.f32 v4, v4;
	_ =	sdelay $0x1  }
0x11c: {  	v3 =	vadd.f32 v3, v4;
	v4 =	vmul.f32 v5, v5;
	_ =	sdelay $0x1  }
0x11d: {  	v3 =	vadd.f32 v4, v3;
	_ =	sdelay $0x1  }
0x11e: {  	v4 =	vshra.s32 v3, $0x1;
	v5 =	vmul.f32 $5.000000000e-01, v3  }
0x11f: {  	v4 =	vsub.s32 $0x5F3759DF, v4  }
0x120: {  	v6 =	vmul.f32 v4, v5;
	_ =	sdelay $0x1  }
0x121: {  	v6 =	vmul.f32 v4, v6;
	_ =	sdelay $0x1  }
0x122: {  	v6 =	vsub.f32 $1.500000000e+00, v6  }
0x123: {  	v7 =	vld [tilespmem:s25+$0xFFFFFFE0]  }
0x124: {  	v4 =	vmul.f32 v4, v6;
	_ =	sdelay $0x1  }
0x125: {  	v5 =	vmul.f32 v4, v5;
	_ =	sdelay $0x1  }
0x126: {  	v5 =	vmul.f32 v5, v4;
	v6 =	vshll.u32 v7, $0x3  }
0x127: {  	v7 =	vand.u32 $0x7F, v7;
	v6 =	vand.u32 $0xFFFFFC00, v6  }
0x128: {  	v5 =	vsub.f32 $1.500000000e+00, v5;
	v6 =	vor.u32 v7, v6  }
0x129: {  	v6 =	vadd.s32 v1, v6  }
0x12a: {  	v4 =	vmul.f32 v5, v4;
	_ =	sdelay $0x1  }
0x12b: {  	v3 =	vmul.f32 v4, v3;
	_ =	sdelay $0x1  }
0x12c: {  	[tilespmem:v6+s13+$0x0] =	vst.idx.add.f32.msk $0xffff, v3  }
0x12d: {  	[tilespmem:v6+s14+$0x0] =	vst.idx.add.f32.msk $0xffff, v2  }
0x12e: {  	v3 =	vld [tilespmem:s24+$0xFFFFF3B0]  }
0x12f: {  	v4 =	vld [tilespmem:s24+$0xFFFFFFF0];
	_ =	sdelay $0x1  }
0x130: {  	v5 =	vld [tilespmem:s24+$0xC30];
	_ =	sdelay $0x2  }
0x131: {  	v3 =	vmul.f32 v3, v3;
	v4 =	vmul.f32 v4, v4;
	_ =	sdelay $0x1  }
0x132: {  	v3 =	vadd.f32 v4, v3;
	v4 =	vmul.f32 v5, v5;
	_ =	sdelay $0x1  }
0x133: {  	v3 =	vadd.f32 v4, v3;
	_ =	sdelay $0x1  }
0x134: {  	v4 =	vshra.s32 v3, $0x1;
	v5 =	vmul.f32 $5.000000000e-01, v3  }
0x135: {  	v4 =	vsub.s32 $0x5F3759DF, v4  }
0x136: {  	v6 =	vmul.f32 v4, v5;
	_ =	sdelay $0x1  }
0x137: {  	v6 =	vmul.f32 v4, v6;
	_ =	sdelay $0x1  }
0x138: {  	v6 =	vsub.f32 $1.500000000e+00, v6  }
0x139: {  	v7 =	vld [tilespmem:s25+$0xFFFFFFF0]  }
0x13a: {  	v4 =	vmul.f32 v4, v6;
	_ =	sdelay $0x1  }
0x13b: {  	v5 =	vmul.f32 v4, v5;
	_ =	sdelay $0x1  }
0x13c: {  	v5 =	vmul.f32 v5, v4;
	v6 =	vshll.u32 v7, $0x3  }
0x13d: {  	v7 =	vand.u32 $0x7F, v7;
	v6 =	vand.u32 $0xFFFFFC00, v6  }
0x13e: {  	v5 =	vsub.f32 $1.500000000e+00, v5;
	v6 =	vor.u32 v7, v6  }
0x13f: {  	v6 =	vadd.s32 v1, v6  }
0x140: {  	v4 =	vmul.f32 v5, v4;
	_ =	sdelay $0x1  }
0x141: {  	v3 =	vmul.f32 v4, v3;
	_ =	sdelay $0x1  }
0x142: {  	[tilespmem:v6+s15+$0x0] =	vst.idx.add.f32.msk $0xffff, v3  }
0x143: {  	[tilespmem:v6+s16+$0x0] =	vst.idx.add.f32.msk $0xffff, v2  }
0x144: {  	v3 =	vld [tilespmem:s24+$0xFFFFF3C0]  }
0x145: {  	v4 =	vld [tilespmem:s24+$0x0];
	_ =	sdelay $0x1  }
0x146: {  	v5 =	vld [tilespmem:s24+$0xC40];
	_ =	sdelay $0x1  }
0x147: {  	v3 =	vmul.f32 v3, v3  }
0x148: {  	v4 =	vmul.f32 v4, v4;
	_ =	sdelay $0x1  }
0x149: {  	v3 =	vadd.f32 v4, v3;
	v4 =	vmul.f32 v5, v5;
	_ =	sdelay $0x1  }
0x14a: {  	v3 =	vadd.f32 v4, v3;
	_ =	sdelay $0x1  }
0x14b: {  	v4 =	vshra.s32 v3, $0x1;
	v5 =	vmul.f32 $5.000000000e-01, v3  }
0x14c: {  	v4 =	vsub.s32 $0x5F3759DF, v4  }
0x14d: {  	v6 =	vmul.f32 v4, v5;
	_ =	sdelay $0x1  }
0x14e: {  	v6 =	vmul.f32 v4, v6;
	_ =	sdelay $0x1  }
0x14f: {  	v6 =	vsub.f32 $1.500000000e+00, v6  }
0x150: {  	v7 =	vld [tilespmem:s25+$0x0]  }
0x151: {  	v4 =	vmul.f32 v4, v6;
	_ =	sdelay $0x1  }
0x152: {  	v5 =	vmul.f32 v4, v5;
	_ =	sdelay $0x1  }
0x153: {  	v5 =	vmul.f32 v5, v4;
	v6 =	vshll.u32 v7, $0x3  }
0x154: {  	v7 =	vand.u32 $0x7F, v7;
	v6 =	vand.u32 $0xFFFFFC00, v6  }
0x155: {  	v5 =	vsub.f32 $1.500000000e+00, v5;
	v6 =	vor.u32 v7, v6  }
0x156: {  	v6 =	vadd.s32 v1, v6  }
0x157: {  	v4 =	vmul.f32 v5, v4;
	_ =	sdelay $0x1  }
0x158: {  	v3 =	vmul.f32 v4, v3;
	_ =	sdelay $0x1  }
0x159: {  	[tilespmem:v6+s13+$0x0] =	vst.idx.add.f32.msk $0xffff, v3  }
0x15a: {  	[tilespmem:v6+s14+$0x0] =	vst.idx.add.f32.msk $0xffff, v2  }
0x15b: {  	v3 =	vld [tilespmem:s24+$0xFFFFF3D0]  }
0x15c: {  	v4 =	vld [tilespmem:s24+$0x10]  }
0x15d: {  	v5 =	vld [tilespmem:s24+$0xC50]  }
0x15e: {  	v6 =	vld [tilespmem:s25+$0x10];
	_ =	sdelay $0x1  }
0x15f: {  	v3 =	vmul.f32 v3, v3  }
0x160: {  	v4 =	vmul.f32 v4, v4  }
0x161: {  	v5 =	vmul.f32 v5, v5  }
0x162: {  	v3 =	vadd.f32 v4, v3;
	v4 =	vshll.u32 v6, $0x3  }
0x163: {  	v6 =	vand.u32 $0x7F, v6;
	v4 =	vand.u32 $0xFFFFFC00, v4  }
0x164: {  	v3 =	vadd.f32 v5, v3;
	v4 =	vor.u32 v6, v4;
	_ =	sdelay $0x1  }
0x165: {  	v5 =	vshra.s32 v3, $0x1;
	v6 =	vmul.f32 $5.000000000e-01, v3  }
0x166: {  	v5 =	vsub.s32 $0x5F3759DF, v5  }
0x167: {  	v7 =	vmul.f32 v5, v6;
	_ =	sdelay $0x1  }
0x168: {  	v7 =	vmul.f32 v5, v7;
	_ =	sdelay $0x1  }
0x169: {  	v7 =	vsub.f32 $1.500000000e+00, v7;
	_ =	sdelay $0x1  }
0x16a: {  	v5 =	vmul.f32 v5, v7;
	_ =	sdelay $0x1  }
0x16b: {  	v6 =	vmul.f32 v5, v6;
	_ =	sdelay $0x1  }
.Ltmp2:
0x16c: {  	v6 =	vmul.f32 v6, v5;
	(pc) =	sbr.rel @!p1 .LBB2_4-.Ltmp2, $3  }
0x16d: {  	_ = 	snop  }
0x16e: {  	v4 =	vadd.s32 v1, v4;
	v6 =	vsub.f32 $1.500000000e+00, v6;
	_ =	sdelay $0x1  }
0x16f: {  	v5 =	vmul.f32 v6, v5  }
.LBB2_5:
0x170: {  	_ = 	snop  }
.Ltmp3:
0x171: {  	_ = 	snop;
	(pc) =	sbr.rel @!p0 .LBB2_12-.Ltmp3, $3  }
0x172: {  	v3 =	vmul.f32 v5, v3;
	_ =	sdelay $0x1  }
0x173: {  	[tilespmem:v4+s15+$0x0] =	vst.idx.add.f32.msk $0xffff, v3  }
0x174: {  	[tilespmem:v4+s16+$0x0] =	vst.idx.add.f32.msk $0xffff, v2  }
0x175: {  	p2 =	sne.s32 s22, $0x1  }
.Ltmp4:
0x176: {  	_ = 	snop;
	(pc) =	sbr.rel @!p2 .LBB2_7-.Ltmp4, $4  }
0x177: {  	_ = 	snop  }
0x178: {  	s24 =	simm.s32 $0x1700  }
0x179: {  	v3 =	vld [tilespmem:s24+$0x0]  }
0x17a: {  	s23 =	simm.s32 $0x2FC0;
	s22 =	sadd.s32 $0xFFFFFFFF, s22;
	p1 =	por $0x0, $0x0;
	v4 =	vld [tilespmem:s24+$0xFFFFF3C0]  }
0x17b: {  	_ = 	snop  }
0x17c: {  	v5 =	vld [tilespmem:s24+$0xC40];
	_ =	sdelay $0x2  }
0x17d: {  	v3 =	vmul.f32 v3, v3;
	v4 =	vmul.f32 v4, v4;
	_ =	sdelay $0x1  }
0x17e: {  	v3 =	vadd.f32 v3, v4;
	v4 =	vmul.f32 v5, v5;
	_ =	sdelay $0x1  }
0x17f: {  	v3 =	vadd.f32 v4, v3;
	_ =	sdelay $0x1  }
0x180: {  	v4 =	vshra.s32 v3, $0x1;
	v5 =	vmul.f32 $5.000000000e-01, v3  }
0x181: {  	v4 =	vsub.s32 $0x5F3759DF, v4  }
0x182: {  	v6 =	vmul.f32 v4, v5;
	_ =	sdelay $0x1  }
0x183: {  	v6 =	vmul.f32 v4, v6;
	_ =	sdelay $0x1  }
0x184: {  	v6 =	vsub.f32 $1.500000000e+00, v6  }
0x185: {  	v7 =	vld [tilespmem:s23+$0x0]  }
0x186: {  	v4 =	vmul.f32 v4, v6;
	_ =	sdelay $0x1  }
0x187: {  	v5 =	vmul.f32 v4, v5;
	_ =	sdelay $0x1  }
0x188: {  	v6 =	vshll.u32 v7, $0x3;
	v5 =	vmul.f32 v5, v4  }
0x189: {  	v7 =	vand.u32 $0x7F, v7;
	v6 =	vand.u32 $0xFFFFFC00, v6  }
0x18a: {  	v6 =	vor.u32 v7, v6;
	v5 =	vsub.f32 $1.500000000e+00, v5  }
0x18b: {  	v6 =	vadd.s32 v1, v6  }
0x18c: {  	v4 =	vmul.f32 v5, v4;
	_ =	sdelay $0x1  }
0x18d: {  	v3 =	vmul.f32 v4, v3  }
0x18e: {  	p2 =	sne.s32 s22, $0x1  }
.Ltmp5:
0x18f: {  	[tilespmem:v6+s13+$0x0] =	vst.idx.add.f32.msk $0xffff, v3;
	(pc) =	sbr.rel @!p2 .LBB2_9-.Ltmp5, $4  }
0x190: {  	s24 =	simm.s32 $0x1710;
	[tilespmem:v6+s14+$0x0] =	vst.idx.add.f32.msk $0xffff, v2  }
0x191: {  	v3 =	vld [tilespmem:s24+$0x0]  }
0x192: {  	v4 =	vld [tilespmem:s24+$0xFFFFF3C0]  }
0x193: {  	s25 =	sadd.s32 $0xFFFFFFFF, s22;
	p1 =	por $0x1, $0x1;
	s22 =	simm.s32 $0x2FC0  }
.LBB2_10:
0x194: {  	p2 =	sne.s32 s25, $0x1;
	v5 =	vld [tilespmem:s24+$0xC40];
	_ =	sdelay $0x2  }
0x195: {  	v3 =	vmul.f32 v3, v3;
	v4 =	vmul.f32 v4, v4;
	_ =	sdelay $0x1  }
0x196: {  	v3 =	vadd.f32 v3, v4;
	v4 =	vmul.f32 v5, v5;
	_ =	sdelay $0x1  }
0x197: {  	v3 =	vadd.f32 v4, v3;
	_ =	sdelay $0x1  }
0x198: {  	v4 =	vshra.s32 v3, $0x1;
	v5 =	vmul.f32 $5.000000000e-01, v3  }
0x199: {  	v4 =	vsub.s32 $0x5F3759DF, v4  }
0x19a: {  	v6 =	vmul.f32 v4, v5;
	_ =	sdelay $0x1  }
0x19b: {  	v6 =	vmul.f32 v4, v6;
	_ =	sdelay $0x1  }
0x19c: {  	s22 =	sadd.s32 $0x10, s22;
	v6 =	vsub.f32 $1.500000000e+00, v6  }
0x19d: {  	v7 =	vld [tilespmem:s22+$0x0]  }
0x19e: {  	v4 =	vmul.f32 v4, v6;
	_ =	sdelay $0x1  }
0x19f: {  	v5 =	vmul.f32 v4, v5;
	_ =	sdelay $0x1  }
0x1a0: {  	v5 =	vmul.f32 v5, v4;
	v6 =	vshll.u32 v7, $0x3  }
0x1a1: {  	v7 =	vand.u32 $0x7F, v7;
	v6 =	vand.u32 $0xFFFFFC00, v6  }
0x1a2: {  	v5 =	vsub.f32 $1.500000000e+00, v5;
	v6 =	vor.u32 v7, v6  }
0x1a3: {  	v6 =	vadd.s32 v1, v6  }
0x1a4: {  	v4 =	vmul.f32 v5, v4;
	_ =	sdelay $0x1  }
0x1a5: {  	v3 =	vmul.f32 v4, v3;
	_ =	sdelay $0x1  }
.Ltmp6:
0x1a6: {  	[tilespmem:v6+s13+$0x0] =	vst.idx.add.f32.msk $0xffff, v3;
	(pc) =	sbr.rel @p2 .LBB2_10-.Ltmp6, $4  }
0x1a7: {  	s24 =	sadd.s32 $0x10, s24;
	[tilespmem:v6+s14+$0x0] =	vst.idx.add.f32.msk $0xffff, v2  }
0x1a8: {  	v3 =	vld [tilespmem:s24+$0x0]  }
0x1a9: {  	v4 =	vld [tilespmem:s24+$0xFFFFF3C0]  }
0x1aa: {  	s25 =	sadd.s32 $0xFFFFFFFF, s25  }
.LBB2_11:
0x1ab: {  	v5 =	vld [tilespmem:s24+$0xC40];
	_ =	sdelay $0x2  }
0x1ac: {  	v3 =	vmul.f32 v3, v3;
	v4 =	vmul.f32 v4, v4;
	_ =	sdelay $0x1  }
0x1ad: {  	v3 =	vadd.f32 v3, v4;
	v61 =	vmul.f32 v5, v5;
	_ =	sdelay $0x1  }
0x1ae: {  	v3 =	vadd.f32 v61, v3;
	_ =	sdelay $0x1  }
0x1af: {  	v4 =	vshra.s32 v3, $0x1;
	v62 =	vmul.f32 $5.000000000e-01, v3  }
0x1b0: {  	v4 =	vsub.s32 $0x5F3759DF, v4  }
0x1b1: {  	v6 =	vmul.f32 v4, v62;
	_ =	sdelay $0x1  }
0x1b2: {  	v6 =	vmul.f32 v4, v6  }
0x1b3: {  	s22 =	sadd.s32 @p1 $0x10, s22  }
0x1b4: {  	s23 =	smov.u32 @p1 s22;
	v6 =	vsub.f32 $1.500000000e+00, v6  }
0x1b5: {  	v7 =	vld [tilespmem:s23+$0x0]  }
0x1b6: {  	v4 =	vmul.f32 v4, v6;
	_ =	sdelay $0x1  }
0x1b7: {  	v5 =	vmul.f32 v4, v62;
	_ =	sdelay $0x1  }
0x1b8: {  	v63 =	vshll.u32 v7, $0x3;
	v5 =	vmul.f32 v5, v4  }
0x1b9: {  	v7 =	vand.u32 $0x7F, v7;
	v6 =	vand.u32 $0xFFFFFC00, v63  }
0x1ba: {  	v6 =	vor.u32 v7, v6;
	v5 =	vsub.f32 $1.500000000e+00, v5  }
0x1bb: {  	v6 =	vadd.s32 v1, v6  }
0x1bc: {  	v4 =	vmul.f32 v5, v4;
	_ =	sdelay $0x1  }
0x1bd: {  	v3 =	vmul.f32 v4, v3;
	_ =	sdelay $0x1  }
0x1be: {  	[tilespmem:v6+s13+$0x0] =	vst.idx.add.f32.msk $0xffff, v3  }
0x1bf: {  	[tilespmem:v6+s14+$0x0] =	vst.idx.add.f32.msk $0xffff, v2  }
.LBB2_12:
0x1c0: {  	s28 =	simm.s32 $0x0  }
0x1c1: {  	s22 =	sand.u32 $0x70, s28;
	s23 =	sand.u32 $0x400, s28  }
0x1c2: {  	s22 =	sor.u32 s22, s23  }
0x1c3: {  	v37 =	vld [tilespmem:s22+$0x3180]  }
0x1c4: {  	v38 =	vld [tilespmem:s22+$0x4180]  }
0x1c5: {  	v39 =	vld [tilespmem:s22+$0x5180]  }
0x1c6: {  	v40 =	vld [tilespmem:s22+$0x6180]  }
0x1c7: {  	v45 =	vld [tilespmem:s22+$0x3280]  }
0x1c8: {  	v46 =	vld [tilespmem:s22+$0x5280]  }
0x1c9: {  	v47 =	vld [tilespmem:s22+$0x4280]  }
0x1ca: {  	v48 =	vld [tilespmem:s22+$0x6280]  }
0x1cb: {  	v53 =	vld [tilespmem:s22+$0x3380]  }
0x1cc: {  	v54 =	vld [tilespmem:s22+$0x5380]  }
0x1cd: {  	v55 =	vld [tilespmem:s22+$0x4380]  }
0x1ce: {  	v56 =	vld [tilespmem:s22+$0x6380]  }
0x1cf: {  	v61 =	vld [tilespmem:s22+$0x3480]  }
0x1d0: {  	v62 =	vld [tilespmem:s22+$0x5480]  }
0x1d1: {  	s25 =	sand.u32 $0xFFFFFC00, s28;
	s31 =	sor.u32 s28, s28;
	v63 =	vld [tilespmem:s22+$0x4480]  }
0x1d2: {  	s23 =	sadd.s32 $0x0, s25;
	s25 =	sor.u32 $0x380, s31;
	v5 =	vld [tilespmem:s22+$0x6480]  }
0x1d3: {  	v6 =	vld [tilespmem:s25+$0x3180]  }
0x1d4: {  	v7 =	vld [tilespmem:s25+$0x5180]  }
0x1d5: {  	v35 =	vld [tilespmem:s25+$0x4180]  }
0x1d6: {  	v36 =	vld [tilespmem:s25+$0x6180]  }
0x1d7: {  	v33 =	vld [tilespmem:s22+$0x3980]  }
0x1d8: {  	v34 =	vld [tilespmem:s22+$0x5980]  }
0x1d9: {  	v31 =	vld [tilespmem:s22+$0x4980]  }
0x1da: {  	v32 =	vld [tilespmem:s22+$0x6980]  }
0x1db: {  	v25 =	vld [tilespmem:s22+$0x3A80]  }
0x1dc: {  	v26 =	vld [tilespmem:s22+$0x5A80]  }
0x1dd: {  	v23 =	vld [tilespmem:s22+$0x4A80]  }
0x1de: {  	v24 =	vld [tilespmem:s22+$0x6A80]  }
0x1df: {  	v17 =	vld [tilespmem:s22+$0x3B80]  }
0x1e0: {  	v18 =	vld [tilespmem:s22+$0x5B80]  }
0x1e1: {  	v15 =	vld [tilespmem:s22+$0x4B80]  }
0x1e2: {  	v16 =	vld [tilespmem:s22+$0x6B80]  }
0x1e3: {  	v9 =	vld [tilespmem:s22+$0x3C80]  }
0x1e4: {  	v10 =	vld [tilespmem:s22+$0x5C80]  }
0x1e5: {  	s24 =	sor.u32 $0x80, s23;
	v3 =	vld [tilespmem:s22+$0x4C80]  }
0x1e6: {  	v41 =	vld [tilespmem:s24+$0x3180]  }
0x1e7: {  	v42 =	vld [tilespmem:s24+$0x5180]  }
0x1e8: {  	v43 =	vld [tilespmem:s24+$0x4180]  }
0x1e9: {  	s26 =	sor.u32 $0x180, s23;
	v44 =	vld [tilespmem:s24+$0x6180]  }
0x1ea: {  	v49 =	vld [tilespmem:s26+$0x3180]  }
0x1eb: {  	v50 =	vld [tilespmem:s26+$0x5180]  }
0x1ec: {  	v51 =	vld [tilespmem:s26+$0x4180]  }
0x1ed: {  	s30 =	sor.u32 $0x280, s23;
	v52 =	vld [tilespmem:s26+$0x6180]  }
0x1ee: {  	v57 =	vld [tilespmem:s30+$0x3180]  }
0x1ef: {  	v58 =	vld [tilespmem:s30+$0x5180]  }
0x1f0: {  	v59 =	vld [tilespmem:s30+$0x4180]  }
0x1f1: {  	v60 =	vld [tilespmem:s30+$0x6180];
	s26 =	sor.u32 $0x880, s23  }
0x1f2: {  	v29 =	vld [tilespmem:s26+$0x3180]  }
0x1f3: {  	v30 =	vld [tilespmem:s26+$0x5180]  }
0x1f4: {  	v27 =	vld [tilespmem:s26+$0x4180]  }
0x1f5: {  	s30 =	sor.u32 $0x980, s23;
	v28 =	vld [tilespmem:s26+$0x6180]  }
0x1f6: {  	v21 =	vld [tilespmem:s30+$0x3180]  }
0x1f7: {  	v22 =	vld [tilespmem:s30+$0x5180]  }
0x1f8: {  	v19 =	vld [tilespmem:s30+$0x4180]  }
0x1f9: {  	s23 =	sor.u32 $0xA80, s23;
	v20 =	vld [tilespmem:s30+$0x6180]  }
0x1fa: {  	v13 =	vld [tilespmem:s23+$0x3180]  }
0x1fb: {  	v14 =	vld [tilespmem:s23+$0x5180]  }
0x1fc: {  	v11 =	vld [tilespmem:s23+$0x4180]  }
0x1fd: {  	s24 =	sor.u32 $0xB80, s31;
	v12 =	vld [tilespmem:s23+$0x6180];
	[tilespmem:$0x1FFB0] =	vst v3  }
0x1fe: {  	v3 =	vld [tilespmem:s24+$0x3180];
	_ =	sdelay $0x4  }
0x1ff: {  	v8 =	vld [tilespmem:s22+$0x6C80];
	[tilespmem:$0x1FFC0] =	vst v3  }
0x200: {  	v3 =	vld [tilespmem:s24+$0x5180];
	_ =	sdelay $0x4  }
0x201: {  	[tilespmem:$0x1FFD0] =	vst v3  }
0x202: {  	v3 =	vld [tilespmem:s24+$0x4180];
	_ =	sdelay $0x4  }
0x203: {  	[tilespmem:$0x1FFE0] =	vst v3  }
0x204: {  	v3 =	vld [tilespmem:s24+$0x6180];
	_ =	sdelay $0x2  }
0x205: {  	s25 =	simm.s32 $0x80;
	s22 =	simm.s32 $0x10  }
0x206: {  	s26 =	sand.u32 $0x400, s25;
	s31 =	sand.u32 $0x70, s22  }
0x207: {  	v37 =	vadd.f32 v38, v37;
	s23 =	sor.u32 s31, s26;
	[tilespmem:$0x1FFF0] =	vst v3  }
0x208: {  	s30 =	sand.u32 $0xFFFFFC00, s25;
	v4 =	vld [tilespmem:s23+$0x3180]  }
0x209: {  	v38 =	vadd.f32 v40, v39;
	v37 =	vadd.f32 v41, v37;
	s24 =	sadd.s32 $0x10, s30;
	v3 =	vld [tilespmem:s23+$0x4180]  }
0x20a: {  	s31 =	sor.u32 $0x80, s24  }
0x20b: {  	v38 =	vadd.f32 v42, v38;
	v37 =	vadd.f32 v43, v37;
	v41 =	vld [tilespmem:s31+$0x3180];
	_ =	sdelay $0x1  }
0x20c: {  	v38 =	vadd.f32 v44, v38;
	v37 =	vadd.f32 v45, v37;
	v43 =	vld [tilespmem:s31+$0x4180]  }
0x20d: {  	v3 =	vadd.f32 v3, v4  }
0x20e: {  	v38 =	vadd.f32 v46, v38;
	v37 =	vadd.f32 v47, v37;
	v44 =	vld [tilespmem:s23+$0x3280]  }
0x20f: {  	v39 =	vld [tilespmem:s23+$0x5180];
	v3 =	vadd.f32 v41, v3  }
0x210: {  	v38 =	vadd.f32 v48, v38;
	v37 =	vadd.f32 v49, v37;
	v41 =	vld [tilespmem:s23+$0x4280]  }
0x211: {  	s30 =	sor.u32 $0x180, s24;
	v40 =	vld [tilespmem:s23+$0x6180];
	v3 =	vadd.f32 v43, v3  }
0x212: {  	v38 =	vadd.f32 v50, v38;
	v37 =	vadd.f32 v51, v37;
	v43 =	vld [tilespmem:s30+$0x3180]  }
0x213: {  	v42 =	vld [tilespmem:s31+$0x5180];
	v3 =	vadd.f32 v44, v3  }
0x214: {  	v38 =	vadd.f32 v52, v38;
	v37 =	vadd.f32 v53, v37;
	v49 =	vld [tilespmem:s30+$0x4180]  }
0x215: {  	v51 =	vld [tilespmem:s23+$0x3380];
	v3 =	vadd.f32 v41, v3  }
0x216: {  	v38 =	vadd.f32 v54, v38;
	v37 =	vadd.f32 v55, v37;
	v4 =	vld [tilespmem:s31+$0x6180]  }
0x217: {  	v53 =	vld [tilespmem:s23+$0x4380];
	v39 =	vadd.f32 v40, v39;
	v3 =	vadd.f32 v43, v3  }
0x218: {  	v38 =	vadd.f32 v56, v38;
	v37 =	vadd.f32 v57, v37;
	v40 =	vld [tilespmem:s23+$0x5280];
	s31 =	sor.u32 $0x280, s24  }
0x219: {  	v55 =	vld [tilespmem:s31+$0x3180];
	v39 =	vadd.f32 v42, v39;
	v3 =	vadd.f32 v49, v3  }
0x21a: {  	v38 =	vadd.f32 v58, v38;
	v37 =	vadd.f32 v59, v37;
	v42 =	vld [tilespmem:s23+$0x6280]  }
0x21b: {  	v48 =	vld [tilespmem:s30+$0x5180];
	v4 =	vadd.f32 v4, v39;
	v3 =	vadd.f32 v51, v3  }
0x21c: {  	v38 =	vadd.f32 v60, v38;
	v37 =	vadd.f32 v61, v37;
	v57 =	vld [tilespmem:s31+$0x4180]  }
0x21d: {  	v50 =	vld [tilespmem:s30+$0x6180];
	v4 =	vadd.f32 v40, v4;
	v3 =	vadd.f32 v53, v3  }
0x21e: {  	v38 =	vadd.f32 v62, v38;
	v37 =	vadd.f32 v63, v37;
	v59 =	vld [tilespmem:s23+$0x3480]  }
0x21f: {  	v52 =	vld [tilespmem:s23+$0x5380];
	v4 =	vadd.f32 v42, v4;
	v3 =	vadd.f32 v55, v3  }
0x220: {  	s25 =	sor.u32 s22, s25;
	v5 =	vadd.f32 v5, v38;
	v61 =	vld [tilespmem:s23+$0x4480];
	v6 =	vadd.f32 v6, v37  }
0x221: {  	v54 =	vld [tilespmem:s23+$0x6380];
	s30 =	sor.u32 $0x380, s25;
	v4 =	vadd.f32 v48, v4;
	v3 =	vadd.f32 v57, v3  }
0x222: {  	v5 =	vadd.f32 v7, v5;
	v6 =	vadd.f32 v35, v6;
	v7 =	vld [tilespmem:s30+$0x3180]  }
0x223: {  	v56 =	vld [tilespmem:s31+$0x5180];
	v4 =	vadd.f32 v50, v4;
	v3 =	vadd.f32 v59, v3  }
0x224: {  	v5 =	vadd.f32 v36, v5;
	v6 =	vadd.f32 v33, v6;
	v41 =	vld [tilespmem:s30+$0x4180]  }
0x225: {  	v58 =	vld [tilespmem:s31+$0x6180];
	v4 =	vadd.f32 v52, v4;
	v3 =	vadd.f32 v61, v3  }
0x226: {  	v5 =	vadd.f32 v34, v5;
	v6 =	vadd.f32 v31, v6;
	v43 =	vld [tilespmem:s23+$0x3980]  }
0x227: {  	v60 =	vld [tilespmem:s23+$0x5480];
	v4 =	vadd.f32 v54, v4;
	v3 =	vadd.f32 v7, v3  }
0x228: {  	v5 =	vadd.f32 v32, v5;
	v6 =	vadd.f32 v29, v6;
	v44 =	vld [tilespmem:s23+$0x4980]  }
0x229: {  	v62 =	vld [tilespmem:s23+$0x6480];
	s31 =	sor.u32 $0x880, s24;
	v4 =	vadd.f32 v56, v4;
	v3 =	vadd.f32 v41, v3  }
0x22a: {  	v46 =	vld [tilespmem:s31+$0x3180];
	v5 =	vadd.f32 v30, v5;
	v6 =	vadd.f32 v27, v6  }
0x22b: {  	v63 =	vld [tilespmem:s30+$0x5180];
	v4 =	vadd.f32 v58, v4;
	v3 =	vadd.f32 v43, v3  }
0x22c: {  	v5 =	vadd.f32 v28, v5;
	v6 =	vadd.f32 v25, v6;
	v48 =	vld [tilespmem:s31+$0x4180]  }
0x22d: {  	v42 =	vld [tilespmem:s30+$0x6180];
	v4 =	vadd.f32 v60, v4;
	v3 =	vadd.f32 v44, v3  }
0x22e: {  	v5 =	vadd.f32 v26, v5;
	v6 =	vadd.f32 v23, v6;
	v49 =	vld [tilespmem:s23+$0x3A80]  }
0x22f: {  	v51 =	vld [tilespmem:s23+$0x4A80];
	v4 =	vadd.f32 v62, v4;
	v3 =	vadd.f32 v46, v3  }
0x230: {  	v5 =	vadd.f32 v24, v5;
	v6 =	vadd.f32 v21, v6;
	v7 =	vld [tilespmem:s23+$0x5980]  }
0x231: {  	v45 =	vld [tilespmem:s23+$0x6980];
	s30 =	sor.u32 $0x980, s24;
	v4 =	vadd.f32 v63, v4;
	v3 =	vadd.f32 v48, v3  }
0x232: {  	v5 =	vadd.f32 v22, v5;
	v6 =	vadd.f32 v19, v6;
	v53 =	vld [tilespmem:s30+$0x3180]  }
0x233: {  	v47 =	vld [tilespmem:s31+$0x5180];
	v4 =	vadd.f32 v42, v4;
	v3 =	vadd.f32 v49, v3  }
0x234: {  	v5 =	vadd.f32 v20, v5;
	v6 =	vadd.f32 v17, v6;
	v54 =	vld [tilespmem:s30+$0x4180]  }
0x235: {  	v56 =	vld [tilespmem:s23+$0x3B80];
	v4 =	vadd.f32 v7, v4;
	v3 =	vadd.f32 v51, v3  }
0x236: {  	v5 =	vadd.f32 v18, v5;
	v6 =	vadd.f32 v15, v6;
	v7 =	vld [tilespmem:s31+$0x6180]  }
0x237: {  	v50 =	vld [tilespmem:s23+$0x5A80];
	v4 =	vadd.f32 v45, v4;
	v3 =	vadd.f32 v53, v3  }
0x238: {  	v5 =	vadd.f32 v16, v5;
	v6 =	vadd.f32 v13, v6;
	v58 =	vld [tilespmem:s23+$0x4B80]  }
0x239: {  	s24 =	sor.u32 $0xA80, s24;
	v52 =	vld [tilespmem:s23+$0x6A80];
	v4 =	vadd.f32 v47, v4;
	v3 =	vadd.f32 v54, v3  }
0x23a: {  	v5 =	vadd.f32 v14, v5;
	v59 =	vld [tilespmem:s24+$0x3180];
	v6 =	vadd.f32 v11, v6  }
0x23b: {  	v11 =	vld [tilespmem:s24+$0x4180];
	v4 =	vadd.f32 v7, v4;
	v3 =	vadd.f32 v56, v3  }
0x23c: {  	v5 =	vadd.f32 v12, v5;
	v7 =	vld [tilespmem:s30+$0x5180]  }
0x23d: {  	v55 =	vld [tilespmem:s30+$0x6180];
	v4 =	vadd.f32 v50, v4;
	v3 =	vadd.f32 v58, v3  }
0x23e: {  	v6 =	vadd.f32 v9, v6;
	v5 =	vadd.f32 v10, v5;
	v9 =	vld [tilespmem:s23+$0x3C80]  }
0x23f: {  	v10 =	vld [tilespmem:$0x1FFB0];
	v4 =	vadd.f32 v52, v4;
	v3 =	vadd.f32 v59, v3  }
0x240: {  	v57 =	vld [tilespmem:s23+$0x5B80]  }
0x241: {  	v4 =	vadd.f32 v7, v4;
	v3 =	vadd.f32 v11, v3;
	v11 =	vld [tilespmem:$0x1FFC0]  }
0x242: {  	v7 =	vld [tilespmem:s23+$0x6B80]  }
0x243: {  	v4 =	vadd.f32 v55, v4;
	v9 =	vadd.f32 v9, v3;
	v3 =	vld [tilespmem:$0x1FFE0]  }
0x244: {  	v60 =	vld [tilespmem:s24+$0x5180];
	v6 =	vadd.f32 v10, v6  }
0x245: {  	v61 =	vld [tilespmem:s24+$0x6180];
	v4 =	vadd.f32 v57, v4  }
0x246: {  	v6 =	vadd.f32 v11, v6;
	v11 =	vld [tilespmem:$0x1FFD0]  }
0x247: {  	v4 =	vadd.f32 v7, v4;
	v7 =	vld [tilespmem:s23+$0x5C80]  }
0x248: {  	v6 =	vadd.f32 v3, v6;
	v3 =	vld [tilespmem:$0x1FFF0]  }
0x249: {  	v5 =	vadd.f32 v8, v5;
	v8 =	vld [tilespmem:s23+$0x4C80];
	v4 =	vadd.f32 v60, v4  }
0x24a: {  	s29 =	sor.u32 $0xB80, s25;
	v10 =	vld [tilespmem:s23+$0x6C80]  }
0x24b: {  	v62 =	vld [tilespmem:s29+$0x3180];
	v4 =	vadd.f32 v61, v4;
	v11 =	vadd.f32 v11, v5  }
0x24c: {  	s26 =	simm.s32 $0x100;
	s23 =	simm.s32 $0x20;
	v5 =	vld [tilespmem:s29+$0x5180]  }
0x24d: {  	s30 =	sand.u32 $0x400, s26;
	s31 =	sand.u32 $0x70, s23;
	v7 =	vadd.f32 v7, v4;
	v11 =	vadd.f32 v3, v11;
	v3 =	vld [tilespmem:s29+$0x4180]  }
0x24e: {  	s24 =	simm.s32 $0x7180;
	s25 =	sor.u32 s31, s30;
	v4 =	vld [tilespmem:s29+$0x6180];
	v63 =	vadd.f32 v8, v9  }
0x24f: {  	s28 =	sand.u32 $0xF0, s28;
	v8 =	vld [tilespmem:s25+$0x3180];
	[tilespmem:s24+$0x0] =	vst v6;
	v6 =	vadd.f32 v10, v7  }
0x250: {  	v9 =	vld [tilespmem:s25+$0x4180];
	v7 =	vadd.f32 v62, v63;
	s29 =	sand.u32 $0xFFFFFC00, s26;
	[tilespmem:s28+$0x7280] =	vst v11;
	s28 =	simm.s32 $0x30  }
.LBB2_13:
0x251: {  	p1 =	sne.s32 s28, $0xF0;
	v10 =	vld [tilespmem:s25+$0x5180];
	s29 =	sadd.s32 s29, s23;
	v5 =	vadd.f32 v5, v6  }
0x252: {  	v6 =	vld [tilespmem:s25+$0x6180];
	s30 =	sor.u32 $0x80, s29;
	v3 =	vadd.f32 v3, v7  }
0x253: {  	s24 =	sadd.s32 $0x10, s24;
	v7 =	vld [tilespmem:s30+$0x3180];
	v4 =	vadd.f32 v4, v5  }
0x254: {  	s31 =	sand.u32 $0xF0, s22;
	s22 =	smov.u32 s23;
	s23 =	smov.u32 s28;
	v5 =	vld [tilespmem:s30+$0x5180];
	[tilespmem:s24+$0x0] =	vst v3  }
0x255: {  	v3 =	vld [tilespmem:s30+$0x4180];
	[tilespmem:s31+$0x7280] =	vst v4  }
0x256: {  	v4 =	vadd.f32 v9, v8;
	v8 =	vld [tilespmem:s30+$0x6180]  }
0x257: {  	v6 =	vadd.f32 v6, v10;
	v9 =	vld [tilespmem:s25+$0x3280]  }
0x258: {  	v4 =	vadd.f32 v7, v4;
	v7 =	vld [tilespmem:s25+$0x5280]  }
0x259: {  	v5 =	vadd.f32 v5, v6;
	v6 =	vld [tilespmem:s25+$0x4280]  }
0x25a: {  	s30 =	sor.u32 $0x180, s29;
	v3 =	vadd.f32 v3, v4;
	v4 =	vld [tilespmem:s25+$0x6280]  }
0x25b: {  	v5 =	vadd.f32 v8, v5;
	v8 =	vld [tilespmem:s30+$0x3180]  }
0x25c: {  	v3 =	vadd.f32 v9, v3;
	v9 =	vld [tilespmem:s30+$0x5180]  }
0x25d: {  	v5 =	vadd.f32 v7, v5;
	v7 =	vld [tilespmem:s30+$0x4180]  }
0x25e: {  	v3 =	vadd.f32 v6, v3;
	v6 =	vld [tilespmem:s30+$0x6180]  }
0x25f: {  	v4 =	vadd.f32 v4, v5;
	v5 =	vld [tilespmem:s25+$0x3380]  }
0x260: {  	v3 =	vadd.f32 v8, v3;
	v8 =	vld [tilespmem:s25+$0x5380]  }
0x261: {  	v4 =	vadd.f32 v9, v4;
	v9 =	vld [tilespmem:s25+$0x4380]  }
0x262: {  	s30 =	sor.u32 $0x280, s29;
	v3 =	vadd.f32 v7, v3;
	v7 =	vld [tilespmem:s25+$0x6380]  }
0x263: {  	v4 =	vadd.f32 v6, v4;
	v6 =	vld [tilespmem:s30+$0x3180]  }
0x264: {  	v3 =	vadd.f32 v5, v3;
	v5 =	vld [tilespmem:s30+$0x5180]  }
0x265: {  	v4 =	vadd.f32 v8, v4;
	v8 =	vld [tilespmem:s30+$0x4180]  }
0x266: {  	v3 =	vadd.f32 v9, v3;
	v9 =	vld [tilespmem:s30+$0x6180]  }
0x267: {  	v4 =	vadd.f32 v7, v4;
	v7 =	vld [tilespmem:s25+$0x3480]  }
0x268: {  	v3 =	vadd.f32 v6, v3;
	v6 =	vld [tilespmem:s25+$0x5480]  }
0x269: {  	s30 =	sor.u32 s22, s26;
	v4 =	vadd.f32 v5, v4;
	v5 =	vld [tilespmem:s25+$0x4480]  }
0x26a: {  	s31 =	sor.u32 $0x380, s30;
	v3 =	vadd.f32 v8, v3;
	v8 =	vld [tilespmem:s25+$0x6480]  }
0x26b: {  	v4 =	vadd.f32 v9, v4;
	v9 =	vld [tilespmem:s31+$0x3180]  }
0x26c: {  	v3 =	vadd.f32 v7, v3;
	v7 =	vld [tilespmem:s31+$0x5180]  }
0x26d: {  	v4 =	vadd.f32 v6, v4;
	v6 =	vld [tilespmem:s31+$0x4180]  }
0x26e: {  	v3 =	vadd.f32 v5, v3;
	v5 =	vld [tilespmem:s31+$0x6180]  }
0x26f: {  	v4 =	vadd.f32 v8, v4;
	v8 =	vld [tilespmem:s25+$0x3980]  }
0x270: {  	v3 =	vadd.f32 v9, v3;
	v9 =	vld [tilespmem:s25+$0x5980]  }
0x271: {  	v4 =	vadd.f32 v7, v4;
	v7 =	vld [tilespmem:s25+$0x4980]  }
0x272: {  	s31 =	sor.u32 $0x880, s29;
	v3 =	vadd.f32 v6, v3;
	v6 =	vld [tilespmem:s25+$0x6980]  }
0x273: {  	v4 =	vadd.f32 v5, v4;
	v5 =	vld [tilespmem:s31+$0x3180]  }
0x274: {  	v3 =	vadd.f32 v8, v3;
	v8 =	vld [tilespmem:s31+$0x5180]  }
0x275: {  	v4 =	vadd.f32 v9, v4;
	v9 =	vld [tilespmem:s31+$0x4180]  }
0x276: {  	v3 =	vadd.f32 v7, v3;
	v7 =	vld [tilespmem:s31+$0x6180]  }
0x277: {  	v4 =	vadd.f32 v6, v4;
	v6 =	vld [tilespmem:s25+$0x3A80]  }
0x278: {  	v3 =	vadd.f32 v5, v3;
	v5 =	vld [tilespmem:s25+$0x5A80]  }
0x279: {  	v4 =	vadd.f32 v8, v4;
	v8 =	vld [tilespmem:s25+$0x4A80]  }
0x27a: {  	s31 =	sor.u32 $0x980, s29;
	v3 =	vadd.f32 v9, v3;
	v9 =	vld [tilespmem:s25+$0x6A80]  }
0x27b: {  	v4 =	vadd.f32 v7, v4;
	v7 =	vld [tilespmem:s31+$0x3180]  }
0x27c: {  	v3 =	vadd.f32 v6, v3;
	v6 =	vld [tilespmem:s31+$0x5180]  }
0x27d: {  	v4 =	vadd.f32 v5, v4;
	v5 =	vld [tilespmem:s31+$0x4180]  }
0x27e: {  	v3 =	vadd.f32 v8, v3;
	v8 =	vld [tilespmem:s31+$0x6180]  }
0x27f: {  	v4 =	vadd.f32 v9, v4;
	v9 =	vld [tilespmem:s25+$0x3B80]  }
0x280: {  	v3 =	vadd.f32 v7, v3;
	v7 =	vld [tilespmem:s25+$0x5B80]  }
0x281: {  	v4 =	vadd.f32 v6, v4;
	v6 =	vld [tilespmem:s25+$0x4B80]  }
0x282: {  	s29 =	sor.u32 $0xA80, s29;
	v3 =	vadd.f32 v5, v3;
	v5 =	vld [tilespmem:s25+$0x6B80]  }
0x283: {  	v4 =	vadd.f32 v8, v4;
	v8 =	vld [tilespmem:s29+$0x3180]  }
0x284: {  	v3 =	vadd.f32 v9, v3;
	v9 =	vld [tilespmem:s29+$0x5180]  }
0x285: {  	v4 =	vadd.f32 v7, v4;
	v7 =	vld [tilespmem:s29+$0x4180]  }
0x286: {  	v3 =	vadd.f32 v6, v3;
	v6 =	vld [tilespmem:s29+$0x6180]  }
0x287: {  	v4 =	vadd.f32 v5, v4;
	v5 =	vld [tilespmem:s25+$0x3C80]  }
0x288: {  	v3 =	vadd.f32 v8, v3;
	v8 =	vld [tilespmem:s25+$0x5C80]  }
0x289: {  	v4 =	vadd.f32 v9, v4;
	v9 =	vld [tilespmem:s25+$0x4C80]  }
0x28a: {  	s29 =	sor.u32 $0xB80, s30;
	v3 =	vadd.f32 v7, v3;
	v7 =	vld [tilespmem:s25+$0x6C80]  }
0x28b: {  	v4 =	vadd.f32 v6, v4;
	v10 =	vld [tilespmem:s29+$0x3180]  }
.Ltmp7:
0x28c: {  	s26 =	sadd.s32 $0x80, s26;
	v6 =	vadd.f32 v5, v3;
	v5 =	vld [tilespmem:s29+$0x5180];
	(pc) =	sbr.rel @p1 .LBB2_13-.Ltmp7, $4  }
0x28d: {  	s30 =	sand.u32 $0x400, s26;
	s25 =	sand.u32 $0x70, s28;
	v11 =	vadd.f32 v8, v4;
	v3 =	vld [tilespmem:s29+$0x4180]  }
0x28e: {  	s25 =	sor.u32 s25, s30;
	v12 =	vadd.f32 v9, v6;
	v4 =	vld [tilespmem:s29+$0x6180]  }
0x28f: {  	v8 =	vld [tilespmem:s25+$0x3180];
	v6 =	vadd.f32 v7, v11  }
0x290: {  	s28 =	sadd.s32 $0x10, s28;
	s29 =	sand.u32 $0xFFFFFC00, s26;
	v9 =	vld [tilespmem:s25+$0x4180];
	v7 =	vadd.f32 v10, v12  }
0x291: {  	v10 =	vld [tilespmem:s25+$0x5180];
	s28 =	sadd.s32 s29, s23  }
0x292: {  	v11 =	vld [tilespmem:s25+$0x6180];
	s29 =	sor.u32 $0x80, s28  }
0x293: {  	v12 =	vld [tilespmem:s29+$0x3180]  }
0x294: {  	v13 =	vld [tilespmem:s29+$0x5180]  }
0x295: {  	v14 =	vld [tilespmem:s29+$0x4180]  }
0x296: {  	v51 =	vld [tilespmem:s29+$0x6180];
	v8 =	vadd.f32 v9, v8  }
0x297: {  	v52 =	vld [tilespmem:s25+$0x3280];
	v10 =	vadd.f32 v11, v10  }
0x298: {  	v53 =	vld [tilespmem:s25+$0x5280];
	v8 =	vadd.f32 v12, v8  }
0x299: {  	v54 =	vld [tilespmem:s25+$0x4280];
	v10 =	vadd.f32 v13, v10  }
0x29a: {  	v55 =	vld [tilespmem:s25+$0x6280];
	s31 =	sor.u32 $0x180, s28;
	v8 =	vadd.f32 v14, v8  }
0x29b: {  	v56 =	vld [tilespmem:s31+$0x3180];
	v9 =	vadd.f32 v51, v10  }
0x29c: {  	v57 =	vld [tilespmem:s31+$0x5180];
	v8 =	vadd.f32 v52, v8  }
0x29d: {  	v58 =	vld [tilespmem:s31+$0x4180];
	v9 =	vadd.f32 v53, v9  }
0x29e: {  	v59 =	vld [tilespmem:s31+$0x6180];
	v8 =	vadd.f32 v54, v8  }
0x29f: {  	v60 =	vld [tilespmem:s25+$0x3380];
	v9 =	vadd.f32 v55, v9  }
0x2a0: {  	v61 =	vld [tilespmem:s25+$0x5380];
	v8 =	vadd.f32 v56, v8  }
0x2a1: {  	v62 =	vld [tilespmem:s25+$0x4380];
	v9 =	vadd.f32 v57, v9  }
0x2a2: {  	v63 =	vld [tilespmem:s25+$0x6380];
	s30 =	sor.u32 $0x280, s28;
	v8 =	vadd.f32 v58, v8  }
0x2a3: {  	v16 =	vld [tilespmem:s30+$0x3180];
	v9 =	vadd.f32 v59, v9  }
0x2a4: {  	v17 =	vld [tilespmem:s30+$0x5180];
	v8 =	vadd.f32 v60, v8  }
0x2a5: {  	v18 =	vld [tilespmem:s30+$0x4180];
	v9 =	vadd.f32 v61, v9  }
0x2a6: {  	v19 =	vld [tilespmem:s30+$0x6180];
	v8 =	vadd.f32 v62, v8  }
0x2a7: {  	v20 =	vld [tilespmem:s25+$0x3480];
	v9 =	vadd.f32 v63, v9  }
0x2a8: {  	v21 =	vld [tilespmem:s25+$0x5480];
	v8 =	vadd.f32 v16, v8  }
0x2a9: {  	v22 =	vld [tilespmem:s25+$0x4480];
	s26 =	sor.u32 s23, s26;
	v9 =	vadd.f32 v17, v9  }
0x2aa: {  	v23 =	vld [tilespmem:s25+$0x6480];
	s31 =	sor.u32 $0x380, s26;
	v8 =	vadd.f32 v18, v8  }
0x2ab: {  	v24 =	vld [tilespmem:s31+$0x3180];
	v9 =	vadd.f32 v19, v9  }
0x2ac: {  	v25 =	vld [tilespmem:s31+$0x5180];
	v8 =	vadd.f32 v20, v8  }
0x2ad: {  	v26 =	vld [tilespmem:s31+$0x4180];
	v9 =	vadd.f32 v21, v9  }
0x2ae: {  	v27 =	vld [tilespmem:s31+$0x6180];
	v8 =	vadd.f32 v22, v8  }
0x2af: {  	v28 =	vld [tilespmem:s25+$0x3980];
	v9 =	vadd.f32 v23, v9  }
0x2b0: {  	v29 =	vld [tilespmem:s25+$0x5980];
	v8 =	vadd.f32 v24, v8  }
0x2b1: {  	v30 =	vld [tilespmem:s25+$0x4980];
	v9 =	vadd.f32 v25, v9  }
0x2b2: {  	v31 =	vld [tilespmem:s25+$0x6980];
	s30 =	sor.u32 $0x880, s28;
	v8 =	vadd.f32 v26, v8  }
0x2b3: {  	v32 =	vld [tilespmem:s30+$0x3180];
	v9 =	vadd.f32 v27, v9  }
0x2b4: {  	v33 =	vld [tilespmem:s30+$0x5180];
	v8 =	vadd.f32 v28, v8  }
0x2b5: {  	v34 =	vld [tilespmem:s30+$0x4180];
	v9 =	vadd.f32 v29, v9  }
0x2b6: {  	v35 =	vld [tilespmem:s30+$0x6180];
	v8 =	vadd.f32 v30, v8  }
0x2b7: {  	v36 =	vld [tilespmem:s25+$0x3A80];
	v9 =	vadd.f32 v31, v9  }
0x2b8: {  	v37 =	vld [tilespmem:s25+$0x5A80];
	v8 =	vadd.f32 v32, v8  }
0x2b9: {  	v38 =	vld [tilespmem:s25+$0x4A80];
	v9 =	vadd.f32 v33, v9  }
0x2ba: {  	v39 =	vld [tilespmem:s25+$0x6A80];
	s31 =	sor.u32 $0x980, s28;
	v8 =	vadd.f32 v34, v8  }
0x2bb: {  	v40 =	vld [tilespmem:s31+$0x3180];
	v9 =	vadd.f32 v35, v9  }
0x2bc: {  	v41 =	vld [tilespmem:s31+$0x5180];
	v8 =	vadd.f32 v36, v8  }
0x2bd: {  	v42 =	vld [tilespmem:s31+$0x4180];
	v9 =	vadd.f32 v37, v9  }
0x2be: {  	v43 =	vld [tilespmem:s31+$0x6180];
	v8 =	vadd.f32 v38, v8  }
0x2bf: {  	v44 =	vld [tilespmem:s25+$0x3B80];
	v9 =	vadd.f32 v39, v9  }
0x2c0: {  	v45 =	vld [tilespmem:s25+$0x5B80];
	v8 =	vadd.f32 v40, v8  }
0x2c1: {  	v46 =	vld [tilespmem:s25+$0x4B80];
	v9 =	vadd.f32 v41, v9  }
0x2c2: {  	v47 =	vld [tilespmem:s25+$0x6B80];
	s28 =	sor.u32 $0xA80, s28;
	v8 =	vadd.f32 v42, v8  }
0x2c3: {  	v48 =	vld [tilespmem:s28+$0x3180];
	v9 =	vadd.f32 v43, v9  }
0x2c4: {  	v49 =	vld [tilespmem:s28+$0x5180];
	v8 =	vadd.f32 v44, v8  }
0x2c5: {  	v50 =	vld [tilespmem:s28+$0x4180];
	v9 =	vadd.f32 v45, v9  }
0x2c6: {  	v51 =	vld [tilespmem:s28+$0x6180];
	v8 =	vadd.f32 v46, v8  }
0x2c7: {  	v52 =	vld [tilespmem:s25+$0x3C80];
	v9 =	vadd.f32 v47, v9  }
0x2c8: {  	v53 =	vld [tilespmem:s25+$0x5C80];
	v8 =	vadd.f32 v48, v8  }
0x2c9: {  	v54 =	vld [tilespmem:s25+$0x4C80];
	v9 =	vadd.f32 v49, v9  }
0x2ca: {  	s29 =	sor.u32 $0xB80, s26;
	v55 =	vld [tilespmem:s25+$0x6C80];
	v8 =	vadd.f32 v50, v8  }
0x2cb: {  	v56 =	vld [tilespmem:s29+$0x3180];
	v9 =	vadd.f32 v51, v9  }
0x2cc: {  	v57 =	vld [tilespmem:s29+$0x5180];
	v8 =	vadd.f32 v52, v8  }
0x2cd: {  	v58 =	vld [tilespmem:s29+$0x4180];
	v9 =	vadd.f32 v53, v9  }
0x2ce: {  	v59 =	vld [tilespmem:s29+$0x6180];
	v8 =	vadd.f32 v54, v8  }
0x2cf: {  	v5 =	vadd.f32 v5, v6;
	v60 =	vadd.f32 v55, v9  }
0x2d0: {  	v3 =	vadd.f32 v3, v7;
	v61 =	vadd.f32 v56, v8  }
0x2d1: {  	s24 =	sadd.s32 $0x10, s24;
	v4 =	vadd.f32 v4, v5;
	v62 =	vadd.f32 v57, v60  }
0x2d2: {  	s22 =	sand.u32 $0xF0, s22;
	[tilespmem:s24+$0x0] =	vst v3;
	v3 =	vadd.f32 v58, v61  }
0x2d3: {  	s30 =	sadd.s32 $0x10, s24;
	[tilespmem:s22+$0x7280] =	vst v4;
	v63 =	vadd.f32 v59, v62  }
0x2d4: {  	s21 =	sadd.s32 $0x1, s21;
	s31 =	sand.u32 $0xF0, s23;
	[tilespmem:s30+$0x0] =	vst v3  }
0x2d5: {  	p1 =	sne.s32 s21, s12;
	[tilespmem:s31+$0x7280] =	vst v63  }
0x2d6: {  	[hbm4b:s11+s17] =	stream.strided.scatter [tilespmem:s19], [sflag:$0x2], $0x200, s18, s17, $0x38;
	[tilespmem:$0x7380] =	vst v63  }
.Ltmp8:
0x2d7: {  	_ = 	snop;
	(pc) =	sbr.rel @p1 .LBB2_1-.Ltmp8, $4  }
.Ltmp9:
0x2d8: {  	_ = 	snop;
	(pc) =	sbr.rel @!p1 .LBB2_15-.Ltmp9, $4  }
0x2d9: {  	_ =	swait.ge [sflag:s20], $0x200  }
0x2da: {  	[sflag:s20] =	ssyncset.done $0x0  }
0x2db: {  	[sflag:s20] =	ssyncadd.s32 $0xFFFFFE00  }
0x2dc: {  	_ = 	snop  }
.LBB2_7:
.Ltmp10:
0x2dd: {  	(pc) =	sbr.rel .LBB2_11-.Ltmp10, $2  }
0x2de: {  	_ =	sdelay $0x2  }
0x2df: {  	s22 =	simm.s32 $0x2FC0  }
.LBB2_9:
.Ltmp11:
0x2e0: {  	(pc) =	sbr.rel .LBB2_11-.Ltmp11, $2  }
0x2e1: {  	_ =	sdelay $0x2  }
0x2e2: {  	s22 =	simm.s32 $0x2FC0  }
.LBB2_15:
0x2e3: {  	_ =	sfence.sel $0x180000  }
0x2e4: {  	[bflag:$0x0] =	sbarrier.arrive $0xFFFF  }
0x2e5: {  	p0 =	sne.s32 s0, $0x0;
	_ =	strace $0x90000047  }
0x2e6: {  	s0 =	sadd.s32 @!p0 $0x100000, s1;
	[bflag:$0x2] =	sbarrier.arrive $0xFFFF  }
0x2e7: {  	[sflag:s0] =	ssyncadd.tile.s32 @!p0 $0x1;
	_ =	shalt  }
.Lfunc_end2:
_tile_overlayer_lowered:
.L_overlay_start_2:
0x2e8: {  	(tag) =	ssettag $0x2  }
0x2e9: {  	s0 =	rddreg [dreg:$0x0];
	s2 =	stileid.u32  }
0x2ea: {  	s1 =	rddreg [dreg:$0x1];
	p0 =	sne.s32 s2, $0x0  }
0x2eb: {  	s3 =	rddreg [dreg:$0x2];
	[bflag:$0x3] =	sbarrier.arrive $0xFFFF;
	s2 =	simm.s32 @!p0 $0x1C02  }
0x2ec: {  	[timem:s3], [sflag:s2] =	dma.local @!p0 [hbm:s0], s1  }
0x2ed: {  	s0 =	simm.s32 @!p0 $0x2  }
0x2ee: {  	_ =	swait.ge @!p0 [sflag:s0], s1  }
0x2ef: {  	s1 =	ssub.s32 @!p0 $0x0, s1;
	[sflag:s0] =	ssyncset.done @!p0 $0x0  }
0x2f0: {  	[sflag:s0] =	ssyncadd.s32 @!p0 s1  }
0x2f1: {  	[bflag:$0x3] =	sbarrier.arrive $0xFFFF  }
0x2f2: {  	_ =	shalt  }

// kernel: kernel.7.cloned.1.call-start
scs
__scs_entry_jumppad:
0x0: {  	(pc) =	sbr.rel $0x88, $3  }
0x1: {  	(tag) =	ssettag $0x0;
	lr =	simm.s32 $0x1  }
0x2: {  	[smem:$0x3F9E] =	sst lr;
	_ =	strace $0xD0000000  }
0x3: {  	_ = 	snop  }
0x4: {  	_ = 	snop  }
0x5: {  	_ = 	snop  }
0x6: {  	_ = 	snop  }
0x7: {  	_ = 	snop  }
__scs_overlays_trampoline_lowered:
0x8: {  	[smem:$0x3FAD] =	sst s0  }
0x9: {  	[smem:$0x3FAE] =	sst s1  }
0xa: {  	[smem:$0x3FAF] =	sst s2  }
0xb: {  	[smem:$0x3FB0] =	sst s3  }
0xc: {  	[smem:$0x3FB1] =	sst s4  }
0xd: {  	[smem:$0x3FB2] =	sst s5  }
0xe: {  	[smem:$0x3FB3] =	sst s6  }
0xf: {  	[smem:$0x3FB4] =	sst s7  }
0x10: {  	[smem:$0x3FB5] =	sst s8  }
0x11: {  	[smem:$0x3FB6] =	sst s9;
	s0 =	simm.s32 @!p0 $0x0  }
0x12: {  	s1 =	sld [smem:$0x3F9C];
	s0 =	simm.s32 @p0 $0x1  }
0x13: {  	[smem:$0x3FB7] =	sst s0;
	s0 =	simm.s32 @!p1 $0x0  }
0x14: {  	s2 =	sld [smem:$0x3F9B];
	s0 =	simm.s32 @p1 $0x1  }
0x15: {  	[smem:$0x3FB8] =	sst s0;
	s0 =	simm.s32 @!p2 $0x0  }
0x16: {  	s3 =	sld [smem:$0x3FDB];
	s0 =	simm.s32 @p2 $0x1  }
0x17: {  	s4 =	simm.s32 $0x1BF5;
	[smem:$0x3FBA] =	sst s0  }
0x18: {  	s0 =	sld [smem:$0x3F9D];
	_ =	swait.ge [sflag:s4], $0x0  }
0x19: {  	s7 =	sld [smem:$0x3F9E]  }
0x1a: {  	s8 =	sadd.s32 $0xFFFFE003, lr  }
0x1b: {  	s9 =	sadd.s32 $0xFFFFFEF7, lr;
	s5 =	simm.s32 $0xFFFFFFFF;
	p2 =	slt.u32 s8, $0xFFFFF086  }
0x1c: {  	p1 =	slt.u32 s9, $0xF7A;
	s5 =	simm.s32 @!p2 $0x0  }
0x1d: {  	s5 =	simm.s32 @p1 $0x1;
	p0 =	seq.s32 s7, s2  }
0x1e: {  	s7 =	smul.u32 @!p0 $0xF7A, s2;
	p2 =	seq.s32 @!p0 s5, $0x0  }
0x1f: {  	s9 =	smul.u32 $0xF7A, s1;
	s8 =	simm.s32 @!p0 $0x1BF5;
	p2 =	por !p2, p0  }
0x20: {  	[sflag:s8] =	ssyncset.s32 @!p0 $0xFFFFF086;
	s6 =	sadd.s32 @!p0 s3, s7;
	s7 =	simm.s32 @!p0 $0x108  }
0x21: {  	s3 =	sadd.s32 s3, s9;
	s6 =	sadd.s32 @!p0 $0x88, s6;
	s7 =	simm.s32 @p2 $0x1082  }
0x22: {  	[simem:s7], [sflag:s8] =	dma.local @!p0 [hbm:s6], $0xF7A  }
0x23: {  	s9 =	sor.u32 $0xD0000000, s2;
	s6 =	simm.s32 $0x108;
	_ =	swait.ge @!p0 [sflag:s8], $0x0  }
0x24: {  	s3 =	sadd.s32 $0x88, s3;
	s6 =	simm.s32 @!p1 $0x1082;
	[sflag:s4] =	ssyncset.s32 $0xFFFFF086  }
0x25: {  	[simem:s6], [sflag:s4] =	dma.local [hbm:s3], $0xF7A  }
0x26: {  	[smem:$0x3F9E] =	sst s1;
	(tag) =	ssettag s2;
	_ =	strace s9  }
0x27: {  	s1 =	sld [smem:$0x3FAE]  }
0x28: {  	s2 =	sld [smem:$0x3FAF]  }
0x29: {  	s4 =	sld [smem:$0x3FB1]  }
0x2a: {  	p0 =	seq.s32 s5, $0x0;
	s5 =	sld [smem:$0x3FB2]  }
0x2b: {  	s6 =	sld [smem:$0x3FB3]  }
0x2c: {  	s7 =	sld [smem:$0x3FB4]  }
0x2d: {  	s3 =	simm.s32 $0x108;
	s8 =	sld [smem:$0x3FB5]  }
0x2e: {  	s3 =	simm.s32 @!p0 $0x1082;
	s9 =	sld [smem:$0x3FB6]  }
0x2f: {  	lr =	sadd.s32 s0, s3;
	s0 =	sld [smem:$0x3FAD]  }
0x30: {  	s3 =	sld [smem:$0x3FB0]  }
0x31: {  	[smem:$0x3FB9] =	sst s10  }
0x32: {  	s10 =	sld [smem:$0x3FB7];
	_ =	sdelay $0x3  }
0x33: {  	p0 =	seq.s32 s10, $0x1;
	s10 =	sld [smem:$0x3FB9];
	_ =	sdelay $0x3  }
0x34: {  	[smem:$0x3FB9] =	sst s10  }
0x35: {  	s10 =	sld [smem:$0x3FB8];
	_ =	sdelay $0x3  }
0x36: {  	p1 =	seq.s32 s10, $0x1;
	s10 =	sld [smem:$0x3FB9];
	_ =	sdelay $0x3  }
0x37: {  	[smem:$0x3FB9] =	sst s10  }
0x38: {  	s10 =	sld [smem:$0x3FBA]  }
0x39: {  	_ = 	snop;
	(pc) =	sbr.ind lr, $3  }
0x3a: {  	_ = 	snop  }
0x3b: {  	_ = 	snop  }
0x3c: {  	p2 =	seq.s32 s10, $0x1;
	s10 =	sld [smem:$0x3FB9]  }
0x3d: {  	_ =	shalt  }
0x3e: {  	_ =	shalt  }
0x3f: {  	_ =	shalt  }
0x40: {  	_ =	shalt  }
0x41: {  	_ =	shalt  }
0x42: {  	_ =	shalt  }
0x43: {  	_ =	shalt  }
0x44: {  	_ =	shalt  }
0x45: {  	_ =	shalt  }
0x46: {  	_ =	shalt  }
0x47: {  	_ =	shalt  }
0x48: {  	_ =	shalt  }
0x49: {  	_ =	shalt  }
0x4a: {  	_ =	shalt  }
0x4b: {  	_ =	shalt  }
0x4c: {  	_ =	shalt  }
0x4d: {  	_ =	shalt  }
0x4e: {  	_ =	shalt  }
0x4f: {  	_ =	shalt  }
0x50: {  	_ =	shalt  }
0x51: {  	_ =	shalt  }
0x52: {  	_ =	shalt  }
0x53: {  	_ =	shalt  }
0x54: {  	_ =	shalt  }
0x55: {  	_ =	shalt  }
0x56: {  	_ =	shalt  }
0x57: {  	_ =	shalt  }
0x58: {  	_ =	shalt  }
0x59: {  	_ =	shalt  }
0x5a: {  	_ =	shalt  }
0x5b: {  	_ =	shalt  }
0x5c: {  	_ =	shalt  }
0x5d: {  	_ =	shalt  }
0x5e: {  	_ =	shalt  }
0x5f: {  	_ =	shalt  }
0x60: {  	_ =	shalt  }
0x61: {  	_ =	shalt  }
0x62: {  	_ =	shalt  }
0x63: {  	_ =	shalt  }
0x64: {  	_ =	shalt  }
0x65: {  	_ =	shalt  }
0x66: {  	_ =	shalt  }
0x67: {  	_ =	shalt  }
0x68: {  	_ =	shalt  }
0x69: {  	_ =	shalt  }
0x6a: {  	_ =	shalt  }
0x6b: {  	_ =	shalt  }
0x6c: {  	_ =	shalt  }
0x6d: {  	_ =	shalt  }
0x6e: {  	_ =	shalt  }
0x6f: {  	_ =	shalt  }
0x70: {  	_ =	shalt  }
0x71: {  	_ =	shalt  }
0x72: {  	_ =	shalt  }
0x73: {  	_ =	shalt  }
0x74: {  	_ =	shalt  }
0x75: {  	_ =	shalt  }
0x76: {  	_ =	shalt  }
0x77: {  	_ =	shalt  }
0x78: {  	_ =	shalt  }
0x79: {  	_ =	shalt  }
0x7a: {  	_ =	shalt  }
0x7b: {  	_ =	shalt  }
0x7c: {  	_ =	shalt  }
0x7d: {  	_ =	shalt  }
0x7e: {  	_ =	shalt  }
0x7f: {  	_ =	shalt  }
0x80: {  	_ =	shalt  }
0x81: {  	_ =	shalt  }
0x82: {  	_ =	shalt  }
0x83: {  	_ =	shalt  }
0x84: {  	_ =	shalt  }
0x85: {  	_ =	shalt  }
0x86: {  	_ =	shalt  }
0x87: {  	_ =	shalt  }
.Lfunc_end0:
.L_simem_size_0:
called_computation.1_lowered:
.L_overlay_start_0:
0x88: {  	s2 =	sld [smem:$0x3FD9]  }
0x89: {  	s3 =	sld [smem:$0x3FFE];
	_ =	sdelay $0x1  }
0x8a: {  	s1 =	srdreg.scid  }
0x8b: {  	s0 =	sand.u32 $0x1, s1  }
0x8c: {  	s17 =	sshll.u32 s0, $0xA;
	s2 =	sadd.s32 s3, s2  }
0x8d: {  	s2 =	sadd.s32 s2, s17  }
0x8e: {  	[smem:$0x3FC5] =	sst s2  }
0x8f: {  	_ = 	snop  }
0x90: {  	s2 =	sld [smem:$0x3FC8]  }
0x91: {  	s18 =	sld [smem:$0x3FD0];
	(tm) =	ssettm $0x1  }
0x92: {  	s4 =	sld [smem:$0x3FFB];
	_ =	sdelay $0x3  }
0x93: {  	_ =	strace s4  }
0x94: {  	s4 =	sld [smem:$0x3FFC];
	_ =	sdelay $0x3  }
0x95: {  	_ =	strace s4  }
0x96: {  	s4 =	sld [smem:$0x3FFD];
	_ =	sdelay $0x3  }
0x97: {  	_ =	strace s4  }
0x98: {  	_ =	strace $0x8FFFFFFF  }
0x99: {  	s19 =	sld [smem:$0x3FDB];
	_ =	sdelay $0x1  }
0x9a: {  	s5 =	simm.s32 $_scs_section_size  }
0x9b: {  	s6 =	simm.s32 $_size__tile_overlayer_lowered;
	s7 =	simm.s32 $_tile_overlayer_lowered  }
0x9c: {  	s22 =	simm.s32 $0x1BFF;
	s21 =	sshll.u32 s7, $0x1;
	s4 =	sadd.s32 s5, s19  }
0x9d: {  	s8 =	simm.s32 $0x0;
	s20 =	sshll.u32 s6, $0x1;
	s6 =	sadd.s32 s21, s4  }
0x9e: {  	[timem:s8], [sflag:s22] =	dma.local [hbm:s6], s20  }
0x9f: {  	_ =	swait.ge [sflag:s22], s20  }
0xa0: {  	s5 =	ssub.s32 $0x0, s20;
	[sflag:s22] =	ssyncset.done $0x0  }
0xa1: {  	[sflag:s22] =	ssyncadd.s32 s5;
	_ =	sdelay $0x1  }
0xa2: {  	s23 =	simm.s32 $0x1B8B  }
0xa3: {  	_ =	swait.ge [sflag:s23], $0x1  }
0xa4: {  	[sflag:s23] =	ssyncset.done $0x0  }
0xa5: {  	s25 =	simm.s32 $0x1B8E;
	s24 =	sld [smem:$0x3FFE];
	[sflag:s23] =	ssyncadd.s32 $0xFFFFFFFF  }
0xa6: {  	s26 =	simm.s32 $execute0_lowered;
	[smem:$0x3FD2] =	sst s25  }
0xa7: {  	s6 =	sshll.u32 s26, $0x1;
	_ =	strace $0x80000049;
	[dreg:$0x1] =	wrdreg $0xFFFFFFFF  }
0xa8: {  	s28 =	simm.s32 $_size_execute0_lowered;
	s4 =	sadd.s32 s4, s6;
	[dreg:$0x0] =	wrdreg $0x0  }
0xa9: {  	s6 =	sshll.u32 s28, $0x1;
	[dreg:$0x2] =	wrdreg s4  }
0xaa: {  	[dreg:$0x3] =	wrdreg s6  }
0xab: {  	[dreg:$0x4] =	wrdreg $0xC0  }
0xac: {  	_ =	task [dreg:s8], $0x5FFFF  }
0xad: {  	[dreg:$0x1] =	wrdreg $0xFFFFFFFF  }
0xae: {  	[dreg:$0x0] =	wrdreg $0x60  }
0xaf: {  	[dreg:$0x2] =	wrdreg s18  }
0xb0: {  	[dreg:$0x3] =	wrdreg s2  }
0xb1: {  	[dreg:$0x4] =	wrdreg s24  }
0xb2: {  	[dreg:$0x5] =	wrdreg $0x9  }
0xb3: {  	_ =	task.clear_ibuf [dreg:s8], $0x6FFFF;
	_ =	strace $0x90000049  }
0xb4: {  	s29 =	simm.s32 $0x9;
	_ =	strace $0x8000004B  }
0xb5: {  	_ =	swait.ge [sflag:s29], $0x1  }
0xb6: {  	[sflag:s29] =	ssyncadd.s32 $0xFFFFFFFF  }
0xb7: {  	_ =	strace $0x9000004B  }
0xb8: {  	_ =	sfence  }
0xb9: {  	s30 =	sld [smem:$0x0];
	_ =	sdelay $0x2  }
0xba: {  	s31 =	sshll.u32 s1, $0xD;
	s1 =	sshrl.u32 s1, $0x2  }
0xbb: {  	s3 =	sand.u32 $0x4000, s31;
	s1 =	sadd.s32 s1, s30  }
0xbc: {  	s0 =	sor.u32 s3, s0;
	s1 =	sshll.u32 s1, $0x11  }
0xbd: {  	s0 =	sor.u32 s1, s0  }
0xbe: {  	s0 =	sadd.s32 $0x8F2B, s0  }
0xbf: {  	[sflag:s0] =	ssyncadd.remote.s32 $0x1  }
0xc0: {  	_ =	sfence.sel $0xFFFF  }
0xc1: {  	[dreg:$0x0] =	wrdreg $0xFFFFFFFF;
	(pc) =	sbr.abs _section_cstart, $3  }
0xc2: {  	[dreg:$0x1] =	wrdreg $0xFFFFFFFF  }
0xc3: {  	_ =	task.clear_ibuf [dreg:s8], $0x2FFFF;
	_ =	strace $0x9FFFFFFF  }
0xc4: {  	(tm) =	ssettm $0x7FFFFFFF  }
0xc5: {  	_ =	shalt  }
tec
execute0_lowered:
.L_overlay_start_1:
0x0: {  	(tag) =	ssettag $0x1  }
0x1: {  	s0 =	rddreg [dreg:$0x0]  }
0x2: {  	s1 =	rddreg [dreg:$0x1]  }
0x3: {  	s3 =	rddreg [dreg:$0x2];
	s2 =	simm.s32 $0x0  }
0x4: {  	s4 =	srdreg.scid;
	s5 =	stileid.u32;
	s11 =	simm.s32 $0xAC  }
0x5: {  	s23 =	simm.s32 $0x1;
	s24 =	simm.s32 $0x9680;
	s25 =	simm.s32 $0x0  }
0x6: {  	[smem:$0x7FF] =	sst s2;
	s4 =	sand.u32 $0x1, s4;
	s5 =	sshll.u32 s5, $0x1  }
0x7: {  	s6 =	sadd.s32 $0x1200, s3;
	s16 =	sadd.s32 $0x1400, s3;
	s9 =	sadd.s32 $0x2F78, s0  }
0x8: {  	s10 =	sadd.s32 $0x604C, s0;
	s12 =	sadd.s32 $0x9120, s0;
	s13 =	sadd.s32 $0x2F78, s1  }
0x9: {  	s18 =	sadd.s32 $0x744C, s3;
	s19 =	sadd.s32 $0xA520, s3;
	s5 =	sor.u32 s4, s5  }
0xa: {  	_ =	strace $0x8000004A;
	s31 =	ssub.s32 $0x2, s4;
	s7 =	smul.u32 $0xC40, s5  }
0xb: {  	[dreg:$0x4] =	wrdreg s6;
	s4 =	sadd.s32 $0x800, s3;
	s8 =	sshrl.u32 s31, $0x1  }
0xc: {  	p0 =	seq.s32 s5, $0x1F;
	s20 =	ssub.s32 s31, s8;
	s14 =	sshrl.u32 s7, $0x3  }
0xd: {  	s11 =	simm.s32 @!p0 $0xC4;
	s20 =	smax.u32 s20, $0x1;
	s5 =	sadd.s32 s0, s14  }
0xe: {  	s15 =	sadd.s32 $0x30D4, s14;
	s17 =	sadd.s32 $0x61A8, s14;
	s8 =	sadd.s32 s1, s14  }
0xf: {  	s14 =	sadd.s32 s16, s14;
	s6 =	sadd.s32 s0, s15;
	s7 =	sadd.s32 s0, s17  }
0x10: {  	s15 =	sadd.s32 s16, s15;
	s16 =	sadd.s32 s16, s17;
	s17 =	sadd.s32 $0x4378, s3  }
.LBB2_1:
0x11: {  	s0 =	simm.s32 $0x5680  }
0x12: {  	[tilespmem:s0], [sflag:$0x1] =	stream.linear.gather [hbm4b:s4+s2], $0x4000, $0x38;
	[tilespmem:$0x9800] =	vst v63  }
0x13: {  	s28 =	rddreg [dreg:$0x4];
	s1 =	simm.s32 $0x9780  }
0x14: {  	[tilespmem:s1], [sflag:$0x1] =	stream.linear.gather [hbm4b:s28+s2], $0x80, $0x38;
	[tilespmem:$0x9800] =	vst v63  }
0x15: {  	s0 =	simm.s32 @p0 $0x0  }
0x16: {  	[tilespmem:s0], [sflag:$0x1] =	stream.linear.gather @p0 [hbm4b:s9+s0], $0xAE0, $0x38;
	[tilespmem:$0x9800] =	vst v63  }
0x17: {  	s1 =	simm.s32 @p0 $0xC40  }
0x18: {  	[tilespmem:s1], [sflag:$0x1] =	stream.linear.gather @p0 [hbm4b:s10+s0], $0xAE0, $0x38;
	[tilespmem:$0x9800] =	vst v63  }
0x19: {  	s1 =	simm.s32 @p0 $0x1880  }
0x1a: {  	[tilespmem:s1], [sflag:$0x1] =	stream.linear.gather @p0 [hbm4b:s12+s0], $0xAE0, $0x38;
	[tilespmem:$0x9800] =	vst v63  }
0x1b: {  	s1 =	simm.s32 @p0 $0x4A00  }
0x1c: {  	[tilespmem:s1], [sflag:$0x1] =	stream.linear.gather @p0 [hbm4b:s13+s0], $0xAE0, $0x38;
	[tilespmem:$0x9800] =	vst v63  }
0x1d: {  	s0 =	simm.s32 @p0 $0x1  }
0x1e: {  	_ =	swait.ge @p0 [sflag:s0], $0xAE0  }
0x1f: {  	[sflag:s0] =	ssyncset.done @p0 $0x0  }
0x20: {  	[sflag:s0] =	ssyncadd.s32 @p0 $0xFFFFF520  }
0x21: {  	_ =	swait.ge @p0 [sflag:s0], $0xAE0  }
0x22: {  	[sflag:s0] =	ssyncset.done @p0 $0x0  }
0x23: {  	[sflag:s0] =	ssyncadd.s32 @p0 $0xFFFFF520  }
0x24: {  	_ =	swait.ge @p0 [sflag:s0], $0xAE0  }
0x25: {  	[sflag:s0] =	ssyncset.done @p0 $0x0  }
0x26: {  	[sflag:s0] =	ssyncadd.s32 @p0 $0xFFFFF520  }
0x27: {  	_ =	swait.ge @p0 [sflag:s0], $0xAE0  }
0x28: {  	[sflag:s0] =	ssyncset.done @p0 $0x0  }
0x29: {  	[sflag:s0] =	ssyncadd.s32 @p0 $0xFFFFF520;
	s0 =	simm.s32 @!p0 $0x0  }
0x2a: {  	[tilespmem:s0], [sflag:$0x1] =	stream.linear.gather @!p0 [hbm4b:s5+s0], $0xC40, $0x38;
	[tilespmem:$0x9800] =	vst v63  }
0x2b: {  	s1 =	simm.s32 @!p0 $0xC40  }
0x2c: {  	[tilespmem:s1], [sflag:$0x1] =	stream.linear.gather @!p0 [hbm4b:s6+s0], $0xC40, $0x38;
	[tilespmem:$0x9800] =	vst v63  }
0x2d: {  	s1 =	simm.s32 @!p0 $0x1880  }
0x2e: {  	[tilespmem:s1], [sflag:$0x1] =	stream.linear.gather @!p0 [hbm4b:s7+s0], $0xC40, $0x38;
	[tilespmem:$0x9800] =	vst v63  }
0x2f: {  	s1 =	simm.s32 @!p0 $0x4A00  }
0x30: {  	[tilespmem:s1], [sflag:$0x1] =	stream.linear.gather @!p0 [hbm4b:s8+s0], $0xC40, $0x38;
	[tilespmem:$0x9800] =	vst v63  }
0x31: {  	s0 =	simm.s32 @!p0 $0x1  }
0x32: {  	_ =	swait.ge @!p0 [sflag:s0], $0xC40  }
0x33: {  	[sflag:s0] =	ssyncset.done @!p0 $0x0  }
0x34: {  	[sflag:s0] =	ssyncadd.s32 @!p0 $0xFFFFF3C0  }
0x35: {  	_ =	swait.ge @!p0 [sflag:s0], $0xC40  }
0x36: {  	[sflag:s0] =	ssyncset.done @!p0 $0x0  }
0x37: {  	[sflag:s0] =	ssyncadd.s32 @!p0 $0xFFFFF3C0  }
0x38: {  	_ =	swait.ge @!p0 [sflag:s0], $0xC40  }
0x39: {  	[sflag:s0] =	ssyncset.done @!p0 $0x0  }
0x3a: {  	[sflag:s0] =	ssyncadd.s32 @!p0 $0xFFFFF3C0  }
0x3b: {  	_ =	swait.ge @!p0 [sflag:s0], $0xC40  }
0x3c: {  	[sflag:s0] =	ssyncset.done @!p0 $0x0  }
0x3d: {  	[sflag:s0] =	ssyncadd.s32 @!p0 $0xFFFFF3C0  }
0x3e: {  	_ =	swait.ge [sflag:s23], $0x4000  }
0x3f: {  	p3 =	por $0x0, $0x0;
	[sflag:s23] =	ssyncset.done $0x0  }
.Ltmp0:
0x40: {  	[sflag:s23] =	ssyncadd.s32 $0xFFFFC000;
	(pc) =	sbr.rel @p3 .LBB2_2-.Ltmp0, $4  }
0x41: {  	_ =	swait.ge [sflag:s23], $0x80  }
0x42: {  	s30 =	sand.u32 $0x70, s2;
	[sflag:s23] =	ssyncset.done $0x0  }
0x43: {  	s31 =	sand.u32 $0x400, s2;
	s26 =	simm.s32 $0x10;
	[sflag:s23] =	ssyncadd.s32 $0xFFFFFF80  }
0x44: {  	p1 =	por $0x0, $0x0;
	p2 =	por $0x0, $0x0;
	s29 =	sor.u32 s30, s31;
	v0 =	vld [tilespmem:$0x9780]  }
0x45: {  	v1 =	vld [tilespmem:s29+$0x5E80]  }
0x46: {  	v2 =	vld [tilespmem:s29+$0x5F00];
	_ =	sdelay $0x1  }
0x47: {  	v3 =	vld [tilespmem:s29+$0x5F80];
	_ =	sdelay $0x1  }
0x48: {  	v4 =	vld [tilespmem:s29+$0x6000]  }
0x49: {  	v1 =	vadd.f32 v2, v1  }
0x4a: {  	v2 =	vld [tilespmem:s29+$0x6080]  }
0x4b: {  	v5 =	vld [tilespmem:s29+$0x5680];
	v1 =	vadd.f32 v3, v1  }
0x4c: {  	v3 =	vld [tilespmem:s29+$0x6100]  }
0x4d: {  	v6 =	vld [tilespmem:s29+$0x5700];
	v1 =	vadd.f32 v4, v1  }
0x4e: {  	v4 =	vld [tilespmem:s29+$0x6180]  }
0x4f: {  	v7 =	vld [tilespmem:s29+$0x5780];
	v1 =	vadd.f32 v2, v1  }
0x50: {  	v2 =	vld [tilespmem:s29+$0x6200]  }
0x51: {  	v8 =	vld [tilespmem:s29+$0x5800];
	v1 =	vadd.f32 v3, v1  }
0x52: {  	v3 =	vld [tilespmem:s29+$0x6E80]  }
0x53: {  	v1 =	vadd.f32 v4, v1;
	v4 =	vadd.f32 v6, v5;
	v5 =	vld [tilespmem:s29+$0x6F00]  }
0x54: {  	v6 =	vld [tilespmem:s29+$0x5880]  }
0x55: {  	v1 =	vadd.f32 v2, v1;
	v2 =	vadd.f32 v7, v4;
	v4 =	vld [tilespmem:s29+$0x6F80]  }
0x56: {  	v7 =	vld [tilespmem:s29+$0x5900]  }
0x57: {  	v1 =	vadd.f32 v3, v1;
	v2 =	vadd.f32 v8, v2;
	v3 =	vld [tilespmem:s29+$0x7000]  }
0x58: {  	v8 =	vld [tilespmem:s29+$0x5980]  }
0x59: {  	v1 =	vadd.f32 v5, v1;
	v2 =	vadd.f32 v6, v2;
	v5 =	vld [tilespmem:s29+$0x7080]  }
0x5a: {  	v6 =	vld [tilespmem:s29+$0x5A00]  }
0x5b: {  	v1 =	vadd.f32 v4, v1;
	v2 =	vadd.f32 v7, v2;
	v4 =	vld [tilespmem:s29+$0x7100]  }
0x5c: {  	v7 =	vld [tilespmem:s29+$0x6680]  }
0x5d: {  	v1 =	vadd.f32 v3, v1;
	v2 =	vadd.f32 v8, v2;
	v3 =	vld [tilespmem:s29+$0x7180]  }
0x5e: {  	v8 =	vld [tilespmem:s29+$0x6700]  }
0x5f: {  	v1 =	vadd.f32 v5, v1;
	v2 =	vadd.f32 v6, v2;
	v5 =	vld [tilespmem:s29+$0x7200]  }
0x60: {  	v6 =	vld [tilespmem:s29+$0x6780]  }
0x61: {  	v1 =	vadd.f32 v4, v1;
	v2 =	vadd.f32 v7, v2;
	v4 =	vld [tilespmem:s29+$0x7E80]  }
0x62: {  	v7 =	vld [tilespmem:s29+$0x6800]  }
0x63: {  	v1 =	vadd.f32 v3, v1;
	v2 =	vadd.f32 v8, v2;
	v3 =	vld [tilespmem:s29+$0x7F00]  }
0x64: {  	v8 =	vld [tilespmem:s29+$0x6880]  }
0x65: {  	v1 =	vadd.f32 v5, v1;
	v2 =	vadd.f32 v6, v2;
	v5 =	vld [tilespmem:s29+$0x7F80]  }
0x66: {  	v6 =	vld [tilespmem:s29+$0x6900]  }
0x67: {  	v1 =	vadd.f32 v4, v1;
	v2 =	vadd.f32 v7, v2;
	v4 =	vld [tilespmem:s29+$0x8000]  }
0x68: {  	v7 =	vld [tilespmem:s29+$0x6980]  }
0x69: {  	v1 =	vadd.f32 v3, v1;
	v2 =	vadd.f32 v8, v2;
	v3 =	vld [tilespmem:s29+$0x8080]  }
0x6a: {  	v8 =	vld [tilespmem:s29+$0x6A00]  }
0x6b: {  	v1 =	vadd.f32 v5, v1;
	v2 =	vadd.f32 v6, v2;
	v5 =	vld [tilespmem:s29+$0x8100]  }
0x6c: {  	v6 =	vld [tilespmem:s29+$0x7680]  }
0x6d: {  	v1 =	vadd.f32 v4, v1;
	v2 =	vadd.f32 v7, v2;
	v4 =	vld [tilespmem:s29+$0x8180]  }
0x6e: {  	v7 =	vld [tilespmem:s29+$0x7700]  }
0x6f: {  	v1 =	vadd.f32 v3, v1;
	v2 =	vadd.f32 v8, v2;
	v3 =	vld [tilespmem:s29+$0x8200]  }
0x70: {  	v8 =	vld [tilespmem:s29+$0x7780]  }
0x71: {  	v1 =	vadd.f32 v5, v1;
	v2 =	vadd.f32 v6, v2;
	v5 =	vld [tilespmem:s29+$0x8E80]  }
0x72: {  	v6 =	vld [tilespmem:s29+$0x7800]  }
0x73: {  	v1 =	vadd.f32 v4, v1;
	v2 =	vadd.f32 v7, v2;
	v4 =	vld [tilespmem:s29+$0x8F00]  }
0x74: {  	v7 =	vld [tilespmem:s29+$0x7880]  }
0x75: {  	v1 =	vadd.f32 v3, v1;
	v2 =	vadd.f32 v8, v2;
	v3 =	vld [tilespmem:s29+$0x8F80]  }
0x76: {  	v8 =	vld [tilespmem:s29+$0x7900]  }
0x77: {  	v1 =	vadd.f32 v5, v1;
	v2 =	vadd.f32 v6, v2;
	v5 =	vld [tilespmem:s29+$0x9000]  }
0x78: {  	v6 =	vld [tilespmem:s29+$0x7980]  }
0x79: {  	v1 =	vadd.f32 v4, v1;
	v2 =	vadd.f32 v7, v2;
	v4 =	vld [tilespmem:s29+$0x9080]  }
0x7a: {  	v7 =	vld [tilespmem:s29+$0x7A00]  }
0x7b: {  	v9 =	vld [tilespmem:s29+$0x8680];
	v1 =	vadd.f32 v3, v1;
	v2 =	vadd.f32 v8, v2  }
0x7c: {  	p3 =	por $0x0, $0x0;
	v8 =	vld [tilespmem:s29+$0x9100]  }
.Ltmp1:
0x7d: {  	v3 =	vadd.f32 v5, v1;
	v5 =	vadd.f32 v6, v2;
	v2 =	vld [tilespmem:s29+$0x9180];
	(pc) =	sbr.rel @p3 .LBB2_4-.Ltmp1, $4  }
0x7e: {  	v1 =	vld [tilespmem:s29+$0x8700]  }
0x7f: {  	s0 =	simm.s32 $0x80;
	v6 =	vadd.f32 v4, v3;
	v5 =	vadd.f32 v7, v5;
	v3 =	vld [tilespmem:s29+$0x9200]  }
0x80: {  	s1 =	sand.u32 $0x70, s26;
	s0 =	sand.u32 $0x400, s0;
	v4 =	vld [tilespmem:s29+$0x8780]  }
0x81: {  	s26 =	simm.s32 $0x20;
	p1 =	por $0x1, $0x1;
	s28 =	sor.u32 s1, s0;
	v6 =	vadd.f32 v8, v6;
	v7 =	vadd.f32 v9, v5;
	v5 =	vld [tilespmem:s29+$0x8800]  }
0x82: {  	v8 =	vld [tilespmem:s28+$0x5E80]  }
0x83: {  	v9 =	vld [tilespmem:s28+$0x5F00];
	_ =	sdelay $0x1  }
0x84: {  	v11 =	vld [tilespmem:s28+$0x5F80]  }
0x85: {  	v10 =	vld [tilespmem:s29+$0x8880]  }
0x86: {  	v13 =	vld [tilespmem:s28+$0x6000]  }
0x87: {  	v12 =	vld [tilespmem:s29+$0x8900];
	v8 =	vadd.f32 v9, v8  }
0x88: {  	v39 =	vld [tilespmem:s28+$0x6080]  }
0x89: {  	v14 =	vld [tilespmem:s29+$0x8980];
	v8 =	vadd.f32 v11, v8  }
0x8a: {  	v40 =	vld [tilespmem:s28+$0x6100]  }
0x8b: {  	v16 =	vld [tilespmem:s28+$0x5680];
	v8 =	vadd.f32 v13, v8  }
0x8c: {  	v41 =	vld [tilespmem:s28+$0x6180]  }
0x8d: {  	v17 =	vld [tilespmem:s28+$0x5700];
	v8 =	vadd.f32 v39, v8  }
0x8e: {  	v42 =	vld [tilespmem:s28+$0x6200]  }
0x8f: {  	v18 =	vld [tilespmem:s28+$0x5780];
	v8 =	vadd.f32 v40, v8  }
0x90: {  	v43 =	vld [tilespmem:s28+$0x6E80]  }
0x91: {  	v19 =	vld [tilespmem:s28+$0x5800];
	v8 =	vadd.f32 v41, v8  }
0x92: {  	v45 =	vld [tilespmem:s28+$0x6F00];
	v44 =	vadd.f32 v17, v16  }
0x93: {  	v46 =	vld [tilespmem:s28+$0x5880];
	v8 =	vadd.f32 v42, v8  }
0x94: {  	v48 =	vld [tilespmem:s28+$0x6F80];
	v47 =	vadd.f32 v18, v44  }
0x95: {  	v49 =	vld [tilespmem:s28+$0x5900];
	v8 =	vadd.f32 v43, v8  }
0x96: {  	v50 =	vld [tilespmem:s28+$0x7000];
	v9 =	vadd.f32 v19, v47  }
0x97: {  	v51 =	vld [tilespmem:s28+$0x5980];
	v8 =	vadd.f32 v45, v8  }
0x98: {  	v52 =	vld [tilespmem:s28+$0x7080];
	v9 =	vadd.f32 v46, v9  }
0x99: {  	v53 =	vld [tilespmem:s28+$0x5A00];
	v8 =	vadd.f32 v48, v8  }
0x9a: {  	v54 =	vld [tilespmem:s28+$0x7100];
	v9 =	vadd.f32 v49, v9  }
0x9b: {  	v55 =	vld [tilespmem:s28+$0x6680];
	v8 =	vadd.f32 v50, v8  }
0x9c: {  	v56 =	vld [tilespmem:s28+$0x7180];
	v9 =	vadd.f32 v51, v9  }
0x9d: {  	v57 =	vld [tilespmem:s28+$0x6700];
	v8 =	vadd.f32 v52, v8  }
0x9e: {  	v58 =	vld [tilespmem:s28+$0x7200];
	v9 =	vadd.f32 v53, v9  }
0x9f: {  	v2 =	vadd.f32 v2, v6;
	v6 =	vld [tilespmem:s28+$0x6780];
	v8 =	vadd.f32 v54, v8  }
0xa0: {  	v59 =	vld [tilespmem:s28+$0x7E80];
	v1 =	vadd.f32 v1, v7;
	v9 =	vadd.f32 v55, v9  }
0xa1: {  	v2 =	vadd.f32 v3, v2;
	v3 =	vld [tilespmem:s28+$0x6800];
	v7 =	vadd.f32 v56, v8  }
0xa2: {  	v60 =	vld [tilespmem:s28+$0x7F00];
	v8 =	vadd.f32 v57, v9  }
0xa3: {  	v1 =	vadd.f32 v4, v1;
	v4 =	vld [tilespmem:s28+$0x6880];
	v7 =	vadd.f32 v58, v7  }
0xa4: {  	v2 =	vmax.f32 v2, $1.000000000e+00;
	v6 =	vadd.f32 v6, v8;
	v8 =	vld [tilespmem:s28+$0x7F80]  }
0xa5: {  	v1 =	vadd.f32 v5, v1;
	(erf) = vrcp.f32 v2;
	v2 =	vld [tilespmem:s28+$0x6900];
	v5 =	vadd.f32 v59, v7  }
0xa6: {  	v3 =	vadd.f32 v3, v6;
	v6 =	vld [tilespmem:s28+$0x8000]  }
0xa7: {  	v15 =	vld [tilespmem:s29+$0x8A00];
	v5 =	vadd.f32 v60, v5  }
0xa8: {  	v1 =	vadd.f32 v10, v1;
	v7 =	vld [tilespmem:s28+$0x6980]  }
0xa9: {  	v3 =	vadd.f32 v4, v3;
	v4 =	vld [tilespmem:s28+$0x8080];
	v5 =	vadd.f32 v8, v5  }
0xaa: {  	v61 =	vld [tilespmem:s28+$0x6A00];
	v1 =	vadd.f32 v12, v1  }
0xab: {  	v2 =	vadd.f32 v2, v3;
	v3 =	vld [tilespmem:s28+$0x8100];
	v5 =	vadd.f32 v6, v5  }
0xac: {  	v1 =	vadd.f32 v14, v1;
	v8 =	vld [tilespmem:s28+$0x7680]  }
0xad: {  	v2 =	vadd.f32 v7, v2;
	v6 =	vld [tilespmem:s28+$0x8180]  }
0xae: {  	v1 =	vadd.f32 v15, v1;
	v7 =	vld [tilespmem:s28+$0x7700];
	v4 =	vadd.f32 v4, v5  }
0xaf: {  	v62 =	vld [tilespmem:s28+$0x8200];
	v2 =	vadd.f32 v61, v2;
	v5 =	vpop (erf)  }
0xb0: {  	v3 =	vadd.f32 v3, v4;
	v1 =	vmul.f32 v5, v1;
	v5 =	vld [tilespmem:s28+$0x7780]  }
0xb1: {  	v2 =	vadd.f32 v8, v2;
	v4 =	vld [tilespmem:s28+$0x8E80]  }
0xb2: {  	v8 =	vld [tilespmem:s28+$0x7800];
	v3 =	vadd.f32 v6, v3;
	v1 =	vadd.f32 $9.999999740e-06, v1  }
0xb3: {  	v2 =	vadd.f32 v7, v2;
	v6 =	vld [tilespmem:s28+$0x8F00]  }
0xb4: {  	v7 =	vld [tilespmem:s28+$0x7880];
	(erf) = vrcp.f32 v1;
	v1 =	vadd.f32 v62, v3  }
0xb5: {  	v3 =	vld [tilespmem:s28+$0x8F80];
	v2 =	vadd.f32 v5, v2  }
0xb6: {  	v5 =	vld [tilespmem:s28+$0x7900];
	v1 =	vadd.f32 v4, v1  }
0xb7: {  	v4 =	vld [tilespmem:s28+$0x9000];
	v2 =	vadd.f32 v8, v2  }
0xb8: {  	v8 =	vld [tilespmem:s28+$0x7980];
	v1 =	vadd.f32 v6, v1  }
0xb9: {  	v6 =	vld [tilespmem:s28+$0x9080];
	v2 =	vadd.f32 v7, v2  }
0xba: {  	v7 =	vld [tilespmem:s28+$0x7A00];
	v1 =	vadd.f32 v3, v1  }
0xbb: {  	v2 =	vadd.f32 v5, v2;
	v5 =	vld [tilespmem:s28+$0x9100]  }
0xbc: {  	v63 =	vld [tilespmem:s28+$0x8680];
	p3 =	por $0x0, $0x0;
	v3 =	vadd.f32 v4, v1  }
.Ltmp2:
0xbd: {  	v4 =	vadd.f32 v8, v2;
	v2 =	vld [tilespmem:s28+$0x9180];
	(pc) =	sbr.rel @p3 .LBB2_6-.Ltmp2, $4  }
0xbe: {  	v1 =	vld [tilespmem:s28+$0x8700];
	v8 =	vpop (erf);
	v6 =	vadd.f32 v6, v3  }
0xbf: {  	s29 =	simm.s32 $0x100;
	v8 =	vmul.f32 v8, v0;
	v3 =	vld [tilespmem:s28+$0x9200];
	v7 =	vadd.f32 v7, v4  }
0xc0: {  	s0 =	sand.u32 $0x70, s26;
	s30 =	simm.s32 $0x30;
	s1 =	sand.u32 $0x400, s29;
	v4 =	vld [tilespmem:s28+$0x8780];
	v6 =	vadd.f32 v5, v6  }
0xc1: {  	p2 =	por $0x1, $0x1;
	s26 =	simm.s32 $0x9680;
	s31 =	sor.u32 s0, s1;
	[tilespmem:s24+$0x0] =	vst v8;
	v5 =	vld [tilespmem:s28+$0x8800];
	v7 =	vadd.f32 v63, v7  }
.LBB2_7:
0xc2: {  	p3 =	seq.s32 s30, $0xF0;
	v8 =	vld [tilespmem:s31+$0x5E80];
	v2 =	vadd.f32 v2, v6  }
0xc3: {  	v6 =	vld [tilespmem:s31+$0x5F00];
	v1 =	vadd.f32 v1, v7  }
0xc4: {  	v7 =	vld [tilespmem:s28+$0x8880];
	v2 =	vadd.f32 v3, v2  }
0xc5: {  	v3 =	vld [tilespmem:s31+$0x5F80];
	v1 =	vadd.f32 v4, v1  }
0xc6: {  	v4 =	vld [tilespmem:s28+$0x8900];
	v2 =	vmax.f32 v2, $1.000000000e+00  }
0xc7: {  	v9 =	vld [tilespmem:s31+$0x6000];
	v1 =	vadd.f32 v5, v1;
	(erf) = vrcp.f32 v2  }
0xc8: {  	v2 =	vadd.f32 v6, v8;
	v5 =	vld [tilespmem:s28+$0x8980]  }
0xc9: {  	v6 =	vld [tilespmem:s31+$0x6080];
	v1 =	vadd.f32 v7, v1  }
0xca: {  	v2 =	vadd.f32 v3, v2;
	v3 =	vld [tilespmem:s28+$0x8A00];
	s28 =	smov.u32 s31  }
0xcb: {  	v7 =	vld [tilespmem:s28+$0x6100];
	v1 =	vadd.f32 v4, v1  }
0xcc: {  	v4 =	vld [tilespmem:s28+$0x5680];
	v2 =	vadd.f32 v9, v2  }
0xcd: {  	v8 =	vld [tilespmem:s28+$0x6180];
	v1 =	vadd.f32 v5, v1  }
0xce: {  	v5 =	vld [tilespmem:s28+$0x5700];
	v2 =	vadd.f32 v6, v2  }
0xcf: {  	v6 =	vld [tilespmem:s28+$0x6200];
	v1 =	vadd.f32 v3, v1  }
0xd0: {  	v3 =	vld [tilespmem:s28+$0x5780];
	v2 =	vadd.f32 v7, v2;
	v7 =	vpop (erf)  }
0xd1: {  	v9 =	vld [tilespmem:s28+$0x6E80];
	v1 =	vmul.f32 v7, v1  }
0xd2: {  	v7 =	vld [tilespmem:s28+$0x5800];
	v2 =	vadd.f32 v8, v2  }
0xd3: {  	v4 =	vadd.f32 v5, v4;
	v5 =	vld [tilespmem:s28+$0x6F00];
	v1 =	vadd.f32 $9.999999740e-06, v1  }
0xd4: {  	v8 =	vld [tilespmem:s28+$0x5880];
	v2 =	vadd.f32 v6, v2  }
0xd5: {  	v3 =	vadd.f32 v3, v4;
	v4 =	vld [tilespmem:s28+$0x6F80];
	(erf) = vrcp.f32 v1  }
0xd6: {  	v1 =	vld [tilespmem:s28+$0x5900];
	v2 =	vadd.f32 v9, v2  }
0xd7: {  	v3 =	vadd.f32 v7, v3;
	v6 =	vld [tilespmem:s28+$0x7000]  }
0xd8: {  	v7 =	vld [tilespmem:s28+$0x5980];
	v2 =	vadd.f32 v5, v2  }
0xd9: {  	v3 =	vadd.f32 v8, v3;
	v5 =	vld [tilespmem:s28+$0x7080]  }
0xda: {  	v8 =	vld [tilespmem:s28+$0x5A00];
	v2 =	vadd.f32 v4, v2  }
0xdb: {  	v1 =	vadd.f32 v1, v3;
	v3 =	vld [tilespmem:s28+$0x7100]  }
0xdc: {  	v4 =	vld [tilespmem:s28+$0x6680];
	v2 =	vadd.f32 v6, v2  }
0xdd: {  	v1 =	vadd.f32 v7, v1;
	v6 =	vld [tilespmem:s28+$0x7180]  }
0xde: {  	v7 =	vld [tilespmem:s28+$0x6700];
	v2 =	vadd.f32 v5, v2;
	v5 =	vpop (erf)  }
0xdf: {  	v1 =	vadd.f32 v8, v1;
	v8 =	vld [tilespmem:s28+$0x7200];
	v5 =	vmul.f32 v5, v0  }
0xe0: {  	s26 =	sadd.s32 $0x10, s26;
	v9 =	vld [tilespmem:s28+$0x6780];
	v2 =	vadd.f32 v3, v2  }
0xe1: {  	v1 =	vadd.f32 v4, v1;
	v3 =	vld [tilespmem:s28+$0x7E80];
	[tilespmem:s26+$0x0] =	vst v5  }
0xe2: {  	v4 =	vld [tilespmem:s28+$0x6800];
	v2 =	vadd.f32 v6, v2  }
0xe3: {  	v1 =	vadd.f32 v7, v1;
	v5 =	vld [tilespmem:s28+$0x7F00]  }
0xe4: {  	v6 =	vld [tilespmem:s28+$0x6880];
	v2 =	vadd.f32 v8, v2  }
0xe5: {  	v1 =	vadd.f32 v9, v1;
	v7 =	vld [tilespmem:s28+$0x7F80]  }
0xe6: {  	v8 =	vld [tilespmem:s28+$0x6900];
	v2 =	vadd.f32 v3, v2  }
0xe7: {  	v1 =	vadd.f32 v4, v1;
	v3 =	vld [tilespmem:s28+$0x8000]  }
0xe8: {  	v4 =	vld [tilespmem:s28+$0x6980];
	v2 =	vadd.f32 v5, v2  }
0xe9: {  	v1 =	vadd.f32 v6, v1;
	v5 =	vld [tilespmem:s28+$0x8080]  }
0xea: {  	v6 =	vld [tilespmem:s28+$0x6A00];
	v2 =	vadd.f32 v7, v2  }
0xeb: {  	v1 =	vadd.f32 v8, v1;
	v7 =	vld [tilespmem:s28+$0x8100]  }
0xec: {  	v8 =	vld [tilespmem:s28+$0x7680];
	v2 =	vadd.f32 v3, v2  }
0xed: {  	v1 =	vadd.f32 v4, v1;
	v3 =	vld [tilespmem:s28+$0x8180]  }
0xee: {  	v4 =	vld [tilespmem:s28+$0x7700];
	v2 =	vadd.f32 v5, v2  }
0xef: {  	v1 =	vadd.f32 v6, v1;
	v5 =	vld [tilespmem:s28+$0x8200]  }
0xf0: {  	v6 =	vld [tilespmem:s28+$0x7780];
	v2 =	vadd.f32 v7, v2  }
0xf1: {  	v1 =	vadd.f32 v8, v1;
	v7 =	vld [tilespmem:s28+$0x8E80]  }
0xf2: {  	v8 =	vld [tilespmem:s28+$0x7800];
	v2 =	vadd.f32 v3, v2  }
0xf3: {  	v1 =	vadd.f32 v4, v1;
	v3 =	vld [tilespmem:s28+$0x8F00]  }
0xf4: {  	v4 =	vld [tilespmem:s28+$0x7880];
	v2 =	vadd.f32 v5, v2  }
0xf5: {  	v1 =	vadd.f32 v6, v1;
	v5 =	vld [tilespmem:s28+$0x8F80]  }
0xf6: {  	v6 =	vld [tilespmem:s28+$0x7900];
	v2 =	vadd.f32 v7, v2  }
0xf7: {  	v1 =	vadd.f32 v8, v1;
	v7 =	vld [tilespmem:s28+$0x9000]  }
0xf8: {  	v8 =	vld [tilespmem:s28+$0x7980];
	v2 =	vadd.f32 v3, v2  }
0xf9: {  	v1 =	vadd.f32 v4, v1;
	v3 =	vld [tilespmem:s28+$0x9080]  }
0xfa: {  	v4 =	vld [tilespmem:s28+$0x7A00];
	v2 =	vadd.f32 v5, v2  }
0xfb: {  	v1 =	vadd.f32 v6, v1;
	v5 =	vld [tilespmem:s28+$0x9100]  }
0xfc: {  	v9 =	vld [tilespmem:s28+$0x8680];
	v6 =	vadd.f32 v7, v2  }
.Ltmp3:
0xfd: {  	v7 =	vadd.f32 v8, v1;
	v2 =	vld [tilespmem:s28+$0x9180];
	(pc) =	sbr.rel @!p3 .LBB2_7-.Ltmp3, $4  }
0xfe: {  	v1 =	vld [tilespmem:s28+$0x8700];
	v6 =	vadd.f32 v3, v6  }
0xff: {  	s29 =	sadd.s32 $0x80, s29;
	v7 =	vadd.f32 v4, v7;
	v3 =	vld [tilespmem:s28+$0x9200]  }
0x100: {  	s0 =	sand.u32 $0x70, s30;
	s1 =	sand.u32 $0x400, s29;
	v4 =	vld [tilespmem:s28+$0x8780];
	v6 =	vadd.f32 v5, v6  }
0x101: {  	s30 =	sadd.s32 $0x10, s30;
	s31 =	sor.u32 s0, s1;
	v7 =	vadd.f32 v9, v7;
	v5 =	vld [tilespmem:s28+$0x8800]  }
0x102: {  	s29 =	smov.u32 s28  }
.LBB2_9:
0x103: {  	v8 =	vld [tilespmem:s31+$0x5E80]  }
0x104: {  	v9 =	vld [tilespmem:s31+$0x5F00]  }
0x105: {  	v10 =	vld @p1 [tilespmem:s29+$0x8880]  }
0x106: {  	v11 =	vld [tilespmem:s31+$0x5F80]  }
0x107: {  	v12 =	vld @p1 [tilespmem:s29+$0x8900]  }
0x108: {  	v13 =	vld [tilespmem:s31+$0x6000]  }
0x109: {  	v14 =	vld [tilespmem:s31+$0x6080];
	v8 =	vadd.f32 v9, v8  }
0x10a: {  	v15 =	vld [tilespmem:s31+$0x6100]  }
0x10b: {  	v16 =	vld [tilespmem:s31+$0x5680];
	v8 =	vadd.f32 v11, v8  }
0x10c: {  	v17 =	vld [tilespmem:s31+$0x5700]  }
0x10d: {  	v18 =	vld [tilespmem:s31+$0x5780];
	v8 =	vadd.f32 v13, v8  }
0x10e: {  	v13 =	vld [tilespmem:s31+$0x6180]  }
0x10f: {  	v45 =	vld [tilespmem:s31+$0x6F00];
	v8 =	vadd.f32 v14, v8  }
0x110: {  	v14 =	vld [tilespmem:s31+$0x6200]  }
0x111: {  	v46 =	vld [tilespmem:s31+$0x6F80];
	v8 =	vadd.f32 v15, v8  }
0x112: {  	v15 =	vld [tilespmem:s31+$0x6E80]  }
0x113: {  	v8 =	vadd.f32 v13, v8;
	v13 =	vld [tilespmem:s31+$0x5800]  }
0x114: {  	v47 =	vld [tilespmem:s31+$0x7000];
	v16 =	vadd.f32 v17, v16  }
0x115: {  	v8 =	vadd.f32 v14, v8;
	v14 =	vld [tilespmem:s31+$0x5880]  }
0x116: {  	v48 =	vld [tilespmem:s31+$0x5980];
	v16 =	vadd.f32 v18, v16  }
0x117: {  	v8 =	vadd.f32 v15, v8;
	v15 =	vld [tilespmem:s31+$0x5900]  }
0x118: {  	v49 =	vld [tilespmem:s31+$0x5A00];
	v13 =	vadd.f32 v13, v16  }
0x119: {  	v50 =	vld [tilespmem:s31+$0x6680];
	v8 =	vadd.f32 v45, v8  }
0x11a: {  	v13 =	vadd.f32 v14, v13;
	v14 =	vld [tilespmem:s31+$0x7080]  }
0x11b: {  	v51 =	vld [tilespmem:s31+$0x7180];
	v8 =	vadd.f32 v46, v8  }
0x11c: {  	v13 =	vadd.f32 v15, v13;
	v15 =	vld [tilespmem:s31+$0x7100]  }
0x11d: {  	v52 =	vld [tilespmem:s31+$0x7200];
	v8 =	vadd.f32 v47, v8  }
0x11e: {  	v53 =	vld [tilespmem:s31+$0x7E80];
	v13 =	vadd.f32 v48, v13  }
0x11f: {  	v8 =	vadd.f32 v14, v8;
	v14 =	vld [tilespmem:s31+$0x6700]  }
0x120: {  	v54 =	vld [tilespmem:s31+$0x6800];
	v13 =	vadd.f32 v49, v13  }
0x121: {  	v8 =	vadd.f32 v15, v8;
	v15 =	vld [tilespmem:s31+$0x6780]  }
0x122: {  	v55 =	vld [tilespmem:s31+$0x6880];
	v13 =	vadd.f32 v50, v13  }
0x123: {  	v56 =	vld [tilespmem:s31+$0x6900];
	v8 =	vadd.f32 v51, v8  }
0x124: {  	v13 =	vadd.f32 v14, v13;
	v14 =	vld [tilespmem:s31+$0x7F00]  }
0x125: {  	v57 =	vld [tilespmem:s31+$0x8000];
	v8 =	vadd.f32 v52, v8  }
0x126: {  	v13 =	vadd.f32 v15, v13;
	v15 =	vld [tilespmem:s31+$0x7F80]  }
0x127: {  	v58 =	vld [tilespmem:s31+$0x8080];
	v8 =	vadd.f32 v53, v8  }
0x128: {  	v59 =	vld [tilespmem:s31+$0x8100];
	v13 =	vadd.f32 v54, v13  }
0x129: {  	v8 =	vadd.f32 v14, v8;
	v14 =	vld [tilespmem:s31+$0x6980]  }
0x12a: {  	v60 =	vld [tilespmem:s31+$0x7680];
	v13 =	vadd.f32 v55, v13  }
0x12b: {  	v8 =	vadd.f32 v15, v8;
	v15 =	vld [tilespmem:s31+$0x6A00]  }
0x12c: {  	v61 =	vld [tilespmem:s31+$0x7700];
	v13 =	vadd.f32 v56, v13  }
0x12d: {  	v62 =	vld [tilespmem:s31+$0x7780];
	v1 =	vadd.f32 @p1 v1, v7;
	v8 =	vadd.f32 v57, v8  }
0x12e: {  	v13 =	vadd.f32 v14, v13;
	v14 =	vld [tilespmem:s31+$0x8180]  }
0x12f: {  	v63 =	vld [tilespmem:s31+$0x8E80];
	v1 =	vadd.f32 @p1 v4, v1;
	v8 =	vadd.f32 v58, v8  }
0x130: {  	v13 =	vadd.f32 v15, v13;
	v15 =	vld [tilespmem:s31+$0x8200]  }
0x131: {  	v1 =	vadd.f32 @p1 v5, v1;
	v5 =	vld [tilespmem:s31+$0x9080];
	v8 =	vadd.f32 v59, v8  }
0x132: {  	v9 =	vld @p1 [tilespmem:s29+$0x8980];
	v13 =	vadd.f32 v60, v13  }
0x133: {  	v8 =	vadd.f32 v14, v8;
	v14 =	vld [tilespmem:s31+$0x7800]  }
0x134: {  	v2 =	vadd.f32 @p1 v2, v6;
	v6 =	vadd.f32 v61, v13;
	v13 =	vld [tilespmem:s31+$0x8F00]  }
0x135: {  	v7 =	vadd.f32 v15, v8;
	v8 =	vld [tilespmem:s31+$0x7880]  }
0x136: {  	v2 =	vadd.f32 @p1 v3, v2;
	v3 =	vadd.f32 v62, v6;
	v6 =	vld [tilespmem:s31+$0x8F80]  }
0x137: {  	v4 =	vadd.f32 v63, v7;
	v7 =	vld [tilespmem:s31+$0x7900]  }
0x138: {  	v2 =	vmax.f32 @p1 v2, $1.000000000e+00;
	v3 =	vadd.f32 v14, v3;
	v14 =	vld [tilespmem:s31+$0x9000]  }
0x139: {  	(erf) = vrcp.f32 @p1 v2;
	v2 =	vadd.f32 v13, v4;
	v4 =	vld [tilespmem:s31+$0x7980]  }
0x13a: {  	v11 =	vld @p1 [tilespmem:s29+$0x8A00];
	v3 =	vadd.f32 v8, v3  }
0x13b: {  	v1 =	vadd.f32 @p1 v10, v1;
	v2 =	vadd.f32 v6, v2;
	v6 =	vld [tilespmem:s31+$0x7A00]  }
0x13c: {  	v3 =	vadd.f32 v7, v3;
	v7 =	vld [tilespmem:s31+$0x9100]  }
0x13d: {  	v1 =	vadd.f32 @p1 v12, v1;
	v8 =	vld [tilespmem:s31+$0x8680];
	v2 =	vadd.f32 v14, v2  }
0x13e: {  	v3 =	vadd.f32 v4, v3;
	v4 =	vld [tilespmem:s31+$0x9180]  }
0x13f: {  	v1 =	vadd.f32 @p1 v9, v1;
	v2 =	vadd.f32 v5, v2;
	v5 =	vld [tilespmem:s31+$0x8700]  }
0x140: {  	v3 =	vadd.f32 v6, v3;
	v6 =	vld [tilespmem:s31+$0x9200]  }
0x141: {  	v9 =	vld [tilespmem:s31+$0x8780];
	v1 =	vadd.f32 @p1 v11, v1;
	v2 =	vadd.f32 v7, v2  }
0x142: {  	v7 =	vpop @p1 (erf);
	v3 =	vadd.f32 v8, v3  }
0x143: {  	v1 =	vmul.f32 @p1 v7, v1;
	v7 =	vld [tilespmem:s31+$0x8800];
	v2 =	vadd.f32 v4, v2  }
0x144: {  	v3 =	vadd.f32 v5, v3  }
0x145: {  	v4 =	vld [tilespmem:s31+$0x8880];
	v1 =	vadd.f32 @p1 $9.999999740e-06, v1;
	v2 =	vadd.f32 v6, v2  }
0x146: {  	v3 =	vadd.f32 v9, v3  }
0x147: {  	(erf) = vrcp.f32 @p1 v1;
	v1 =	vld [tilespmem:s31+$0x8900];
	v2 =	vmax.f32 v2, $1.000000000e+00  }
0x148: {  	v3 =	vadd.f32 v7, v3;
	(erf) = vrcp.f32 v2  }
0x149: {  	v2 =	vld [tilespmem:s31+$0x8980]  }
0x14a: {  	v3 =	vadd.f32 v4, v3  }
0x14b: {  	v4 =	vld [tilespmem:s31+$0x8A00]  }
0x14c: {  	v1 =	vadd.f32 v1, v3;
	_ =	sdelay $0x1  }
0x14d: {  	v1 =	vadd.f32 v2, v1;
	_ =	sdelay $0x1  }
0x14e: {  	v2 =	vpop @p1 (erf);
	v1 =	vadd.f32 v4, v1  }
0x14f: {  	v3 =	vpop (erf)  }
0x150: {  	v1 =	vmul.f32 v3, v1;
	_ =	sdelay $0x1  }
0x151: {  	v1 =	vadd.f32 $9.999999740e-06, v1;
	_ =	sdelay $0x1  }
0x152: {  	(erf) = vrcp.f32 v1;
	_ =	sdelay $0x7  }
0x153: {  	s0 =	sadd.s32 @p2 $0x10, s26;
	s1 =	simm.s32 $0x9680  }
0x154: {  	s1 =	smov.u32 @p2 s0;
	v1 =	vmul.f32 @p1 v2, v0;
	v2 =	vpop (erf)  }
0x155: {  	s3 =	simm.s32 $0x9680;
	s0 =	sadd.s32 @p1 $0x10, s1;
	v0 =	vmul.f32 v2, v0  }
0x156: {  	s3 =	smov.u32 @p1 s0;
	[tilespmem:s1+$0x0] =	vst @p1 v1  }
0x157: {  	s31 =	simm.s32 $0x4A20;
	[tilespmem:s3+$0x0] =	vst v0  }
0x158: {  	v0 =	vld [tilespmem:s31+$0x10];
	_ =	sdelay $0x1  }
0x159: {  	v1 =	vld [tilespmem:s31+$0xFFFFFFF0]  }
0x15a: {  	v2 =	vld [tilespmem:s31+$0xFFFFFFE0];
	_ =	sdelay $0x1  }
0x15b: {  	s21 =	simm.s32 $0xC60;
	v3 =	vld [tilespmem:s31+$0x0]  }
0x15c: {  	v4 =	vld [tilespmem:s21+$0xFFFFF3D0]  }
0x15d: {  	v6 =	vld [tilespmem:s21+$0xFFFFF3A0]  }
0x15e: {  	v5 =	vld.idx.msk [tilespmem:v0+s24+$0x0], $0xffff  }
0x15f: {  	v9 =	vld [tilespmem:s21+$0xFFFFF3B0]  }
0x160: {  	v0 =	vld.idx.msk [tilespmem:v1+s24+$0x0], $0xffff  }
0x161: {  	p2 =	sgt.u32 s11, $0x4;
	v1 =	vld.idx.msk [tilespmem:v2+s24+$0x0], $0xffff  }
.Ltmp4:
0x162: {  	_ = 	snop;
	(pc) =	sbr.rel @!p2 .LBB2_10-.Ltmp4, $4  }
0x163: {  	v4 =	vmul.f32 v4, v5  }
0x164: {  	s28 =	simm.s32 $0x3160;
	v7 =	vld [tilespmem:s21+$0xFFFFF3C0]  }
0x165: {  	v2 =	vld.idx.msk [tilespmem:v3+s24+$0x0], $0xffff;
	[tilespmem:s28+$0xFFFFF3D0] =	vst v4  }
0x166: {  	s26 =	simm.s32 $0x0;
	s0 =	simm.s32 $0x4A60;
	p1 =	por $0x0, $0x0;
	v14 =	vmul.f32 v6, v1;
	v13 =	vmul.f32 v9, v0;
	v8 =	vld [tilespmem:s21+$0x10]  }
0x167: {  	v3 =	vld [tilespmem:s0+$0x10]  }
0x168: {  	v6 =	vld [tilespmem:s0+$0xFFFFFFF0]  }
0x169: {  	v9 =	vld [tilespmem:s0+$0x0];
	s30 =	simm.s32 $0xCA0  }
0x16a: {  	[tilespmem:s28+$0xFFFFF3A0] =	vst v14;
	v14 =	vld [tilespmem:s30+$0xFFFFF3D0]  }
0x16b: {  	v15 =	vld [tilespmem:s30+$0xFFFFF3A0]  }
0x16c: {  	v4 =	vmul.f32 v8, v5;
	v8 =	vld [tilespmem:s0+$0xFFFFFFE0]  }
0x16d: {  	v16 =	vld [tilespmem:s30+$0xFFFFF3B0];
	v7 =	vmul.f32 v7, v2  }
0x16e: {  	[tilespmem:s28+$0xFFFFF3B0] =	vst v13;
	v10 =	vld [tilespmem:s21+$0xFFFFFFE0]  }
0x16f: {  	[tilespmem:s28+$0xFFFFF3C0] =	vst v7;
	v7 =	vld [tilespmem:s21+$0xFFFFFFF0]  }
0x170: {  	[tilespmem:s28+$0x10] =	vst v4;
	v4 =	vld.idx.msk [tilespmem:v3+s24+$0x0], $0xffff  }
0x171: {  	v13 =	vld [tilespmem:s21+$0x0]  }
0x172: {  	v12 =	vld [tilespmem:s21+$0xC50]  }
0x173: {  	v6 =	vld.idx.msk [tilespmem:v6+s24+$0x0], $0xffff  }
0x174: {  	v11 =	vld.idx.msk [tilespmem:v8+s24+$0x0], $0xffff;
	v8 =	vmul.f32 v10, v1  }
0x175: {  	p2 =	sgt.u32 s11, $0x8;
	v3 =	vld.idx.msk [tilespmem:v9+s24+$0x0], $0xffff;
	v9 =	vmul.f32 v14, v4  }
.Ltmp5:
0x176: {  	s29 =	simm.s32 $0x31A0;
	s0 =	sand.u32 $0xFFFFFFC0, s26;
	[tilespmem:s28+$0xFFFFFFE0] =	vst v8;
	v8 =	vmul.f32 v7, v0;
	v7 =	vld [tilespmem:s30+$0xFFFFF3C0];
	(pc) =	sbr.rel @!p2 .LBB2_12-.Ltmp5, $4  }
0x177: {  	v10 =	vmul.f32 v13, v2;
	[tilespmem:s29+$0xFFFFF3D0] =	vst v9;
	v9 =	vld [tilespmem:s0+$0x1880]  }
0x178: {  	v5 =	vmul.f32 v12, v5;
	[tilespmem:s28+$0xFFFFFFF0] =	vst v8;
	v8 =	vld [tilespmem:s30+$0x10]  }
0x179: {  	s22 =	simm.s32 $0x8;
	s3 =	simm.s32 $0x4AA0;
	[tilespmem:s28+$0x0] =	vst v10;
	v10 =	vld [tilespmem:s21+$0xC30];
	v14 =	vmul.f32 v15, v11  }
0x17a: {  	p1 =	por $0x1, $0x1;
	s1 =	simm.s32 $0x0;
	s31 =	simm.s32 $0xCA0;
	v13 =	vmul.f32 v16, v6;
	[tilespmem:s28+$0xC50] =	vst v5;
	v12 =	vld [tilespmem:s21+$0xC40]  }
.LBB2_13:
0x17b: {  	v5 =	vld [tilespmem:s3+$0x10];
	s22 =	sadd.s32 $0x4, s22;
	[tilespmem:s29+$0xFFFFF3A0] =	vst v14;
	v7 =	vmul.f32 v7, v3  }
0x17c: {  	v14 =	vld [tilespmem:s3+$0xFFFFFFF0];
	p2 =	slt.u32 s22, s11;
	[tilespmem:s29+$0xFFFFF3B0] =	vst v13;
	v9 =	vmul.f32 v9, v1;
	v1 =	vmov v11  }
0x17d: {  	v13 =	vld [tilespmem:s3+$0x0];
	[tilespmem:s29+$0xFFFFF3C0] =	vst v7;
	v7 =	vmul.f32 v8, v4  }
0x17e: {  	v8 =	vld [tilespmem:s3+$0xFFFFFFE0];
	[tilespmem:s0+$0x3D80] =	vst v9;
	v9 =	vmul.f32 v10, v0;
	v0 =	vmov v6  }
0x17f: {  	v6 =	vld [tilespmem:s30+$0xFFFFFFE0];
	[tilespmem:s29+$0x10] =	vst v7;
	v7 =	vmul.f32 v12, v2;
	v2 =	vmov v3  }
0x180: {  	v3 =	vld [tilespmem:s30+$0xC50];
	[tilespmem:s28+$0xC30] =	vst v9  }
0x181: {  	v9 =	vld [tilespmem:s30+$0xFFFFFFF0];
	[tilespmem:s28+$0xC40] =	vst v7;
	s28 =	smov.u32 s29  }
0x182: {  	v7 =	vld [tilespmem:s30+$0x0]  }
0x183: {  	s30 =	sadd.s32 $0x40, s30;
	v5 =	vld.idx.msk [tilespmem:v5+s24+$0x0], $0xffff  }
0x184: {  	v10 =	vld [tilespmem:s30+$0xFFFFF3D0];
	v12 =	vmul.f32 v6, v1  }
0x185: {  	v6 =	vld.idx.msk [tilespmem:v14+s24+$0x0], $0xffff;
	v4 =	vmul.f32 v3, v4  }
0x186: {  	v11 =	vld.idx.msk [tilespmem:v8+s24+$0x0], $0xffff;
	[tilespmem:s29+$0xFFFFFFE0] =	vst v12;
	v8 =	vmul.f32 v9, v0  }
0x187: {  	v3 =	vld.idx.msk [tilespmem:v13+s24+$0x0], $0xffff;
	v7 =	vmul.f32 v7, v2;
	[tilespmem:s29+$0xC50] =	vst v4  }
0x188: {  	v12 =	vld [tilespmem:s30+$0xFFFFF3A0];
	[tilespmem:s29+$0xFFFFFFF0] =	vst v8  }
0x189: {  	s1 =	sadd.s32 $0x40, s1;
	v13 =	vld [tilespmem:s30+$0xFFFFF3B0];
	v8 =	vmul.f32 v10, v5;
	[tilespmem:s29+$0x0] =	vst v7;
	v4 =	vmov v5  }
.Ltmp6:
0x18a: {  	s0 =	sand.u32 $0xFFFFFFC0, s1;
	s29 =	sadd.s32 $0x40, s29;
	v7 =	vld [tilespmem:s30+$0xFFFFF3C0];
	(pc) =	sbr.rel @p2 .LBB2_13-.Ltmp6, $4  }
0x18b: {  	[tilespmem:s29+$0xFFFFF3D0] =	vst v8;
	v9 =	vld [tilespmem:s0+$0x1880]  }
0x18c: {  	v8 =	vld [tilespmem:s30+$0x10]  }
0x18d: {  	v14 =	vmul.f32 v12, v11;
	v10 =	vld [tilespmem:s31+$0xC30]  }
0x18e: {  	s3 =	sadd.s32 $0x40, s3;
	v13 =	vmul.f32 v13, v6;
	v12 =	vld [tilespmem:s31+$0xC40];
	s31 =	smov.u32 s30  }
0x18f: {  	v15 =	vmovc v1;
	v16 =	vmovc v0;
	v1 =	vmov v11;
	v5 =	vmov v4;
	v0 =	vmov v6;
	s21 =	smov.u32 s30  }
.LBB2_15:
0x190: {  	[tilespmem:s29+$0xFFFFF3A0] =	vst v14;
	v4 =	vmul.f32 v7, v3  }
0x191: {  	[tilespmem:s29+$0xFFFFF3B0] =	vst v13;
	v6 =	vld [tilespmem:s21+$0xFFFFFFE0]  }
0x192: {  	v54 =	vld [tilespmem:s21+$0xFFFFFFF0];
	[tilespmem:s29+$0xFFFFF3C0] =	vst v4  }
0x193: {  	v55 =	vld [tilespmem:s21+$0x0];
	_ =	sdelay $0x1  }
0x194: {  	v8 =	vmul.f32 v8, v5  }
0x195: {  	s1 =	sadd.s32 @p1 $0x40, s1;
	v6 =	vmul.f32 v6, v1  }
0x196: {  	s26 =	smov.u32 @p1 s1;
	[tilespmem:s29+$0x10] =	vst v8;
	v4 =	vmul.f32 v54, v0  }
0x197: {  	s1 =	sand.u32 $0xFFFFFFC0, s26;
	v8 =	vld [tilespmem:s21+$0xC50];
	[tilespmem:s29+$0xFFFFFFE0] =	vst v6;
	v56 =	vmul.f32 v55, v3  }
0x198: {  	[tilespmem:s29+$0xFFFFFFF0] =	vst v4;
	v57 =	vld [tilespmem:s1+$0x1880]  }
0x199: {  	v7 =	vmul.f32 @p1 v9, v15;
	v58 =	vld [tilespmem:s31+$0xC30];
	[tilespmem:s29+$0x0] =	vst v56  }
0x19a: {  	v9 =	vmul.f32 @p1 v10, v16;
	v59 =	vld [tilespmem:s31+$0xC40]  }
0x19b: {  	[tilespmem:s0+$0x3D80] =	vst @p1 v7;
	v2 =	vmul.f32 @p1 v12, v2  }
0x19c: {  	[tilespmem:s28+$0xC30] =	vst @p1 v9;
	v60 =	vmul.f32 v8, v5  }
0x19d: {  	[tilespmem:s28+$0xC40] =	vst @p1 v2;
	v61 =	vmul.f32 v57, v1  }
0x19e: {  	[tilespmem:s29+$0xC50] =	vst v60;
	v62 =	vmul.f32 v58, v0  }
0x19f: {  	[tilespmem:s1+$0x3D80] =	vst v61;
	v63 =	vmul.f32 v59, v3  }
0x1a0: {  	[tilespmem:s29+$0xC30] =	vst v62  }
0x1a1: {  	[tilespmem:s29+$0xC40] =	vst v63  }
0x1a2: {  	v0 =	vld @p0 [tilespmem:$0x54C0];
	_ =	sdelay $0x5  }
0x1a3: {  	v1 =	vld @p0 [tilespmem:$0xAC0]  }
0x1a4: {  	s0 =	simm.s32 @p0 $0x9680;
	v2 =	vld @p0 [tilespmem:$0x1700]  }
0x1a5: {  	v0 =	vld.idx.msk @p0 [tilespmem:v0+s0+$0x0], $0xffff  }
0x1a6: {  	v3 =	vld @p0 [tilespmem:$0x2340]  }
0x1a7: {  	v4 =	vld @p0 [tilespmem:$0x54D0];
	_ =	sdelay $0x2  }
0x1a8: {  	v1 =	vmul.f32 @p0 v1, v0  }
0x1a9: {  	v2 =	vmul.f32 @p0 v2, v0  }
0x1aa: {  	v0 =	vmul.f32 @p0 v3, v0;
	[tilespmem:$0x2FC0] =	vst @p0 v1  }
0x1ab: {  	[tilespmem:$0x3C00] =	vst @p0 v2  }
0x1ac: {  	[tilespmem:$0x4840] =	vst @p0 v0;
	v1 =	vld @p0 [tilespmem:$0xAD0]  }
0x1ad: {  	v0 =	vld.idx.msk @p0 [tilespmem:v4+s0+$0x0], $0xffff  }
0x1ae: {  	v2 =	vld @p0 [tilespmem:$0x1710]  }
0x1af: {  	v3 =	vld @p0 [tilespmem:$0x2350];
	_ =	sdelay $0x2  }
0x1b0: {  	v1 =	vmul.f32 @p0 v1, v0  }
0x1b1: {  	v2 =	vmul.f32 @p0 v2, v0  }
0x1b2: {  	v0 =	vmul.f32 @p0 v3, v0;
	[tilespmem:$0x2FD0] =	vst @p0 v1  }
0x1b3: {  	[tilespmem:$0x3C10] =	vst @p0 v2  }
0x1b4: {  	s1 =	simm.s32 @p0 $0x2500;
	s0 =	simm.s32 @p0 $0x0;
	[tilespmem:$0x4850] =	vst @p0 v0  }
0x1b5: {  	[hbm4b:s17+s0] =	stream.linear.scatter @p0 [tilespmem:s1], [sflag:$0x2], $0xAE0, $0x38;
	[tilespmem:$0x9800] =	vst v63  }
0x1b6: {  	s1 =	simm.s32 @p0 $0x2  }
0x1b7: {  	_ =	swait.ge @p0 [sflag:s1], $0xAE0  }
0x1b8: {  	[sflag:s1] =	ssyncset.done @p0 $0x0  }
0x1b9: {  	s3 =	simm.s32 @p0 $0x3140;
	[sflag:s1] =	ssyncadd.s32 @p0 $0xFFFFF520  }
0x1ba: {  	[hbm4b:s18+s0] =	stream.linear.scatter @p0 [tilespmem:s3], [sflag:$0x2], $0xAE0, $0x38;
	[tilespmem:$0x9800] =	vst v63  }
0x1bb: {  	_ =	swait.ge @p0 [sflag:s1], $0xAE0  }
0x1bc: {  	[sflag:s1] =	ssyncset.done @p0 $0x0  }
0x1bd: {  	s3 =	simm.s32 @p0 $0x3D80;
	[sflag:s1] =	ssyncadd.s32 @p0 $0xFFFFF520  }
0x1be: {  	[hbm4b:s19+s0] =	stream.linear.scatter @p0 [tilespmem:s3], [sflag:$0x2], $0xAE0, $0x38;
	[tilespmem:$0x9800] =	vst v63  }
0x1bf: {  	_ =	swait.ge @p0 [sflag:s1], $0xAE0  }
0x1c0: {  	[sflag:s1] =	ssyncset.done @p0 $0x0  }
0x1c1: {  	s0 =	simm.s32 @!p0 $0x0;
	[sflag:s1] =	ssyncadd.s32 @p0 $0xFFFFF520;
	s1 =	simm.s32 @!p0 $0x2500  }
0x1c2: {  	[hbm4b:s14+s0] =	stream.linear.scatter @!p0 [tilespmem:s1], [sflag:$0x2], $0xC40, $0x38;
	[tilespmem:$0x9800] =	vst v63  }
0x1c3: {  	s1 =	simm.s32 @!p0 $0x2  }
0x1c4: {  	_ =	swait.ge @!p0 [sflag:s1], $0xC40  }
0x1c5: {  	[sflag:s1] =	ssyncset.done @!p0 $0x0  }
0x1c6: {  	s3 =	simm.s32 @!p0 $0x3140;
	[sflag:s1] =	ssyncadd.s32 @!p0 $0xFFFFF3C0  }
0x1c7: {  	[hbm4b:s15+s0] =	stream.linear.scatter @!p0 [tilespmem:s3], [sflag:$0x2], $0xC40, $0x38;
	[tilespmem:$0x9800] =	vst v63  }
0x1c8: {  	_ =	swait.ge @!p0 [sflag:s1], $0xC40  }
0x1c9: {  	s25 =	sadd.s32 $0x1, s25;
	[sflag:s1] =	ssyncset.done @!p0 $0x0  }
0x1ca: {  	p1 =	sne.s32 s25, s20;
	s3 =	simm.s32 @!p0 $0x3D80;
	[sflag:s1] =	ssyncadd.s32 @!p0 $0xFFFFF3C0  }
0x1cb: {  	[hbm4b:s16+s0] =	stream.linear.scatter @!p0 [tilespmem:s3], [sflag:$0x2], $0xC40, $0x38;
	[tilespmem:$0x9800] =	vst v63  }
.Ltmp7:
0x1cc: {  	_ = 	snop;
	(pc) =	sbr.rel @p1 .LBB2_1-.Ltmp7, $4  }
.Ltmp8:
0x1cd: {  	_ = 	snop;
	(pc) =	sbr.rel @!p1 .LBB2_16-.Ltmp8, $4  }
0x1ce: {  	_ =	swait.ge @!p0 [sflag:s1], $0xC40  }
0x1cf: {  	[sflag:s1] =	ssyncset.done @!p0 $0x0  }
0x1d0: {  	[sflag:s1] =	ssyncadd.s32 @!p0 $0xFFFFF3C0  }
0x1d1: {  	_ = 	snop  }
.LBB2_2:
.Ltmp9:
0x1d2: {  	(pc) =	sbr.rel .LBB2_9-.Ltmp9, $2  }
0x1d3: {  	_ =	sdelay $0x2  }
0x1d4: {  	s31 =	smov.u32 s29;
	s26 =	simm.s32 $0x9680  }
.LBB2_10:
.Ltmp10:
0x1d5: {  	(pc) =	sbr.rel .LBB2_15-.Ltmp10, $2  }
0x1d6: {  	_ =	sdelay $0x2  }
0x1d7: {  	s29 =	simm.s32 $0x3160;
	s1 =	simm.s32 $0x0;
	s31 =	simm.s32 $0xC60;
	v3 =	vmov v2  }
.LBB2_4:
.Ltmp11:
0x1d8: {  	(pc) =	sbr.rel .LBB2_9-.Ltmp11, $2  }
0x1d9: {  	_ =	sdelay $0x2  }
0x1da: {  	s31 =	smov.u32 s28;
	s26 =	simm.s32 $0x9680  }
.LBB2_12:
.Ltmp12:
0x1db: {  	(pc) =	sbr.rel .LBB2_15-.Ltmp12, $2  }
0x1dc: {  	_ =	sdelay $0x2  }
0x1dd: {  	v15 =	vmovc v1;
	v16 =	vmovc v0;
	v1 =	vmov v11;
	v5 =	vmov v4;
	v0 =	vmov v6;
	s21 =	simm.s32 $0xCA0;
	s1 =	simm.s32 $0x0;
	s31 =	simm.s32 $0xCA0  }
.LBB2_6:
.Ltmp13:
0x1de: {  	(pc) =	sbr.rel .LBB2_9-.Ltmp13, $2  }
0x1df: {  	_ =	sdelay $0x2  }
0x1e0: {  	s29 =	smov.u32 s28;
	s26 =	simm.s32 $0x9680  }
.LBB2_16:
0x1e1: {  	_ =	sfence.sel $0x180000  }
0x1e2: {  	[bflag:$0x0] =	sbarrier.arrive $0xFFFF  }
0x1e3: {  	_ =	strace $0x9000004A  }
0x1e4: {  	s0 =	stileid.u32;
	[bflag:$0x2] =	sbarrier.arrive $0xFFFF  }
0x1e5: {  	p0 =	sne.s32 s0, $0x0;
	s0 =	rddreg [dreg:$0x3]  }
0x1e6: {  	s0 =	sadd.s32 @!p0 $0x100000, s0  }
0x1e7: {  	[sflag:s0] =	ssyncadd.tile.s32 @!p0 $0x1;
	_ =	shalt  }
.Lfunc_end2:
_tile_overlayer_lowered:
.L_overlay_start_2:
0x1e8: {  	(tag) =	ssettag $0x2  }
0x1e9: {  	s0 =	rddreg [dreg:$0x0];
	s2 =	stileid.u32  }
0x1ea: {  	s1 =	rddreg [dreg:$0x1];
	p0 =	sne.s32 s2, $0x0  }
0x1eb: {  	s3 =	rddreg [dreg:$0x2];
	[bflag:$0x3] =	sbarrier.arrive $0xFFFF;
	s2 =	simm.s32 @!p0 $0x1C02  }
0x1ec: {  	[timem:s3], [sflag:s2] =	dma.local @!p0 [hbm:s0], s1  }
0x1ed: {  	s0 =	simm.s32 @!p0 $0x2  }
0x1ee: {  	_ =	swait.ge @!p0 [sflag:s0], s1  }
0x1ef: {  	s1 =	ssub.s32 @!p0 $0x0, s1;
	[sflag:s0] =	ssyncset.done @!p0 $0x0  }
0x1f0: {  	[sflag:s0] =	ssyncadd.s32 @!p0 s1  }
0x1f1: {  	[bflag:$0x3] =	sbarrier.arrive $0xFFFF  }
0x1f2: {  	_ =	shalt  }

</sc_bundles>
